<compile_context>
chip_gen: v7x
topology: tpu7x:2x2x1
jax: 0.10.2.dev20260603
libtpu: 0.0.44.dev20260713+nightly
codegen_flags: <defaults>
</compile_context>

<pallas_src>
import functools

import jax
import jax.numpy as jnp
from jax import lax
from jax.experimental import pallas as pl
from jax.experimental.pallas import tpu as pltpu
from jax.experimental.pallas import tpu_sc as plsc

N = 10000
E = 320000
D_NODE = 128
D_EDGE = 16
EMB = 128
L = 5
B = 128
HID = 256
T = 8

NC = 2
NS = 16
NW = NC * NS
LANES = 16
EPW = E // NW
C = 40
NCHK = EPW // C
RING = 4
DL = RING - 2
SRW = 624
TAIL = N - NS * SRW

_P = jax.lax.Precision.HIGHEST


def _dot(a, b):
    return jnp.dot(a.astype(jnp.bfloat16), b.astype(jnp.bfloat16),
                   preferred_element_type=jnp.float32)


def _dot_exact(a, b):
    return jnp.dot(a, b, precision=_P, preferred_element_type=jnp.float32)


def _proj(x, W, b, block_rows):
    M, K = x.shape
    _, O = W.shape
    b2 = b.reshape(1, O)

    def body(x_ref, w_ref, b_ref, o_ref):
        o_ref[...] = _dot(x_ref[...], w_ref[...]) + b_ref[...]

    return pl.pallas_call(
        body,
        grid=(M // block_rows,),
        in_specs=[
            pl.BlockSpec((block_rows, K), lambda i: (i, 0)),
            pl.BlockSpec((K, O), lambda i: (0, 0)),
            pl.BlockSpec((1, O), lambda i: (0, 0)),
        ],
        out_specs=pl.BlockSpec((block_rows, O), lambda i: (i, 0)),
        out_shape=jax.ShapeDtypeStruct((M, O), jnp.float32),
    )(x, W, b2)


@jax.jit
def _sc_edge_phase(h, e, edge_index):
    mesh = plsc.VectorSubcoreMesh(core_axis_name="c", subcore_axis_name="s")

    @functools.partial(
        pl.kernel,
        mesh=mesh,
        out_type=jax.ShapeDtypeStruct((NC * N, EMB), jnp.float32),
        scratch_types=[
            pltpu.VMEM((RING, C), jnp.int32),
            pltpu.VMEM((RING, C), jnp.int32),
            pltpu.VMEM((RING, C, EMB), jnp.float32),
            pltpu.VMEM((RING, C, EMB), jnp.float32),
            pltpu.VMEM_SHARED((N, EMB), jnp.float32),
            pltpu.SemaphoreType.DMA((RING,)),
            pltpu.SemaphoreType.DMA((RING,)),
            pltpu.SemaphoreType.DMA((RING,)),
        ],
    )
    def k(h_hbm, e_hbm, src_hbm, dst_hbm, out_hbm,
          src_v, dst_v, rows_v, e_v, agg_sh,
          sem_ld, sem_g, sem_s):
        cid = lax.axis_index("c")
        sid = lax.axis_index("s")
        wid = sid * NC + cid
        ebase = wid * EPW

        @pl.loop(0, C)
        def _(i):
            for j in range(EMB // LANES):
                rows_v[0, i, pl.ds(j * LANES, LANES)] = jnp.zeros(
                    (LANES,), jnp.float32)

        @pl.loop(0, SRW // C)
        def _(r):
            pltpu.sync_copy(rows_v.at[0],
                            agg_sh.at[pl.ds(sid * SRW + r * C, C)])
        pltpu.sync_copy(rows_v.at[0, pl.ds(0, SRW % C)],
                        agg_sh.at[pl.ds(sid * SRW + (SRW // C) * C, SRW % C)])

        @pl.when(sid == NS - 1)
        def _():
            pltpu.sync_copy(rows_v.at[0, pl.ds(0, TAIL)],
                            agg_sh.at[pl.ds(NS * SRW, TAIL)])
        plsc.subcore_barrier()

        def issue_loads(u, b):
            base = ebase + u * C
            pltpu.async_copy(src_hbm.at[pl.ds(base, C)], src_v.at[b],
                             sem_ld.at[b])
            pltpu.async_copy(dst_hbm.at[pl.ds(base, C)], dst_v.at[b],
                             sem_ld.at[b])
            pltpu.async_copy(e_hbm.at[pl.ds(base, C)], e_v.at[b],
                             sem_ld.at[b])

        def wait_loads(u, b):
            base = ebase + u * C
            pltpu.make_async_copy(src_hbm.at[pl.ds(base, C)], src_v.at[b],
                                  sem_ld.at[b]).wait()
            pltpu.make_async_copy(dst_hbm.at[pl.ds(base, C)], dst_v.at[b],
                                  sem_ld.at[b]).wait()
            pltpu.make_async_copy(e_hbm.at[pl.ds(base, C)], e_v.at[b],
                                  sem_ld.at[b]).wait()

        def issue_gather(b):
            pltpu.async_copy(h_hbm.at[src_v.at[b]], rows_v.at[b],
                             sem_g.at[b])

        def wait_gather(b):
            pltpu.make_async_copy(h_hbm.at[src_v.at[b]], rows_v.at[b],
                                  sem_g.at[b]).wait()

        def issue_scatter(b):
            pltpu.async_copy(rows_v.at[b], agg_sh.at[dst_v.at[b]],
                             sem_s.at[b], add=True)

        def wait_scatter(b):
            pltpu.make_async_copy(rows_v.at[b], agg_sh.at[dst_v.at[b]],
                                  sem_s.at[b]).wait()

        def compute(j):
            @plsc.parallel_loop(0, C, unroll=4)
            def _(i):
                for jj in range(EMB // LANES):
                    sl = pl.ds(jj * LANES, LANES)
                    rows_v[j, i, sl] = jnp.maximum(
                        rows_v[j, i, sl] + e_v[j, i, sl], 0.0)

        for u in range(DL):
            issue_loads(u, u)
        wait_loads(0, 0)
        issue_gather(0)

        @pl.loop(0, (NCHK - 2) // RING)
        def _(p):
            for j in range(RING):
                t = p * RING + j
                b1 = (j + 1) % RING
                bl = (j + DL) % RING
                bs = (j + RING - 2) % RING

                @pl.when(t >= 2)
                def _():
                    wait_scatter(bs)

                @pl.when(t <= NCHK - 1 - DL)
                def _():
                    issue_loads(t + DL, bl)

                wait_loads(t + 1, b1)
                issue_gather(b1)
                wait_gather(j)
                compute(j)
                issue_scatter(j)

        wait_scatter((RING - 2) % RING)
        wait_loads(NCHK - 1, 1)
        issue_gather(1)
        wait_gather(0)
        compute(0)
        issue_scatter(0)

        wait_scatter((RING - 1) % RING)
        wait_gather(1)
        compute(1)
        issue_scatter(1)

        wait_scatter(0)
        wait_scatter(1)

        plsc.subcore_barrier()
        pltpu.sync_copy(
            agg_sh.at[pl.ds(sid * SRW, SRW)],
            out_hbm.at[pl.ds(cid * N + sid * SRW, SRW)])

        @pl.when(sid == NS - 1)
        def _():
            pltpu.sync_copy(
                agg_sh.at[pl.ds(NS * SRW, TAIL)],
                out_hbm.at[pl.ds(cid * N + NS * SRW, TAIL)])

    return k(h, e, edge_index[0], edge_index[1])


def _gin_mlp(h, parts, W1l, b1l, W2l, b2l, eps1, relu_out, block_rows):
    nb = N // block_rows

    def body(h_ref, p0_ref, p1_ref, w1_ref, b1_ref, w2_ref, b2_ref, e_ref,
             o_ref):
        z = h_ref[...] * e_ref[0, 0] + p0_ref[...] + p1_ref[...]
        a = jnp.maximum(_dot(z, w1_ref[...]) + b1_ref[...], 0.0)
        o = _dot(a, w2_ref[...]) + b2_ref[...]
        if relu_out:
            o = jnp.maximum(o, 0.0)
        o_ref[...] = o

    return pl.pallas_call(
        body,
        grid=(nb,),
        in_specs=[
            pl.BlockSpec((block_rows, EMB), lambda i: (i, 0)),
            pl.BlockSpec((block_rows, EMB), lambda i: (i, 0)),
            pl.BlockSpec((block_rows, EMB), lambda i: (nb + i, 0)),
            pl.BlockSpec((EMB, EMB), lambda i: (0, 0)),
            pl.BlockSpec((1, EMB), lambda i: (0, 0)),
            pl.BlockSpec((EMB, EMB), lambda i: (0, 0)),
            pl.BlockSpec((1, EMB), lambda i: (0, 0)),
            pl.BlockSpec((1, 1), lambda i: (0, 0)),
        ],
        out_specs=pl.BlockSpec((block_rows, EMB), lambda i: (i, 0)),
        out_shape=jax.ShapeDtypeStruct((N, EMB), jnp.float32),
    )(h, parts, parts, W1l, b1l.reshape(1, EMB), W2l, b2l.reshape(1, EMB),
      eps1)


def _last_mlp_readout_heads(h, parts, W1l, b1l, W2l, b2l, eps1, ids_row,
                            Wh1, bh1, Wh2, bh2, block_rows):
    nb = N // block_rows

    def body(ids_ref, h_ref, p0_ref, p1_ref, w1_ref, b1_ref, w2_ref, b2_ref,
             e_ref, hw1_ref, hb1_ref, hw2_ref, hb2_ref, o_ref,
             sums_ref, cnts_ref):
        i = pl.program_id(0)

        @pl.when(i == 0)
        def _():
            sums_ref[...] = jnp.zeros_like(sums_ref)
            cnts_ref[...] = jnp.zeros_like(cnts_ref)

        z = h_ref[...] * e_ref[0, 0] + p0_ref[...] + p1_ref[...]
        a = jnp.maximum(_dot(z, w1_ref[...]) + b1_ref[...], 0.0)
        o = _dot(a, w2_ref[...]) + b2_ref[...]

        gid = jax.lax.broadcasted_iota(jnp.int32, (B, block_rows), 0)
        mask = (ids_ref[0] == gid).astype(jnp.float32)
        sums_ref[...] += _dot_exact(mask, o)
        cnts_ref[...] += jnp.sum(mask, axis=1, keepdims=True)

        @pl.when(i == nb - 1)
        def _():
            g = sums_ref[...] / jnp.maximum(cnts_ref[...], 1.0)
            cols = []
            for t in range(T):
                at = jnp.maximum(_dot(g, hw1_ref[t]) + hb1_ref[t], 0.0)
                cols.append(_dot(at, hw2_ref[t]) + hb2_ref[t])
            o_ref[...] = jnp.concatenate(cols, axis=1)

    return pl.pallas_call(
        body,
        grid=(nb,),
        in_specs=[
            pl.BlockSpec((1, 1, block_rows), lambda i: (i, 0, 0)),
            pl.BlockSpec((block_rows, EMB), lambda i: (i, 0)),
            pl.BlockSpec((block_rows, EMB), lambda i: (i, 0)),
            pl.BlockSpec((block_rows, EMB), lambda i: (nb + i, 0)),
            pl.BlockSpec((EMB, EMB), lambda i: (0, 0)),
            pl.BlockSpec((1, EMB), lambda i: (0, 0)),
            pl.BlockSpec((EMB, EMB), lambda i: (0, 0)),
            pl.BlockSpec((1, EMB), lambda i: (0, 0)),
            pl.BlockSpec((1, 1), lambda i: (0, 0)),
            pl.BlockSpec((T, EMB, HID), lambda i: (0, 0, 0)),
            pl.BlockSpec((T, 1, HID), lambda i: (0, 0, 0)),
            pl.BlockSpec((T, HID, 1), lambda i: (0, 0, 0)),
            pl.BlockSpec((T, 1, 1), lambda i: (0, 0, 0)),
        ],
        out_specs=pl.BlockSpec((B, T), lambda i: (0, 0)),
        out_shape=jax.ShapeDtypeStruct((B, T), jnp.float32),
        scratch_shapes=[
            pltpu.VMEM((B, EMB), jnp.float32),
            pltpu.VMEM((B, 1), jnp.float32),
        ],
    )(ids_row, h, parts, parts, W1l, b1l.reshape(1, EMB), W2l,
      b2l.reshape(1, EMB), eps1, Wh1, bh1.reshape(T, 1, HID), Wh2,
      bh2.reshape(T, 1, 1))


def kernel(node_feats, edge_feats, edge_index, node_graph_ids,
           W_node, b_node, W_edge, b_edge,
           W1, b1, W2, b2, eps,
           Wh1, bh1, Wh2, bh2):
    h = _proj(node_feats, W_node, b_node, block_rows=2000)
    e = _proj(edge_feats, W_edge, b_edge, block_rows=8000)

    for l in range(L - 1):
        parts = _sc_edge_phase(h, e, edge_index)
        eps1 = (1.0 + eps[l]).reshape(1, 1)
        h = _gin_mlp(h, parts, W1[l], b1[l], W2[l], b2[l], eps1,
                     relu_out=True, block_rows=2000)

    parts = _sc_edge_phase(h, e, edge_index)
    eps1 = (1.0 + eps[L - 1]).reshape(1, 1)
    ids_row = node_graph_ids.astype(jnp.int32).reshape(N // 2000, 1, 2000)
    return _last_mlp_readout_heads(h, parts, W1[L - 1], b1[L - 1],
                                   W2[L - 1], b2[L - 1], eps1, ids_row,
                                   Wh1, bh1, Wh2, bh2, block_rows=2000)

# --- scband reference (transcript-rebuilt; emitter-appended) ---
"""Pipeline reference for scband-ginmtlpredictor-21715354649923 (READ-ONLY COPY).

The authoritative reference and input builder live on the scoring server;
editing this copy changes nothing except your own understanding.
"""

import jax, jax.numpy as jnp
import numpy as np

N = 10000
E = 320000
D_NODE = 128
D_EDGE = 16
EMB = 128
L = 5
B = 128
HID = 256
T = 8


def setup_inputs(seed: int = 0) -> dict:
    key = jax.random.key(seed)
    ks = jax.random.split(key, 24)
    node_feats = jax.random.normal(ks[0], (N, D_NODE), dtype=jnp.float32)
    edge_feats = jax.random.normal(ks[1], (E, D_EDGE), dtype=jnp.float32)
    edge_index = jax.random.randint(ks[2], (2, E), 0, N)
    node_graph_ids = jnp.sort(jax.random.randint(ks[3], (N,), 0, B))
    s = 0.05
    W_node = jax.random.normal(ks[4], (D_NODE, EMB), dtype=jnp.float32) * s
    b_node = jnp.zeros((EMB,), jnp.float32)
    W_edge = jax.random.normal(ks[5], (D_EDGE, EMB), dtype=jnp.float32) * s
    b_edge = jnp.zeros((EMB,), jnp.float32)
    W1 = jax.random.normal(ks[6], (L, EMB, EMB), dtype=jnp.float32) * s
    b1 = jnp.zeros((L, EMB), jnp.float32)
    W2 = jax.random.normal(ks[7], (L, EMB, EMB), dtype=jnp.float32) * s
    b2 = jnp.zeros((L, EMB), jnp.float32)
    eps = jnp.zeros((L,), jnp.float32)
    Wh1 = jax.random.normal(ks[8], (T, EMB, HID), dtype=jnp.float32) * s
    bh1 = jnp.zeros((T, HID), jnp.float32)
    Wh2 = jax.random.normal(ks[9], (T, HID, 1), dtype=jnp.float32) * s
    bh2 = jnp.zeros((T, 1), jnp.float32)
    return {
        "node_feats": node_feats,
        "edge_feats": edge_feats,
        "edge_index": edge_index,
        "node_graph_ids": node_graph_ids,
        "W_node": W_node, "b_node": b_node,
        "W_edge": W_edge, "b_edge": b_edge,
        "W1": W1, "b1": b1, "W2": W2, "b2": b2, "eps": eps,
        "Wh1": Wh1, "bh1": bh1, "Wh2": Wh2, "bh2": bh2,
    }


def reference(node_feats, edge_feats, edge_index, node_graph_ids,
              W_node, b_node, W_edge, b_edge,
              W1, b1, W2, b2, eps,
              Wh1, bh1, Wh2, bh2):
    src = edge_index[0]
    dst = edge_index[1]
    # input projections
    h = node_feats @ W_node + b_node
    e = edge_feats @ W_edge + b_edge
    # GIN(E) message-passing layers
    for l in range(L):
        msg = jax.nn.relu(jnp.take(h, src, axis=0) + e)          # gather over edges
        agg = jax.ops.segment_sum(msg, dst, num_segments=N)       # scatter-add to dst nodes
        z = (1.0 + eps[l]) * h + agg
        z = jax.nn.relu(z @ W1[l] + b1[l]) @ W2[l] + b2[l]
        if l < L - 1:
            z = jax.nn.relu(z)
        h = z  # dropout is identity at eval
    # mean readout per graph
    sums = jax.ops.segment_sum(h, node_graph_ids, num_segments=B)
    counts = jax.ops.segment_sum(jnp.ones((N, 1), jnp.float32), node_graph_ids, num_segments=B)
    g = sums / jnp.maximum(counts, 1.0)                            # [B, EMB]
    # task-specific heads (task_ids=None -> all heads, concat)
    h1 = jax.nn.relu(jnp.einsum('bd,tdh->tbh', g, Wh1) + bh1[:, None, :])
    out = jnp.einsum('tbh,tho->tbo', h1, Wh2) + bh2[:, None, :]    # [T, B, 1]
    return jnp.transpose(out[:, :, 0])                              # [B, T]

if __name__ == "__main__":
    import jax
    _d = setup_inputs()
    print(jax.jit(kernel)(*tuple(_d.values())))

</pallas_src>

<mosaic_0001>
#map = affine_map<(d0, d1) -> (0, 0)>
#map1 = affine_map<(d0, d1) -> (0)>
module attributes {stable_mosaic.version = 14 : i64} {
  func.func @k(%arg0: i32, %arg1: i32, %arg2: memref<10000x128xf32, #tpu.memory_space<hbm>>, %arg3: memref<320000x128xf32, #tpu.memory_space<hbm>>, %arg4: memref<320000xi32, #tpu.memory_space<hbm>>, %arg5: memref<320000xi32, #tpu.memory_space<hbm>>, %arg6: memref<20000x128xf32, #tpu.memory_space<hbm>>, %arg7: memref<4x40xi32, #tpu.memory_space<vmem>>, %arg8: memref<4x40xi32, #tpu.memory_space<vmem>>, %arg9: memref<4x40x128xf32, #tpu.memory_space<vmem>>, %arg10: memref<4x40x128xf32, #tpu.memory_space<vmem>>, %arg11: memref<10000x128xf32, #tpu.memory_space<vmem_shared>>, %arg12: memref<4x!tpu.dma_semaphore, #tpu.memory_space<semaphore_mem>>, %arg13: memref<4x!tpu.dma_semaphore, #tpu.memory_space<semaphore_mem>>, %arg14: memref<4x!tpu.dma_semaphore, #tpu.memory_space<semaphore_mem>>) attributes {dimension_semantics = [#tpu.dimension_semantics<core_parallel>, #tpu.dimension_semantics<subcore_parallel>], iteration_bounds = array<i64: 2, 16>, scalar_prefetch = 0 : i64, scratch_operands = 8 : i64, tpu.core_type = #tpu.core_type<sc_vector_subcore>, window_params = [{transform_indices = #map}, {transform_indices = #map}, {transform_indices = #map1}, {transform_indices = #map1}, {transform_indices = #map}]} {
    %mul3A = arith.constant 2 : i32
    %mul3A_0 = arith.muli %arg1, %mul3A : i32
    %add3A = arith.addi %mul3A_0, %arg0 : i32
    %mul3A_1 = arith.constant 10000 : i32
    %mul3A_2 = arith.muli %add3A, %mul3A_1 : i32
    %scan3A = arith.constant 0 : i32
    %scan3A_3 = arith.constant 40 : i32
    %scan3A_4 = arith.addi %scan3A, %scan3A_3 : i32
    %scan3A_5 = arith.constant 1 : i32
    scf.for %scan3A_357 = %scan3A to %scan3A_4 step %scan3A_5  : i32 {
      %mul3A_358 = arith.constant 1 : i32
      %mul3A_359 = arith.muli %scan3A_357, %mul3A_358 : i32
      %add3A_360 = arith.constant 0 : i32
      %add3A_361 = arith.addi %add3A_360, %mul3A_359 : i32
      %broadcast_in_dim3A = arith.constant 0.000000e+00 : f32
      %broadcast_in_dim3A_362 = vector.broadcast %broadcast_in_dim3A : f32 to vector<16xf32>
      %swap3A = arith.constant 0 : i32
      %swap3A_363 = arith.index_cast %swap3A : i32 to index
      %swap3A_364 = arith.index_cast %add3A_361 : i32 to index
      %swap3A_365 = arith.constant 0 : index
      %swap3A_366 = tpu.vector_load %arg9[%swap3A_363, %swap3A_364, %swap3A_365] {strides = array<i32>} : memref<4x40x128xf32, #tpu.memory_space<vmem>>, vector<1x1x16xf32>,
      %swap3A_367 = vector.shape_cast %swap3A_366 : vector<1x1x16xf32> to vector<16xf32>
      %swap3A_368 = vector.shape_cast %broadcast_in_dim3A_362 : vector<16xf32> to vector<1x1x16xf32>
      tpu.vector_store %arg9[%swap3A_363, %swap3A_364, %swap3A_365], %swap3A_368 {strides = array<i32>} : memref<4x40x128xf32, #tpu.memory_space<vmem>>, vector<1x1x16xf32>,
      %broadcast_in_dim3A_369 = arith.constant 0.000000e+00 : f32
      %broadcast_in_dim3A_370 = vector.broadcast %broadcast_in_dim3A_369 : f32 to vector<16xf32>
      %swap3A_371 = arith.constant 0 : i32
      %swap3A_372 = arith.index_cast %swap3A_371 : i32 to index
      %swap3A_373 = arith.index_cast %add3A_361 : i32 to index
      %swap3A_374 = arith.constant 16 : index
      %swap3A_375 = tpu.vector_load %arg9[%swap3A_372, %swap3A_373, %swap3A_374] {strides = array<i32>} : memref<4x40x128xf32, #tpu.memory_space<vmem>>, vector<1x1x16xf32>,
      %swap3A_376 = vector.shape_cast %swap3A_375 : vector<1x1x16xf32> to vector<16xf32>
      %swap3A_377 = vector.shape_cast %broadcast_in_dim3A_370 : vector<16xf32> to vector<1x1x16xf32>
      tpu.vector_store %arg9[%swap3A_372, %swap3A_373, %swap3A_374], %swap3A_377 {strides = array<i32>} : memref<4x40x128xf32, #tpu.memory_space<vmem>>, vector<1x1x16xf32>,
      %broadcast_in_dim3A_378 = arith.constant 0.000000e+00 : f32
      %broadcast_in_dim3A_379 = vector.broadcast %broadcast_in_dim3A_378 : f32 to vector<16xf32>
      %swap3A_380 = arith.constant 0 : i32
      %swap3A_381 = arith.index_cast %swap3A_380 : i32 to index
      %swap3A_382 = arith.index_cast %add3A_361 : i32 to index
      %swap3A_383 = arith.constant 32 : index
      %swap3A_384 = tpu.vector_load %arg9[%swap3A_381, %swap3A_382, %swap3A_383] {strides = array<i32>} : memref<4x40x128xf32, #tpu.memory_space<vmem>>, vector<1x1x16xf32>,
      %swap3A_385 = vector.shape_cast %swap3A_384 : vector<1x1x16xf32> to vector<16xf32>
      %swap3A_386 = vector.shape_cast %broadcast_in_dim3A_379 : vector<16xf32> to vector<1x1x16xf32>
      tpu.vector_store %arg9[%swap3A_381, %swap3A_382, %swap3A_383], %swap3A_386 {strides = array<i32>} : memref<4x40x128xf32, #tpu.memory_space<vmem>>, vector<1x1x16xf32>,
      %broadcast_in_dim3A_387 = arith.constant 0.000000e+00 : f32
      %broadcast_in_dim3A_388 = vector.broadcast %broadcast_in_dim3A_387 : f32 to vector<16xf32>
      %swap3A_389 = arith.constant 0 : i32
      %swap3A_390 = arith.index_cast %swap3A_389 : i32 to index
      %swap3A_391 = arith.index_cast %add3A_361 : i32 to index
      %swap3A_392 = arith.constant 48 : index
      %swap3A_393 = tpu.vector_load %arg9[%swap3A_390, %swap3A_391, %swap3A_392] {strides = array<i32>} : memref<4x40x128xf32, #tpu.memory_space<vmem>>, vector<1x1x16xf32>,
      %swap3A_394 = vector.shape_cast %swap3A_393 : vector<1x1x16xf32> to vector<16xf32>
      %swap3A_395 = vector.shape_cast %broadcast_in_dim3A_388 : vector<16xf32> to vector<1x1x16xf32>
      tpu.vector_store %arg9[%swap3A_390, %swap3A_391, %swap3A_392], %swap3A_395 {strides = array<i32>} : memref<4x40x128xf32, #tpu.memory_space<vmem>>, vector<1x1x16xf32>,
      %broadcast_in_dim3A_396 = arith.constant 0.000000e+00 : f32
      %broadcast_in_dim3A_397 = vector.broadcast %broadcast_in_dim3A_396 : f32 to vector<16xf32>
      %swap3A_398 = arith.constant 0 : i32
      %swap3A_399 = arith.index_cast %swap3A_398 : i32 to index
      %swap3A_400 = arith.index_cast %add3A_361 : i32 to index
      %swap3A_401 = arith.constant 64 : index
      %swap3A_402 = tpu.vector_load %arg9[%swap3A_399, %swap3A_400, %swap3A_401] {strides = array<i32>} : memref<4x40x128xf32, #tpu.memory_space<vmem>>, vector<1x1x16xf32>,
      %swap3A_403 = vector.shape_cast %swap3A_402 : vector<1x1x16xf32> to vector<16xf32>
      %swap3A_404 = vector.shape_cast %broadcast_in_dim3A_397 : vector<16xf32> to vector<1x1x16xf32>
      tpu.vector_store %arg9[%swap3A_399, %swap3A_400, %swap3A_401], %swap3A_404 {strides = array<i32>} : memref<4x40x128xf32, #tpu.memory_space<vmem>>, vector<1x1x16xf32>,
      %broadcast_in_dim3A_405 = arith.constant 0.000000e+00 : f32
      %broadcast_in_dim3A_406 = vector.broadcast %broadcast_in_dim3A_405 : f32 to vector<16xf32>
      %swap3A_407 = arith.constant 0 : i32
      %swap3A_408 = arith.index_cast %swap3A_407 : i32 to index
      %swap3A_409 = arith.index_cast %add3A_361 : i32 to index
      %swap3A_410 = arith.constant 80 : index
      %swap3A_411 = tpu.vector_load %arg9[%swap3A_408, %swap3A_409, %swap3A_410] {strides = array<i32>} : memref<4x40x128xf32, #tpu.memory_space<vmem>>, vector<1x1x16xf32>,
      %swap3A_412 = vector.shape_cast %swap3A_411 : vector<1x1x16xf32> to vector<16xf32>
      %swap3A_413 = vector.shape_cast %broadcast_in_dim3A_406 : vector<16xf32> to vector<1x1x16xf32>
      tpu.vector_store %arg9[%swap3A_408, %swap3A_409, %swap3A_410], %swap3A_413 {strides = array<i32>} : memref<4x40x128xf32, #tpu.memory_space<vmem>>, vector<1x1x16xf32>,
      %broadcast_in_dim3A_414 = arith.constant 0.000000e+00 : f32
      %broadcast_in_dim3A_415 = vector.broadcast %broadcast_in_dim3A_414 : f32 to vector<16xf32>
      %swap3A_416 = arith.constant 0 : i32
      %swap3A_417 = arith.index_cast %swap3A_416 : i32 to index
      %swap3A_418 = arith.index_cast %add3A_361 : i32 to index
      %swap3A_419 = arith.constant 96 : index
      %swap3A_420 = tpu.vector_load %arg9[%swap3A_417, %swap3A_418, %swap3A_419] {strides = array<i32>} : memref<4x40x128xf32, #tpu.memory_space<vmem>>, vector<1x1x16xf32>,
      %swap3A_421 = vector.shape_cast %swap3A_420 : vector<1x1x16xf32> to vector<16xf32>
      %swap3A_422 = vector.shape_cast %broadcast_in_dim3A_415 : vector<16xf32> to vector<1x1x16xf32>
      tpu.vector_store %arg9[%swap3A_417, %swap3A_418, %swap3A_419], %swap3A_422 {strides = array<i32>} : memref<4x40x128xf32, #tpu.memory_space<vmem>>, vector<1x1x16xf32>,
      %broadcast_in_dim3A_423 = arith.constant 0.000000e+00 : f32
      %broadcast_in_dim3A_424 = vector.broadcast %broadcast_in_dim3A_423 : f32 to vector<16xf32>
      %swap3A_425 = arith.constant 0 : i32
      %swap3A_426 = arith.index_cast %swap3A_425 : i32 to index
      %swap3A_427 = arith.index_cast %add3A_361 : i32 to index
      %swap3A_428 = arith.constant 112 : index
      %swap3A_429 = tpu.vector_load %arg9[%swap3A_426, %swap3A_427, %swap3A_428] {strides = array<i32>} : memref<4x40x128xf32, #tpu.memory_space<vmem>>, vector<1x1x16xf32>,
      %swap3A_430 = vector.shape_cast %swap3A_429 : vector<1x1x16xf32> to vector<16xf32>
      %swap3A_431 = vector.shape_cast %broadcast_in_dim3A_424 : vector<16xf32> to vector<1x1x16xf32>
      tpu.vector_store %arg9[%swap3A_426, %swap3A_427, %swap3A_428], %swap3A_431 {strides = array<i32>} : memref<4x40x128xf32, #tpu.memory_space<vmem>>, vector<1x1x16xf32>,
    }
    %scan3A_6 = arith.constant 40 : i32
    %scan3A_7 = arith.constant 0 : i32
    %scan3A_8 = arith.constant 15 : i32
    %scan3A_9 = arith.addi %scan3A_7, %scan3A_8 : i32
    %scan3A_10 = arith.constant 1 : i32
    scf.for %scan3A_357 = %scan3A_7 to %scan3A_9 step %scan3A_10  : i32 {
      %mul3A_358 = arith.constant 1 : i32
      %mul3A_359 = arith.muli %scan3A_357, %mul3A_358 : i32
      %add3A_360 = arith.constant 0 : i32
      %add3A_361 = arith.addi %add3A_360, %mul3A_359 : i32
      %mul3A_362 = arith.constant 624 : i32
      %mul3A_363 = arith.muli %arg1, %mul3A_362 : i32
      %mul3A_364 = arith.constant 40 : i32
      %mul3A_365 = arith.muli %add3A_361, %mul3A_364 : i32
      %add3A_366 = arith.addi %mul3A_363, %mul3A_365 : i32
      %run_scoped3A_367 = arith.constant 0 : i32
      "tpu.region"() ({
        %run_scoped3A_368 = tpu.sem_alloc : memref<!tpu.dma_semaphore, #tpu.memory_space<semaphore_mem>>
        %dma_start3A_369 = arith.constant 0 : i32
        %dma_start3A_370 = arith.constant 0 : i32
        %dma_start3A_371 = tpu.memref_slice %arg9[%run_scoped3A_367, %dma_start3A_369, %dma_start3A_370] : memref<4x40x128xf32, #tpu.memory_space<vmem>> -> memref<1x40x128xf32, #tpu.memory_space<vmem>>
        %dma_start3A_372 = tpu.memref_squeeze %dma_start3A_371 : memref<1x40x128xf32, #tpu.memory_space<vmem>> -> memref<40x128xf32, #tpu.memory_space<vmem>>
        %dma_start3A_373 = arith.constant 0 : i32
        %dma_start3A_374 = tpu.memref_slice %arg11[%add3A_366, %dma_start3A_373] : memref<10000x128xf32, #tpu.memory_space<vmem_shared>> -> memref<40x128xf32, #tpu.memory_space<vmem_shared>>
        %dma_start3A_375 = arith.constant 0 : i32
        %dma_start3A_376 = tpu.memref_slice %arg11[%add3A_366, %dma_start3A_375] : memref<10000x128xf32, #tpu.memory_space<vmem_shared>> -> memref<40x128xf32, #tpu.memory_space<vmem_shared>>
        %dma_start3A_377 = arith.constant 0 : i32
        %dma_start3A_378 = arith.constant 0 : i32
        %dma_start3A_379 = tpu.memref_slice %arg9[%run_scoped3A_367, %dma_start3A_377, %dma_start3A_378] : memref<4x40x128xf32, #tpu.memory_space<vmem>> -> memref<1x40x128xf32, #tpu.memory_space<vmem>>
        %dma_start3A_380 = tpu.memref_squeeze %dma_start3A_379 : memref<1x40x128xf32, #tpu.memory_space<vmem>> -> memref<40x128xf32, #tpu.memory_space<vmem>>
        tpu.enqueue_dma source(%dma_start3A_380 : memref<40x128xf32, #tpu.memory_space<vmem>>) target(%dma_start3A_376 : memref<40x128xf32, #tpu.memory_space<vmem_shared>>) target_semaphore(%run_scoped3A_368 : memref<!tpu.dma_semaphore, #tpu.memory_space<semaphore_mem>>)
        %dma_wait3A_381 = arith.constant 0 : i32
        %dma_wait3A_382 = arith.constant 0 : i32
        %dma_wait3A_383 = tpu.memref_slice %arg9[%run_scoped3A_367, %dma_wait3A_381, %dma_wait3A_382] : memref<4x40x128xf32, #tpu.memory_space<vmem>> -> memref<1x40x128xf32, #tpu.memory_space<vmem>>
        %dma_wait3A_384 = tpu.memref_squeeze %dma_wait3A_383 : memref<1x40x128xf32, #tpu.memory_space<vmem>> -> memref<40x128xf32, #tpu.memory_space<vmem>>
        %dma_wait3A_385 = arith.constant 0 : i32
        %dma_wait3A_386 = tpu.memref_slice %arg11[%add3A_366, %dma_wait3A_385] : memref<10000x128xf32, #tpu.memory_space<vmem_shared>> -> memref<40x128xf32, #tpu.memory_space<vmem_shared>>
        %dma_wait3A_387 = arith.constant 0 : i32
        %dma_wait3A_388 = tpu.memref_slice %arg11[%add3A_366, %dma_wait3A_387] : memref<10000x128xf32, #tpu.memory_space<vmem_shared>> -> memref<40x128xf32, #tpu.memory_space<vmem_shared>>
        %dma_wait3A_389 = arith.constant 0 : i32
        %dma_wait3A_390 = arith.constant 0 : i32
        %dma_wait3A_391 = tpu.memref_slice %arg9[%run_scoped3A_367, %dma_wait3A_389, %dma_wait3A_390] : memref<4x40x128xf32, #tpu.memory_space<vmem>> -> memref<1x40x128xf32, #tpu.memory_space<vmem>>
        %dma_wait3A_392 = tpu.memref_squeeze %dma_wait3A_391 : memref<1x40x128xf32, #tpu.memory_space<vmem>> -> memref<40x128xf32, #tpu.memory_space<vmem>>
        tpu.wait_dma2 semaphore(%run_scoped3A_368 : memref<!tpu.dma_semaphore, #tpu.memory_space<semaphore_mem>>) src(%dma_wait3A_392 : memref<40x128xf32, #tpu.memory_space<vmem>>) dst(%dma_wait3A_388 : memref<40x128xf32, #tpu.memory_space<vmem_shared>>)
        tpu.yield
      }) : () -> ()
    }
    %scan3A_11 = arith.constant 15 : i32
    %mul3A_12 = arith.constant 624 : i32
    %mul3A_13 = arith.muli %arg1, %mul3A_12 : i32
    %add3A_14 = arith.constant 600 : i32
    %add3A_15 = arith.addi %mul3A_13, %add3A_14 : i32
    %run_scoped3A = arith.constant 0 : i32
    "tpu.region"() ({
      %run_scoped3A_357 = tpu.sem_alloc : memref<!tpu.dma_semaphore, #tpu.memory_space<semaphore_mem>>
      %dma_start3A_358 = arith.constant 0 : i32
      %dma_start3A_359 = arith.constant 0 : i32
      %dma_start3A_360 = tpu.memref_slice %arg9[%run_scoped3A, %dma_start3A_358, %dma_start3A_359] : memref<4x40x128xf32, #tpu.memory_space<vmem>> -> memref<1x24x128xf32, #tpu.memory_space<vmem>>
      %dma_start3A_361 = tpu.memref_squeeze %dma_start3A_360 : memref<1x24x128xf32, #tpu.memory_space<vmem>> -> memref<24x128xf32, #tpu.memory_space<vmem>>
      %dma_start3A_362 = arith.constant 0 : i32
      %dma_start3A_363 = tpu.memref_slice %arg11[%add3A_15, %dma_start3A_362] : memref<10000x128xf32, #tpu.memory_space<vmem_shared>> -> memref<24x128xf32, #tpu.memory_space<vmem_shared>>
      %dma_start3A_364 = arith.constant 0 : i32
      %dma_start3A_365 = tpu.memref_slice %arg11[%add3A_15, %dma_start3A_364] : memref<10000x128xf32, #tpu.memory_space<vmem_shared>> -> memref<24x128xf32, #tpu.memory_space<vmem_shared>>
      %dma_start3A_366 = arith.constant 0 : i32
      %dma_start3A_367 = arith.constant 0 : i32
      %dma_start3A_368 = tpu.memref_slice %arg9[%run_scoped3A, %dma_start3A_366, %dma_start3A_367] : memref<4x40x128xf32, #tpu.memory_space<vmem>> -> memref<1x24x128xf32, #tpu.memory_space<vmem>>
      %dma_start3A_369 = tpu.memref_squeeze %dma_start3A_368 : memref<1x24x128xf32, #tpu.memory_space<vmem>> -> memref<24x128xf32, #tpu.memory_space<vmem>>
      tpu.enqueue_dma source(%dma_start3A_369 : memref<24x128xf32, #tpu.memory_space<vmem>>) target(%dma_start3A_365 : memref<24x128xf32, #tpu.memory_space<vmem_shared>>) target_semaphore(%run_scoped3A_357 : memref<!tpu.dma_semaphore, #tpu.memory_space<semaphore_mem>>)
      %dma_wait3A_370 = arith.constant 0 : i32
      %dma_wait3A_371 = arith.constant 0 : i32
      %dma_wait3A_372 = tpu.memref_slice %arg9[%run_scoped3A, %dma_wait3A_370, %dma_wait3A_371] : memref<4x40x128xf32, #tpu.memory_space<vmem>> -> memref<1x24x128xf32, #tpu.memory_space<vmem>>
      %dma_wait3A_373 = tpu.memref_squeeze %dma_wait3A_372 : memref<1x24x128xf32, #tpu.memory_space<vmem>> -> memref<24x128xf32, #tpu.memory_space<vmem>>
      %dma_wait3A_374 = arith.constant 0 : i32
      %dma_wait3A_375 = tpu.memref_slice %arg11[%add3A_15, %dma_wait3A_374] : memref<10000x128xf32, #tpu.memory_space<vmem_shared>> -> memref<24x128xf32, #tpu.memory_space<vmem_shared>>
      %dma_wait3A_376 = arith.constant 0 : i32
      %dma_wait3A_377 = tpu.memref_slice %arg11[%add3A_15, %dma_wait3A_376] : memref<10000x128xf32, #tpu.memory_space<vmem_shared>> -> memref<24x128xf32, #tpu.memory_space<vmem_shared>>
      %dma_wait3A_378 = arith.constant 0 : i32
      %dma_wait3A_379 = arith.constant 0 : i32
      %dma_wait3A_380 = tpu.memref_slice %arg9[%run_scoped3A, %dma_wait3A_378, %dma_wait3A_379] : memref<4x40x128xf32, #tpu.memory_space<vmem>> -> memref<1x24x128xf32, #tpu.memory_space<vmem>>
      %dma_wait3A_381 = tpu.memref_squeeze %dma_wait3A_380 : memref<1x24x128xf32, #tpu.memory_space<vmem>> -> memref<24x128xf32, #tpu.memory_space<vmem>>
      tpu.wait_dma2 semaphore(%run_scoped3A_357 : memref<!tpu.dma_semaphore, #tpu.memory_space<semaphore_mem>>) src(%dma_wait3A_381 : memref<24x128xf32, #tpu.memory_space<vmem>>) dst(%dma_wait3A_377 : memref<24x128xf32, #tpu.memory_space<vmem_shared>>)
      tpu.yield
    }) : () -> ()
    %eq3A = arith.constant 15 : i32
    %eq3A_16 = arith.cmpi eq, %arg1, %eq3A : i32
    %convert_element_type3A = arith.extui %eq3A_16 : i1 to i32
    %cond3A = arith.constant 0 : i32
    %cond3A_17 = arith.cmpi ne, %convert_element_type3A, %cond3A : i32
    scf.if %cond3A_17 {
      %run_scoped3A_357 = arith.constant 0 : i32
      "tpu.region"() ({
        %run_scoped3A_358 = tpu.sem_alloc : memref<!tpu.dma_semaphore, #tpu.memory_space<semaphore_mem>>
        %dma_start3A_359 = arith.constant 0 : i32
        %dma_start3A_360 = arith.constant 0 : i32
        %dma_start3A_361 = tpu.memref_slice %arg9[%run_scoped3A_357, %dma_start3A_359, %dma_start3A_360] : memref<4x40x128xf32, #tpu.memory_space<vmem>> -> memref<1x16x128xf32, #tpu.memory_space<vmem>>
        %dma_start3A_362 = tpu.memref_squeeze %dma_start3A_361 : memref<1x16x128xf32, #tpu.memory_space<vmem>> -> memref<16x128xf32, #tpu.memory_space<vmem>>
        %dma_start3A_363 = arith.constant 9984 : i32
        %dma_start3A_364 = arith.constant 0 : i32
        %dma_start3A_365 = tpu.memref_slice %arg11[%dma_start3A_363, %dma_start3A_364] : memref<10000x128xf32, #tpu.memory_space<vmem_shared>> -> memref<16x128xf32, #tpu.memory_space<vmem_shared>>
        %dma_start3A_366 = arith.constant 9984 : i32
        %dma_start3A_367 = arith.constant 0 : i32
        %dma_start3A_368 = tpu.memref_slice %arg11[%dma_start3A_366, %dma_start3A_367] : memref<10000x128xf32, #tpu.memory_space<vmem_shared>> -> memref<16x128xf32, #tpu.memory_space<vmem_shared>>
        %dma_start3A_369 = arith.constant 0 : i32
        %dma_start3A_370 = arith.constant 0 : i32
        %dma_start3A_371 = tpu.memref_slice %arg9[%run_scoped3A_357, %dma_start3A_369, %dma_start3A_370] : memref<4x40x128xf32, #tpu.memory_space<vmem>> -> memref<1x16x128xf32, #tpu.memory_space<vmem>>
        %dma_start3A_372 = tpu.memref_squeeze %dma_start3A_371 : memref<1x16x128xf32, #tpu.memory_space<vmem>> -> memref<16x128xf32, #tpu.memory_space<vmem>>
        tpu.enqueue_dma source(%dma_start3A_372 : memref<16x128xf32, #tpu.memory_space<vmem>>) target(%dma_start3A_368 : memref<16x128xf32, #tpu.memory_space<vmem_shared>>) target_semaphore(%run_scoped3A_358 : memref<!tpu.dma_semaphore, #tpu.memory_space<semaphore_mem>>)
        %dma_wait3A_373 = arith.constant 0 : i32
        %dma_wait3A_374 = arith.constant 0 : i32
        %dma_wait3A_375 = tpu.memref_slice %arg9[%run_scoped3A_357, %dma_wait3A_373, %dma_wait3A_374] : memref<4x40x128xf32, #tpu.memory_space<vmem>> -> memref<1x16x128xf32, #tpu.memory_space<vmem>>
        %dma_wait3A_376 = tpu.memref_squeeze %dma_wait3A_375 : memref<1x16x128xf32, #tpu.memory_space<vmem>> -> memref<16x128xf32, #tpu.memory_space<vmem>>
        %dma_wait3A_377 = arith.constant 9984 : i32
        %dma_wait3A_378 = arith.constant 0 : i32
        %dma_wait3A_379 = tpu.memref_slice %arg11[%dma_wait3A_377, %dma_wait3A_378] : memref<10000x128xf32, #tpu.memory_space<vmem_shared>> -> memref<16x128xf32, #tpu.memory_space<vmem_shared>>
        %dma_wait3A_380 = arith.constant 9984 : i32
        %dma_wait3A_381 = arith.constant 0 : i32
        %dma_wait3A_382 = tpu.memref_slice %arg11[%dma_wait3A_380, %dma_wait3A_381] : memref<10000x128xf32, #tpu.memory_space<vmem_shared>> -> memref<16x128xf32, #tpu.memory_space<vmem_shared>>
        %dma_wait3A_383 = arith.constant 0 : i32
        %dma_wait3A_384 = arith.constant 0 : i32
        %dma_wait3A_385 = tpu.memref_slice %arg9[%run_scoped3A_357, %dma_wait3A_383, %dma_wait3A_384] : memref<4x40x128xf32, #tpu.memory_space<vmem>> -> memref<1x16x128xf32, #tpu.memory_space<vmem>>
        %dma_wait3A_386 = tpu.memref_squeeze %dma_wait3A_385 : memref<1x16x128xf32, #tpu.memory_space<vmem>> -> memref<16x128xf32, #tpu.memory_space<vmem>>
        tpu.wait_dma2 semaphore(%run_scoped3A_358 : memref<!tpu.dma_semaphore, #tpu.memory_space<semaphore_mem>>) src(%dma_wait3A_386 : memref<16x128xf32, #tpu.memory_space<vmem>>) dst(%dma_wait3A_382 : memref<16x128xf32, #tpu.memory_space<vmem_shared>>)
        tpu.yield
      }) : () -> ()
    } else {
    }
    %barrier3A = arith.constant 0 : index
    tpu.barrier barrier_id(%barrier3A)
    %add3A_18 = arith.constant 0 : i32
    %add3A_19 = arith.addi %mul3A_2, %add3A_18 : i32
    %dma_start3A = arith.constant 0 : i32
    %dma_start3A_20 = arith.constant 0 : i32
    %dma_start3A_21 = arith.constant 0 : i32
    %dma_start3A_22 = tpu.memref_slice %arg7[%dma_start3A, %dma_start3A_21] : memref<4x40xi32, #tpu.memory_space<vmem>> -> memref<1x40xi32, #tpu.memory_space<vmem>>
    %dma_start3A_23 = tpu.memref_squeeze %dma_start3A_22 : memref<1x40xi32, #tpu.memory_space<vmem>> -> memref<40xi32, #tpu.memory_space<vmem>>
    %dma_start3A_24 = tpu.memref_slice %arg4[%add3A_19] : memref<320000xi32, #tpu.memory_space<hbm>> -> memref<40xi32, #tpu.memory_space<hbm>>
    %dma_start3A_25 = tpu.memref_slice %arg12[%dma_start3A_20] : memref<4x!tpu.dma_semaphore, #tpu.memory_space<semaphore_mem>> -> memref<1x!tpu.dma_semaphore, #tpu.memory_space<semaphore_mem>>
    %dma_start3A_26 = tpu.memref_squeeze %dma_start3A_25 : memref<1x!tpu.dma_semaphore, #tpu.memory_space<semaphore_mem>> -> memref<!tpu.dma_semaphore, #tpu.memory_space<semaphore_mem>>
    %dma_start3A_27 = arith.constant 0 : i32
    %dma_start3A_28 = tpu.memref_slice %arg7[%dma_start3A, %dma_start3A_27] : memref<4x40xi32, #tpu.memory_space<vmem>> -> memref<1x40xi32, #tpu.memory_space<vmem>>
    %dma_start3A_29 = tpu.memref_squeeze %dma_start3A_28 : memref<1x40xi32, #tpu.memory_space<vmem>> -> memref<40xi32, #tpu.memory_space<vmem>>
    %dma_start3A_30 = tpu.memref_slice %arg4[%add3A_19] : memref<320000xi32, #tpu.memory_space<hbm>> -> memref<40xi32, #tpu.memory_space<hbm>>
    tpu.enqueue_dma source(%dma_start3A_30 : memref<40xi32, #tpu.memory_space<hbm>>) target(%dma_start3A_29 : memref<40xi32, #tpu.memory_space<vmem>>) target_semaphore(%dma_start3A_26 : memref<!tpu.dma_semaphore, #tpu.memory_space<semaphore_mem>>)
    %dma_start3A_31 = arith.constant 0 : i32
    %dma_start3A_32 = arith.constant 0 : i32
    %dma_start3A_33 = arith.constant 0 : i32
    %dma_start3A_34 = tpu.memref_slice %arg8[%dma_start3A_31, %dma_start3A_33] : memref<4x40xi32, #tpu.memory_space<vmem>> -> memref<1x40xi32, #tpu.memory_space<vmem>>
    %dma_start3A_35 = tpu.memref_squeeze %dma_start3A_34 : memref<1x40xi32, #tpu.memory_space<vmem>> -> memref<40xi32, #tpu.memory_space<vmem>>
    %dma_start3A_36 = tpu.memref_slice %arg5[%add3A_19] : memref<320000xi32, #tpu.memory_space<hbm>> -> memref<40xi32, #tpu.memory_space<hbm>>
    %dma_start3A_37 = tpu.memref_slice %arg12[%dma_start3A_32] : memref<4x!tpu.dma_semaphore, #tpu.memory_space<semaphore_mem>> -> memref<1x!tpu.dma_semaphore, #tpu.memory_space<semaphore_mem>>
    %dma_start3A_38 = tpu.memref_squeeze %dma_start3A_37 : memref<1x!tpu.dma_semaphore, #tpu.memory_space<semaphore_mem>> -> memref<!tpu.dma_semaphore, #tpu.memory_space<semaphore_mem>>
    %dma_start3A_39 = arith.constant 0 : i32
    %dma_start3A_40 = tpu.memref_slice %arg8[%dma_start3A_31, %dma_start3A_39] : memref<4x40xi32, #tpu.memory_space<vmem>> -> memref<1x40xi32, #tpu.memory_space<vmem>>
    %dma_start3A_41 = tpu.memref_squeeze %dma_start3A_40 : memref<1x40xi32, #tpu.memory_space<vmem>> -> memref<40xi32, #tpu.memory_space<vmem>>
    %dma_start3A_42 = tpu.memref_slice %arg5[%add3A_19] : memref<320000xi32, #tpu.memory_space<hbm>> -> memref<40xi32, #tpu.memory_space<hbm>>
    tpu.enqueue_dma source(%dma_start3A_42 : memref<40xi32, #tpu.memory_space<hbm>>) target(%dma_start3A_41 : memref<40xi32, #tpu.memory_space<vmem>>) target_semaphore(%dma_start3A_38 : memref<!tpu.dma_semaphore, #tpu.memory_space<semaphore_mem>>)
    %dma_start3A_43 = arith.constant 0 : i32
    %dma_start3A_44 = arith.constant 0 : i32
    %dma_start3A_45 = arith.constant 0 : i32
    %dma_start3A_46 = arith.constant 0 : i32
    %dma_start3A_47 = tpu.memref_slice %arg10[%dma_start3A_43, %dma_start3A_45, %dma_start3A_46] : memref<4x40x128xf32, #tpu.memory_space<vmem>> -> memref<1x40x128xf32, #tpu.memory_space<vmem>>
    %dma_start3A_48 = tpu.memref_squeeze %dma_start3A_47 : memref<1x40x128xf32, #tpu.memory_space<vmem>> -> memref<40x128xf32, #tpu.memory_space<vmem>>
    %dma_start3A_49 = arith.constant 0 : i32
    %dma_start3A_50 = tpu.memref_slice %arg3[%add3A_19, %dma_start3A_49] : memref<320000x128xf32, #tpu.memory_space<hbm>> -> memref<40x128xf32, #tpu.memory_space<hbm>>
    %dma_start3A_51 = tpu.memref_slice %arg12[%dma_start3A_44] : memref<4x!tpu.dma_semaphore, #tpu.memory_space<semaphore_mem>> -> memref<1x!tpu.dma_semaphore, #tpu.memory_space<semaphore_mem>>
    %dma_start3A_52 = tpu.memref_squeeze %dma_start3A_51 : memref<1x!tpu.dma_semaphore, #tpu.memory_space<semaphore_mem>> -> memref<!tpu.dma_semaphore, #tpu.memory_space<semaphore_mem>>
    %dma_start3A_53 = arith.constant 0 : i32
    %dma_start3A_54 = arith.constant 0 : i32
    %dma_start3A_55 = tpu.memref_slice %arg10[%dma_start3A_43, %dma_start3A_53, %dma_start3A_54] : memref<4x40x128xf32, #tpu.memory_space<vmem>> -> memref<1x40x128xf32, #tpu.memory_space<vmem>>
    %dma_start3A_56 = tpu.memref_squeeze %dma_start3A_55 : memref<1x40x128xf32, #tpu.memory_space<vmem>> -> memref<40x128xf32, #tpu.memory_space<vmem>>
    %dma_start3A_57 = arith.constant 0 : i32
    %dma_start3A_58 = tpu.memref_slice %arg3[%add3A_19, %dma_start3A_57] : memref<320000x128xf32, #tpu.memory_space<hbm>> -> memref<40x128xf32, #tpu.memory_space<hbm>>
    tpu.enqueue_dma source(%dma_start3A_58 : memref<40x128xf32, #tpu.memory_space<hbm>>) target(%dma_start3A_56 : memref<40x128xf32, #tpu.memory_space<vmem>>) target_semaphore(%dma_start3A_52 : memref<!tpu.dma_semaphore, #tpu.memory_space<semaphore_mem>>)
    %add3A_59 = arith.constant 40 : i32
    %add3A_60 = arith.addi %mul3A_2, %add3A_59 : i32
    %dma_start3A_61 = arith.constant 1 : i32
    %dma_start3A_62 = arith.constant 1 : i32
    %dma_start3A_63 = arith.constant 0 : i32
    %dma_start3A_64 = tpu.memref_slice %arg7[%dma_start3A_61, %dma_start3A_63] : memref<4x40xi32, #tpu.memory_space<vmem>> -> memref<1x40xi32, #tpu.memory_space<vmem>>
    %dma_start3A_65 = tpu.memref_squeeze %dma_start3A_64 : memref<1x40xi32, #tpu.memory_space<vmem>> -> memref<40xi32, #tpu.memory_space<vmem>>
    %dma_start3A_66 = tpu.memref_slice %arg4[%add3A_60] : memref<320000xi32, #tpu.memory_space<hbm>> -> memref<40xi32, #tpu.memory_space<hbm>>
    %dma_start3A_67 = tpu.memref_slice %arg12[%dma_start3A_62] : memref<4x!tpu.dma_semaphore, #tpu.memory_space<semaphore_mem>> -> memref<1x!tpu.dma_semaphore, #tpu.memory_space<semaphore_mem>>
    %dma_start3A_68 = tpu.memref_squeeze %dma_start3A_67 : memref<1x!tpu.dma_semaphore, #tpu.memory_space<semaphore_mem>> -> memref<!tpu.dma_semaphore, #tpu.memory_space<semaphore_mem>>
    %dma_start3A_69 = arith.constant 0 : i32
    %dma_start3A_70 = tpu.memref_slice %arg7[%dma_start3A_61, %dma_start3A_69] : memref<4x40xi32, #tpu.memory_space<vmem>> -> memref<1x40xi32, #tpu.memory_space<vmem>>
    %dma_start3A_71 = tpu.memref_squeeze %dma_start3A_70 : memref<1x40xi32, #tpu.memory_space<vmem>> -> memref<40xi32, #tpu.memory_space<vmem>>
    %dma_start3A_72 = tpu.memref_slice %arg4[%add3A_60] : memref<320000xi32, #tpu.memory_space<hbm>> -> memref<40xi32, #tpu.memory_space<hbm>>
    tpu.enqueue_dma source(%dma_start3A_72 : memref<40xi32, #tpu.memory_space<hbm>>) target(%dma_start3A_71 : memref<40xi32, #tpu.memory_space<vmem>>) target_semaphore(%dma_start3A_68 : memref<!tpu.dma_semaphore, #tpu.memory_space<semaphore_mem>>)
    %dma_start3A_73 = arith.constant 1 : i32
    %dma_start3A_74 = arith.constant 1 : i32
    %dma_start3A_75 = arith.constant 0 : i32
    %dma_start3A_76 = tpu.memref_slice %arg8[%dma_start3A_73, %dma_start3A_75] : memref<4x40xi32, #tpu.memory_space<vmem>> -> memref<1x40xi32, #tpu.memory_space<vmem>>
    %dma_start3A_77 = tpu.memref_squeeze %dma_start3A_76 : memref<1x40xi32, #tpu.memory_space<vmem>> -> memref<40xi32, #tpu.memory_space<vmem>>
    %dma_start3A_78 = tpu.memref_slice %arg5[%add3A_60] : memref<320000xi32, #tpu.memory_space<hbm>> -> memref<40xi32, #tpu.memory_space<hbm>>
    %dma_start3A_79 = tpu.memref_slice %arg12[%dma_start3A_74] : memref<4x!tpu.dma_semaphore, #tpu.memory_space<semaphore_mem>> -> memref<1x!tpu.dma_semaphore, #tpu.memory_space<semaphore_mem>>
    %dma_start3A_80 = tpu.memref_squeeze %dma_start3A_79 : memref<1x!tpu.dma_semaphore, #tpu.memory_space<semaphore_mem>> -> memref<!tpu.dma_semaphore, #tpu.memory_space<semaphore_mem>>
    %dma_start3A_81 = arith.constant 0 : i32
    %dma_start3A_82 = tpu.memref_slice %arg8[%dma_start3A_73, %dma_start3A_81] : memref<4x40xi32, #tpu.memory_space<vmem>> -> memref<1x40xi32, #tpu.memory_space<vmem>>
    %dma_start3A_83 = tpu.memref_squeeze %dma_start3A_82 : memref<1x40xi32, #tpu.memory_space<vmem>> -> memref<40xi32, #tpu.memory_space<vmem>>
    %dma_start3A_84 = tpu.memref_slice %arg5[%add3A_60] : memref<320000xi32, #tpu.memory_space<hbm>> -> memref<40xi32, #tpu.memory_space<hbm>>
    tpu.enqueue_dma source(%dma_start3A_84 : memref<40xi32, #tpu.memory_space<hbm>>) target(%dma_start3A_83 : memref<40xi32, #tpu.memory_space<vmem>>) target_semaphore(%dma_start3A_80 : memref<!tpu.dma_semaphore, #tpu.memory_space<semaphore_mem>>)
    %dma_start3A_85 = arith.constant 1 : i32
    %dma_start3A_86 = arith.constant 1 : i32
    %dma_start3A_87 = arith.constant 0 : i32
    %dma_start3A_88 = arith.constant 0 : i32
    %dma_start3A_89 = tpu.memref_slice %arg10[%dma_start3A_85, %dma_start3A_87, %dma_start3A_88] : memref<4x40x128xf32, #tpu.memory_space<vmem>> -> memref<1x40x128xf32, #tpu.memory_space<vmem>>
    %dma_start3A_90 = tpu.memref_squeeze %dma_start3A_89 : memref<1x40x128xf32, #tpu.memory_space<vmem>> -> memref<40x128xf32, #tpu.memory_space<vmem>>
    %dma_start3A_91 = arith.constant 0 : i32
    %dma_start3A_92 = tpu.memref_slice %arg3[%add3A_60, %dma_start3A_91] : memref<320000x128xf32, #tpu.memory_space<hbm>> -> memref<40x128xf32, #tpu.memory_space<hbm>>
    %dma_start3A_93 = tpu.memref_slice %arg12[%dma_start3A_86] : memref<4x!tpu.dma_semaphore, #tpu.memory_space<semaphore_mem>> -> memref<1x!tpu.dma_semaphore, #tpu.memory_space<semaphore_mem>>
    %dma_start3A_94 = tpu.memref_squeeze %dma_start3A_93 : memref<1x!tpu.dma_semaphore, #tpu.memory_space<semaphore_mem>> -> memref<!tpu.dma_semaphore, #tpu.memory_space<semaphore_mem>>
    %dma_start3A_95 = arith.constant 0 : i32
    %dma_start3A_96 = arith.constant 0 : i32
    %dma_start3A_97 = tpu.memref_slice %arg10[%dma_start3A_85, %dma_start3A_95, %dma_start3A_96] : memref<4x40x128xf32, #tpu.memory_space<vmem>> -> memref<1x40x128xf32, #tpu.memory_space<vmem>>
    %dma_start3A_98 = tpu.memref_squeeze %dma_start3A_97 : memref<1x40x128xf32, #tpu.memory_space<vmem>> -> memref<40x128xf32, #tpu.memory_space<vmem>>
    %dma_start3A_99 = arith.constant 0 : i32
    %dma_start3A_100 = tpu.memref_slice %arg3[%add3A_60, %dma_start3A_99] : memref<320000x128xf32, #tpu.memory_space<hbm>> -> memref<40x128xf32, #tpu.memory_space<hbm>>
    tpu.enqueue_dma source(%dma_start3A_100 : memref<40x128xf32, #tpu.memory_space<hbm>>) target(%dma_start3A_98 : memref<40x128xf32, #tpu.memory_space<vmem>>) target_semaphore(%dma_start3A_94 : memref<!tpu.dma_semaphore, #tpu.memory_space<semaphore_mem>>)
    %add3A_101 = arith.constant 0 : i32
    %add3A_102 = arith.addi %mul3A_2, %add3A_101 : i32
    %dma_wait3A = arith.constant 0 : i32
    %dma_wait3A_103 = arith.constant 0 : i32
    %dma_wait3A_104 = arith.constant 0 : i32
    %dma_wait3A_105 = tpu.memref_slice %arg7[%dma_wait3A, %dma_wait3A_104] : memref<4x40xi32, #tpu.memory_space<vmem>> -> memref<1x40xi32, #tpu.memory_space<vmem>>
    %dma_wait3A_106 = tpu.memref_squeeze %dma_wait3A_105 : memref<1x40xi32, #tpu.memory_space<vmem>> -> memref<40xi32, #tpu.memory_space<vmem>>
    %dma_wait3A_107 = tpu.memref_slice %arg4[%add3A_102] : memref<320000xi32, #tpu.memory_space<hbm>> -> memref<40xi32, #tpu.memory_space<hbm>>
    %dma_wait3A_108 = tpu.memref_slice %arg12[%dma_wait3A_103] : memref<4x!tpu.dma_semaphore, #tpu.memory_space<semaphore_mem>> -> memref<1x!tpu.dma_semaphore, #tpu.memory_space<semaphore_mem>>
    %dma_wait3A_109 = tpu.memref_squeeze %dma_wait3A_108 : memref<1x!tpu.dma_semaphore, #tpu.memory_space<semaphore_mem>> -> memref<!tpu.dma_semaphore, #tpu.memory_space<semaphore_mem>>
    %dma_wait3A_110 = arith.constant 0 : i32
    %dma_wait3A_111 = tpu.memref_slice %arg7[%dma_wait3A, %dma_wait3A_110] : memref<4x40xi32, #tpu.memory_space<vmem>> -> memref<1x40xi32, #tpu.memory_space<vmem>>
    %dma_wait3A_112 = tpu.memref_squeeze %dma_wait3A_111 : memref<1x40xi32, #tpu.memory_space<vmem>> -> memref<40xi32, #tpu.memory_space<vmem>>
    %dma_wait3A_113 = tpu.memref_slice %arg4[%add3A_102] : memref<320000xi32, #tpu.memory_space<hbm>> -> memref<40xi32, #tpu.memory_space<hbm>>
    tpu.wait_dma2 semaphore(%dma_wait3A_109 : memref<!tpu.dma_semaphore, #tpu.memory_space<semaphore_mem>>) src(%dma_wait3A_113 : memref<40xi32, #tpu.memory_space<hbm>>) dst(%dma_wait3A_112 : memref<40xi32, #tpu.memory_space<vmem>>)
    %dma_wait3A_114 = arith.constant 0 : i32
    %dma_wait3A_115 = arith.constant 0 : i32
    %dma_wait3A_116 = arith.constant 0 : i32
    %dma_wait3A_117 = tpu.memref_slice %arg8[%dma_wait3A_114, %dma_wait3A_116] : memref<4x40xi32, #tpu.memory_space<vmem>> -> memref<1x40xi32, #tpu.memory_space<vmem>>
    %dma_wait3A_118 = tpu.memref_squeeze %dma_wait3A_117 : memref<1x40xi32, #tpu.memory_space<vmem>> -> memref<40xi32, #tpu.memory_space<vmem>>
    %dma_wait3A_119 = tpu.memref_slice %arg5[%add3A_102] : memref<320000xi32, #tpu.memory_space<hbm>> -> memref<40xi32, #tpu.memory_space<hbm>>
    %dma_wait3A_120 = tpu.memref_slice %arg12[%dma_wait3A_115] : memref<4x!tpu.dma_semaphore, #tpu.memory_space<semaphore_mem>> -> memref<1x!tpu.dma_semaphore, #tpu.memory_space<semaphore_mem>>
    %dma_wait3A_121 = tpu.memref_squeeze %dma_wait3A_120 : memref<1x!tpu.dma_semaphore, #tpu.memory_space<semaphore_mem>> -> memref<!tpu.dma_semaphore, #tpu.memory_space<semaphore_mem>>
    %dma_wait3A_122 = arith.constant 0 : i32
    %dma_wait3A_123 = tpu.memref_slice %arg8[%dma_wait3A_114, %dma_wait3A_122] : memref<4x40xi32, #tpu.memory_space<vmem>> -> memref<1x40xi32, #tpu.memory_space<vmem>>
    %dma_wait3A_124 = tpu.memref_squeeze %dma_wait3A_123 : memref<1x40xi32, #tpu.memory_space<vmem>> -> memref<40xi32, #tpu.memory_space<vmem>>
    %dma_wait3A_125 = tpu.memref_slice %arg5[%add3A_102] : memref<320000xi32, #tpu.memory_space<hbm>> -> memref<40xi32, #tpu.memory_space<hbm>>
    tpu.wait_dma2 semaphore(%dma_wait3A_121 : memref<!tpu.dma_semaphore, #tpu.memory_space<semaphore_mem>>) src(%dma_wait3A_125 : memref<40xi32, #tpu.memory_space<hbm>>) dst(%dma_wait3A_124 : memref<40xi32, #tpu.memory_space<vmem>>)
    %dma_wait3A_126 = arith.constant 0 : i32
    %dma_wait3A_127 = arith.constant 0 : i32
    %dma_wait3A_128 = arith.constant 0 : i32
    %dma_wait3A_129 = arith.constant 0 : i32
    %dma_wait3A_130 = tpu.memref_slice %arg10[%dma_wait3A_126, %dma_wait3A_128, %dma_wait3A_129] : memref<4x40x128xf32, #tpu.memory_space<vmem>> -> memref<1x40x128xf32, #tpu.memory_space<vmem>>
    %dma_wait3A_131 = tpu.memref_squeeze %dma_wait3A_130 : memref<1x40x128xf32, #tpu.memory_space<vmem>> -> memref<40x128xf32, #tpu.memory_space<vmem>>
    %dma_wait3A_132 = arith.constant 0 : i32
    %dma_wait3A_133 = tpu.memref_slice %arg3[%add3A_102, %dma_wait3A_132] : memref<320000x128xf32, #tpu.memory_space<hbm>> -> memref<40x128xf32, #tpu.memory_space<hbm>>
    %dma_wait3A_134 = tpu.memref_slice %arg12[%dma_wait3A_127] : memref<4x!tpu.dma_semaphore, #tpu.memory_space<semaphore_mem>> -> memref<1x!tpu.dma_semaphore, #tpu.memory_space<semaphore_mem>>
    %dma_wait3A_135 = tpu.memref_squeeze %dma_wait3A_134 : memref<1x!tpu.dma_semaphore, #tpu.memory_space<semaphore_mem>> -> memref<!tpu.dma_semaphore, #tpu.memory_space<semaphore_mem>>
    %dma_wait3A_136 = arith.constant 0 : i32
    %dma_wait3A_137 = arith.constant 0 : i32
    %dma_wait3A_138 = tpu.memref_slice %arg10[%dma_wait3A_126, %dma_wait3A_136, %dma_wait3A_137] : memref<4x40x128xf32, #tpu.memory_space<vmem>> -> memref<1x40x128xf32, #tpu.memory_space<vmem>>
    %dma_wait3A_139 = tpu.memref_squeeze %dma_wait3A_138 : memref<1x40x128xf32, #tpu.memory_space<vmem>> -> memref<40x128xf32, #tpu.memory_space<vmem>>
    %dma_wait3A_140 = arith.constant 0 : i32
    %dma_wait3A_141 = tpu.memref_slice %arg3[%add3A_102, %dma_wait3A_140] : memref<320000x128xf32, #tpu.memory_space<hbm>> -> memref<40x128xf32, #tpu.memory_space<hbm>>
    tpu.wait_dma2 semaphore(%dma_wait3A_135 : memref<!tpu.dma_semaphore, #tpu.memory_space<semaphore_mem>>) src(%dma_wait3A_141 : memref<40x128xf32, #tpu.memory_space<hbm>>) dst(%dma_wait3A_139 : memref<40x128xf32, #tpu.memory_space<vmem>>)
    %dma_start3A_142 = arith.constant 0 : i32
    %dma_start3A_143 = arith.constant 0 : i32
    %dma_start3A_144 = arith.constant 0 : i32
    %dma_start3A_145 = arith.constant 0 : i32
    %dma_start3A_146 = arith.constant 0 : i32
    %dma_start3A_147 = tpu.memref_slice %arg9[%dma_start3A_143, %dma_start3A_145, %dma_start3A_146] : memref<4x40x128xf32, #tpu.memory_space<vmem>> -> memref<1x40x128xf32, #tpu.memory_space<vmem>>
    %dma_start3A_148 = tpu.memref_squeeze %dma_start3A_147 : memref<1x40x128xf32, #tpu.memory_space<vmem>> -> memref<40x128xf32, #tpu.memory_space<vmem>>
    %dma_start3A_149 = arith.constant 0 : i32
    %dma_start3A_150 = tpu.memref_slice %arg7[%dma_start3A_142, %dma_start3A_149] : memref<4x40xi32, #tpu.memory_space<vmem>> -> memref<1x40xi32, #tpu.memory_space<vmem>>
    %dma_start3A_151 = tpu.memref_squeeze %dma_start3A_150 : memref<1x40xi32, #tpu.memory_space<vmem>> -> memref<40xi32, #tpu.memory_space<vmem>>
    %dma_start3A_152 = arith.constant 0 : i32
    %dma_start3A_153 = arith.constant 0 : i32
    %dma_start3A_154 = tpu.memref_slice %arg2[%dma_start3A_152, %dma_start3A_153] : memref<10000x128xf32, #tpu.memory_space<hbm>> -> memref<10000x128xf32, #tpu.memory_space<hbm>>
    %dma_start3A_155 = tpu.memref_slice %arg13[%dma_start3A_144] : memref<4x!tpu.dma_semaphore, #tpu.memory_space<semaphore_mem>> -> memref<1x!tpu.dma_semaphore, #tpu.memory_space<semaphore_mem>>
    %dma_start3A_156 = tpu.memref_squeeze %dma_start3A_155 : memref<1x!tpu.dma_semaphore, #tpu.memory_space<semaphore_mem>> -> memref<!tpu.dma_semaphore, #tpu.memory_space<semaphore_mem>>
    tpu.enqueue_indirect_dma source(%dma_start3A_154 : memref<10000x128xf32, #tpu.memory_space<hbm>>) target(%dma_start3A_148 : memref<40x128xf32, #tpu.memory_space<vmem>>) offsets(%dma_start3A_151 : memref<40xi32, #tpu.memory_space<vmem>>) semaphore(%dma_start3A_156 : memref<!tpu.dma_semaphore, #tpu.memory_space<semaphore_mem>>)
    %scan3A_157 = arith.constant 0 : i32
    %scan3A_158 = arith.constant 62 : i32
    %scan3A_159 = arith.addi %scan3A_157, %scan3A_158 : i32
    %scan3A_160 = arith.constant 1 : i32
    scf.for %scan3A_357 = %scan3A_157 to %scan3A_159 step %scan3A_160  : i32 {
      %mul3A_358 = arith.constant 1 : i32
      %mul3A_359 = arith.muli %scan3A_357, %mul3A_358 : i32
      %add3A_360 = arith.constant 0 : i32
      %add3A_361 = arith.addi %add3A_360, %mul3A_359 : i32
      %mul3A_362 = arith.constant 4 : i32
      %mul3A_363 = arith.muli %add3A_361, %mul3A_362 : i32
      %add3A_364 = arith.constant 0 : i32
      %add3A_365 = arith.addi %mul3A_363, %add3A_364 : i32
      %ge3A = arith.constant 2 : i32
      %ge3A_366 = arith.cmpi sge, %add3A_365, %ge3A : i32
      %convert_element_type3A_367 = arith.extui %ge3A_366 : i1 to i32
      %cond3A_368 = arith.constant 0 : i32
      %cond3A_369 = arith.cmpi ne, %convert_element_type3A_367, %cond3A_368 : i32
      scf.if %cond3A_369 {
        %dma_wait3A_788 = arith.constant 2 : i32
        %dma_wait3A_789 = arith.constant 2 : i32
        %dma_wait3A_790 = arith.constant 2 : i32
        %dma_wait3A_791 = arith.constant 0 : i32
        %dma_wait3A_792 = arith.constant 0 : i32
        %dma_wait3A_793 = tpu.memref_slice %arg9[%dma_wait3A_788, %dma_wait3A_791, %dma_wait3A_792] : memref<4x40x128xf32, #tpu.memory_space<vmem>> -> memref<1x40x128xf32, #tpu.memory_space<vmem>>
        %dma_wait3A_794 = tpu.memref_squeeze %dma_wait3A_793 : memref<1x40x128xf32, #tpu.memory_space<vmem>> -> memref<40x128xf32, #tpu.memory_space<vmem>>
        %dma_wait3A_795 = arith.constant 0 : i32
        %dma_wait3A_796 = tpu.memref_slice %arg8[%dma_wait3A_789, %dma_wait3A_795] : memref<4x40xi32, #tpu.memory_space<vmem>> -> memref<1x40xi32, #tpu.memory_space<vmem>>
        %dma_wait3A_797 = tpu.memref_squeeze %dma_wait3A_796 : memref<1x40xi32, #tpu.memory_space<vmem>> -> memref<40xi32, #tpu.memory_space<vmem>>
        %dma_wait3A_798 = arith.constant 0 : i32
        %dma_wait3A_799 = arith.constant 0 : i32
        %dma_wait3A_800 = tpu.memref_slice %arg11[%dma_wait3A_798, %dma_wait3A_799] : memref<10000x128xf32, #tpu.memory_space<vmem_shared>> -> memref<10000x128xf32, #tpu.memory_space<vmem_shared>>
        %dma_wait3A_801 = tpu.memref_slice %arg14[%dma_wait3A_790] : memref<4x!tpu.dma_semaphore, #tpu.memory_space<semaphore_mem>> -> memref<1x!tpu.dma_semaphore, #tpu.memory_space<semaphore_mem>>
        %dma_wait3A_802 = tpu.memref_squeeze %dma_wait3A_801 : memref<1x!tpu.dma_semaphore, #tpu.memory_space<semaphore_mem>> -> memref<!tpu.dma_semaphore, #tpu.memory_space<semaphore_mem>>
        tpu.wait_indirect_dma semaphore(%dma_wait3A_802 : memref<!tpu.dma_semaphore, #tpu.memory_space<semaphore_mem>>) src(%dma_wait3A_794 : memref<40x128xf32, #tpu.memory_space<vmem>>) dst(%dma_wait3A_800 : memref<10000x128xf32, #tpu.memory_space<vmem_shared>>)
      } else {
      }
      %le3A = arith.constant 247 : i32
      %le3A_370 = arith.cmpi sle, %add3A_365, %le3A : i32
      %convert_element_type3A_371 = arith.extui %le3A_370 : i1 to i32
      %cond3A_372 = arith.constant 0 : i32
      %cond3A_373 = arith.cmpi ne, %convert_element_type3A_371, %cond3A_372 : i32
      scf.if %cond3A_373 {
        %add3A_788 = arith.constant 2 : i32
        %add3A_789 = arith.addi %add3A_365, %add3A_788 : i32
        %mul3A_790 = arith.constant 40 : i32
        %mul3A_791 = arith.muli %add3A_789, %mul3A_790 : i32
        %add3A_792 = arith.addi %mul3A_2, %mul3A_791 : i32
        %dma_start3A_793 = arith.constant 2 : i32
        %dma_start3A_794 = arith.constant 2 : i32
        %dma_start3A_795 = arith.constant 0 : i32
        %dma_start3A_796 = tpu.memref_slice %arg7[%dma_start3A_793, %dma_start3A_795] : memref<4x40xi32, #tpu.memory_space<vmem>> -> memref<1x40xi32, #tpu.memory_space<vmem>>
        %dma_start3A_797 = tpu.memref_squeeze %dma_start3A_796 : memref<1x40xi32, #tpu.memory_space<vmem>> -> memref<40xi32, #tpu.memory_space<vmem>>
        %dma_start3A_798 = tpu.memref_slice %arg4[%add3A_792] : memref<320000xi32, #tpu.memory_space<hbm>> -> memref<40xi32, #tpu.memory_space<hbm>>
        %dma_start3A_799 = tpu.memref_slice %arg12[%dma_start3A_794] : memref<4x!tpu.dma_semaphore, #tpu.memory_space<semaphore_mem>> -> memref<1x!tpu.dma_semaphore, #tpu.memory_space<semaphore_mem>>
        %dma_start3A_800 = tpu.memref_squeeze %dma_start3A_799 : memref<1x!tpu.dma_semaphore, #tpu.memory_space<semaphore_mem>> -> memref<!tpu.dma_semaphore, #tpu.memory_space<semaphore_mem>>
        %dma_start3A_801 = arith.constant 0 : i32
        %dma_start3A_802 = tpu.memref_slice %arg7[%dma_start3A_793, %dma_start3A_801] : memref<4x40xi32, #tpu.memory_space<vmem>> -> memref<1x40xi32, #tpu.memory_space<vmem>>
        %dma_start3A_803 = tpu.memref_squeeze %dma_start3A_802 : memref<1x40xi32, #tpu.memory_space<vmem>> -> memref<40xi32, #tpu.memory_space<vmem>>
        %dma_start3A_804 = tpu.memref_slice %arg4[%add3A_792] : memref<320000xi32, #tpu.memory_space<hbm>> -> memref<40xi32, #tpu.memory_space<hbm>>
        tpu.enqueue_dma source(%dma_start3A_804 : memref<40xi32, #tpu.memory_space<hbm>>) target(%dma_start3A_803 : memref<40xi32, #tpu.memory_space<vmem>>) target_semaphore(%dma_start3A_800 : memref<!tpu.dma_semaphore, #tpu.memory_space<semaphore_mem>>)
        %dma_start3A_805 = arith.constant 2 : i32
        %dma_start3A_806 = arith.constant 2 : i32
        %dma_start3A_807 = arith.constant 0 : i32
        %dma_start3A_808 = tpu.memref_slice %arg8[%dma_start3A_805, %dma_start3A_807] : memref<4x40xi32, #tpu.memory_space<vmem>> -> memref<1x40xi32, #tpu.memory_space<vmem>>
        %dma_start3A_809 = tpu.memref_squeeze %dma_start3A_808 : memref<1x40xi32, #tpu.memory_space<vmem>> -> memref<40xi32, #tpu.memory_space<vmem>>
        %dma_start3A_810 = tpu.memref_slice %arg5[%add3A_792] : memref<320000xi32, #tpu.memory_space<hbm>> -> memref<40xi32, #tpu.memory_space<hbm>>
        %dma_start3A_811 = tpu.memref_slice %arg12[%dma_start3A_806] : memref<4x!tpu.dma_semaphore, #tpu.memory_space<semaphore_mem>> -> memref<1x!tpu.dma_semaphore, #tpu.memory_space<semaphore_mem>>
        %dma_start3A_812 = tpu.memref_squeeze %dma_start3A_811 : memref<1x!tpu.dma_semaphore, #tpu.memory_space<semaphore_mem>> -> memref<!tpu.dma_semaphore, #tpu.memory_space<semaphore_mem>>
        %dma_start3A_813 = arith.constant 0 : i32
        %dma_start3A_814 = tpu.memref_slice %arg8[%dma_start3A_805, %dma_start3A_813] : memref<4x40xi32, #tpu.memory_space<vmem>> -> memref<1x40xi32, #tpu.memory_space<vmem>>
        %dma_start3A_815 = tpu.memref_squeeze %dma_start3A_814 : memref<1x40xi32, #tpu.memory_space<vmem>> -> memref<40xi32, #tpu.memory_space<vmem>>
        %dma_start3A_816 = tpu.memref_slice %arg5[%add3A_792] : memref<320000xi32, #tpu.memory_space<hbm>> -> memref<40xi32, #tpu.memory_space<hbm>>
        tpu.enqueue_dma source(%dma_start3A_816 : memref<40xi32, #tpu.memory_space<hbm>>) target(%dma_start3A_815 : memref<40xi32, #tpu.memory_space<vmem>>) target_semaphore(%dma_start3A_812 : memref<!tpu.dma_semaphore, #tpu.memory_space<semaphore_mem>>)
        %dma_start3A_817 = arith.constant 2 : i32
        %dma_start3A_818 = arith.constant 2 : i32
        %dma_start3A_819 = arith.constant 0 : i32
        %dma_start3A_820 = arith.constant 0 : i32
        %dma_start3A_821 = tpu.memref_slice %arg10[%dma_start3A_817, %dma_start3A_819, %dma_start3A_820] : memref<4x40x128xf32, #tpu.memory_space<vmem>> -> memref<1x40x128xf32, #tpu.memory_space<vmem>>
        %dma_start3A_822 = tpu.memref_squeeze %dma_start3A_821 : memref<1x40x128xf32, #tpu.memory_space<vmem>> -> memref<40x128xf32, #tpu.memory_space<vmem>>
        %dma_start3A_823 = arith.constant 0 : i32
        %dma_start3A_824 = tpu.memref_slice %arg3[%add3A_792, %dma_start3A_823] : memref<320000x128xf32, #tpu.memory_space<hbm>> -> memref<40x128xf32, #tpu.memory_space<hbm>>
        %dma_start3A_825 = tpu.memref_slice %arg12[%dma_start3A_818] : memref<4x!tpu.dma_semaphore, #tpu.memory_space<semaphore_mem>> -> memref<1x!tpu.dma_semaphore, #tpu.memory_space<semaphore_mem>>
        %dma_start3A_826 = tpu.memref_squeeze %dma_start3A_825 : memref<1x!tpu.dma_semaphore, #tpu.memory_space<semaphore_mem>> -> memref<!tpu.dma_semaphore, #tpu.memory_space<semaphore_mem>>
        %dma_start3A_827 = arith.constant 0 : i32
        %dma_start3A_828 = arith.constant 0 : i32
        %dma_start3A_829 = tpu.memref_slice %arg10[%dma_start3A_817, %dma_start3A_827, %dma_start3A_828] : memref<4x40x128xf32, #tpu.memory_space<vmem>> -> memref<1x40x128xf32, #tpu.memory_space<vmem>>
        %dma_start3A_830 = tpu.memref_squeeze %dma_start3A_829 : memref<1x40x128xf32, #tpu.memory_space<vmem>> -> memref<40x128xf32, #tpu.memory_space<vmem>>
        %dma_start3A_831 = arith.constant 0 : i32
        %dma_start3A_832 = tpu.memref_slice %arg3[%add3A_792, %dma_start3A_831] : memref<320000x128xf32, #tpu.memory_space<hbm>> -> memref<40x128xf32, #tpu.memory_space<hbm>>
        tpu.enqueue_dma source(%dma_start3A_832 : memref<40x128xf32, #tpu.memory_space<hbm>>) target(%dma_start3A_830 : memref<40x128xf32, #tpu.memory_space<vmem>>) target_semaphore(%dma_start3A_826 : memref<!tpu.dma_semaphore, #tpu.memory_space<semaphore_mem>>)
      } else {
      }
      %add3A_374 = arith.constant 1 : i32
      %add3A_375 = arith.addi %add3A_365, %add3A_374 : i32
      %mul3A_376 = arith.constant 40 : i32
      %mul3A_377 = arith.muli %add3A_375, %mul3A_376 : i32
      %add3A_378 = arith.addi %mul3A_2, %mul3A_377 : i32
      %dma_wait3A_379 = arith.constant 1 : i32
      %dma_wait3A_380 = arith.constant 1 : i32
      %dma_wait3A_381 = arith.constant 0 : i32
      %dma_wait3A_382 = tpu.memref_slice %arg7[%dma_wait3A_379, %dma_wait3A_381] : memref<4x40xi32, #tpu.memory_space<vmem>> -> memref<1x40xi32, #tpu.memory_space<vmem>>
      %dma_wait3A_383 = tpu.memref_squeeze %dma_wait3A_382 : memref<1x40xi32, #tpu.memory_space<vmem>> -> memref<40xi32, #tpu.memory_space<vmem>>
      %dma_wait3A_384 = tpu.memref_slice %arg4[%add3A_378] : memref<320000xi32, #tpu.memory_space<hbm>> -> memref<40xi32, #tpu.memory_space<hbm>>
      %dma_wait3A_385 = tpu.memref_slice %arg12[%dma_wait3A_380] : memref<4x!tpu.dma_semaphore, #tpu.memory_space<semaphore_mem>> -> memref<1x!tpu.dma_semaphore, #tpu.memory_space<semaphore_mem>>
      %dma_wait3A_386 = tpu.memref_squeeze %dma_wait3A_385 : memref<1x!tpu.dma_semaphore, #tpu.memory_space<semaphore_mem>> -> memref<!tpu.dma_semaphore, #tpu.memory_space<semaphore_mem>>
      %dma_wait3A_387 = arith.constant 0 : i32
      %dma_wait3A_388 = tpu.memref_slice %arg7[%dma_wait3A_379, %dma_wait3A_387] : memref<4x40xi32, #tpu.memory_space<vmem>> -> memref<1x40xi32, #tpu.memory_space<vmem>>
      %dma_wait3A_389 = tpu.memref_squeeze %dma_wait3A_388 : memref<1x40xi32, #tpu.memory_space<vmem>> -> memref<40xi32, #tpu.memory_space<vmem>>
      %dma_wait3A_390 = tpu.memref_slice %arg4[%add3A_378] : memref<320000xi32, #tpu.memory_space<hbm>> -> memref<40xi32, #tpu.memory_space<hbm>>
      tpu.wait_dma2 semaphore(%dma_wait3A_386 : memref<!tpu.dma_semaphore, #tpu.memory_space<semaphore_mem>>) src(%dma_wait3A_390 : memref<40xi32, #tpu.memory_space<hbm>>) dst(%dma_wait3A_389 : memref<40xi32, #tpu.memory_space<vmem>>)
      %dma_wait3A_391 = arith.constant 1 : i32
      %dma_wait3A_392 = arith.constant 1 : i32
      %dma_wait3A_393 = arith.constant 0 : i32
      %dma_wait3A_394 = tpu.memref_slice %arg8[%dma_wait3A_391, %dma_wait3A_393] : memref<4x40xi32, #tpu.memory_space<vmem>> -> memref<1x40xi32, #tpu.memory_space<vmem>>
      %dma_wait3A_395 = tpu.memref_squeeze %dma_wait3A_394 : memref<1x40xi32, #tpu.memory_space<vmem>> -> memref<40xi32, #tpu.memory_space<vmem>>
      %dma_wait3A_396 = tpu.memref_slice %arg5[%add3A_378] : memref<320000xi32, #tpu.memory_space<hbm>> -> memref<40xi32, #tpu.memory_space<hbm>>
      %dma_wait3A_397 = tpu.memref_slice %arg12[%dma_wait3A_392] : memref<4x!tpu.dma_semaphore, #tpu.memory_space<semaphore_mem>> -> memref<1x!tpu.dma_semaphore, #tpu.memory_space<semaphore_mem>>
      %dma_wait3A_398 = tpu.memref_squeeze %dma_wait3A_397 : memref<1x!tpu.dma_semaphore, #tpu.memory_space<semaphore_mem>> -> memref<!tpu.dma_semaphore, #tpu.memory_space<semaphore_mem>>
      %dma_wait3A_399 = arith.constant 0 : i32
      %dma_wait3A_400 = tpu.memref_slice %arg8[%dma_wait3A_391, %dma_wait3A_399] : memref<4x40xi32, #tpu.memory_space<vmem>> -> memref<1x40xi32, #tpu.memory_space<vmem>>
      %dma_wait3A_401 = tpu.memref_squeeze %dma_wait3A_400 : memref<1x40xi32, #tpu.memory_space<vmem>> -> memref<40xi32, #tpu.memory_space<vmem>>
      %dma_wait3A_402 = tpu.memref_slice %arg5[%add3A_378] : memref<320000xi32, #tpu.memory_space<hbm>> -> memref<40xi32, #tpu.memory_space<hbm>>
      tpu.wait_dma2 semaphore(%dma_wait3A_398 : memref<!tpu.dma_semaphore, #tpu.memory_space<semaphore_mem>>) src(%dma_wait3A_402 : memref<40xi32, #tpu.memory_space<hbm>>) dst(%dma_wait3A_401 : memref<40xi32, #tpu.memory_space<vmem>>)
      %dma_wait3A_403 = arith.constant 1 : i32
      %dma_wait3A_404 = arith.constant 1 : i32
      %dma_wait3A_405 = arith.constant 0 : i32
      %dma_wait3A_406 = arith.constant 0 : i32
      %dma_wait3A_407 = tpu.memref_slice %arg10[%dma_wait3A_403, %dma_wait3A_405, %dma_wait3A_406] : memref<4x40x128xf32, #tpu.memory_space<vmem>> -> memref<1x40x128xf32, #tpu.memory_space<vmem>>
      %dma_wait3A_408 = tpu.memref_squeeze %dma_wait3A_407 : memref<1x40x128xf32, #tpu.memory_space<vmem>> -> memref<40x128xf32, #tpu.memory_space<vmem>>
      %dma_wait3A_409 = arith.constant 0 : i32
      %dma_wait3A_410 = tpu.memref_slice %arg3[%add3A_378, %dma_wait3A_409] : memref<320000x128xf32, #tpu.memory_space<hbm>> -> memref<40x128xf32, #tpu.memory_space<hbm>>
      %dma_wait3A_411 = tpu.memref_slice %arg12[%dma_wait3A_404] : memref<4x!tpu.dma_semaphore, #tpu.memory_space<semaphore_mem>> -> memref<1x!tpu.dma_semaphore, #tpu.memory_space<semaphore_mem>>
      %dma_wait3A_412 = tpu.memref_squeeze %dma_wait3A_411 : memref<1x!tpu.dma_semaphore, #tpu.memory_space<semaphore_mem>> -> memref<!tpu.dma_semaphore, #tpu.memory_space<semaphore_mem>>
      %dma_wait3A_413 = arith.constant 0 : i32
      %dma_wait3A_414 = arith.constant 0 : i32
      %dma_wait3A_415 = tpu.memref_slice %arg10[%dma_wait3A_403, %dma_wait3A_413, %dma_wait3A_414] : memref<4x40x128xf32, #tpu.memory_space<vmem>> -> memref<1x40x128xf32, #tpu.memory_space<vmem>>
      %dma_wait3A_416 = tpu.memref_squeeze %dma_wait3A_415 : memref<1x40x128xf32, #tpu.memory_space<vmem>> -> memref<40x128xf32, #tpu.memory_space<vmem>>
      %dma_wait3A_417 = arith.constant 0 : i32
      %dma_wait3A_418 = tpu.memref_slice %arg3[%add3A_378, %dma_wait3A_417] : memref<320000x128xf32, #tpu.memory_space<hbm>> -> memref<40x128xf32, #tpu.memory_space<hbm>>
      tpu.wait_dma2 semaphore(%dma_wait3A_412 : memref<!tpu.dma_semaphore, #tpu.memory_space<semaphore_mem>>) src(%dma_wait3A_418 : memref<40x128xf32, #tpu.memory_space<hbm>>) dst(%dma_wait3A_416 : memref<40x128xf32, #tpu.memory_space<vmem>>)
      %dma_start3A_419 = arith.constant 1 : i32
      %dma_start3A_420 = arith.constant 1 : i32
      %dma_start3A_421 = arith.constant 1 : i32
      %dma_start3A_422 = arith.constant 0 : i32
      %dma_start3A_423 = arith.constant 0 : i32
      %dma_start3A_424 = tpu.memref_slice %arg9[%dma_start3A_420, %dma_start3A_422, %dma_start3A_423] : memref<4x40x128xf32, #tpu.memory_space<vmem>> -> memref<1x40x128xf32, #tpu.memory_space<vmem>>
      %dma_start3A_425 = tpu.memref_squeeze %dma_start3A_424 : memref<1x40x128xf32, #tpu.memory_space<vmem>> -> memref<40x128xf32, #tpu.memory_space<vmem>>
      %dma_start3A_426 = arith.constant 0 : i32
      %dma_start3A_427 = tpu.memref_slice %arg7[%dma_start3A_419, %dma_start3A_426] : memref<4x40xi32, #tpu.memory_space<vmem>> -> memref<1x40xi32, #tpu.memory_space<vmem>>
      %dma_start3A_428 = tpu.memref_squeeze %dma_start3A_427 : memref<1x40xi32, #tpu.memory_space<vmem>> -> memref<40xi32, #tpu.memory_space<vmem>>
      %dma_start3A_429 = arith.constant 0 : i32
      %dma_start3A_430 = arith.constant 0 : i32
      %dma_start3A_431 = tpu.memref_slice %arg2[%dma_start3A_429, %dma_start3A_430] : memref<10000x128xf32, #tpu.memory_space<hbm>> -> memref<10000x128xf32, #tpu.memory_space<hbm>>
      %dma_start3A_432 = tpu.memref_slice %arg13[%dma_start3A_421] : memref<4x!tpu.dma_semaphore, #tpu.memory_space<semaphore_mem>> -> memref<1x!tpu.dma_semaphore, #tpu.memory_space<semaphore_mem>>
      %dma_start3A_433 = tpu.memref_squeeze %dma_start3A_432 : memref<1x!tpu.dma_semaphore, #tpu.memory_space<semaphore_mem>> -> memref<!tpu.dma_semaphore, #tpu.memory_space<semaphore_mem>>
      tpu.enqueue_indirect_dma source(%dma_start3A_431 : memref<10000x128xf32, #tpu.memory_space<hbm>>) target(%dma_start3A_425 : memref<40x128xf32, #tpu.memory_space<vmem>>) offsets(%dma_start3A_428 : memref<40xi32, #tpu.memory_space<vmem>>) semaphore(%dma_start3A_433 : memref<!tpu.dma_semaphore, #tpu.memory_space<semaphore_mem>>)
      %dma_wait3A_434 = arith.constant 0 : i32
      %dma_wait3A_435 = arith.constant 0 : i32
      %dma_wait3A_436 = arith.constant 0 : i32
      %dma_wait3A_437 = arith.constant 0 : i32
      %dma_wait3A_438 = arith.constant 0 : i32
      %dma_wait3A_439 = tpu.memref_slice %arg9[%dma_wait3A_435, %dma_wait3A_437, %dma_wait3A_438] : memref<4x40x128xf32, #tpu.memory_space<vmem>> -> memref<1x40x128xf32, #tpu.memory_space<vmem>>
      %dma_wait3A_440 = tpu.memref_squeeze %dma_wait3A_439 : memref<1x40x128xf32, #tpu.memory_space<vmem>> -> memref<40x128xf32, #tpu.memory_space<vmem>>
      %dma_wait3A_441 = arith.constant 0 : i32
      %dma_wait3A_442 = tpu.memref_slice %arg7[%dma_wait3A_434, %dma_wait3A_441] : memref<4x40xi32, #tpu.memory_space<vmem>> -> memref<1x40xi32, #tpu.memory_space<vmem>>
      %dma_wait3A_443 = tpu.memref_squeeze %dma_wait3A_442 : memref<1x40xi32, #tpu.memory_space<vmem>> -> memref<40xi32, #tpu.memory_space<vmem>>
      %dma_wait3A_444 = arith.constant 0 : i32
      %dma_wait3A_445 = arith.constant 0 : i32
      %dma_wait3A_446 = tpu.memref_slice %arg2[%dma_wait3A_444, %dma_wait3A_445] : memref<10000x128xf32, #tpu.memory_space<hbm>> -> memref<10000x128xf32, #tpu.memory_space<hbm>>
      %dma_wait3A_447 = tpu.memref_slice %arg13[%dma_wait3A_436] : memref<4x!tpu.dma_semaphore, #tpu.memory_space<semaphore_mem>> -> memref<1x!tpu.dma_semaphore, #tpu.memory_space<semaphore_mem>>
      %dma_wait3A_448 = tpu.memref_squeeze %dma_wait3A_447 : memref<1x!tpu.dma_semaphore, #tpu.memory_space<semaphore_mem>> -> memref<!tpu.dma_semaphore, #tpu.memory_space<semaphore_mem>>
      tpu.wait_indirect_dma semaphore(%dma_wait3A_448 : memref<!tpu.dma_semaphore, #tpu.memory_space<semaphore_mem>>) src(%dma_wait3A_446 : memref<10000x128xf32, #tpu.memory_space<hbm>>) dst(%dma_wait3A_440 : memref<40x128xf32, #tpu.memory_space<vmem>>)
      %parallel_loop3A_449 = arith.constant 0 : i32
      %parallel_loop3A_450 = arith.constant 40 : i32
      %parallel_loop3A_451 = arith.constant 1 : i32
      scf.for %parallel_loop3A_788 = %parallel_loop3A_449 to %parallel_loop3A_450 step %parallel_loop3A_451  : i32 {
        %parallel_loop3A_789 = arith.constant 0 : i32
        %parallel_loop3A_790 = arith.index_cast %parallel_loop3A_789 : i32 to index
        %parallel_loop3A_791 = arith.index_cast %parallel_loop3A_788 : i32 to index
        %parallel_loop3A_792 = arith.constant 0 : index
        %parallel_loop3A_793 = tpu.vector_load %arg9[%parallel_loop3A_790, %parallel_loop3A_791, %parallel_loop3A_792] {strides = array<i32>} : memref<4x40x128xf32, #tpu.memory_space<vmem>>, vector<1x1x16xf32>,
        %parallel_loop3A_794 = vector.shape_cast %parallel_loop3A_793 : vector<1x1x16xf32> to vector<16xf32>
        %parallel_loop3A_795 = arith.constant 0 : i32
        %parallel_loop3A_796 = arith.index_cast %parallel_loop3A_795 : i32 to index
        %parallel_loop3A_797 = arith.index_cast %parallel_loop3A_788 : i32 to index
        %parallel_loop3A_798 = arith.constant 0 : index
        %parallel_loop3A_799 = tpu.vector_load %arg10[%parallel_loop3A_796, %parallel_loop3A_797, %parallel_loop3A_798] {strides = array<i32>} : memref<4x40x128xf32, #tpu.memory_space<vmem>>, vector<1x1x16xf32>,
        %parallel_loop3A_800 = vector.shape_cast %parallel_loop3A_799 : vector<1x1x16xf32> to vector<16xf32>
        %parallel_loop3A_801 = arith.addf %parallel_loop3A_794, %parallel_loop3A_800 : vector<16xf32>
        %parallel_loop3A_802 = arith.constant 0.000000e+00 : f32
        %parallel_loop3A_803 = vector.broadcast %parallel_loop3A_802 : f32 to vector<16xf32>
        %parallel_loop3A_804 = arith.maximumf %parallel_loop3A_801, %parallel_loop3A_803 : vector<16xf32>
        %parallel_loop3A_805 = arith.constant 0 : i32
        %parallel_loop3A_806 = arith.index_cast %parallel_loop3A_805 : i32 to index
        %parallel_loop3A_807 = arith.index_cast %parallel_loop3A_788 : i32 to index
        %parallel_loop3A_808 = arith.constant 0 : index
        %parallel_loop3A_809 = tpu.vector_load %arg9[%parallel_loop3A_806, %parallel_loop3A_807, %parallel_loop3A_808] {strides = array<i32>} : memref<4x40x128xf32, #tpu.memory_space<vmem>>, vector<1x1x16xf32>,
        %parallel_loop3A_810 = vector.shape_cast %parallel_loop3A_809 : vector<1x1x16xf32> to vector<16xf32>
        %parallel_loop3A_811 = vector.shape_cast %parallel_loop3A_804 : vector<16xf32> to vector<1x1x16xf32>
        tpu.vector_store %arg9[%parallel_loop3A_806, %parallel_loop3A_807, %parallel_loop3A_808], %parallel_loop3A_811 {strides = array<i32>} : memref<4x40x128xf32, #tpu.memory_space<vmem>>, vector<1x1x16xf32>,
        %parallel_loop3A_812 = arith.constant 0 : i32
        %parallel_loop3A_813 = arith.index_cast %parallel_loop3A_812 : i32 to index
        %parallel_loop3A_814 = arith.index_cast %parallel_loop3A_788 : i32 to index
        %parallel_loop3A_815 = arith.constant 16 : index
        %parallel_loop3A_816 = tpu.vector_load %arg9[%parallel_loop3A_813, %parallel_loop3A_814, %parallel_loop3A_815] {strides = array<i32>} : memref<4x40x128xf32, #tpu.memory_space<vmem>>, vector<1x1x16xf32>,
        %parallel_loop3A_817 = vector.shape_cast %parallel_loop3A_816 : vector<1x1x16xf32> to vector<16xf32>
        %parallel_loop3A_818 = arith.constant 0 : i32
        %parallel_loop3A_819 = arith.index_cast %parallel_loop3A_818 : i32 to index
        %parallel_loop3A_820 = arith.index_cast %parallel_loop3A_788 : i32 to index
        %parallel_loop3A_821 = arith.constant 16 : index
        %parallel_loop3A_822 = tpu.vector_load %arg10[%parallel_loop3A_819, %parallel_loop3A_820, %parallel_loop3A_821] {strides = array<i32>} : memref<4x40x128xf32, #tpu.memory_space<vmem>>, vector<1x1x16xf32>,
        %parallel_loop3A_823 = vector.shape_cast %parallel_loop3A_822 : vector<1x1x16xf32> to vector<16xf32>
        %parallel_loop3A_824 = arith.addf %parallel_loop3A_817, %parallel_loop3A_823 : vector<16xf32>
        %parallel_loop3A_825 = arith.constant 0.000000e+00 : f32
        %parallel_loop3A_826 = vector.broadcast %parallel_loop3A_825 : f32 to vector<16xf32>
        %parallel_loop3A_827 = arith.maximumf %parallel_loop3A_824, %parallel_loop3A_826 : vector<16xf32>
        %parallel_loop3A_828 = arith.constant 0 : i32
        %parallel_loop3A_829 = arith.index_cast %parallel_loop3A_828 : i32 to index
        %parallel_loop3A_830 = arith.index_cast %parallel_loop3A_788 : i32 to index
        %parallel_loop3A_831 = arith.constant 16 : index
        %parallel_loop3A_832 = tpu.vector_load %arg9[%parallel_loop3A_829, %parallel_loop3A_830, %parallel_loop3A_831] {strides = array<i32>} : memref<4x40x128xf32, #tpu.memory_space<vmem>>, vector<1x1x16xf32>,
        %parallel_loop3A_833 = vector.shape_cast %parallel_loop3A_832 : vector<1x1x16xf32> to vector<16xf32>
        %parallel_loop3A_834 = vector.shape_cast %parallel_loop3A_827 : vector<16xf32> to vector<1x1x16xf32>
        tpu.vector_store %arg9[%parallel_loop3A_829, %parallel_loop3A_830, %parallel_loop3A_831], %parallel_loop3A_834 {strides = array<i32>} : memref<4x40x128xf32, #tpu.memory_space<vmem>>, vector<1x1x16xf32>,
        %parallel_loop3A_835 = arith.constant 0 : i32
        %parallel_loop3A_836 = arith.index_cast %parallel_loop3A_835 : i32 to index
        %parallel_loop3A_837 = arith.index_cast %parallel_loop3A_788 : i32 to index
        %parallel_loop3A_838 = arith.constant 32 : index
        %parallel_loop3A_839 = tpu.vector_load %arg9[%parallel_loop3A_836, %parallel_loop3A_837, %parallel_loop3A_838] {strides = array<i32>} : memref<4x40x128xf32, #tpu.memory_space<vmem>>, vector<1x1x16xf32>,
        %parallel_loop3A_840 = vector.shape_cast %parallel_loop3A_839 : vector<1x1x16xf32> to vector<16xf32>
        %parallel_loop3A_841 = arith.constant 0 : i32
        %parallel_loop3A_842 = arith.index_cast %parallel_loop3A_841 : i32 to index
        %parallel_loop3A_843 = arith.index_cast %parallel_loop3A_788 : i32 to index
        %parallel_loop3A_844 = arith.constant 32 : index
        %parallel_loop3A_845 = tpu.vector_load %arg10[%parallel_loop3A_842, %parallel_loop3A_843, %parallel_loop3A_844] {strides = array<i32>} : memref<4x40x128xf32, #tpu.memory_space<vmem>>, vector<1x1x16xf32>,
        %parallel_loop3A_846 = vector.shape_cast %parallel_loop3A_845 : vector<1x1x16xf32> to vector<16xf32>
        %parallel_loop3A_847 = arith.addf %parallel_loop3A_840, %parallel_loop3A_846 : vector<16xf32>
        %parallel_loop3A_848 = arith.constant 0.000000e+00 : f32
        %parallel_loop3A_849 = vector.broadcast %parallel_loop3A_848 : f32 to vector<16xf32>
        %parallel_loop3A_850 = arith.maximumf %parallel_loop3A_847, %parallel_loop3A_849 : vector<16xf32>
        %parallel_loop3A_851 = arith.constant 0 : i32
        %parallel_loop3A_852 = arith.index_cast %parallel_loop3A_851 : i32 to index
        %parallel_loop3A_853 = arith.index_cast %parallel_loop3A_788 : i32 to index
        %parallel_loop3A_854 = arith.constant 32 : index
        %parallel_loop3A_855 = tpu.vector_load %arg9[%parallel_loop3A_852, %parallel_loop3A_853, %parallel_loop3A_854] {strides = array<i32>} : memref<4x40x128xf32, #tpu.memory_space<vmem>>, vector<1x1x16xf32>,
        %parallel_loop3A_856 = vector.shape_cast %parallel_loop3A_855 : vector<1x1x16xf32> to vector<16xf32>
        %parallel_loop3A_857 = vector.shape_cast %parallel_loop3A_850 : vector<16xf32> to vector<1x1x16xf32>
        tpu.vector_store %arg9[%parallel_loop3A_852, %parallel_loop3A_853, %parallel_loop3A_854], %parallel_loop3A_857 {strides = array<i32>} : memref<4x40x128xf32, #tpu.memory_space<vmem>>, vector<1x1x16xf32>,
        %parallel_loop3A_858 = arith.constant 0 : i32
        %parallel_loop3A_859 = arith.index_cast %parallel_loop3A_858 : i32 to index
        %parallel_loop3A_860 = arith.index_cast %parallel_loop3A_788 : i32 to index
        %parallel_loop3A_861 = arith.constant 48 : index
        %parallel_loop3A_862 = tpu.vector_load %arg9[%parallel_loop3A_859, %parallel_loop3A_860, %parallel_loop3A_861] {strides = array<i32>} : memref<4x40x128xf32, #tpu.memory_space<vmem>>, vector<1x1x16xf32>,
        %parallel_loop3A_863 = vector.shape_cast %parallel_loop3A_862 : vector<1x1x16xf32> to vector<16xf32>
        %parallel_loop3A_864 = arith.constant 0 : i32
        %parallel_loop3A_865 = arith.index_cast %parallel_loop3A_864 : i32 to index
        %parallel_loop3A_866 = arith.index_cast %parallel_loop3A_788 : i32 to index
        %parallel_loop3A_867 = arith.constant 48 : index
        %parallel_loop3A_868 = tpu.vector_load %arg10[%parallel_loop3A_865, %parallel_loop3A_866, %parallel_loop3A_867] {strides = array<i32>} : memref<4x40x128xf32, #tpu.memory_space<vmem>>, vector<1x1x16xf32>,
        %parallel_loop3A_869 = vector.shape_cast %parallel_loop3A_868 : vector<1x1x16xf32> to vector<16xf32>
        %parallel_loop3A_870 = arith.addf %parallel_loop3A_863, %parallel_loop3A_869 : vector<16xf32>
        %parallel_loop3A_871 = arith.constant 0.000000e+00 : f32
        %parallel_loop3A_872 = vector.broadcast %parallel_loop3A_871 : f32 to vector<16xf32>
        %parallel_loop3A_873 = arith.maximumf %parallel_loop3A_870, %parallel_loop3A_872 : vector<16xf32>
        %parallel_loop3A_874 = arith.constant 0 : i32
        %parallel_loop3A_875 = arith.index_cast %parallel_loop3A_874 : i32 to index
        %parallel_loop3A_876 = arith.index_cast %parallel_loop3A_788 : i32 to index
        %parallel_loop3A_877 = arith.constant 48 : index
        %parallel_loop3A_878 = tpu.vector_load %arg9[%parallel_loop3A_875, %parallel_loop3A_876, %parallel_loop3A_877] {strides = array<i32>} : memref<4x40x128xf32, #tpu.memory_space<vmem>>, vector<1x1x16xf32>,
        %parallel_loop3A_879 = vector.shape_cast %parallel_loop3A_878 : vector<1x1x16xf32> to vector<16xf32>
        %parallel_loop3A_880 = vector.shape_cast %parallel_loop3A_873 : vector<16xf32> to vector<1x1x16xf32>
        tpu.vector_store %arg9[%parallel_loop3A_875, %parallel_loop3A_876, %parallel_loop3A_877], %parallel_loop3A_880 {strides = array<i32>} : memref<4x40x128xf32, #tpu.memory_space<vmem>>, vector<1x1x16xf32>,
        %parallel_loop3A_881 = arith.constant 0 : i32
        %parallel_loop3A_882 = arith.index_cast %parallel_loop3A_881 : i32 to index
        %parallel_loop3A_883 = arith.index_cast %parallel_loop3A_788 : i32 to index
        %parallel_loop3A_884 = arith.constant 64 : index
        %parallel_loop3A_885 = tpu.vector_load %arg9[%parallel_loop3A_882, %parallel_loop3A_883, %parallel_loop3A_884] {strides = array<i32>} : memref<4x40x128xf32, #tpu.memory_space<vmem>>, vector<1x1x16xf32>,
        %parallel_loop3A_886 = vector.shape_cast %parallel_loop3A_885 : vector<1x1x16xf32> to vector<16xf32>
        %parallel_loop3A_887 = arith.constant 0 : i32
        %parallel_loop3A_888 = arith.index_cast %parallel_loop3A_887 : i32 to index
        %parallel_loop3A_889 = arith.index_cast %parallel_loop3A_788 : i32 to index
        %parallel_loop3A_890 = arith.constant 64 : index
        %parallel_loop3A_891 = tpu.vector_load %arg10[%parallel_loop3A_888, %parallel_loop3A_889, %parallel_loop3A_890] {strides = array<i32>} : memref<4x40x128xf32, #tpu.memory_space<vmem>>, vector<1x1x16xf32>,
        %parallel_loop3A_892 = vector.shape_cast %parallel_loop3A_891 : vector<1x1x16xf32> to vector<16xf32>
        %parallel_loop3A_893 = arith.addf %parallel_loop3A_886, %parallel_loop3A_892 : vector<16xf32>
        %parallel_loop3A_894 = arith.constant 0.000000e+00 : f32
        %parallel_loop3A_895 = vector.broadcast %parallel_loop3A_894 : f32 to vector<16xf32>
        %parallel_loop3A_896 = arith.maximumf %parallel_loop3A_893, %parallel_loop3A_895 : vector<16xf32>
        %parallel_loop3A_897 = arith.constant 0 : i32
        %parallel_loop3A_898 = arith.index_cast %parallel_loop3A_897 : i32 to index
        %parallel_loop3A_899 = arith.index_cast %parallel_loop3A_788 : i32 to index
        %parallel_loop3A_900 = arith.constant 64 : index
        %parallel_loop3A_901 = tpu.vector_load %arg9[%parallel_loop3A_898, %parallel_loop3A_899, %parallel_loop3A_900] {strides = array<i32>} : memref<4x40x128xf32, #tpu.memory_space<vmem>>, vector<1x1x16xf32>,
        %parallel_loop3A_902 = vector.shape_cast %parallel_loop3A_901 : vector<1x1x16xf32> to vector<16xf32>
        %parallel_loop3A_903 = vector.shape_cast %parallel_loop3A_896 : vector<16xf32> to vector<1x1x16xf32>
        tpu.vector_store %arg9[%parallel_loop3A_898, %parallel_loop3A_899, %parallel_loop3A_900], %parallel_loop3A_903 {strides = array<i32>} : memref<4x40x128xf32, #tpu.memory_space<vmem>>, vector<1x1x16xf32>,
        %parallel_loop3A_904 = arith.constant 0 : i32
        %parallel_loop3A_905 = arith.index_cast %parallel_loop3A_904 : i32 to index
        %parallel_loop3A_906 = arith.index_cast %parallel_loop3A_788 : i32 to index
        %parallel_loop3A_907 = arith.constant 80 : index
        %parallel_loop3A_908 = tpu.vector_load %arg9[%parallel_loop3A_905, %parallel_loop3A_906, %parallel_loop3A_907] {strides = array<i32>} : memref<4x40x128xf32, #tpu.memory_space<vmem>>, vector<1x1x16xf32>,
        %parallel_loop3A_909 = vector.shape_cast %parallel_loop3A_908 : vector<1x1x16xf32> to vector<16xf32>
        %parallel_loop3A_910 = arith.constant 0 : i32
        %parallel_loop3A_911 = arith.index_cast %parallel_loop3A_910 : i32 to index
        %parallel_loop3A_912 = arith.index_cast %parallel_loop3A_788 : i32 to index
        %parallel_loop3A_913 = arith.constant 80 : index
        %parallel_loop3A_914 = tpu.vector_load %arg10[%parallel_loop3A_911, %parallel_loop3A_912, %parallel_loop3A_913] {strides = array<i32>} : memref<4x40x128xf32, #tpu.memory_space<vmem>>, vector<1x1x16xf32>,
        %parallel_loop3A_915 = vector.shape_cast %parallel_loop3A_914 : vector<1x1x16xf32> to vector<16xf32>
        %parallel_loop3A_916 = arith.addf %parallel_loop3A_909, %parallel_loop3A_915 : vector<16xf32>
        %parallel_loop3A_917 = arith.constant 0.000000e+00 : f32
        %parallel_loop3A_918 = vector.broadcast %parallel_loop3A_917 : f32 to vector<16xf32>
        %parallel_loop3A_919 = arith.maximumf %parallel_loop3A_916, %parallel_loop3A_918 : vector<16xf32>
        %parallel_loop3A_920 = arith.constant 0 : i32
        %parallel_loop3A_921 = arith.index_cast %parallel_loop3A_920 : i32 to index
        %parallel_loop3A_922 = arith.index_cast %parallel_loop3A_788 : i32 to index
        %parallel_loop3A_923 = arith.constant 80 : index
        %parallel_loop3A_924 = tpu.vector_load %arg9[%parallel_loop3A_921, %parallel_loop3A_922, %parallel_loop3A_923] {strides = array<i32>} : memref<4x40x128xf32, #tpu.memory_space<vmem>>, vector<1x1x16xf32>,
        %parallel_loop3A_925 = vector.shape_cast %parallel_loop3A_924 : vector<1x1x16xf32> to vector<16xf32>
        %parallel_loop3A_926 = vector.shape_cast %parallel_loop3A_919 : vector<16xf32> to vector<1x1x16xf32>
        tpu.vector_store %arg9[%parallel_loop3A_921, %parallel_loop3A_922, %parallel_loop3A_923], %parallel_loop3A_926 {strides = array<i32>} : memref<4x40x128xf32, #tpu.memory_space<vmem>>, vector<1x1x16xf32>,
        %parallel_loop3A_927 = arith.constant 0 : i32
        %parallel_loop3A_928 = arith.index_cast %parallel_loop3A_927 : i32 to index
        %parallel_loop3A_929 = arith.index_cast %parallel_loop3A_788 : i32 to index
        %parallel_loop3A_930 = arith.constant 96 : index
        %parallel_loop3A_931 = tpu.vector_load %arg9[%parallel_loop3A_928, %parallel_loop3A_929, %parallel_loop3A_930] {strides = array<i32>} : memref<4x40x128xf32, #tpu.memory_space<vmem>>, vector<1x1x16xf32>,
        %parallel_loop3A_932 = vector.shape_cast %parallel_loop3A_931 : vector<1x1x16xf32> to vector<16xf32>
        %parallel_loop3A_933 = arith.constant 0 : i32
        %parallel_loop3A_934 = arith.index_cast %parallel_loop3A_933 : i32 to index
        %parallel_loop3A_935 = arith.index_cast %parallel_loop3A_788 : i32 to index
        %parallel_loop3A_936 = arith.constant 96 : index
        %parallel_loop3A_937 = tpu.vector_load %arg10[%parallel_loop3A_934, %parallel_loop3A_935, %parallel_loop3A_936] {strides = array<i32>} : memref<4x40x128xf32, #tpu.memory_space<vmem>>, vector<1x1x16xf32>,
        %parallel_loop3A_938 = vector.shape_cast %parallel_loop3A_937 : vector<1x1x16xf32> to vector<16xf32>
        %parallel_loop3A_939 = arith.addf %parallel_loop3A_932, %parallel_loop3A_938 : vector<16xf32>
        %parallel_loop3A_940 = arith.constant 0.000000e+00 : f32
        %parallel_loop3A_941 = vector.broadcast %parallel_loop3A_940 : f32 to vector<16xf32>
        %parallel_loop3A_942 = arith.maximumf %parallel_loop3A_939, %parallel_loop3A_941 : vector<16xf32>
        %parallel_loop3A_943 = arith.constant 0 : i32
        %parallel_loop3A_944 = arith.index_cast %parallel_loop3A_943 : i32 to index
        %parallel_loop3A_945 = arith.index_cast %parallel_loop3A_788 : i32 to index
        %parallel_loop3A_946 = arith.constant 96 : index
        %parallel_loop3A_947 = tpu.vector_load %arg9[%parallel_loop3A_944, %parallel_loop3A_945, %parallel_loop3A_946] {strides = array<i32>} : memref<4x40x128xf32, #tpu.memory_space<vmem>>, vector<1x1x16xf32>,
        %parallel_loop3A_948 = vector.shape_cast %parallel_loop3A_947 : vector<1x1x16xf32> to vector<16xf32>
        %parallel_loop3A_949 = vector.shape_cast %parallel_loop3A_942 : vector<16xf32> to vector<1x1x16xf32>
        tpu.vector_store %arg9[%parallel_loop3A_944, %parallel_loop3A_945, %parallel_loop3A_946], %parallel_loop3A_949 {strides = array<i32>} : memref<4x40x128xf32, #tpu.memory_space<vmem>>, vector<1x1x16xf32>,
        %parallel_loop3A_950 = arith.constant 0 : i32
        %parallel_loop3A_951 = arith.index_cast %parallel_loop3A_950 : i32 to index
        %parallel_loop3A_952 = arith.index_cast %parallel_loop3A_788 : i32 to index
        %parallel_loop3A_953 = arith.constant 112 : index
        %parallel_loop3A_954 = tpu.vector_load %arg9[%parallel_loop3A_951, %parallel_loop3A_952, %parallel_loop3A_953] {strides = array<i32>} : memref<4x40x128xf32, #tpu.memory_space<vmem>>, vector<1x1x16xf32>,
        %parallel_loop3A_955 = vector.shape_cast %parallel_loop3A_954 : vector<1x1x16xf32> to vector<16xf32>
        %parallel_loop3A_956 = arith.constant 0 : i32
        %parallel_loop3A_957 = arith.index_cast %parallel_loop3A_956 : i32 to index
        %parallel_loop3A_958 = arith.index_cast %parallel_loop3A_788 : i32 to index
        %parallel_loop3A_959 = arith.constant 112 : index
        %parallel_loop3A_960 = tpu.vector_load %arg10[%parallel_loop3A_957, %parallel_loop3A_958, %parallel_loop3A_959] {strides = array<i32>} : memref<4x40x128xf32, #tpu.memory_space<vmem>>, vector<1x1x16xf32>,
        %parallel_loop3A_961 = vector.shape_cast %parallel_loop3A_960 : vector<1x1x16xf32> to vector<16xf32>
        %parallel_loop3A_962 = arith.addf %parallel_loop3A_955, %parallel_loop3A_961 : vector<16xf32>
        %parallel_loop3A_963 = arith.constant 0.000000e+00 : f32
        %parallel_loop3A_964 = vector.broadcast %parallel_loop3A_963 : f32 to vector<16xf32>
        %parallel_loop3A_965 = arith.maximumf %parallel_loop3A_962, %parallel_loop3A_964 : vector<16xf32>
        %parallel_loop3A_966 = arith.constant 0 : i32
        %parallel_loop3A_967 = arith.index_cast %parallel_loop3A_966 : i32 to index
        %parallel_loop3A_968 = arith.index_cast %parallel_loop3A_788 : i32 to index
        %parallel_loop3A_969 = arith.constant 112 : index
        %parallel_loop3A_970 = tpu.vector_load %arg9[%parallel_loop3A_967, %parallel_loop3A_968, %parallel_loop3A_969] {strides = array<i32>} : memref<4x40x128xf32, #tpu.memory_space<vmem>>, vector<1x1x16xf32>,
        %parallel_loop3A_971 = vector.shape_cast %parallel_loop3A_970 : vector<1x1x16xf32> to vector<16xf32>
        %parallel_loop3A_972 = vector.shape_cast %parallel_loop3A_965 : vector<16xf32> to vector<1x1x16xf32>
        tpu.vector_store %arg9[%parallel_loop3A_967, %parallel_loop3A_968, %parallel_loop3A_969], %parallel_loop3A_972 {strides = array<i32>} : memref<4x40x128xf32, #tpu.memory_space<vmem>>, vector<1x1x16xf32>,
      } {sc.loop_unroll_factor = 4 : i64, sc.parallel_access}
      %dma_start3A_452 = arith.constant 0 : i32
      %dma_start3A_453 = arith.constant 0 : i32
      %dma_start3A_454 = arith.constant 0 : i32
      %dma_start3A_455 = arith.constant 0 : i32
      %dma_start3A_456 = arith.constant 0 : i32
      %dma_start3A_457 = tpu.memref_slice %arg9[%dma_start3A_452, %dma_start3A_455, %dma_start3A_456] : memref<4x40x128xf32, #tpu.memory_space<vmem>> -> memref<1x40x128xf32, #tpu.memory_space<vmem>>
      %dma_start3A_458 = tpu.memref_squeeze %dma_start3A_457 : memref<1x40x128xf32, #tpu.memory_space<vmem>> -> memref<40x128xf32, #tpu.memory_space<vmem>>
      %dma_start3A_459 = arith.constant 0 : i32
      %dma_start3A_460 = tpu.memref_slice %arg8[%dma_start3A_453, %dma_start3A_459] : memref<4x40xi32, #tpu.memory_space<vmem>> -> memref<1x40xi32, #tpu.memory_space<vmem>>
      %dma_start3A_461 = tpu.memref_squeeze %dma_start3A_460 : memref<1x40xi32, #tpu.memory_space<vmem>> -> memref<40xi32, #tpu.memory_space<vmem>>
      %dma_start3A_462 = arith.constant 0 : i32
      %dma_start3A_463 = arith.constant 0 : i32
      %dma_start3A_464 = tpu.memref_slice %arg11[%dma_start3A_462, %dma_start3A_463] : memref<10000x128xf32, #tpu.memory_space<vmem_shared>> -> memref<10000x128xf32, #tpu.memory_space<vmem_shared>>
      %dma_start3A_465 = tpu.memref_slice %arg14[%dma_start3A_454] : memref<4x!tpu.dma_semaphore, #tpu.memory_space<semaphore_mem>> -> memref<1x!tpu.dma_semaphore, #tpu.memory_space<semaphore_mem>>
      %dma_start3A_466 = tpu.memref_squeeze %dma_start3A_465 : memref<1x!tpu.dma_semaphore, #tpu.memory_space<semaphore_mem>> -> memref<!tpu.dma_semaphore, #tpu.memory_space<semaphore_mem>>
      tpu.enqueue_indirect_dma source(%dma_start3A_458 : memref<40x128xf32, #tpu.memory_space<vmem>>) target(%dma_start3A_464 : memref<10000x128xf32, #tpu.memory_space<vmem_shared>>) offsets(%dma_start3A_461 : memref<40xi32, #tpu.memory_space<vmem>>) semaphore(%dma_start3A_466 : memref<!tpu.dma_semaphore, #tpu.memory_space<semaphore_mem>>) {add = true}
      %mul3A_467 = arith.constant 4 : i32
      %mul3A_468 = arith.muli %add3A_361, %mul3A_467 : i32
      %add3A_469 = arith.constant 1 : i32
      %add3A_470 = arith.addi %mul3A_468, %add3A_469 : i32
      %ge3A_471 = arith.constant 2 : i32
      %ge3A_472 = arith.cmpi sge, %add3A_470, %ge3A_471 : i32
      %convert_element_type3A_473 = arith.extui %ge3A_472 : i1 to i32
      %cond3A_474 = arith.constant 0 : i32
      %cond3A_475 = arith.cmpi ne, %convert_element_type3A_473, %cond3A_474 : i32
      scf.if %cond3A_475 {
        %dma_wait3A_788 = arith.constant 3 : i32
        %dma_wait3A_789 = arith.constant 3 : i32
        %dma_wait3A_790 = arith.constant 3 : i32
        %dma_wait3A_791 = arith.constant 0 : i32
        %dma_wait3A_792 = arith.constant 0 : i32
        %dma_wait3A_793 = tpu.memref_slice %arg9[%dma_wait3A_788, %dma_wait3A_791, %dma_wait3A_792] : memref<4x40x128xf32, #tpu.memory_space<vmem>> -> memref<1x40x128xf32, #tpu.memory_space<vmem>>
        %dma_wait3A_794 = tpu.memref_squeeze %dma_wait3A_793 : memref<1x40x128xf32, #tpu.memory_space<vmem>> -> memref<40x128xf32, #tpu.memory_space<vmem>>
        %dma_wait3A_795 = arith.constant 0 : i32
        %dma_wait3A_796 = tpu.memref_slice %arg8[%dma_wait3A_789, %dma_wait3A_795] : memref<4x40xi32, #tpu.memory_space<vmem>> -> memref<1x40xi32, #tpu.memory_space<vmem>>
        %dma_wait3A_797 = tpu.memref_squeeze %dma_wait3A_796 : memref<1x40xi32, #tpu.memory_space<vmem>> -> memref<40xi32, #tpu.memory_space<vmem>>
        %dma_wait3A_798 = arith.constant 0 : i32
        %dma_wait3A_799 = arith.constant 0 : i32
        %dma_wait3A_800 = tpu.memref_slice %arg11[%dma_wait3A_798, %dma_wait3A_799] : memref<10000x128xf32, #tpu.memory_space<vmem_shared>> -> memref<10000x128xf32, #tpu.memory_space<vmem_shared>>
        %dma_wait3A_801 = tpu.memref_slice %arg14[%dma_wait3A_790] : memref<4x!tpu.dma_semaphore, #tpu.memory_space<semaphore_mem>> -> memref<1x!tpu.dma_semaphore, #tpu.memory_space<semaphore_mem>>
        %dma_wait3A_802 = tpu.memref_squeeze %dma_wait3A_801 : memref<1x!tpu.dma_semaphore, #tpu.memory_space<semaphore_mem>> -> memref<!tpu.dma_semaphore, #tpu.memory_space<semaphore_mem>>
        tpu.wait_indirect_dma semaphore(%dma_wait3A_802 : memref<!tpu.dma_semaphore, #tpu.memory_space<semaphore_mem>>) src(%dma_wait3A_794 : memref<40x128xf32, #tpu.memory_space<vmem>>) dst(%dma_wait3A_800 : memref<10000x128xf32, #tpu.memory_space<vmem_shared>>)
      } else {
      }
      %le3A_476 = arith.constant 247 : i32
      %le3A_477 = arith.cmpi sle, %add3A_470, %le3A_476 : i32
      %convert_element_type3A_478 = arith.extui %le3A_477 : i1 to i32
      %cond3A_479 = arith.constant 0 : i32
      %cond3A_480 = arith.cmpi ne, %convert_element_type3A_478, %cond3A_479 : i32
      scf.if %cond3A_480 {
        %add3A_788 = arith.constant 2 : i32
        %add3A_789 = arith.addi %add3A_470, %add3A_788 : i32
        %mul3A_790 = arith.constant 40 : i32
        %mul3A_791 = arith.muli %add3A_789, %mul3A_790 : i32
        %add3A_792 = arith.addi %mul3A_2, %mul3A_791 : i32
        %dma_start3A_793 = arith.constant 3 : i32
        %dma_start3A_794 = arith.constant 3 : i32
        %dma_start3A_795 = arith.constant 0 : i32
        %dma_start3A_796 = tpu.memref_slice %arg7[%dma_start3A_793, %dma_start3A_795] : memref<4x40xi32, #tpu.memory_space<vmem>> -> memref<1x40xi32, #tpu.memory_space<vmem>>
        %dma_start3A_797 = tpu.memref_squeeze %dma_start3A_796 : memref<1x40xi32, #tpu.memory_space<vmem>> -> memref<40xi32, #tpu.memory_space<vmem>>
        %dma_start3A_798 = tpu.memref_slice %arg4[%add3A_792] : memref<320000xi32, #tpu.memory_space<hbm>> -> memref<40xi32, #tpu.memory_space<hbm>>
        %dma_start3A_799 = tpu.memref_slice %arg12[%dma_start3A_794] : memref<4x!tpu.dma_semaphore, #tpu.memory_space<semaphore_mem>> -> memref<1x!tpu.dma_semaphore, #tpu.memory_space<semaphore_mem>>
        %dma_start3A_800 = tpu.memref_squeeze %dma_start3A_799 : memref<1x!tpu.dma_semaphore, #tpu.memory_space<semaphore_mem>> -> memref<!tpu.dma_semaphore, #tpu.memory_space<semaphore_mem>>
        %dma_start3A_801 = arith.constant 0 : i32
        %dma_start3A_802 = tpu.memref_slice %arg7[%dma_start3A_793, %dma_start3A_801] : memref<4x40xi32, #tpu.memory_space<vmem>> -> memref<1x40xi32, #tpu.memory_space<vmem>>
        %dma_start3A_803 = tpu.memref_squeeze %dma_start3A_802 : memref<1x40xi32, #tpu.memory_space<vmem>> -> memref<40xi32, #tpu.memory_space<vmem>>
        %dma_start3A_804 = tpu.memref_slice %arg4[%add3A_792] : memref<320000xi32, #tpu.memory_space<hbm>> -> memref<40xi32, #tpu.memory_space<hbm>>
        tpu.enqueue_dma source(%dma_start3A_804 : memref<40xi32, #tpu.memory_space<hbm>>) target(%dma_start3A_803 : memref<40xi32, #tpu.memory_space<vmem>>) target_semaphore(%dma_start3A_800 : memref<!tpu.dma_semaphore, #tpu.memory_space<semaphore_mem>>)
        %dma_start3A_805 = arith.constant 3 : i32
        %dma_start3A_806 = arith.constant 3 : i32
        %dma_start3A_807 = arith.constant 0 : i32
        %dma_start3A_808 = tpu.memref_slice %arg8[%dma_start3A_805, %dma_start3A_807] : memref<4x40xi32, #tpu.memory_space<vmem>> -> memref<1x40xi32, #tpu.memory_space<vmem>>
        %dma_start3A_809 = tpu.memref_squeeze %dma_start3A_808 : memref<1x40xi32, #tpu.memory_space<vmem>> -> memref<40xi32, #tpu.memory_space<vmem>>
        %dma_start3A_810 = tpu.memref_slice %arg5[%add3A_792] : memref<320000xi32, #tpu.memory_space<hbm>> -> memref<40xi32, #tpu.memory_space<hbm>>
        %dma_start3A_811 = tpu.memref_slice %arg12[%dma_start3A_806] : memref<4x!tpu.dma_semaphore, #tpu.memory_space<semaphore_mem>> -> memref<1x!tpu.dma_semaphore, #tpu.memory_space<semaphore_mem>>
        %dma_start3A_812 = tpu.memref_squeeze %dma_start3A_811 : memref<1x!tpu.dma_semaphore, #tpu.memory_space<semaphore_mem>> -> memref<!tpu.dma_semaphore, #tpu.memory_space<semaphore_mem>>
        %dma_start3A_813 = arith.constant 0 : i32
        %dma_start3A_814 = tpu.memref_slice %arg8[%dma_start3A_805, %dma_start3A_813] : memref<4x40xi32, #tpu.memory_space<vmem>> -> memref<1x40xi32, #tpu.memory_space<vmem>>
        %dma_start3A_815 = tpu.memref_squeeze %dma_start3A_814 : memref<1x40xi32, #tpu.memory_space<vmem>> -> memref<40xi32, #tpu.memory_space<vmem>>
        %dma_start3A_816 = tpu.memref_slice %arg5[%add3A_792] : memref<320000xi32, #tpu.memory_space<hbm>> -> memref<40xi32, #tpu.memory_space<hbm>>
        tpu.enqueue_dma source(%dma_start3A_816 : memref<40xi32, #tpu.memory_space<hbm>>) target(%dma_start3A_815 : memref<40xi32, #tpu.memory_space<vmem>>) target_semaphore(%dma_start3A_812 : memref<!tpu.dma_semaphore, #tpu.memory_space<semaphore_mem>>)
        %dma_start3A_817 = arith.constant 3 : i32
        %dma_start3A_818 = arith.constant 3 : i32
        %dma_start3A_819 = arith.constant 0 : i32
        %dma_start3A_820 = arith.constant 0 : i32
        %dma_start3A_821 = tpu.memref_slice %arg10[%dma_start3A_817, %dma_start3A_819, %dma_start3A_820] : memref<4x40x128xf32, #tpu.memory_space<vmem>> -> memref<1x40x128xf32, #tpu.memory_space<vmem>>
        %dma_start3A_822 = tpu.memref_squeeze %dma_start3A_821 : memref<1x40x128xf32, #tpu.memory_space<vmem>> -> memref<40x128xf32, #tpu.memory_space<vmem>>
        %dma_start3A_823 = arith.constant 0 : i32
        %dma_start3A_824 = tpu.memref_slice %arg3[%add3A_792, %dma_start3A_823] : memref<320000x128xf32, #tpu.memory_space<hbm>> -> memref<40x128xf32, #tpu.memory_space<hbm>>
        %dma_start3A_825 = tpu.memref_slice %arg12[%dma_start3A_818] : memref<4x!tpu.dma_semaphore, #tpu.memory_space<semaphore_mem>> -> memref<1x!tpu.dma_semaphore, #tpu.memory_space<semaphore_mem>>
        %dma_start3A_826 = tpu.memref_squeeze %dma_start3A_825 : memref<1x!tpu.dma_semaphore, #tpu.memory_space<semaphore_mem>> -> memref<!tpu.dma_semaphore, #tpu.memory_space<semaphore_mem>>
        %dma_start3A_827 = arith.constant 0 : i32
        %dma_start3A_828 = arith.constant 0 : i32
        %dma_start3A_829 = tpu.memref_slice %arg10[%dma_start3A_817, %dma_start3A_827, %dma_start3A_828] : memref<4x40x128xf32, #tpu.memory_space<vmem>> -> memref<1x40x128xf32, #tpu.memory_space<vmem>>
        %dma_start3A_830 = tpu.memref_squeeze %dma_start3A_829 : memref<1x40x128xf32, #tpu.memory_space<vmem>> -> memref<40x128xf32, #tpu.memory_space<vmem>>
        %dma_start3A_831 = arith.constant 0 : i32
        %dma_start3A_832 = tpu.memref_slice %arg3[%add3A_792, %dma_start3A_831] : memref<320000x128xf32, #tpu.memory_space<hbm>> -> memref<40x128xf32, #tpu.memory_space<hbm>>
        tpu.enqueue_dma source(%dma_start3A_832 : memref<40x128xf32, #tpu.memory_space<hbm>>) target(%dma_start3A_830 : memref<40x128xf32, #tpu.memory_space<vmem>>) target_semaphore(%dma_start3A_826 : memref<!tpu.dma_semaphore, #tpu.memory_space<semaphore_mem>>)
      } else {
      }
      %add3A_481 = arith.constant 1 : i32
      %add3A_482 = arith.addi %add3A_470, %add3A_481 : i32
      %mul3A_483 = arith.constant 40 : i32
      %mul3A_484 = arith.muli %add3A_482, %mul3A_483 : i32
      %add3A_485 = arith.addi %mul3A_2, %mul3A_484 : i32
      %dma_wait3A_486 = arith.constant 2 : i32
      %dma_wait3A_487 = arith.constant 2 : i32
      %dma_wait3A_488 = arith.constant 0 : i32
      %dma_wait3A_489 = tpu.memref_slice %arg7[%dma_wait3A_486, %dma_wait3A_488] : memref<4x40xi32, #tpu.memory_space<vmem>> -> memref<1x40xi32, #tpu.memory_space<vmem>>
      %dma_wait3A_490 = tpu.memref_squeeze %dma_wait3A_489 : memref<1x40xi32, #tpu.memory_space<vmem>> -> memref<40xi32, #tpu.memory_space<vmem>>
      %dma_wait3A_491 = tpu.memref_slice %arg4[%add3A_485] : memref<320000xi32, #tpu.memory_space<hbm>> -> memref<40xi32, #tpu.memory_space<hbm>>
      %dma_wait3A_492 = tpu.memref_slice %arg12[%dma_wait3A_487] : memref<4x!tpu.dma_semaphore, #tpu.memory_space<semaphore_mem>> -> memref<1x!tpu.dma_semaphore, #tpu.memory_space<semaphore_mem>>
      %dma_wait3A_493 = tpu.memref_squeeze %dma_wait3A_492 : memref<1x!tpu.dma_semaphore, #tpu.memory_space<semaphore_mem>> -> memref<!tpu.dma_semaphore, #tpu.memory_space<semaphore_mem>>
      %dma_wait3A_494 = arith.constant 0 : i32
      %dma_wait3A_495 = tpu.memref_slice %arg7[%dma_wait3A_486, %dma_wait3A_494] : memref<4x40xi32, #tpu.memory_space<vmem>> -> memref<1x40xi32, #tpu.memory_space<vmem>>
      %dma_wait3A_496 = tpu.memref_squeeze %dma_wait3A_495 : memref<1x40xi32, #tpu.memory_space<vmem>> -> memref<40xi32, #tpu.memory_space<vmem>>
      %dma_wait3A_497 = tpu.memref_slice %arg4[%add3A_485] : memref<320000xi32, #tpu.memory_space<hbm>> -> memref<40xi32, #tpu.memory_space<hbm>>
      tpu.wait_dma2 semaphore(%dma_wait3A_493 : memref<!tpu.dma_semaphore, #tpu.memory_space<semaphore_mem>>) src(%dma_wait3A_497 : memref<40xi32, #tpu.memory_space<hbm>>) dst(%dma_wait3A_496 : memref<40xi32, #tpu.memory_space<vmem>>)
      %dma_wait3A_498 = arith.constant 2 : i32
      %dma_wait3A_499 = arith.constant 2 : i32
      %dma_wait3A_500 = arith.constant 0 : i32
      %dma_wait3A_501 = tpu.memref_slice %arg8[%dma_wait3A_498, %dma_wait3A_500] : memref<4x40xi32, #tpu.memory_space<vmem>> -> memref<1x40xi32, #tpu.memory_space<vmem>>
      %dma_wait3A_502 = tpu.memref_squeeze %dma_wait3A_501 : memref<1x40xi32, #tpu.memory_space<vmem>> -> memref<40xi32, #tpu.memory_space<vmem>>
      %dma_wait3A_503 = tpu.memref_slice %arg5[%add3A_485] : memref<320000xi32, #tpu.memory_space<hbm>> -> memref<40xi32, #tpu.memory_space<hbm>>
      %dma_wait3A_504 = tpu.memref_slice %arg12[%dma_wait3A_499] : memref<4x!tpu.dma_semaphore, #tpu.memory_space<semaphore_mem>> -> memref<1x!tpu.dma_semaphore, #tpu.memory_space<semaphore_mem>>
      %dma_wait3A_505 = tpu.memref_squeeze %dma_wait3A_504 : memref<1x!tpu.dma_semaphore, #tpu.memory_space<semaphore_mem>> -> memref<!tpu.dma_semaphore, #tpu.memory_space<semaphore_mem>>
      %dma_wait3A_506 = arith.constant 0 : i32
      %dma_wait3A_507 = tpu.memref_slice %arg8[%dma_wait3A_498, %dma_wait3A_506] : memref<4x40xi32, #tpu.memory_space<vmem>> -> memref<1x40xi32, #tpu.memory_space<vmem>>
      %dma_wait3A_508 = tpu.memref_squeeze %dma_wait3A_507 : memref<1x40xi32, #tpu.memory_space<vmem>> -> memref<40xi32, #tpu.memory_space<vmem>>
      %dma_wait3A_509 = tpu.memref_slice %arg5[%add3A_485] : memref<320000xi32, #tpu.memory_space<hbm>> -> memref<40xi32, #tpu.memory_space<hbm>>
      tpu.wait_dma2 semaphore(%dma_wait3A_505 : memref<!tpu.dma_semaphore, #tpu.memory_space<semaphore_mem>>) src(%dma_wait3A_509 : memref<40xi32, #tpu.memory_space<hbm>>) dst(%dma_wait3A_508 : memref<40xi32, #tpu.memory_space<vmem>>)
      %dma_wait3A_510 = arith.constant 2 : i32
      %dma_wait3A_511 = arith.constant 2 : i32
      %dma_wait3A_512 = arith.constant 0 : i32
      %dma_wait3A_513 = arith.constant 0 : i32
      %dma_wait3A_514 = tpu.memref_slice %arg10[%dma_wait3A_510, %dma_wait3A_512, %dma_wait3A_513] : memref<4x40x128xf32, #tpu.memory_space<vmem>> -> memref<1x40x128xf32, #tpu.memory_space<vmem>>
      %dma_wait3A_515 = tpu.memref_squeeze %dma_wait3A_514 : memref<1x40x128xf32, #tpu.memory_space<vmem>> -> memref<40x128xf32, #tpu.memory_space<vmem>>
      %dma_wait3A_516 = arith.constant 0 : i32
      %dma_wait3A_517 = tpu.memref_slice %arg3[%add3A_485, %dma_wait3A_516] : memref<320000x128xf32, #tpu.memory_space<hbm>> -> memref<40x128xf32, #tpu.memory_space<hbm>>
      %dma_wait3A_518 = tpu.memref_slice %arg12[%dma_wait3A_511] : memref<4x!tpu.dma_semaphore, #tpu.memory_space<semaphore_mem>> -> memref<1x!tpu.dma_semaphore, #tpu.memory_space<semaphore_mem>>
      %dma_wait3A_519 = tpu.memref_squeeze %dma_wait3A_518 : memref<1x!tpu.dma_semaphore, #tpu.memory_space<semaphore_mem>> -> memref<!tpu.dma_semaphore, #tpu.memory_space<semaphore_mem>>
      %dma_wait3A_520 = arith.constant 0 : i32
      %dma_wait3A_521 = arith.constant 0 : i32
      %dma_wait3A_522 = tpu.memref_slice %arg10[%dma_wait3A_510, %dma_wait3A_520, %dma_wait3A_521] : memref<4x40x128xf32, #tpu.memory_space<vmem>> -> memref<1x40x128xf32, #tpu.memory_space<vmem>>
      %dma_wait3A_523 = tpu.memref_squeeze %dma_wait3A_522 : memref<1x40x128xf32, #tpu.memory_space<vmem>> -> memref<40x128xf32, #tpu.memory_space<vmem>>
      %dma_wait3A_524 = arith.constant 0 : i32
      %dma_wait3A_525 = tpu.memref_slice %arg3[%add3A_485, %dma_wait3A_524] : memref<320000x128xf32, #tpu.memory_space<hbm>> -> memref<40x128xf32, #tpu.memory_space<hbm>>
      tpu.wait_dma2 semaphore(%dma_wait3A_519 : memref<!tpu.dma_semaphore, #tpu.memory_space<semaphore_mem>>) src(%dma_wait3A_525 : memref<40x128xf32, #tpu.memory_space<hbm>>) dst(%dma_wait3A_523 : memref<40x128xf32, #tpu.memory_space<vmem>>)
      %dma_start3A_526 = arith.constant 2 : i32
      %dma_start3A_527 = arith.constant 2 : i32
      %dma_start3A_528 = arith.constant 2 : i32
      %dma_start3A_529 = arith.constant 0 : i32
      %dma_start3A_530 = arith.constant 0 : i32
      %dma_start3A_531 = tpu.memref_slice %arg9[%dma_start3A_527, %dma_start3A_529, %dma_start3A_530] : memref<4x40x128xf32, #tpu.memory_space<vmem>> -> memref<1x40x128xf32, #tpu.memory_space<vmem>>
      %dma_start3A_532 = tpu.memref_squeeze %dma_start3A_531 : memref<1x40x128xf32, #tpu.memory_space<vmem>> -> memref<40x128xf32, #tpu.memory_space<vmem>>
      %dma_start3A_533 = arith.constant 0 : i32
      %dma_start3A_534 = tpu.memref_slice %arg7[%dma_start3A_526, %dma_start3A_533] : memref<4x40xi32, #tpu.memory_space<vmem>> -> memref<1x40xi32, #tpu.memory_space<vmem>>
      %dma_start3A_535 = tpu.memref_squeeze %dma_start3A_534 : memref<1x40xi32, #tpu.memory_space<vmem>> -> memref<40xi32, #tpu.memory_space<vmem>>
      %dma_start3A_536 = arith.constant 0 : i32
      %dma_start3A_537 = arith.constant 0 : i32
      %dma_start3A_538 = tpu.memref_slice %arg2[%dma_start3A_536, %dma_start3A_537] : memref<10000x128xf32, #tpu.memory_space<hbm>> -> memref<10000x128xf32, #tpu.memory_space<hbm>>
      %dma_start3A_539 = tpu.memref_slice %arg13[%dma_start3A_528] : memref<4x!tpu.dma_semaphore, #tpu.memory_space<semaphore_mem>> -> memref<1x!tpu.dma_semaphore, #tpu.memory_space<semaphore_mem>>
      %dma_start3A_540 = tpu.memref_squeeze %dma_start3A_539 : memref<1x!tpu.dma_semaphore, #tpu.memory_space<semaphore_mem>> -> memref<!tpu.dma_semaphore, #tpu.memory_space<semaphore_mem>>
      tpu.enqueue_indirect_dma source(%dma_start3A_538 : memref<10000x128xf32, #tpu.memory_space<hbm>>) target(%dma_start3A_532 : memref<40x128xf32, #tpu.memory_space<vmem>>) offsets(%dma_start3A_535 : memref<40xi32, #tpu.memory_space<vmem>>) semaphore(%dma_start3A_540 : memref<!tpu.dma_semaphore, #tpu.memory_space<semaphore_mem>>)
      %dma_wait3A_541 = arith.constant 1 : i32
      %dma_wait3A_542 = arith.constant 1 : i32
      %dma_wait3A_543 = arith.constant 1 : i32
      %dma_wait3A_544 = arith.constant 0 : i32
      %dma_wait3A_545 = arith.constant 0 : i32
      %dma_wait3A_546 = tpu.memref_slice %arg9[%dma_wait3A_542, %dma_wait3A_544, %dma_wait3A_545] : memref<4x40x128xf32, #tpu.memory_space<vmem>> -> memref<1x40x128xf32, #tpu.memory_space<vmem>>
      %dma_wait3A_547 = tpu.memref_squeeze %dma_wait3A_546 : memref<1x40x128xf32, #tpu.memory_space<vmem>> -> memref<40x128xf32, #tpu.memory_space<vmem>>
      %dma_wait3A_548 = arith.constant 0 : i32
      %dma_wait3A_549 = tpu.memref_slice %arg7[%dma_wait3A_541, %dma_wait3A_548] : memref<4x40xi32, #tpu.memory_space<vmem>> -> memref<1x40xi32, #tpu.memory_space<vmem>>
      %dma_wait3A_550 = tpu.memref_squeeze %dma_wait3A_549 : memref<1x40xi32, #tpu.memory_space<vmem>> -> memref<40xi32, #tpu.memory_space<vmem>>
      %dma_wait3A_551 = arith.constant 0 : i32
      %dma_wait3A_552 = arith.constant 0 : i32
      %dma_wait3A_553 = tpu.memref_slice %arg2[%dma_wait3A_551, %dma_wait3A_552] : memref<10000x128xf32, #tpu.memory_space<hbm>> -> memref<10000x128xf32, #tpu.memory_space<hbm>>
      %dma_wait3A_554 = tpu.memref_slice %arg13[%dma_wait3A_543] : memref<4x!tpu.dma_semaphore, #tpu.memory_space<semaphore_mem>> -> memref<1x!tpu.dma_semaphore, #tpu.memory_space<semaphore_mem>>
      %dma_wait3A_555 = tpu.memref_squeeze %dma_wait3A_554 : memref<1x!tpu.dma_semaphore, #tpu.memory_space<semaphore_mem>> -> memref<!tpu.dma_semaphore, #tpu.memory_space<semaphore_mem>>
      tpu.wait_indirect_dma semaphore(%dma_wait3A_555 : memref<!tpu.dma_semaphore, #tpu.memory_space<semaphore_mem>>) src(%dma_wait3A_553 : memref<10000x128xf32, #tpu.memory_space<hbm>>) dst(%dma_wait3A_547 : memref<40x128xf32, #tpu.memory_space<vmem>>)
      %parallel_loop3A_556 = arith.constant 0 : i32
      %parallel_loop3A_557 = arith.constant 40 : i32
      %parallel_loop3A_558 = arith.constant 1 : i32
      scf.for %parallel_loop3A_788 = %parallel_loop3A_556 to %parallel_loop3A_557 step %parallel_loop3A_558  : i32 {
        %parallel_loop3A_789 = arith.constant 1 : i32
        %parallel_loop3A_790 = arith.index_cast %parallel_loop3A_789 : i32 to index
        %parallel_loop3A_791 = arith.index_cast %parallel_loop3A_788 : i32 to index
        %parallel_loop3A_792 = arith.constant 0 : index
        %parallel_loop3A_793 = tpu.vector_load %arg9[%parallel_loop3A_790, %parallel_loop3A_791, %parallel_loop3A_792] {strides = array<i32>} : memref<4x40x128xf32, #tpu.memory_space<vmem>>, vector<1x1x16xf32>,
        %parallel_loop3A_794 = vector.shape_cast %parallel_loop3A_793 : vector<1x1x16xf32> to vector<16xf32>
        %parallel_loop3A_795 = arith.constant 1 : i32
        %parallel_loop3A_796 = arith.index_cast %parallel_loop3A_795 : i32 to index
        %parallel_loop3A_797 = arith.index_cast %parallel_loop3A_788 : i32 to index
        %parallel_loop3A_798 = arith.constant 0 : index
        %parallel_loop3A_799 = tpu.vector_load %arg10[%parallel_loop3A_796, %parallel_loop3A_797, %parallel_loop3A_798] {strides = array<i32>} : memref<4x40x128xf32, #tpu.memory_space<vmem>>, vector<1x1x16xf32>,
        %parallel_loop3A_800 = vector.shape_cast %parallel_loop3A_799 : vector<1x1x16xf32> to vector<16xf32>
        %parallel_loop3A_801 = arith.addf %parallel_loop3A_794, %parallel_loop3A_800 : vector<16xf32>
        %parallel_loop3A_802 = arith.constant 0.000000e+00 : f32
        %parallel_loop3A_803 = vector.broadcast %parallel_loop3A_802 : f32 to vector<16xf32>
        %parallel_loop3A_804 = arith.maximumf %parallel_loop3A_801, %parallel_loop3A_803 : vector<16xf32>
        %parallel_loop3A_805 = arith.constant 1 : i32
        %parallel_loop3A_806 = arith.index_cast %parallel_loop3A_805 : i32 to index
        %parallel_loop3A_807 = arith.index_cast %parallel_loop3A_788 : i32 to index
        %parallel_loop3A_808 = arith.constant 0 : index
        %parallel_loop3A_809 = tpu.vector_load %arg9[%parallel_loop3A_806, %parallel_loop3A_807, %parallel_loop3A_808] {strides = array<i32>} : memref<4x40x128xf32, #tpu.memory_space<vmem>>, vector<1x1x16xf32>,
        %parallel_loop3A_810 = vector.shape_cast %parallel_loop3A_809 : vector<1x1x16xf32> to vector<16xf32>
        %parallel_loop3A_811 = vector.shape_cast %parallel_loop3A_804 : vector<16xf32> to vector<1x1x16xf32>
        tpu.vector_store %arg9[%parallel_loop3A_806, %parallel_loop3A_807, %parallel_loop3A_808], %parallel_loop3A_811 {strides = array<i32>} : memref<4x40x128xf32, #tpu.memory_space<vmem>>, vector<1x1x16xf32>,
        %parallel_loop3A_812 = arith.constant 1 : i32
        %parallel_loop3A_813 = arith.index_cast %parallel_loop3A_812 : i32 to index
        %parallel_loop3A_814 = arith.index_cast %parallel_loop3A_788 : i32 to index
        %parallel_loop3A_815 = arith.constant 16 : index
        %parallel_loop3A_816 = tpu.vector_load %arg9[%parallel_loop3A_813, %parallel_loop3A_814, %parallel_loop3A_815] {strides = array<i32>} : memref<4x40x128xf32, #tpu.memory_space<vmem>>, vector<1x1x16xf32>,
        %parallel_loop3A_817 = vector.shape_cast %parallel_loop3A_816 : vector<1x1x16xf32> to vector<16xf32>
        %parallel_loop3A_818 = arith.constant 1 : i32
        %parallel_loop3A_819 = arith.index_cast %parallel_loop3A_818 : i32 to index
        %parallel_loop3A_820 = arith.index_cast %parallel_loop3A_788 : i32 to index
        %parallel_loop3A_821 = arith.constant 16 : index
        %parallel_loop3A_822 = tpu.vector_load %arg10[%parallel_loop3A_819, %parallel_loop3A_820, %parallel_loop3A_821] {strides = array<i32>} : memref<4x40x128xf32, #tpu.memory_space<vmem>>, vector<1x1x16xf32>,
        %parallel_loop3A_823 = vector.shape_cast %parallel_loop3A_822 : vector<1x1x16xf32> to vector<16xf32>
        %parallel_loop3A_824 = arith.addf %parallel_loop3A_817, %parallel_loop3A_823 : vector<16xf32>
        %parallel_loop3A_825 = arith.constant 0.000000e+00 : f32
        %parallel_loop3A_826 = vector.broadcast %parallel_loop3A_825 : f32 to vector<16xf32>
        %parallel_loop3A_827 = arith.maximumf %parallel_loop3A_824, %parallel_loop3A_826 : vector<16xf32>
        %parallel_loop3A_828 = arith.constant 1 : i32
        %parallel_loop3A_829 = arith.index_cast %parallel_loop3A_828 : i32 to index
        %parallel_loop3A_830 = arith.index_cast %parallel_loop3A_788 : i32 to index
        %parallel_loop3A_831 = arith.constant 16 : index
        %parallel_loop3A_832 = tpu.vector_load %arg9[%parallel_loop3A_829, %parallel_loop3A_830, %parallel_loop3A_831] {strides = array<i32>} : memref<4x40x128xf32, #tpu.memory_space<vmem>>, vector<1x1x16xf32>,
        %parallel_loop3A_833 = vector.shape_cast %parallel_loop3A_832 : vector<1x1x16xf32> to vector<16xf32>
        %parallel_loop3A_834 = vector.shape_cast %parallel_loop3A_827 : vector<16xf32> to vector<1x1x16xf32>
        tpu.vector_store %arg9[%parallel_loop3A_829, %parallel_loop3A_830, %parallel_loop3A_831], %parallel_loop3A_834 {strides = array<i32>} : memref<4x40x128xf32, #tpu.memory_space<vmem>>, vector<1x1x16xf32>,
        %parallel_loop3A_835 = arith.constant 1 : i32
        %parallel_loop3A_836 = arith.index_cast %parallel_loop3A_835 : i32 to index
        %parallel_loop3A_837 = arith.index_cast %parallel_loop3A_788 : i32 to index
        %parallel_loop3A_838 = arith.constant 32 : index
        %parallel_loop3A_839 = tpu.vector_load %arg9[%parallel_loop3A_836, %parallel_loop3A_837, %parallel_loop3A_838] {strides = array<i32>} : memref<4x40x128xf32, #tpu.memory_space<vmem>>, vector<1x1x16xf32>,
        %parallel_loop3A_840 = vector.shape_cast %parallel_loop3A_839 : vector<1x1x16xf32> to vector<16xf32>
        %parallel_loop3A_841 = arith.constant 1 : i32
        %parallel_loop3A_842 = arith.index_cast %parallel_loop3A_841 : i32 to index
        %parallel_loop3A_843 = arith.index_cast %parallel_loop3A_788 : i32 to index
        %parallel_loop3A_844 = arith.constant 32 : index
        %parallel_loop3A_845 = tpu.vector_load %arg10[%parallel_loop3A_842, %parallel_loop3A_843, %parallel_loop3A_844] {strides = array<i32>} : memref<4x40x128xf32, #tpu.memory_space<vmem>>, vector<1x1x16xf32>,
        %parallel_loop3A_846 = vector.shape_cast %parallel_loop3A_845 : vector<1x1x16xf32> to vector<16xf32>
        %parallel_loop3A_847 = arith.addf %parallel_loop3A_840, %parallel_loop3A_846 : vector<16xf32>
        %parallel_loop3A_848 = arith.constant 0.000000e+00 : f32
        %parallel_loop3A_849 = vector.broadcast %parallel_loop3A_848 : f32 to vector<16xf32>
        %parallel_loop3A_850 = arith.maximumf %parallel_loop3A_847, %parallel_loop3A_849 : vector<16xf32>
        %parallel_loop3A_851 = arith.constant 1 : i32
        %parallel_loop3A_852 = arith.index_cast %parallel_loop3A_851 : i32 to index
        %parallel_loop3A_853 = arith.index_cast %parallel_loop3A_788 : i32 to index
        %parallel_loop3A_854 = arith.constant 32 : index
        %parallel_loop3A_855 = tpu.vector_load %arg9[%parallel_loop3A_852, %parallel_loop3A_853, %parallel_loop3A_854] {strides = array<i32>} : memref<4x40x128xf32, #tpu.memory_space<vmem>>, vector<1x1x16xf32>,
        %parallel_loop3A_856 = vector.shape_cast %parallel_loop3A_855 : vector<1x1x16xf32> to vector<16xf32>
        %parallel_loop3A_857 = vector.shape_cast %parallel_loop3A_850 : vector<16xf32> to vector<1x1x16xf32>
        tpu.vector_store %arg9[%parallel_loop3A_852, %parallel_loop3A_853, %parallel_loop3A_854], %parallel_loop3A_857 {strides = array<i32>} : memref<4x40x128xf32, #tpu.memory_space<vmem>>, vector<1x1x16xf32>,
        %parallel_loop3A_858 = arith.constant 1 : i32
        %parallel_loop3A_859 = arith.index_cast %parallel_loop3A_858 : i32 to index
        %parallel_loop3A_860 = arith.index_cast %parallel_loop3A_788 : i32 to index
        %parallel_loop3A_861 = arith.constant 48 : index
        %parallel_loop3A_862 = tpu.vector_load %arg9[%parallel_loop3A_859, %parallel_loop3A_860, %parallel_loop3A_861] {strides = array<i32>} : memref<4x40x128xf32, #tpu.memory_space<vmem>>, vector<1x1x16xf32>,
        %parallel_loop3A_863 = vector.shape_cast %parallel_loop3A_862 : vector<1x1x16xf32> to vector<16xf32>
        %parallel_loop3A_864 = arith.constant 1 : i32
        %parallel_loop3A_865 = arith.index_cast %parallel_loop3A_864 : i32 to index
        %parallel_loop3A_866 = arith.index_cast %parallel_loop3A_788 : i32 to index
        %parallel_loop3A_867 = arith.constant 48 : index
        %parallel_loop3A_868 = tpu.vector_load %arg10[%parallel_loop3A_865, %parallel_loop3A_866, %parallel_loop3A_867] {strides = array<i32>} : memref<4x40x128xf32, #tpu.memory_space<vmem>>, vector<1x1x16xf32>,
        %parallel_loop3A_869 = vector.shape_cast %parallel_loop3A_868 : vector<1x1x16xf32> to vector<16xf32>
        %parallel_loop3A_870 = arith.addf %parallel_loop3A_863, %parallel_loop3A_869 : vector<16xf32>
        %parallel_loop3A_871 = arith.constant 0.000000e+00 : f32
        %parallel_loop3A_872 = vector.broadcast %parallel_loop3A_871 : f32 to vector<16xf32>
        %parallel_loop3A_873 = arith.maximumf %parallel_loop3A_870, %parallel_loop3A_872 : vector<16xf32>
        %parallel_loop3A_874 = arith.constant 1 : i32
        %parallel_loop3A_875 = arith.index_cast %parallel_loop3A_874 : i32 to index
        %parallel_loop3A_876 = arith.index_cast %parallel_loop3A_788 : i32 to index
        %parallel_loop3A_877 = arith.constant 48 : index
        %parallel_loop3A_878 = tpu.vector_load %arg9[%parallel_loop3A_875, %parallel_loop3A_876, %parallel_loop3A_877] {strides = array<i32>} : memref<4x40x128xf32, #tpu.memory_space<vmem>>, vector<1x1x16xf32>,
        %parallel_loop3A_879 = vector.shape_cast %parallel_loop3A_878 : vector<1x1x16xf32> to vector<16xf32>
        %parallel_loop3A_880 = vector.shape_cast %parallel_loop3A_873 : vector<16xf32> to vector<1x1x16xf32>
        tpu.vector_store %arg9[%parallel_loop3A_875, %parallel_loop3A_876, %parallel_loop3A_877], %parallel_loop3A_880 {strides = array<i32>} : memref<4x40x128xf32, #tpu.memory_space<vmem>>, vector<1x1x16xf32>,
        %parallel_loop3A_881 = arith.constant 1 : i32
        %parallel_loop3A_882 = arith.index_cast %parallel_loop3A_881 : i32 to index
        %parallel_loop3A_883 = arith.index_cast %parallel_loop3A_788 : i32 to index
        %parallel_loop3A_884 = arith.constant 64 : index
        %parallel_loop3A_885 = tpu.vector_load %arg9[%parallel_loop3A_882, %parallel_loop3A_883, %parallel_loop3A_884] {strides = array<i32>} : memref<4x40x128xf32, #tpu.memory_space<vmem>>, vector<1x1x16xf32>,
        %parallel_loop3A_886 = vector.shape_cast %parallel_loop3A_885 : vector<1x1x16xf32> to vector<16xf32>
        %parallel_loop3A_887 = arith.constant 1 : i32
        %parallel_loop3A_888 = arith.index_cast %parallel_loop3A_887 : i32 to index
        %parallel_loop3A_889 = arith.index_cast %parallel_loop3A_788 : i32 to index
        %parallel_loop3A_890 = arith.constant 64 : index
        %parallel_loop3A_891 = tpu.vector_load %arg10[%parallel_loop3A_888, %parallel_loop3A_889, %parallel_loop3A_890] {strides = array<i32>} : memref<4x40x128xf32, #tpu.memory_space<vmem>>, vector<1x1x16xf32>,
        %parallel_loop3A_892 = vector.shape_cast %parallel_loop3A_891 : vector<1x1x16xf32> to vector<16xf32>
        %parallel_loop3A_893 = arith.addf %parallel_loop3A_886, %parallel_loop3A_892 : vector<16xf32>
        %parallel_loop3A_894 = arith.constant 0.000000e+00 : f32
        %parallel_loop3A_895 = vector.broadcast %parallel_loop3A_894 : f32 to vector<16xf32>
        %parallel_loop3A_896 = arith.maximumf %parallel_loop3A_893, %parallel_loop3A_895 : vector<16xf32>
        %parallel_loop3A_897 = arith.constant 1 : i32
        %parallel_loop3A_898 = arith.index_cast %parallel_loop3A_897 : i32 to index
        %parallel_loop3A_899 = arith.index_cast %parallel_loop3A_788 : i32 to index
        %parallel_loop3A_900 = arith.constant 64 : index
        %parallel_loop3A_901 = tpu.vector_load %arg9[%parallel_loop3A_898, %parallel_loop3A_899, %parallel_loop3A_900] {strides = array<i32>} : memref<4x40x128xf32, #tpu.memory_space<vmem>>, vector<1x1x16xf32>,
        %parallel_loop3A_902 = vector.shape_cast %parallel_loop3A_901 : vector<1x1x16xf32> to vector<16xf32>
        %parallel_loop3A_903 = vector.shape_cast %parallel_loop3A_896 : vector<16xf32> to vector<1x1x16xf32>
        tpu.vector_store %arg9[%parallel_loop3A_898, %parallel_loop3A_899, %parallel_loop3A_900], %parallel_loop3A_903 {strides = array<i32>} : memref<4x40x128xf32, #tpu.memory_space<vmem>>, vector<1x1x16xf32>,
        %parallel_loop3A_904 = arith.constant 1 : i32
        %parallel_loop3A_905 = arith.index_cast %parallel_loop3A_904 : i32 to index
        %parallel_loop3A_906 = arith.index_cast %parallel_loop3A_788 : i32 to index
        %parallel_loop3A_907 = arith.constant 80 : index
        %parallel_loop3A_908 = tpu.vector_load %arg9[%parallel_loop3A_905, %parallel_loop3A_906, %parallel_loop3A_907] {strides = array<i32>} : memref<4x40x128xf32, #tpu.memory_space<vmem>>, vector<1x1x16xf32>,
        %parallel_loop3A_909 = vector.shape_cast %parallel_loop3A_908 : vector<1x1x16xf32> to vector<16xf32>
        %parallel_loop3A_910 = arith.constant 1 : i32
        %parallel_loop3A_911 = arith.index_cast %parallel_loop3A_910 : i32 to index
        %parallel_loop3A_912 = arith.index_cast %parallel_loop3A_788 : i32 to index
        %parallel_loop3A_913 = arith.constant 80 : index
        %parallel_loop3A_914 = tpu.vector_load %arg10[%parallel_loop3A_911, %parallel_loop3A_912, %parallel_loop3A_913] {strides = array<i32>} : memref<4x40x128xf32, #tpu.memory_space<vmem>>, vector<1x1x16xf32>,
        %parallel_loop3A_915 = vector.shape_cast %parallel_loop3A_914 : vector<1x1x16xf32> to vector<16xf32>
        %parallel_loop3A_916 = arith.addf %parallel_loop3A_909, %parallel_loop3A_915 : vector<16xf32>
        %parallel_loop3A_917 = arith.constant 0.000000e+00 : f32
        %parallel_loop3A_918 = vector.broadcast %parallel_loop3A_917 : f32 to vector<16xf32>
        %parallel_loop3A_919 = arith.maximumf %parallel_loop3A_916, %parallel_loop3A_918 : vector<16xf32>
        %parallel_loop3A_920 = arith.constant 1 : i32
        %parallel_loop3A_921 = arith.index_cast %parallel_loop3A_920 : i32 to index
        %parallel_loop3A_922 = arith.index_cast %parallel_loop3A_788 : i32 to index
        %parallel_loop3A_923 = arith.constant 80 : index
        %parallel_loop3A_924 = tpu.vector_load %arg9[%parallel_loop3A_921, %parallel_loop3A_922, %parallel_loop3A_923] {strides = array<i32>} : memref<4x40x128xf32, #tpu.memory_space<vmem>>, vector<1x1x16xf32>,
        %parallel_loop3A_925 = vector.shape_cast %parallel_loop3A_924 : vector<1x1x16xf32> to vector<16xf32>
        %parallel_loop3A_926 = vector.shape_cast %parallel_loop3A_919 : vector<16xf32> to vector<1x1x16xf32>
        tpu.vector_store %arg9[%parallel_loop3A_921, %parallel_loop3A_922, %parallel_loop3A_923], %parallel_loop3A_926 {strides = array<i32>} : memref<4x40x128xf32, #tpu.memory_space<vmem>>, vector<1x1x16xf32>,
        %parallel_loop3A_927 = arith.constant 1 : i32
        %parallel_loop3A_928 = arith.index_cast %parallel_loop3A_927 : i32 to index
        %parallel_loop3A_929 = arith.index_cast %parallel_loop3A_788 : i32 to index
        %parallel_loop3A_930 = arith.constant 96 : index
        %parallel_loop3A_931 = tpu.vector_load %arg9[%parallel_loop3A_928, %parallel_loop3A_929, %parallel_loop3A_930] {strides = array<i32>} : memref<4x40x128xf32, #tpu.memory_space<vmem>>, vector<1x1x16xf32>,
        %parallel_loop3A_932 = vector.shape_cast %parallel_loop3A_931 : vector<1x1x16xf32> to vector<16xf32>
        %parallel_loop3A_933 = arith.constant 1 : i32
        %parallel_loop3A_934 = arith.index_cast %parallel_loop3A_933 : i32 to index
        %parallel_loop3A_935 = arith.index_cast %parallel_loop3A_788 : i32 to index
        %parallel_loop3A_936 = arith.constant 96 : index
        %parallel_loop3A_937 = tpu.vector_load %arg10[%parallel_loop3A_934, %parallel_loop3A_935, %parallel_loop3A_936] {strides = array<i32>} : memref<4x40x128xf32, #tpu.memory_space<vmem>>, vector<1x1x16xf32>,
        %parallel_loop3A_938 = vector.shape_cast %parallel_loop3A_937 : vector<1x1x16xf32> to vector<16xf32>
        %parallel_loop3A_939 = arith.addf %parallel_loop3A_932, %parallel_loop3A_938 : vector<16xf32>
        %parallel_loop3A_940 = arith.constant 0.000000e+00 : f32
        %parallel_loop3A_941 = vector.broadcast %parallel_loop3A_940 : f32 to vector<16xf32>
        %parallel_loop3A_942 = arith.maximumf %parallel_loop3A_939, %parallel_loop3A_941 : vector<16xf32>
        %parallel_loop3A_943 = arith.constant 1 : i32
        %parallel_loop3A_944 = arith.index_cast %parallel_loop3A_943 : i32 to index
        %parallel_loop3A_945 = arith.index_cast %parallel_loop3A_788 : i32 to index
        %parallel_loop3A_946 = arith.constant 96 : index
        %parallel_loop3A_947 = tpu.vector_load %arg9[%parallel_loop3A_944, %parallel_loop3A_945, %parallel_loop3A_946] {strides = array<i32>} : memref<4x40x128xf32, #tpu.memory_space<vmem>>, vector<1x1x16xf32>,
        %parallel_loop3A_948 = vector.shape_cast %parallel_loop3A_947 : vector<1x1x16xf32> to vector<16xf32>
        %parallel_loop3A_949 = vector.shape_cast %parallel_loop3A_942 : vector<16xf32> to vector<1x1x16xf32>
        tpu.vector_store %arg9[%parallel_loop3A_944, %parallel_loop3A_945, %parallel_loop3A_946], %parallel_loop3A_949 {strides = array<i32>} : memref<4x40x128xf32, #tpu.memory_space<vmem>>, vector<1x1x16xf32>,
        %parallel_loop3A_950 = arith.constant 1 : i32
        %parallel_loop3A_951 = arith.index_cast %parallel_loop3A_950 : i32 to index
        %parallel_loop3A_952 = arith.index_cast %parallel_loop3A_788 : i32 to index
        %parallel_loop3A_953 = arith.constant 112 : index
        %parallel_loop3A_954 = tpu.vector_load %arg9[%parallel_loop3A_951, %parallel_loop3A_952, %parallel_loop3A_953] {strides = array<i32>} : memref<4x40x128xf32, #tpu.memory_space<vmem>>, vector<1x1x16xf32>,
        %parallel_loop3A_955 = vector.shape_cast %parallel_loop3A_954 : vector<1x1x16xf32> to vector<16xf32>
        %parallel_loop3A_956 = arith.constant 1 : i32
        %parallel_loop3A_957 = arith.index_cast %parallel_loop3A_956 : i32 to index
        %parallel_loop3A_958 = arith.index_cast %parallel_loop3A_788 : i32 to index
        %parallel_loop3A_959 = arith.constant 112 : index
        %parallel_loop3A_960 = tpu.vector_load %arg10[%parallel_loop3A_957, %parallel_loop3A_958, %parallel_loop3A_959] {strides = array<i32>} : memref<4x40x128xf32, #tpu.memory_space<vmem>>, vector<1x1x16xf32>,
        %parallel_loop3A_961 = vector.shape_cast %parallel_loop3A_960 : vector<1x1x16xf32> to vector<16xf32>
        %parallel_loop3A_962 = arith.addf %parallel_loop3A_955, %parallel_loop3A_961 : vector<16xf32>
        %parallel_loop3A_963 = arith.constant 0.000000e+00 : f32
        %parallel_loop3A_964 = vector.broadcast %parallel_loop3A_963 : f32 to vector<16xf32>
        %parallel_loop3A_965 = arith.maximumf %parallel_loop3A_962, %parallel_loop3A_964 : vector<16xf32>
        %parallel_loop3A_966 = arith.constant 1 : i32
        %parallel_loop3A_967 = arith.index_cast %parallel_loop3A_966 : i32 to index
        %parallel_loop3A_968 = arith.index_cast %parallel_loop3A_788 : i32 to index
        %parallel_loop3A_969 = arith.constant 112 : index
        %parallel_loop3A_970 = tpu.vector_load %arg9[%parallel_loop3A_967, %parallel_loop3A_968, %parallel_loop3A_969] {strides = array<i32>} : memref<4x40x128xf32, #tpu.memory_space<vmem>>, vector<1x1x16xf32>,
        %parallel_loop3A_971 = vector.shape_cast %parallel_loop3A_970 : vector<1x1x16xf32> to vector<16xf32>
        %parallel_loop3A_972 = vector.shape_cast %parallel_loop3A_965 : vector<16xf32> to vector<1x1x16xf32>
        tpu.vector_store %arg9[%parallel_loop3A_967, %parallel_loop3A_968, %parallel_loop3A_969], %parallel_loop3A_972 {strides = array<i32>} : memref<4x40x128xf32, #tpu.memory_space<vmem>>, vector<1x1x16xf32>,
      } {sc.loop_unroll_factor = 4 : i64, sc.parallel_access}
      %dma_start3A_559 = arith.constant 1 : i32
      %dma_start3A_560 = arith.constant 1 : i32
      %dma_start3A_561 = arith.constant 1 : i32
      %dma_start3A_562 = arith.constant 0 : i32
      %dma_start3A_563 = arith.constant 0 : i32
      %dma_start3A_564 = tpu.memref_slice %arg9[%dma_start3A_559, %dma_start3A_562, %dma_start3A_563] : memref<4x40x128xf32, #tpu.memory_space<vmem>> -> memref<1x40x128xf32, #tpu.memory_space<vmem>>
      %dma_start3A_565 = tpu.memref_squeeze %dma_start3A_564 : memref<1x40x128xf32, #tpu.memory_space<vmem>> -> memref<40x128xf32, #tpu.memory_space<vmem>>
      %dma_start3A_566 = arith.constant 0 : i32
      %dma_start3A_567 = tpu.memref_slice %arg8[%dma_start3A_560, %dma_start3A_566] : memref<4x40xi32, #tpu.memory_space<vmem>> -> memref<1x40xi32, #tpu.memory_space<vmem>>
      %dma_start3A_568 = tpu.memref_squeeze %dma_start3A_567 : memref<1x40xi32, #tpu.memory_space<vmem>> -> memref<40xi32, #tpu.memory_space<vmem>>
      %dma_start3A_569 = arith.constant 0 : i32
      %dma_start3A_570 = arith.constant 0 : i32
      %dma_start3A_571 = tpu.memref_slice %arg11[%dma_start3A_569, %dma_start3A_570] : memref<10000x128xf32, #tpu.memory_space<vmem_shared>> -> memref<10000x128xf32, #tpu.memory_space<vmem_shared>>
      %dma_start3A_572 = tpu.memref_slice %arg14[%dma_start3A_561] : memref<4x!tpu.dma_semaphore, #tpu.memory_space<semaphore_mem>> -> memref<1x!tpu.dma_semaphore, #tpu.memory_space<semaphore_mem>>
      %dma_start3A_573 = tpu.memref_squeeze %dma_start3A_572 : memref<1x!tpu.dma_semaphore, #tpu.memory_space<semaphore_mem>> -> memref<!tpu.dma_semaphore, #tpu.memory_space<semaphore_mem>>
      tpu.enqueue_indirect_dma source(%dma_start3A_565 : memref<40x128xf32, #tpu.memory_space<vmem>>) target(%dma_start3A_571 : memref<10000x128xf32, #tpu.memory_space<vmem_shared>>) offsets(%dma_start3A_568 : memref<40xi32, #tpu.memory_space<vmem>>) semaphore(%dma_start3A_573 : memref<!tpu.dma_semaphore, #tpu.memory_space<semaphore_mem>>) {add = true}
      %mul3A_574 = arith.constant 4 : i32
      %mul3A_575 = arith.muli %add3A_361, %mul3A_574 : i32
      %add3A_576 = arith.constant 2 : i32
      %add3A_577 = arith.addi %mul3A_575, %add3A_576 : i32
      %ge3A_578 = arith.constant 2 : i32
      %ge3A_579 = arith.cmpi sge, %add3A_577, %ge3A_578 : i32
      %convert_element_type3A_580 = arith.extui %ge3A_579 : i1 to i32
      %cond3A_581 = arith.constant 0 : i32
      %cond3A_582 = arith.cmpi ne, %convert_element_type3A_580, %cond3A_581 : i32
      scf.if %cond3A_582 {
        %dma_wait3A_788 = arith.constant 0 : i32
        %dma_wait3A_789 = arith.constant 0 : i32
        %dma_wait3A_790 = arith.constant 0 : i32
        %dma_wait3A_791 = arith.constant 0 : i32
        %dma_wait3A_792 = arith.constant 0 : i32
        %dma_wait3A_793 = tpu.memref_slice %arg9[%dma_wait3A_788, %dma_wait3A_791, %dma_wait3A_792] : memref<4x40x128xf32, #tpu.memory_space<vmem>> -> memref<1x40x128xf32, #tpu.memory_space<vmem>>
        %dma_wait3A_794 = tpu.memref_squeeze %dma_wait3A_793 : memref<1x40x128xf32, #tpu.memory_space<vmem>> -> memref<40x128xf32, #tpu.memory_space<vmem>>
        %dma_wait3A_795 = arith.constant 0 : i32
        %dma_wait3A_796 = tpu.memref_slice %arg8[%dma_wait3A_789, %dma_wait3A_795] : memref<4x40xi32, #tpu.memory_space<vmem>> -> memref<1x40xi32, #tpu.memory_space<vmem>>
        %dma_wait3A_797 = tpu.memref_squeeze %dma_wait3A_796 : memref<1x40xi32, #tpu.memory_space<vmem>> -> memref<40xi32, #tpu.memory_space<vmem>>
        %dma_wait3A_798 = arith.constant 0 : i32
        %dma_wait3A_799 = arith.constant 0 : i32
        %dma_wait3A_800 = tpu.memref_slice %arg11[%dma_wait3A_798, %dma_wait3A_799] : memref<10000x128xf32, #tpu.memory_space<vmem_shared>> -> memref<10000x128xf32, #tpu.memory_space<vmem_shared>>
        %dma_wait3A_801 = tpu.memref_slice %arg14[%dma_wait3A_790] : memref<4x!tpu.dma_semaphore, #tpu.memory_space<semaphore_mem>> -> memref<1x!tpu.dma_semaphore, #tpu.memory_space<semaphore_mem>>
        %dma_wait3A_802 = tpu.memref_squeeze %dma_wait3A_801 : memref<1x!tpu.dma_semaphore, #tpu.memory_space<semaphore_mem>> -> memref<!tpu.dma_semaphore, #tpu.memory_space<semaphore_mem>>
        tpu.wait_indirect_dma semaphore(%dma_wait3A_802 : memref<!tpu.dma_semaphore, #tpu.memory_space<semaphore_mem>>) src(%dma_wait3A_794 : memref<40x128xf32, #tpu.memory_space<vmem>>) dst(%dma_wait3A_800 : memref<10000x128xf32, #tpu.memory_space<vmem_shared>>)
      } else {
      }
      %le3A_583 = arith.constant 247 : i32
      %le3A_584 = arith.cmpi sle, %add3A_577, %le3A_583 : i32
      %convert_element_type3A_585 = arith.extui %le3A_584 : i1 to i32
      %cond3A_586 = arith.constant 0 : i32
      %cond3A_587 = arith.cmpi ne, %convert_element_type3A_585, %cond3A_586 : i32
      scf.if %cond3A_587 {
        %add3A_788 = arith.constant 2 : i32
        %add3A_789 = arith.addi %add3A_577, %add3A_788 : i32
        %mul3A_790 = arith.constant 40 : i32
        %mul3A_791 = arith.muli %add3A_789, %mul3A_790 : i32
        %add3A_792 = arith.addi %mul3A_2, %mul3A_791 : i32
        %dma_start3A_793 = arith.constant 0 : i32
        %dma_start3A_794 = arith.constant 0 : i32
        %dma_start3A_795 = arith.constant 0 : i32
        %dma_start3A_796 = tpu.memref_slice %arg7[%dma_start3A_793, %dma_start3A_795] : memref<4x40xi32, #tpu.memory_space<vmem>> -> memref<1x40xi32, #tpu.memory_space<vmem>>
        %dma_start3A_797 = tpu.memref_squeeze %dma_start3A_796 : memref<1x40xi32, #tpu.memory_space<vmem>> -> memref<40xi32, #tpu.memory_space<vmem>>
        %dma_start3A_798 = tpu.memref_slice %arg4[%add3A_792] : memref<320000xi32, #tpu.memory_space<hbm>> -> memref<40xi32, #tpu.memory_space<hbm>>
        %dma_start3A_799 = tpu.memref_slice %arg12[%dma_start3A_794] : memref<4x!tpu.dma_semaphore, #tpu.memory_space<semaphore_mem>> -> memref<1x!tpu.dma_semaphore, #tpu.memory_space<semaphore_mem>>
        %dma_start3A_800 = tpu.memref_squeeze %dma_start3A_799 : memref<1x!tpu.dma_semaphore, #tpu.memory_space<semaphore_mem>> -> memref<!tpu.dma_semaphore, #tpu.memory_space<semaphore_mem>>
        %dma_start3A_801 = arith.constant 0 : i32
        %dma_start3A_802 = tpu.memref_slice %arg7[%dma_start3A_793, %dma_start3A_801] : memref<4x40xi32, #tpu.memory_space<vmem>> -> memref<1x40xi32, #tpu.memory_space<vmem>>
        %dma_start3A_803 = tpu.memref_squeeze %dma_start3A_802 : memref<1x40xi32, #tpu.memory_space<vmem>> -> memref<40xi32, #tpu.memory_space<vmem>>
        %dma_start3A_804 = tpu.memref_slice %arg4[%add3A_792] : memref<320000xi32, #tpu.memory_space<hbm>> -> memref<40xi32, #tpu.memory_space<hbm>>
        tpu.enqueue_dma source(%dma_start3A_804 : memref<40xi32, #tpu.memory_space<hbm>>) target(%dma_start3A_803 : memref<40xi32, #tpu.memory_space<vmem>>) target_semaphore(%dma_start3A_800 : memref<!tpu.dma_semaphore, #tpu.memory_space<semaphore_mem>>)
        %dma_start3A_805 = arith.constant 0 : i32
        %dma_start3A_806 = arith.constant 0 : i32
        %dma_start3A_807 = arith.constant 0 : i32
        %dma_start3A_808 = tpu.memref_slice %arg8[%dma_start3A_805, %dma_start3A_807] : memref<4x40xi32, #tpu.memory_space<vmem>> -> memref<1x40xi32, #tpu.memory_space<vmem>>
        %dma_start3A_809 = tpu.memref_squeeze %dma_start3A_808 : memref<1x40xi32, #tpu.memory_space<vmem>> -> memref<40xi32, #tpu.memory_space<vmem>>
        %dma_start3A_810 = tpu.memref_slice %arg5[%add3A_792] : memref<320000xi32, #tpu.memory_space<hbm>> -> memref<40xi32, #tpu.memory_space<hbm>>
        %dma_start3A_811 = tpu.memref_slice %arg12[%dma_start3A_806] : memref<4x!tpu.dma_semaphore, #tpu.memory_space<semaphore_mem>> -> memref<1x!tpu.dma_semaphore, #tpu.memory_space<semaphore_mem>>
        %dma_start3A_812 = tpu.memref_squeeze %dma_start3A_811 : memref<1x!tpu.dma_semaphore, #tpu.memory_space<semaphore_mem>> -> memref<!tpu.dma_semaphore, #tpu.memory_space<semaphore_mem>>
        %dma_start3A_813 = arith.constant 0 : i32
        %dma_start3A_814 = tpu.memref_slice %arg8[%dma_start3A_805, %dma_start3A_813] : memref<4x40xi32, #tpu.memory_space<vmem>> -> memref<1x40xi32, #tpu.memory_space<vmem>>
        %dma_start3A_815 = tpu.memref_squeeze %dma_start3A_814 : memref<1x40xi32, #tpu.memory_space<vmem>> -> memref<40xi32, #tpu.memory_space<vmem>>
        %dma_start3A_816 = tpu.memref_slice %arg5[%add3A_792] : memref<320000xi32, #tpu.memory_space<hbm>> -> memref<40xi32, #tpu.memory_space<hbm>>
        tpu.enqueue_dma source(%dma_start3A_816 : memref<40xi32, #tpu.memory_space<hbm>>) target(%dma_start3A_815 : memref<40xi32, #tpu.memory_space<vmem>>) target_semaphore(%dma_start3A_812 : memref<!tpu.dma_semaphore, #tpu.memory_space<semaphore_mem>>)
        %dma_start3A_817 = arith.constant 0 : i32
        %dma_start3A_818 = arith.constant 0 : i32
        %dma_start3A_819 = arith.constant 0 : i32
        %dma_start3A_820 = arith.constant 0 : i32
        %dma_start3A_821 = tpu.memref_slice %arg10[%dma_start3A_817, %dma_start3A_819, %dma_start3A_820] : memref<4x40x128xf32, #tpu.memory_space<vmem>> -> memref<1x40x128xf32, #tpu.memory_space<vmem>>
        %dma_start3A_822 = tpu.memref_squeeze %dma_start3A_821 : memref<1x40x128xf32, #tpu.memory_space<vmem>> -> memref<40x128xf32, #tpu.memory_space<vmem>>
        %dma_start3A_823 = arith.constant 0 : i32
        %dma_start3A_824 = tpu.memref_slice %arg3[%add3A_792, %dma_start3A_823] : memref<320000x128xf32, #tpu.memory_space<hbm>> -> memref<40x128xf32, #tpu.memory_space<hbm>>
        %dma_start3A_825 = tpu.memref_slice %arg12[%dma_start3A_818] : memref<4x!tpu.dma_semaphore, #tpu.memory_space<semaphore_mem>> -> memref<1x!tpu.dma_semaphore, #tpu.memory_space<semaphore_mem>>
        %dma_start3A_826 = tpu.memref_squeeze %dma_start3A_825 : memref<1x!tpu.dma_semaphore, #tpu.memory_space<semaphore_mem>> -> memref<!tpu.dma_semaphore, #tpu.memory_space<semaphore_mem>>
        %dma_start3A_827 = arith.constant 0 : i32
        %dma_start3A_828 = arith.constant 0 : i32
        %dma_start3A_829 = tpu.memref_slice %arg10[%dma_start3A_817, %dma_start3A_827, %dma_start3A_828] : memref<4x40x128xf32, #tpu.memory_space<vmem>> -> memref<1x40x128xf32, #tpu.memory_space<vmem>>
        %dma_start3A_830 = tpu.memref_squeeze %dma_start3A_829 : memref<1x40x128xf32, #tpu.memory_space<vmem>> -> memref<40x128xf32, #tpu.memory_space<vmem>>
        %dma_start3A_831 = arith.constant 0 : i32
        %dma_start3A_832 = tpu.memref_slice %arg3[%add3A_792, %dma_start3A_831] : memref<320000x128xf32, #tpu.memory_space<hbm>> -> memref<40x128xf32, #tpu.memory_space<hbm>>
        tpu.enqueue_dma source(%dma_start3A_832 : memref<40x128xf32, #tpu.memory_space<hbm>>) target(%dma_start3A_830 : memref<40x128xf32, #tpu.memory_space<vmem>>) target_semaphore(%dma_start3A_826 : memref<!tpu.dma_semaphore, #tpu.memory_space<semaphore_mem>>)
      } else {
      }
      %add3A_588 = arith.constant 1 : i32
      %add3A_589 = arith.addi %add3A_577, %add3A_588 : i32
      %mul3A_590 = arith.constant 40 : i32
      %mul3A_591 = arith.muli %add3A_589, %mul3A_590 : i32
      %add3A_592 = arith.addi %mul3A_2, %mul3A_591 : i32
      %dma_wait3A_593 = arith.constant 3 : i32
      %dma_wait3A_594 = arith.constant 3 : i32
      %dma_wait3A_595 = arith.constant 0 : i32
      %dma_wait3A_596 = tpu.memref_slice %arg7[%dma_wait3A_593, %dma_wait3A_595] : memref<4x40xi32, #tpu.memory_space<vmem>> -> memref<1x40xi32, #tpu.memory_space<vmem>>
      %dma_wait3A_597 = tpu.memref_squeeze %dma_wait3A_596 : memref<1x40xi32, #tpu.memory_space<vmem>> -> memref<40xi32, #tpu.memory_space<vmem>>
      %dma_wait3A_598 = tpu.memref_slice %arg4[%add3A_592] : memref<320000xi32, #tpu.memory_space<hbm>> -> memref<40xi32, #tpu.memory_space<hbm>>
      %dma_wait3A_599 = tpu.memref_slice %arg12[%dma_wait3A_594] : memref<4x!tpu.dma_semaphore, #tpu.memory_space<semaphore_mem>> -> memref<1x!tpu.dma_semaphore, #tpu.memory_space<semaphore_mem>>
      %dma_wait3A_600 = tpu.memref_squeeze %dma_wait3A_599 : memref<1x!tpu.dma_semaphore, #tpu.memory_space<semaphore_mem>> -> memref<!tpu.dma_semaphore, #tpu.memory_space<semaphore_mem>>
      %dma_wait3A_601 = arith.constant 0 : i32
      %dma_wait3A_602 = tpu.memref_slice %arg7[%dma_wait3A_593, %dma_wait3A_601] : memref<4x40xi32, #tpu.memory_space<vmem>> -> memref<1x40xi32, #tpu.memory_space<vmem>>
      %dma_wait3A_603 = tpu.memref_squeeze %dma_wait3A_602 : memref<1x40xi32, #tpu.memory_space<vmem>> -> memref<40xi32, #tpu.memory_space<vmem>>
      %dma_wait3A_604 = tpu.memref_slice %arg4[%add3A_592] : memref<320000xi32, #tpu.memory_space<hbm>> -> memref<40xi32, #tpu.memory_space<hbm>>
      tpu.wait_dma2 semaphore(%dma_wait3A_600 : memref<!tpu.dma_semaphore, #tpu.memory_space<semaphore_mem>>) src(%dma_wait3A_604 : memref<40xi32, #tpu.memory_space<hbm>>) dst(%dma_wait3A_603 : memref<40xi32, #tpu.memory_space<vmem>>)
      %dma_wait3A_605 = arith.constant 3 : i32
      %dma_wait3A_606 = arith.constant 3 : i32
      %dma_wait3A_607 = arith.constant 0 : i32
      %dma_wait3A_608 = tpu.memref_slice %arg8[%dma_wait3A_605, %dma_wait3A_607] : memref<4x40xi32, #tpu.memory_space<vmem>> -> memref<1x40xi32, #tpu.memory_space<vmem>>
      %dma_wait3A_609 = tpu.memref_squeeze %dma_wait3A_608 : memref<1x40xi32, #tpu.memory_space<vmem>> -> memref<40xi32, #tpu.memory_space<vmem>>
      %dma_wait3A_610 = tpu.memref_slice %arg5[%add3A_592] : memref<320000xi32, #tpu.memory_space<hbm>> -> memref<40xi32, #tpu.memory_space<hbm>>
      %dma_wait3A_611 = tpu.memref_slice %arg12[%dma_wait3A_606] : memref<4x!tpu.dma_semaphore, #tpu.memory_space<semaphore_mem>> -> memref<1x!tpu.dma_semaphore, #tpu.memory_space<semaphore_mem>>
      %dma_wait3A_612 = tpu.memref_squeeze %dma_wait3A_611 : memref<1x!tpu.dma_semaphore, #tpu.memory_space<semaphore_mem>> -> memref<!tpu.dma_semaphore, #tpu.memory_space<semaphore_mem>>
      %dma_wait3A_613 = arith.constant 0 : i32
      %dma_wait3A_614 = tpu.memref_slice %arg8[%dma_wait3A_605, %dma_wait3A_613] : memref<4x40xi32, #tpu.memory_space<vmem>> -> memref<1x40xi32, #tpu.memory_space<vmem>>
      %dma_wait3A_615 = tpu.memref_squeeze %dma_wait3A_614 : memref<1x40xi32, #tpu.memory_space<vmem>> -> memref<40xi32, #tpu.memory_space<vmem>>
      %dma_wait3A_616 = tpu.memref_slice %arg5[%add3A_592] : memref<320000xi32, #tpu.memory_space<hbm>> -> memref<40xi32, #tpu.memory_space<hbm>>
      tpu.wait_dma2 semaphore(%dma_wait3A_612 : memref<!tpu.dma_semaphore, #tpu.memory_space<semaphore_mem>>) src(%dma_wait3A_616 : memref<40xi32, #tpu.memory_space<hbm>>) dst(%dma_wait3A_615 : memref<40xi32, #tpu.memory_space<vmem>>)
      %dma_wait3A_617 = arith.constant 3 : i32
      %dma_wait3A_618 = arith.constant 3 : i32
      %dma_wait3A_619 = arith.constant 0 : i32
      %dma_wait3A_620 = arith.constant 0 : i32
      %dma_wait3A_621 = tpu.memref_slice %arg10[%dma_wait3A_617, %dma_wait3A_619, %dma_wait3A_620] : memref<4x40x128xf32, #tpu.memory_space<vmem>> -> memref<1x40x128xf32, #tpu.memory_space<vmem>>
      %dma_wait3A_622 = tpu.memref_squeeze %dma_wait3A_621 : memref<1x40x128xf32, #tpu.memory_space<vmem>> -> memref<40x128xf32, #tpu.memory_space<vmem>>
      %dma_wait3A_623 = arith.constant 0 : i32
      %dma_wait3A_624 = tpu.memref_slice %arg3[%add3A_592, %dma_wait3A_623] : memref<320000x128xf32, #tpu.memory_space<hbm>> -> memref<40x128xf32, #tpu.memory_space<hbm>>
      %dma_wait3A_625 = tpu.memref_slice %arg12[%dma_wait3A_618] : memref<4x!tpu.dma_semaphore, #tpu.memory_space<semaphore_mem>> -> memref<1x!tpu.dma_semaphore, #tpu.memory_space<semaphore_mem>>
      %dma_wait3A_626 = tpu.memref_squeeze %dma_wait3A_625 : memref<1x!tpu.dma_semaphore, #tpu.memory_space<semaphore_mem>> -> memref<!tpu.dma_semaphore, #tpu.memory_space<semaphore_mem>>
      %dma_wait3A_627 = arith.constant 0 : i32
      %dma_wait3A_628 = arith.constant 0 : i32
      %dma_wait3A_629 = tpu.memref_slice %arg10[%dma_wait3A_617, %dma_wait3A_627, %dma_wait3A_628] : memref<4x40x128xf32, #tpu.memory_space<vmem>> -> memref<1x40x128xf32, #tpu.memory_space<vmem>>
      %dma_wait3A_630 = tpu.memref_squeeze %dma_wait3A_629 : memref<1x40x128xf32, #tpu.memory_space<vmem>> -> memref<40x128xf32, #tpu.memory_space<vmem>>
      %dma_wait3A_631 = arith.constant 0 : i32
      %dma_wait3A_632 = tpu.memref_slice %arg3[%add3A_592, %dma_wait3A_631] : memref<320000x128xf32, #tpu.memory_space<hbm>> -> memref<40x128xf32, #tpu.memory_space<hbm>>
      tpu.wait_dma2 semaphore(%dma_wait3A_626 : memref<!tpu.dma_semaphore, #tpu.memory_space<semaphore_mem>>) src(%dma_wait3A_632 : memref<40x128xf32, #tpu.memory_space<hbm>>) dst(%dma_wait3A_630 : memref<40x128xf32, #tpu.memory_space<vmem>>)
      %dma_start3A_633 = arith.constant 3 : i32
      %dma_start3A_634 = arith.constant 3 : i32
      %dma_start3A_635 = arith.constant 3 : i32
      %dma_start3A_636 = arith.constant 0 : i32
      %dma_start3A_637 = arith.constant 0 : i32
      %dma_start3A_638 = tpu.memref_slice %arg9[%dma_start3A_634, %dma_start3A_636, %dma_start3A_637] : memref<4x40x128xf32, #tpu.memory_space<vmem>> -> memref<1x40x128xf32, #tpu.memory_space<vmem>>
      %dma_start3A_639 = tpu.memref_squeeze %dma_start3A_638 : memref<1x40x128xf32, #tpu.memory_space<vmem>> -> memref<40x128xf32, #tpu.memory_space<vmem>>
      %dma_start3A_640 = arith.constant 0 : i32
      %dma_start3A_641 = tpu.memref_slice %arg7[%dma_start3A_633, %dma_start3A_640] : memref<4x40xi32, #tpu.memory_space<vmem>> -> memref<1x40xi32, #tpu.memory_space<vmem>>
      %dma_start3A_642 = tpu.memref_squeeze %dma_start3A_641 : memref<1x40xi32, #tpu.memory_space<vmem>> -> memref<40xi32, #tpu.memory_space<vmem>>
      %dma_start3A_643 = arith.constant 0 : i32
      %dma_start3A_644 = arith.constant 0 : i32
      %dma_start3A_645 = tpu.memref_slice %arg2[%dma_start3A_643, %dma_start3A_644] : memref<10000x128xf32, #tpu.memory_space<hbm>> -> memref<10000x128xf32, #tpu.memory_space<hbm>>
      %dma_start3A_646 = tpu.memref_slice %arg13[%dma_start3A_635] : memref<4x!tpu.dma_semaphore, #tpu.memory_space<semaphore_mem>> -> memref<1x!tpu.dma_semaphore, #tpu.memory_space<semaphore_mem>>
      %dma_start3A_647 = tpu.memref_squeeze %dma_start3A_646 : memref<1x!tpu.dma_semaphore, #tpu.memory_space<semaphore_mem>> -> memref<!tpu.dma_semaphore, #tpu.memory_space<semaphore_mem>>
      tpu.enqueue_indirect_dma source(%dma_start3A_645 : memref<10000x128xf32, #tpu.memory_space<hbm>>) target(%dma_start3A_639 : memref<40x128xf32, #tpu.memory_space<vmem>>) offsets(%dma_start3A_642 : memref<40xi32, #tpu.memory_space<vmem>>) semaphore(%dma_start3A_647 : memref<!tpu.dma_semaphore, #tpu.memory_space<semaphore_mem>>)
      %dma_wait3A_648 = arith.constant 2 : i32
      %dma_wait3A_649 = arith.constant 2 : i32
      %dma_wait3A_650 = arith.constant 2 : i32
      %dma_wait3A_651 = arith.constant 0 : i32
      %dma_wait3A_652 = arith.constant 0 : i32
      %dma_wait3A_653 = tpu.memref_slice %arg9[%dma_wait3A_649, %dma_wait3A_651, %dma_wait3A_652] : memref<4x40x128xf32, #tpu.memory_space<vmem>> -> memref<1x40x128xf32, #tpu.memory_space<vmem>>
      %dma_wait3A_654 = tpu.memref_squeeze %dma_wait3A_653 : memref<1x40x128xf32, #tpu.memory_space<vmem>> -> memref<40x128xf32, #tpu.memory_space<vmem>>
      %dma_wait3A_655 = arith.constant 0 : i32
      %dma_wait3A_656 = tpu.memref_slice %arg7[%dma_wait3A_648, %dma_wait3A_655] : memref<4x40xi32, #tpu.memory_space<vmem>> -> memref<1x40xi32, #tpu.memory_space<vmem>>
      %dma_wait3A_657 = tpu.memref_squeeze %dma_wait3A_656 : memref<1x40xi32, #tpu.memory_space<vmem>> -> memref<40xi32, #tpu.memory_space<vmem>>
      %dma_wait3A_658 = arith.constant 0 : i32
      %dma_wait3A_659 = arith.constant 0 : i32
      %dma_wait3A_660 = tpu.memref_slice %arg2[%dma_wait3A_658, %dma_wait3A_659] : memref<10000x128xf32, #tpu.memory_space<hbm>> -> memref<10000x128xf32, #tpu.memory_space<hbm>>
      %dma_wait3A_661 = tpu.memref_slice %arg13[%dma_wait3A_650] : memref<4x!tpu.dma_semaphore, #tpu.memory_space<semaphore_mem>> -> memref<1x!tpu.dma_semaphore, #tpu.memory_space<semaphore_mem>>
      %dma_wait3A_662 = tpu.memref_squeeze %dma_wait3A_661 : memref<1x!tpu.dma_semaphore, #tpu.memory_space<semaphore_mem>> -> memref<!tpu.dma_semaphore, #tpu.memory_space<semaphore_mem>>
      tpu.wait_indirect_dma semaphore(%dma_wait3A_662 : memref<!tpu.dma_semaphore, #tpu.memory_space<semaphore_mem>>) src(%dma_wait3A_660 : memref<10000x128xf32, #tpu.memory_space<hbm>>) dst(%dma_wait3A_654 : memref<40x128xf32, #tpu.memory_space<vmem>>)
      %parallel_loop3A_663 = arith.constant 0 : i32
      %parallel_loop3A_664 = arith.constant 40 : i32
      %parallel_loop3A_665 = arith.constant 1 : i32
      scf.for %parallel_loop3A_788 = %parallel_loop3A_663 to %parallel_loop3A_664 step %parallel_loop3A_665  : i32 {
        %parallel_loop3A_789 = arith.constant 2 : i32
        %parallel_loop3A_790 = arith.index_cast %parallel_loop3A_789 : i32 to index
        %parallel_loop3A_791 = arith.index_cast %parallel_loop3A_788 : i32 to index
        %parallel_loop3A_792 = arith.constant 0 : index
        %parallel_loop3A_793 = tpu.vector_load %arg9[%parallel_loop3A_790, %parallel_loop3A_791, %parallel_loop3A_792] {strides = array<i32>} : memref<4x40x128xf32, #tpu.memory_space<vmem>>, vector<1x1x16xf32>,
        %parallel_loop3A_794 = vector.shape_cast %parallel_loop3A_793 : vector<1x1x16xf32> to vector<16xf32>
        %parallel_loop3A_795 = arith.constant 2 : i32
        %parallel_loop3A_796 = arith.index_cast %parallel_loop3A_795 : i32 to index
        %parallel_loop3A_797 = arith.index_cast %parallel_loop3A_788 : i32 to index
        %parallel_loop3A_798 = arith.constant 0 : index
        %parallel_loop3A_799 = tpu.vector_load %arg10[%parallel_loop3A_796, %parallel_loop3A_797, %parallel_loop3A_798] {strides = array<i32>} : memref<4x40x128xf32, #tpu.memory_space<vmem>>, vector<1x1x16xf32>,
        %parallel_loop3A_800 = vector.shape_cast %parallel_loop3A_799 : vector<1x1x16xf32> to vector<16xf32>
        %parallel_loop3A_801 = arith.addf %parallel_loop3A_794, %parallel_loop3A_800 : vector<16xf32>
        %parallel_loop3A_802 = arith.constant 0.000000e+00 : f32
        %parallel_loop3A_803 = vector.broadcast %parallel_loop3A_802 : f32 to vector<16xf32>
        %parallel_loop3A_804 = arith.maximumf %parallel_loop3A_801, %parallel_loop3A_803 : vector<16xf32>
        %parallel_loop3A_805 = arith.constant 2 : i32
        %parallel_loop3A_806 = arith.index_cast %parallel_loop3A_805 : i32 to index
        %parallel_loop3A_807 = arith.index_cast %parallel_loop3A_788 : i32 to index
        %parallel_loop3A_808 = arith.constant 0 : index
        %parallel_loop3A_809 = tpu.vector_load %arg9[%parallel_loop3A_806, %parallel_loop3A_807, %parallel_loop3A_808] {strides = array<i32>} : memref<4x40x128xf32, #tpu.memory_space<vmem>>, vector<1x1x16xf32>,
        %parallel_loop3A_810 = vector.shape_cast %parallel_loop3A_809 : vector<1x1x16xf32> to vector<16xf32>
        %parallel_loop3A_811 = vector.shape_cast %parallel_loop3A_804 : vector<16xf32> to vector<1x1x16xf32>
        tpu.vector_store %arg9[%parallel_loop3A_806, %parallel_loop3A_807, %parallel_loop3A_808], %parallel_loop3A_811 {strides = array<i32>} : memref<4x40x128xf32, #tpu.memory_space<vmem>>, vector<1x1x16xf32>,
        %parallel_loop3A_812 = arith.constant 2 : i32
        %parallel_loop3A_813 = arith.index_cast %parallel_loop3A_812 : i32 to index
        %parallel_loop3A_814 = arith.index_cast %parallel_loop3A_788 : i32 to index
        %parallel_loop3A_815 = arith.constant 16 : index
        %parallel_loop3A_816 = tpu.vector_load %arg9[%parallel_loop3A_813, %parallel_loop3A_814, %parallel_loop3A_815] {strides = array<i32>} : memref<4x40x128xf32, #tpu.memory_space<vmem>>, vector<1x1x16xf32>,
        %parallel_loop3A_817 = vector.shape_cast %parallel_loop3A_816 : vector<1x1x16xf32> to vector<16xf32>
        %parallel_loop3A_818 = arith.constant 2 : i32
        %parallel_loop3A_819 = arith.index_cast %parallel_loop3A_818 : i32 to index
        %parallel_loop3A_820 = arith.index_cast %parallel_loop3A_788 : i32 to index
        %parallel_loop3A_821 = arith.constant 16 : index
        %parallel_loop3A_822 = tpu.vector_load %arg10[%parallel_loop3A_819, %parallel_loop3A_820, %parallel_loop3A_821] {strides = array<i32>} : memref<4x40x128xf32, #tpu.memory_space<vmem>>, vector<1x1x16xf32>,
        %parallel_loop3A_823 = vector.shape_cast %parallel_loop3A_822 : vector<1x1x16xf32> to vector<16xf32>
        %parallel_loop3A_824 = arith.addf %parallel_loop3A_817, %parallel_loop3A_823 : vector<16xf32>
        %parallel_loop3A_825 = arith.constant 0.000000e+00 : f32
        %parallel_loop3A_826 = vector.broadcast %parallel_loop3A_825 : f32 to vector<16xf32>
        %parallel_loop3A_827 = arith.maximumf %parallel_loop3A_824, %parallel_loop3A_826 : vector<16xf32>
        %parallel_loop3A_828 = arith.constant 2 : i32
        %parallel_loop3A_829 = arith.index_cast %parallel_loop3A_828 : i32 to index
        %parallel_loop3A_830 = arith.index_cast %parallel_loop3A_788 : i32 to index
        %parallel_loop3A_831 = arith.constant 16 : index
        %parallel_loop3A_832 = tpu.vector_load %arg9[%parallel_loop3A_829, %parallel_loop3A_830, %parallel_loop3A_831] {strides = array<i32>} : memref<4x40x128xf32, #tpu.memory_space<vmem>>, vector<1x1x16xf32>,
        %parallel_loop3A_833 = vector.shape_cast %parallel_loop3A_832 : vector<1x1x16xf32> to vector<16xf32>
        %parallel_loop3A_834 = vector.shape_cast %parallel_loop3A_827 : vector<16xf32> to vector<1x1x16xf32>
        tpu.vector_store %arg9[%parallel_loop3A_829, %parallel_loop3A_830, %parallel_loop3A_831], %parallel_loop3A_834 {strides = array<i32>} : memref<4x40x128xf32, #tpu.memory_space<vmem>>, vector<1x1x16xf32>,
        %parallel_loop3A_835 = arith.constant 2 : i32
        %parallel_loop3A_836 = arith.index_cast %parallel_loop3A_835 : i32 to index
        %parallel_loop3A_837 = arith.index_cast %parallel_loop3A_788 : i32 to index
        %parallel_loop3A_838 = arith.constant 32 : index
        %parallel_loop3A_839 = tpu.vector_load %arg9[%parallel_loop3A_836, %parallel_loop3A_837, %parallel_loop3A_838] {strides = array<i32>} : memref<4x40x128xf32, #tpu.memory_space<vmem>>, vector<1x1x16xf32>,
        %parallel_loop3A_840 = vector.shape_cast %parallel_loop3A_839 : vector<1x1x16xf32> to vector<16xf32>
        %parallel_loop3A_841 = arith.constant 2 : i32
        %parallel_loop3A_842 = arith.index_cast %parallel_loop3A_841 : i32 to index
        %parallel_loop3A_843 = arith.index_cast %parallel_loop3A_788 : i32 to index
        %parallel_loop3A_844 = arith.constant 32 : index
        %parallel_loop3A_845 = tpu.vector_load %arg10[%parallel_loop3A_842, %parallel_loop3A_843, %parallel_loop3A_844] {strides = array<i32>} : memref<4x40x128xf32, #tpu.memory_space<vmem>>, vector<1x1x16xf32>,
        %parallel_loop3A_846 = vector.shape_cast %parallel_loop3A_845 : vector<1x1x16xf32> to vector<16xf32>
        %parallel_loop3A_847 = arith.addf %parallel_loop3A_840, %parallel_loop3A_846 : vector<16xf32>
        %parallel_loop3A_848 = arith.constant 0.000000e+00 : f32
        %parallel_loop3A_849 = vector.broadcast %parallel_loop3A_848 : f32 to vector<16xf32>
        %parallel_loop3A_850 = arith.maximumf %parallel_loop3A_847, %parallel_loop3A_849 : vector<16xf32>
        %parallel_loop3A_851 = arith.constant 2 : i32
        %parallel_loop3A_852 = arith.index_cast %parallel_loop3A_851 : i32 to index
        %parallel_loop3A_853 = arith.index_cast %parallel_loop3A_788 : i32 to index
        %parallel_loop3A_854 = arith.constant 32 : index
        %parallel_loop3A_855 = tpu.vector_load %arg9[%parallel_loop3A_852, %parallel_loop3A_853, %parallel_loop3A_854] {strides = array<i32>} : memref<4x40x128xf32, #tpu.memory_space<vmem>>, vector<1x1x16xf32>,
        %parallel_loop3A_856 = vector.shape_cast %parallel_loop3A_855 : vector<1x1x16xf32> to vector<16xf32>
        %parallel_loop3A_857 = vector.shape_cast %parallel_loop3A_850 : vector<16xf32> to vector<1x1x16xf32>
        tpu.vector_store %arg9[%parallel_loop3A_852, %parallel_loop3A_853, %parallel_loop3A_854], %parallel_loop3A_857 {strides = array<i32>} : memref<4x40x128xf32, #tpu.memory_space<vmem>>, vector<1x1x16xf32>,
        %parallel_loop3A_858 = arith.constant 2 : i32
        %parallel_loop3A_859 = arith.index_cast %parallel_loop3A_858 : i32 to index
        %parallel_loop3A_860 = arith.index_cast %parallel_loop3A_788 : i32 to index
        %parallel_loop3A_861 = arith.constant 48 : index
        %parallel_loop3A_862 = tpu.vector_load %arg9[%parallel_loop3A_859, %parallel_loop3A_860, %parallel_loop3A_861] {strides = array<i32>} : memref<4x40x128xf32, #tpu.memory_space<vmem>>, vector<1x1x16xf32>,
        %parallel_loop3A_863 = vector.shape_cast %parallel_loop3A_862 : vector<1x1x16xf32> to vector<16xf32>
        %parallel_loop3A_864 = arith.constant 2 : i32
        %parallel_loop3A_865 = arith.index_cast %parallel_loop3A_864 : i32 to index
        %parallel_loop3A_866 = arith.index_cast %parallel_loop3A_788 : i32 to index
        %parallel_loop3A_867 = arith.constant 48 : index
        %parallel_loop3A_868 = tpu.vector_load %arg10[%parallel_loop3A_865, %parallel_loop3A_866, %parallel_loop3A_867] {strides = array<i32>} : memref<4x40x128xf32, #tpu.memory_space<vmem>>, vector<1x1x16xf32>,
        %parallel_loop3A_869 = vector.shape_cast %parallel_loop3A_868 : vector<1x1x16xf32> to vector<16xf32>
        %parallel_loop3A_870 = arith.addf %parallel_loop3A_863, %parallel_loop3A_869 : vector<16xf32>
        %parallel_loop3A_871 = arith.constant 0.000000e+00 : f32
        %parallel_loop3A_872 = vector.broadcast %parallel_loop3A_871 : f32 to vector<16xf32>
        %parallel_loop3A_873 = arith.maximumf %parallel_loop3A_870, %parallel_loop3A_872 : vector<16xf32>
        %parallel_loop3A_874 = arith.constant 2 : i32
        %parallel_loop3A_875 = arith.index_cast %parallel_loop3A_874 : i32 to index
        %parallel_loop3A_876 = arith.index_cast %parallel_loop3A_788 : i32 to index
        %parallel_loop3A_877 = arith.constant 48 : index
        %parallel_loop3A_878 = tpu.vector_load %arg9[%parallel_loop3A_875, %parallel_loop3A_876, %parallel_loop3A_877] {strides = array<i32>} : memref<4x40x128xf32, #tpu.memory_space<vmem>>, vector<1x1x16xf32>,
        %parallel_loop3A_879 = vector.shape_cast %parallel_loop3A_878 : vector<1x1x16xf32> to vector<16xf32>
        %parallel_loop3A_880 = vector.shape_cast %parallel_loop3A_873 : vector<16xf32> to vector<1x1x16xf32>
        tpu.vector_store %arg9[%parallel_loop3A_875, %parallel_loop3A_876, %parallel_loop3A_877], %parallel_loop3A_880 {strides = array<i32>} : memref<4x40x128xf32, #tpu.memory_space<vmem>>, vector<1x1x16xf32>,
        %parallel_loop3A_881 = arith.constant 2 : i32
        %parallel_loop3A_882 = arith.index_cast %parallel_loop3A_881 : i32 to index
        %parallel_loop3A_883 = arith.index_cast %parallel_loop3A_788 : i32 to index
        %parallel_loop3A_884 = arith.constant 64 : index
        %parallel_loop3A_885 = tpu.vector_load %arg9[%parallel_loop3A_882, %parallel_loop3A_883, %parallel_loop3A_884] {strides = array<i32>} : memref<4x40x128xf32, #tpu.memory_space<vmem>>, vector<1x1x16xf32>,
        %parallel_loop3A_886 = vector.shape_cast %parallel_loop3A_885 : vector<1x1x16xf32> to vector<16xf32>
        %parallel_loop3A_887 = arith.constant 2 : i32
        %parallel_loop3A_888 = arith.index_cast %parallel_loop3A_887 : i32 to index
        %parallel_loop3A_889 = arith.index_cast %parallel_loop3A_788 : i32 to index
        %parallel_loop3A_890 = arith.constant 64 : index
        %parallel_loop3A_891 = tpu.vector_load %arg10[%parallel_loop3A_888, %parallel_loop3A_889, %parallel_loop3A_890] {strides = array<i32>} : memref<4x40x128xf32, #tpu.memory_space<vmem>>, vector<1x1x16xf32>,
        %parallel_loop3A_892 = vector.shape_cast %parallel_loop3A_891 : vector<1x1x16xf32> to vector<16xf32>
        %parallel_loop3A_893 = arith.addf %parallel_loop3A_886, %parallel_loop3A_892 : vector<16xf32>
        %parallel_loop3A_894 = arith.constant 0.000000e+00 : f32
        %parallel_loop3A_895 = vector.broadcast %parallel_loop3A_894 : f32 to vector<16xf32>
        %parallel_loop3A_896 = arith.maximumf %parallel_loop3A_893, %parallel_loop3A_895 : vector<16xf32>
        %parallel_loop3A_897 = arith.constant 2 : i32
        %parallel_loop3A_898 = arith.index_cast %parallel_loop3A_897 : i32 to index
        %parallel_loop3A_899 = arith.index_cast %parallel_loop3A_788 : i32 to index
        %parallel_loop3A_900 = arith.constant 64 : index
        %parallel_loop3A_901 = tpu.vector_load %arg9[%parallel_loop3A_898, %parallel_loop3A_899, %parallel_loop3A_900] {strides = array<i32>} : memref<4x40x128xf32, #tpu.memory_space<vmem>>, vector<1x1x16xf32>,
        %parallel_loop3A_902 = vector.shape_cast %parallel_loop3A_901 : vector<1x1x16xf32> to vector<16xf32>
        %parallel_loop3A_903 = vector.shape_cast %parallel_loop3A_896 : vector<16xf32> to vector<1x1x16xf32>
        tpu.vector_store %arg9[%parallel_loop3A_898, %parallel_loop3A_899, %parallel_loop3A_900], %parallel_loop3A_903 {strides = array<i32>} : memref<4x40x128xf32, #tpu.memory_space<vmem>>, vector<1x1x16xf32>,
        %parallel_loop3A_904 = arith.constant 2 : i32
        %parallel_loop3A_905 = arith.index_cast %parallel_loop3A_904 : i32 to index
        %parallel_loop3A_906 = arith.index_cast %parallel_loop3A_788 : i32 to index
        %parallel_loop3A_907 = arith.constant 80 : index
        %parallel_loop3A_908 = tpu.vector_load %arg9[%parallel_loop3A_905, %parallel_loop3A_906, %parallel_loop3A_907] {strides = array<i32>} : memref<4x40x128xf32, #tpu.memory_space<vmem>>, vector<1x1x16xf32>,
        %parallel_loop3A_909 = vector.shape_cast %parallel_loop3A_908 : vector<1x1x16xf32> to vector<16xf32>
        %parallel_loop3A_910 = arith.constant 2 : i32
        %parallel_loop3A_911 = arith.index_cast %parallel_loop3A_910 : i32 to index
        %parallel_loop3A_912 = arith.index_cast %parallel_loop3A_788 : i32 to index
        %parallel_loop3A_913 = arith.constant 80 : index
        %parallel_loop3A_914 = tpu.vector_load %arg10[%parallel_loop3A_911, %parallel_loop3A_912, %parallel_loop3A_913] {strides = array<i32>} : memref<4x40x128xf32, #tpu.memory_space<vmem>>, vector<1x1x16xf32>,
        %parallel_loop3A_915 = vector.shape_cast %parallel_loop3A_914 : vector<1x1x16xf32> to vector<16xf32>
        %parallel_loop3A_916 = arith.addf %parallel_loop3A_909, %parallel_loop3A_915 : vector<16xf32>
        %parallel_loop3A_917 = arith.constant 0.000000e+00 : f32
        %parallel_loop3A_918 = vector.broadcast %parallel_loop3A_917 : f32 to vector<16xf32>
        %parallel_loop3A_919 = arith.maximumf %parallel_loop3A_916, %parallel_loop3A_918 : vector<16xf32>
        %parallel_loop3A_920 = arith.constant 2 : i32
        %parallel_loop3A_921 = arith.index_cast %parallel_loop3A_920 : i32 to index
        %parallel_loop3A_922 = arith.index_cast %parallel_loop3A_788 : i32 to index
        %parallel_loop3A_923 = arith.constant 80 : index
        %parallel_loop3A_924 = tpu.vector_load %arg9[%parallel_loop3A_921, %parallel_loop3A_922, %parallel_loop3A_923] {strides = array<i32>} : memref<4x40x128xf32, #tpu.memory_space<vmem>>, vector<1x1x16xf32>,
        %parallel_loop3A_925 = vector.shape_cast %parallel_loop3A_924 : vector<1x1x16xf32> to vector<16xf32>
        %parallel_loop3A_926 = vector.shape_cast %parallel_loop3A_919 : vector<16xf32> to vector<1x1x16xf32>
        tpu.vector_store %arg9[%parallel_loop3A_921, %parallel_loop3A_922, %parallel_loop3A_923], %parallel_loop3A_926 {strides = array<i32>} : memref<4x40x128xf32, #tpu.memory_space<vmem>>, vector<1x1x16xf32>,
        %parallel_loop3A_927 = arith.constant 2 : i32
        %parallel_loop3A_928 = arith.index_cast %parallel_loop3A_927 : i32 to index
        %parallel_loop3A_929 = arith.index_cast %parallel_loop3A_788 : i32 to index
        %parallel_loop3A_930 = arith.constant 96 : index
        %parallel_loop3A_931 = tpu.vector_load %arg9[%parallel_loop3A_928, %parallel_loop3A_929, %parallel_loop3A_930] {strides = array<i32>} : memref<4x40x128xf32, #tpu.memory_space<vmem>>, vector<1x1x16xf32>,
        %parallel_loop3A_932 = vector.shape_cast %parallel_loop3A_931 : vector<1x1x16xf32> to vector<16xf32>
        %parallel_loop3A_933 = arith.constant 2 : i32
        %parallel_loop3A_934 = arith.index_cast %parallel_loop3A_933 : i32 to index
        %parallel_loop3A_935 = arith.index_cast %parallel_loop3A_788 : i32 to index
        %parallel_loop3A_936 = arith.constant 96 : index
        %parallel_loop3A_937 = tpu.vector_load %arg10[%parallel_loop3A_934, %parallel_loop3A_935, %parallel_loop3A_936] {strides = array<i32>} : memref<4x40x128xf32, #tpu.memory_space<vmem>>, vector<1x1x16xf32>,
        %parallel_loop3A_938 = vector.shape_cast %parallel_loop3A_937 : vector<1x1x16xf32> to vector<16xf32>
        %parallel_loop3A_939 = arith.addf %parallel_loop3A_932, %parallel_loop3A_938 : vector<16xf32>
        %parallel_loop3A_940 = arith.constant 0.000000e+00 : f32
        %parallel_loop3A_941 = vector.broadcast %parallel_loop3A_940 : f32 to vector<16xf32>
        %parallel_loop3A_942 = arith.maximumf %parallel_loop3A_939, %parallel_loop3A_941 : vector<16xf32>
        %parallel_loop3A_943 = arith.constant 2 : i32
        %parallel_loop3A_944 = arith.index_cast %parallel_loop3A_943 : i32 to index
        %parallel_loop3A_945 = arith.index_cast %parallel_loop3A_788 : i32 to index
        %parallel_loop3A_946 = arith.constant 96 : index
        %parallel_loop3A_947 = tpu.vector_load %arg9[%parallel_loop3A_944, %parallel_loop3A_945, %parallel_loop3A_946] {strides = array<i32>} : memref<4x40x128xf32, #tpu.memory_space<vmem>>, vector<1x1x16xf32>,
        %parallel_loop3A_948 = vector.shape_cast %parallel_loop3A_947 : vector<1x1x16xf32> to vector<16xf32>
        %parallel_loop3A_949 = vector.shape_cast %parallel_loop3A_942 : vector<16xf32> to vector<1x1x16xf32>
        tpu.vector_store %arg9[%parallel_loop3A_944, %parallel_loop3A_945, %parallel_loop3A_946], %parallel_loop3A_949 {strides = array<i32>} : memref<4x40x128xf32, #tpu.memory_space<vmem>>, vector<1x1x16xf32>,
        %parallel_loop3A_950 = arith.constant 2 : i32
        %parallel_loop3A_951 = arith.index_cast %parallel_loop3A_950 : i32 to index
        %parallel_loop3A_952 = arith.index_cast %parallel_loop3A_788 : i32 to index
        %parallel_loop3A_953 = arith.constant 112 : index
        %parallel_loop3A_954 = tpu.vector_load %arg9[%parallel_loop3A_951, %parallel_loop3A_952, %parallel_loop3A_953] {strides = array<i32>} : memref<4x40x128xf32, #tpu.memory_space<vmem>>, vector<1x1x16xf32>,
        %parallel_loop3A_955 = vector.shape_cast %parallel_loop3A_954 : vector<1x1x16xf32> to vector<16xf32>
        %parallel_loop3A_956 = arith.constant 2 : i32
        %parallel_loop3A_957 = arith.index_cast %parallel_loop3A_956 : i32 to index
        %parallel_loop3A_958 = arith.index_cast %parallel_loop3A_788 : i32 to index
        %parallel_loop3A_959 = arith.constant 112 : index
        %parallel_loop3A_960 = tpu.vector_load %arg10[%parallel_loop3A_957, %parallel_loop3A_958, %parallel_loop3A_959] {strides = array<i32>} : memref<4x40x128xf32, #tpu.memory_space<vmem>>, vector<1x1x16xf32>,
        %parallel_loop3A_961 = vector.shape_cast %parallel_loop3A_960 : vector<1x1x16xf32> to vector<16xf32>
        %parallel_loop3A_962 = arith.addf %parallel_loop3A_955, %parallel_loop3A_961 : vector<16xf32>
        %parallel_loop3A_963 = arith.constant 0.000000e+00 : f32
        %parallel_loop3A_964 = vector.broadcast %parallel_loop3A_963 : f32 to vector<16xf32>
        %parallel_loop3A_965 = arith.maximumf %parallel_loop3A_962, %parallel_loop3A_964 : vector<16xf32>
        %parallel_loop3A_966 = arith.constant 2 : i32
        %parallel_loop3A_967 = arith.index_cast %parallel_loop3A_966 : i32 to index
        %parallel_loop3A_968 = arith.index_cast %parallel_loop3A_788 : i32 to index
        %parallel_loop3A_969 = arith.constant 112 : index
        %parallel_loop3A_970 = tpu.vector_load %arg9[%parallel_loop3A_967, %parallel_loop3A_968, %parallel_loop3A_969] {strides = array<i32>} : memref<4x40x128xf32, #tpu.memory_space<vmem>>, vector<1x1x16xf32>,
        %parallel_loop3A_971 = vector.shape_cast %parallel_loop3A_970 : vector<1x1x16xf32> to vector<16xf32>
        %parallel_loop3A_972 = vector.shape_cast %parallel_loop3A_965 : vector<16xf32> to vector<1x1x16xf32>
        tpu.vector_store %arg9[%parallel_loop3A_967, %parallel_loop3A_968, %parallel_loop3A_969], %parallel_loop3A_972 {strides = array<i32>} : memref<4x40x128xf32, #tpu.memory_space<vmem>>, vector<1x1x16xf32>,
      } {sc.loop_unroll_factor = 4 : i64, sc.parallel_access}
      %dma_start3A_666 = arith.constant 2 : i32
      %dma_start3A_667 = arith.constant 2 : i32
      %dma_start3A_668 = arith.constant 2 : i32
      %dma_start3A_669 = arith.constant 0 : i32
      %dma_start3A_670 = arith.constant 0 : i32
      %dma_start3A_671 = tpu.memref_slice %arg9[%dma_start3A_666, %dma_start3A_669, %dma_start3A_670] : memref<4x40x128xf32, #tpu.memory_space<vmem>> -> memref<1x40x128xf32, #tpu.memory_space<vmem>>
      %dma_start3A_672 = tpu.memref_squeeze %dma_start3A_671 : memref<1x40x128xf32, #tpu.memory_space<vmem>> -> memref<40x128xf32, #tpu.memory_space<vmem>>
      %dma_start3A_673 = arith.constant 0 : i32
      %dma_start3A_674 = tpu.memref_slice %arg8[%dma_start3A_667, %dma_start3A_673] : memref<4x40xi32, #tpu.memory_space<vmem>> -> memref<1x40xi32, #tpu.memory_space<vmem>>
      %dma_start3A_675 = tpu.memref_squeeze %dma_start3A_674 : memref<1x40xi32, #tpu.memory_space<vmem>> -> memref<40xi32, #tpu.memory_space<vmem>>
      %dma_start3A_676 = arith.constant 0 : i32
      %dma_start3A_677 = arith.constant 0 : i32
      %dma_start3A_678 = tpu.memref_slice %arg11[%dma_start3A_676, %dma_start3A_677] : memref<10000x128xf32, #tpu.memory_space<vmem_shared>> -> memref<10000x128xf32, #tpu.memory_space<vmem_shared>>
      %dma_start3A_679 = tpu.memref_slice %arg14[%dma_start3A_668] : memref<4x!tpu.dma_semaphore, #tpu.memory_space<semaphore_mem>> -> memref<1x!tpu.dma_semaphore, #tpu.memory_space<semaphore_mem>>
      %dma_start3A_680 = tpu.memref_squeeze %dma_start3A_679 : memref<1x!tpu.dma_semaphore, #tpu.memory_space<semaphore_mem>> -> memref<!tpu.dma_semaphore, #tpu.memory_space<semaphore_mem>>
      tpu.enqueue_indirect_dma source(%dma_start3A_672 : memref<40x128xf32, #tpu.memory_space<vmem>>) target(%dma_start3A_678 : memref<10000x128xf32, #tpu.memory_space<vmem_shared>>) offsets(%dma_start3A_675 : memref<40xi32, #tpu.memory_space<vmem>>) semaphore(%dma_start3A_680 : memref<!tpu.dma_semaphore, #tpu.memory_space<semaphore_mem>>) {add = true}
      %mul3A_681 = arith.constant 4 : i32
      %mul3A_682 = arith.muli %add3A_361, %mul3A_681 : i32
      %add3A_683 = arith.constant 3 : i32
      %add3A_684 = arith.addi %mul3A_682, %add3A_683 : i32
      %ge3A_685 = arith.constant 2 : i32
      %ge3A_686 = arith.cmpi sge, %add3A_684, %ge3A_685 : i32
      %convert_element_type3A_687 = arith.extui %ge3A_686 : i1 to i32
      %cond3A_688 = arith.constant 0 : i32
      %cond3A_689 = arith.cmpi ne, %convert_element_type3A_687, %cond3A_688 : i32
      scf.if %cond3A_689 {
        %dma_wait3A_788 = arith.constant 1 : i32
        %dma_wait3A_789 = arith.constant 1 : i32
        %dma_wait3A_790 = arith.constant 1 : i32
        %dma_wait3A_791 = arith.constant 0 : i32
        %dma_wait3A_792 = arith.constant 0 : i32
        %dma_wait3A_793 = tpu.memref_slice %arg9[%dma_wait3A_788, %dma_wait3A_791, %dma_wait3A_792] : memref<4x40x128xf32, #tpu.memory_space<vmem>> -> memref<1x40x128xf32, #tpu.memory_space<vmem>>
        %dma_wait3A_794 = tpu.memref_squeeze %dma_wait3A_793 : memref<1x40x128xf32, #tpu.memory_space<vmem>> -> memref<40x128xf32, #tpu.memory_space<vmem>>
        %dma_wait3A_795 = arith.constant 0 : i32
        %dma_wait3A_796 = tpu.memref_slice %arg8[%dma_wait3A_789, %dma_wait3A_795] : memref<4x40xi32, #tpu.memory_space<vmem>> -> memref<1x40xi32, #tpu.memory_space<vmem>>
        %dma_wait3A_797 = tpu.memref_squeeze %dma_wait3A_796 : memref<1x40xi32, #tpu.memory_space<vmem>> -> memref<40xi32, #tpu.memory_space<vmem>>
        %dma_wait3A_798 = arith.constant 0 : i32
        %dma_wait3A_799 = arith.constant 0 : i32
        %dma_wait3A_800 = tpu.memref_slice %arg11[%dma_wait3A_798, %dma_wait3A_799] : memref<10000x128xf32, #tpu.memory_space<vmem_shared>> -> memref<10000x128xf32, #tpu.memory_space<vmem_shared>>
        %dma_wait3A_801 = tpu.memref_slice %arg14[%dma_wait3A_790] : memref<4x!tpu.dma_semaphore, #tpu.memory_space<semaphore_mem>> -> memref<1x!tpu.dma_semaphore, #tpu.memory_space<semaphore_mem>>
        %dma_wait3A_802 = tpu.memref_squeeze %dma_wait3A_801 : memref<1x!tpu.dma_semaphore, #tpu.memory_space<semaphore_mem>> -> memref<!tpu.dma_semaphore, #tpu.memory_space<semaphore_mem>>
        tpu.wait_indirect_dma semaphore(%dma_wait3A_802 : memref<!tpu.dma_semaphore, #tpu.memory_space<semaphore_mem>>) src(%dma_wait3A_794 : memref<40x128xf32, #tpu.memory_space<vmem>>) dst(%dma_wait3A_800 : memref<10000x128xf32, #tpu.memory_space<vmem_shared>>)
      } else {
      }
      %le3A_690 = arith.constant 247 : i32
      %le3A_691 = arith.cmpi sle, %add3A_684, %le3A_690 : i32
      %convert_element_type3A_692 = arith.extui %le3A_691 : i1 to i32
      %cond3A_693 = arith.constant 0 : i32
      %cond3A_694 = arith.cmpi ne, %convert_element_type3A_692, %cond3A_693 : i32
      scf.if %cond3A_694 {
        %add3A_788 = arith.constant 2 : i32
        %add3A_789 = arith.addi %add3A_684, %add3A_788 : i32
        %mul3A_790 = arith.constant 40 : i32
        %mul3A_791 = arith.muli %add3A_789, %mul3A_790 : i32
        %add3A_792 = arith.addi %mul3A_2, %mul3A_791 : i32
        %dma_start3A_793 = arith.constant 1 : i32
        %dma_start3A_794 = arith.constant 1 : i32
        %dma_start3A_795 = arith.constant 0 : i32
        %dma_start3A_796 = tpu.memref_slice %arg7[%dma_start3A_793, %dma_start3A_795] : memref<4x40xi32, #tpu.memory_space<vmem>> -> memref<1x40xi32, #tpu.memory_space<vmem>>
        %dma_start3A_797 = tpu.memref_squeeze %dma_start3A_796 : memref<1x40xi32, #tpu.memory_space<vmem>> -> memref<40xi32, #tpu.memory_space<vmem>>
        %dma_start3A_798 = tpu.memref_slice %arg4[%add3A_792] : memref<320000xi32, #tpu.memory_space<hbm>> -> memref<40xi32, #tpu.memory_space<hbm>>
        %dma_start3A_799 = tpu.memref_slice %arg12[%dma_start3A_794] : memref<4x!tpu.dma_semaphore, #tpu.memory_space<semaphore_mem>> -> memref<1x!tpu.dma_semaphore, #tpu.memory_space<semaphore_mem>>
        %dma_start3A_800 = tpu.memref_squeeze %dma_start3A_799 : memref<1x!tpu.dma_semaphore, #tpu.memory_space<semaphore_mem>> -> memref<!tpu.dma_semaphore, #tpu.memory_space<semaphore_mem>>
        %dma_start3A_801 = arith.constant 0 : i32
        %dma_start3A_802 = tpu.memref_slice %arg7[%dma_start3A_793, %dma_start3A_801] : memref<4x40xi32, #tpu.memory_space<vmem>> -> memref<1x40xi32, #tpu.memory_space<vmem>>
        %dma_start3A_803 = tpu.memref_squeeze %dma_start3A_802 : memref<1x40xi32, #tpu.memory_space<vmem>> -> memref<40xi32, #tpu.memory_space<vmem>>
        %dma_start3A_804 = tpu.memref_slice %arg4[%add3A_792] : memref<320000xi32, #tpu.memory_space<hbm>> -> memref<40xi32, #tpu.memory_space<hbm>>
        tpu.enqueue_dma source(%dma_start3A_804 : memref<40xi32, #tpu.memory_space<hbm>>) target(%dma_start3A_803 : memref<40xi32, #tpu.memory_space<vmem>>) target_semaphore(%dma_start3A_800 : memref<!tpu.dma_semaphore, #tpu.memory_space<semaphore_mem>>)
        %dma_start3A_805 = arith.constant 1 : i32
        %dma_start3A_806 = arith.constant 1 : i32
        %dma_start3A_807 = arith.constant 0 : i32
        %dma_start3A_808 = tpu.memref_slice %arg8[%dma_start3A_805, %dma_start3A_807] : memref<4x40xi32, #tpu.memory_space<vmem>> -> memref<1x40xi32, #tpu.memory_space<vmem>>
        %dma_start3A_809 = tpu.memref_squeeze %dma_start3A_808 : memref<1x40xi32, #tpu.memory_space<vmem>> -> memref<40xi32, #tpu.memory_space<vmem>>
        %dma_start3A_810 = tpu.memref_slice %arg5[%add3A_792] : memref<320000xi32, #tpu.memory_space<hbm>> -> memref<40xi32, #tpu.memory_space<hbm>>
        %dma_start3A_811 = tpu.memref_slice %arg12[%dma_start3A_806] : memref<4x!tpu.dma_semaphore, #tpu.memory_space<semaphore_mem>> -> memref<1x!tpu.dma_semaphore, #tpu.memory_space<semaphore_mem>>
        %dma_start3A_812 = tpu.memref_squeeze %dma_start3A_811 : memref<1x!tpu.dma_semaphore, #tpu.memory_space<semaphore_mem>> -> memref<!tpu.dma_semaphore, #tpu.memory_space<semaphore_mem>>
        %dma_start3A_813 = arith.constant 0 : i32
        %dma_start3A_814 = tpu.memref_slice %arg8[%dma_start3A_805, %dma_start3A_813] : memref<4x40xi32, #tpu.memory_space<vmem>> -> memref<1x40xi32, #tpu.memory_space<vmem>>
        %dma_start3A_815 = tpu.memref_squeeze %dma_start3A_814 : memref<1x40xi32, #tpu.memory_space<vmem>> -> memref<40xi32, #tpu.memory_space<vmem>>
        %dma_start3A_816 = tpu.memref_slice %arg5[%add3A_792] : memref<320000xi32, #tpu.memory_space<hbm>> -> memref<40xi32, #tpu.memory_space<hbm>>
        tpu.enqueue_dma source(%dma_start3A_816 : memref<40xi32, #tpu.memory_space<hbm>>) target(%dma_start3A_815 : memref<40xi32, #tpu.memory_space<vmem>>) target_semaphore(%dma_start3A_812 : memref<!tpu.dma_semaphore, #tpu.memory_space<semaphore_mem>>)
        %dma_start3A_817 = arith.constant 1 : i32
        %dma_start3A_818 = arith.constant 1 : i32
        %dma_start3A_819 = arith.constant 0 : i32
        %dma_start3A_820 = arith.constant 0 : i32
        %dma_start3A_821 = tpu.memref_slice %arg10[%dma_start3A_817, %dma_start3A_819, %dma_start3A_820] : memref<4x40x128xf32, #tpu.memory_space<vmem>> -> memref<1x40x128xf32, #tpu.memory_space<vmem>>
        %dma_start3A_822 = tpu.memref_squeeze %dma_start3A_821 : memref<1x40x128xf32, #tpu.memory_space<vmem>> -> memref<40x128xf32, #tpu.memory_space<vmem>>
        %dma_start3A_823 = arith.constant 0 : i32
        %dma_start3A_824 = tpu.memref_slice %arg3[%add3A_792, %dma_start3A_823] : memref<320000x128xf32, #tpu.memory_space<hbm>> -> memref<40x128xf32, #tpu.memory_space<hbm>>
        %dma_start3A_825 = tpu.memref_slice %arg12[%dma_start3A_818] : memref<4x!tpu.dma_semaphore, #tpu.memory_space<semaphore_mem>> -> memref<1x!tpu.dma_semaphore, #tpu.memory_space<semaphore_mem>>
        %dma_start3A_826 = tpu.memref_squeeze %dma_start3A_825 : memref<1x!tpu.dma_semaphore, #tpu.memory_space<semaphore_mem>> -> memref<!tpu.dma_semaphore, #tpu.memory_space<semaphore_mem>>
        %dma_start3A_827 = arith.constant 0 : i32
        %dma_start3A_828 = arith.constant 0 : i32
        %dma_start3A_829 = tpu.memref_slice %arg10[%dma_start3A_817, %dma_start3A_827, %dma_start3A_828] : memref<4x40x128xf32, #tpu.memory_space<vmem>> -> memref<1x40x128xf32, #tpu.memory_space<vmem>>
        %dma_start3A_830 = tpu.memref_squeeze %dma_start3A_829 : memref<1x40x128xf32, #tpu.memory_space<vmem>> -> memref<40x128xf32, #tpu.memory_space<vmem>>
        %dma_start3A_831 = arith.constant 0 : i32
        %dma_start3A_832 = tpu.memref_slice %arg3[%add3A_792, %dma_start3A_831] : memref<320000x128xf32, #tpu.memory_space<hbm>> -> memref<40x128xf32, #tpu.memory_space<hbm>>
        tpu.enqueue_dma source(%dma_start3A_832 : memref<40x128xf32, #tpu.memory_space<hbm>>) target(%dma_start3A_830 : memref<40x128xf32, #tpu.memory_space<vmem>>) target_semaphore(%dma_start3A_826 : memref<!tpu.dma_semaphore, #tpu.memory_space<semaphore_mem>>)
      } else {
      }
      %add3A_695 = arith.constant 1 : i32
      %add3A_696 = arith.addi %add3A_684, %add3A_695 : i32
      %mul3A_697 = arith.constant 40 : i32
      %mul3A_698 = arith.muli %add3A_696, %mul3A_697 : i32
      %add3A_699 = arith.addi %mul3A_2, %mul3A_698 : i32
      %dma_wait3A_700 = arith.constant 0 : i32
      %dma_wait3A_701 = arith.constant 0 : i32
      %dma_wait3A_702 = arith.constant 0 : i32
      %dma_wait3A_703 = tpu.memref_slice %arg7[%dma_wait3A_700, %dma_wait3A_702] : memref<4x40xi32, #tpu.memory_space<vmem>> -> memref<1x40xi32, #tpu.memory_space<vmem>>
      %dma_wait3A_704 = tpu.memref_squeeze %dma_wait3A_703 : memref<1x40xi32, #tpu.memory_space<vmem>> -> memref<40xi32, #tpu.memory_space<vmem>>
      %dma_wait3A_705 = tpu.memref_slice %arg4[%add3A_699] : memref<320000xi32, #tpu.memory_space<hbm>> -> memref<40xi32, #tpu.memory_space<hbm>>
      %dma_wait3A_706 = tpu.memref_slice %arg12[%dma_wait3A_701] : memref<4x!tpu.dma_semaphore, #tpu.memory_space<semaphore_mem>> -> memref<1x!tpu.dma_semaphore, #tpu.memory_space<semaphore_mem>>
      %dma_wait3A_707 = tpu.memref_squeeze %dma_wait3A_706 : memref<1x!tpu.dma_semaphore, #tpu.memory_space<semaphore_mem>> -> memref<!tpu.dma_semaphore, #tpu.memory_space<semaphore_mem>>
      %dma_wait3A_708 = arith.constant 0 : i32
      %dma_wait3A_709 = tpu.memref_slice %arg7[%dma_wait3A_700, %dma_wait3A_708] : memref<4x40xi32, #tpu.memory_space<vmem>> -> memref<1x40xi32, #tpu.memory_space<vmem>>
      %dma_wait3A_710 = tpu.memref_squeeze %dma_wait3A_709 : memref<1x40xi32, #tpu.memory_space<vmem>> -> memref<40xi32, #tpu.memory_space<vmem>>
      %dma_wait3A_711 = tpu.memref_slice %arg4[%add3A_699] : memref<320000xi32, #tpu.memory_space<hbm>> -> memref<40xi32, #tpu.memory_space<hbm>>
      tpu.wait_dma2 semaphore(%dma_wait3A_707 : memref<!tpu.dma_semaphore, #tpu.memory_space<semaphore_mem>>) src(%dma_wait3A_711 : memref<40xi32, #tpu.memory_space<hbm>>) dst(%dma_wait3A_710 : memref<40xi32, #tpu.memory_space<vmem>>)
      %dma_wait3A_712 = arith.constant 0 : i32
      %dma_wait3A_713 = arith.constant 0 : i32
      %dma_wait3A_714 = arith.constant 0 : i32
      %dma_wait3A_715 = tpu.memref_slice %arg8[%dma_wait3A_712, %dma_wait3A_714] : memref<4x40xi32, #tpu.memory_space<vmem>> -> memref<1x40xi32, #tpu.memory_space<vmem>>
      %dma_wait3A_716 = tpu.memref_squeeze %dma_wait3A_715 : memref<1x40xi32, #tpu.memory_space<vmem>> -> memref<40xi32, #tpu.memory_space<vmem>>
      %dma_wait3A_717 = tpu.memref_slice %arg5[%add3A_699] : memref<320000xi32, #tpu.memory_space<hbm>> -> memref<40xi32, #tpu.memory_space<hbm>>
      %dma_wait3A_718 = tpu.memref_slice %arg12[%dma_wait3A_713] : memref<4x!tpu.dma_semaphore, #tpu.memory_space<semaphore_mem>> -> memref<1x!tpu.dma_semaphore, #tpu.memory_space<semaphore_mem>>
      %dma_wait3A_719 = tpu.memref_squeeze %dma_wait3A_718 : memref<1x!tpu.dma_semaphore, #tpu.memory_space<semaphore_mem>> -> memref<!tpu.dma_semaphore, #tpu.memory_space<semaphore_mem>>
      %dma_wait3A_720 = arith.constant 0 : i32
      %dma_wait3A_721 = tpu.memref_slice %arg8[%dma_wait3A_712, %dma_wait3A_720] : memref<4x40xi32, #tpu.memory_space<vmem>> -> memref<1x40xi32, #tpu.memory_space<vmem>>
      %dma_wait3A_722 = tpu.memref_squeeze %dma_wait3A_721 : memref<1x40xi32, #tpu.memory_space<vmem>> -> memref<40xi32, #tpu.memory_space<vmem>>
      %dma_wait3A_723 = tpu.memref_slice %arg5[%add3A_699] : memref<320000xi32, #tpu.memory_space<hbm>> -> memref<40xi32, #tpu.memory_space<hbm>>
      tpu.wait_dma2 semaphore(%dma_wait3A_719 : memref<!tpu.dma_semaphore, #tpu.memory_space<semaphore_mem>>) src(%dma_wait3A_723 : memref<40xi32, #tpu.memory_space<hbm>>) dst(%dma_wait3A_722 : memref<40xi32, #tpu.memory_space<vmem>>)
      %dma_wait3A_724 = arith.constant 0 : i32
      %dma_wait3A_725 = arith.constant 0 : i32
      %dma_wait3A_726 = arith.constant 0 : i32
      %dma_wait3A_727 = arith.constant 0 : i32
      %dma_wait3A_728 = tpu.memref_slice %arg10[%dma_wait3A_724, %dma_wait3A_726, %dma_wait3A_727] : memref<4x40x128xf32, #tpu.memory_space<vmem>> -> memref<1x40x128xf32, #tpu.memory_space<vmem>>
      %dma_wait3A_729 = tpu.memref_squeeze %dma_wait3A_728 : memref<1x40x128xf32, #tpu.memory_space<vmem>> -> memref<40x128xf32, #tpu.memory_space<vmem>>
      %dma_wait3A_730 = arith.constant 0 : i32
      %dma_wait3A_731 = tpu.memref_slice %arg3[%add3A_699, %dma_wait3A_730] : memref<320000x128xf32, #tpu.memory_space<hbm>> -> memref<40x128xf32, #tpu.memory_space<hbm>>
      %dma_wait3A_732 = tpu.memref_slice %arg12[%dma_wait3A_725] : memref<4x!tpu.dma_semaphore, #tpu.memory_space<semaphore_mem>> -> memref<1x!tpu.dma_semaphore, #tpu.memory_space<semaphore_mem>>
      %dma_wait3A_733 = tpu.memref_squeeze %dma_wait3A_732 : memref<1x!tpu.dma_semaphore, #tpu.memory_space<semaphore_mem>> -> memref<!tpu.dma_semaphore, #tpu.memory_space<semaphore_mem>>
      %dma_wait3A_734 = arith.constant 0 : i32
      %dma_wait3A_735 = arith.constant 0 : i32
      %dma_wait3A_736 = tpu.memref_slice %arg10[%dma_wait3A_724, %dma_wait3A_734, %dma_wait3A_735] : memref<4x40x128xf32, #tpu.memory_space<vmem>> -> memref<1x40x128xf32, #tpu.memory_space<vmem>>
      %dma_wait3A_737 = tpu.memref_squeeze %dma_wait3A_736 : memref<1x40x128xf32, #tpu.memory_space<vmem>> -> memref<40x128xf32, #tpu.memory_space<vmem>>
      %dma_wait3A_738 = arith.constant 0 : i32
      %dma_wait3A_739 = tpu.memref_slice %arg3[%add3A_699, %dma_wait3A_738] : memref<320000x128xf32, #tpu.memory_space<hbm>> -> memref<40x128xf32, #tpu.memory_space<hbm>>
      tpu.wait_dma2 semaphore(%dma_wait3A_733 : memref<!tpu.dma_semaphore, #tpu.memory_space<semaphore_mem>>) src(%dma_wait3A_739 : memref<40x128xf32, #tpu.memory_space<hbm>>) dst(%dma_wait3A_737 : memref<40x128xf32, #tpu.memory_space<vmem>>)
      %dma_start3A_740 = arith.constant 0 : i32
      %dma_start3A_741 = arith.constant 0 : i32
      %dma_start3A_742 = arith.constant 0 : i32
      %dma_start3A_743 = arith.constant 0 : i32
      %dma_start3A_744 = arith.constant 0 : i32
      %dma_start3A_745 = tpu.memref_slice %arg9[%dma_start3A_741, %dma_start3A_743, %dma_start3A_744] : memref<4x40x128xf32, #tpu.memory_space<vmem>> -> memref<1x40x128xf32, #tpu.memory_space<vmem>>
      %dma_start3A_746 = tpu.memref_squeeze %dma_start3A_745 : memref<1x40x128xf32, #tpu.memory_space<vmem>> -> memref<40x128xf32, #tpu.memory_space<vmem>>
      %dma_start3A_747 = arith.constant 0 : i32
      %dma_start3A_748 = tpu.memref_slice %arg7[%dma_start3A_740, %dma_start3A_747] : memref<4x40xi32, #tpu.memory_space<vmem>> -> memref<1x40xi32, #tpu.memory_space<vmem>>
      %dma_start3A_749 = tpu.memref_squeeze %dma_start3A_748 : memref<1x40xi32, #tpu.memory_space<vmem>> -> memref<40xi32, #tpu.memory_space<vmem>>
      %dma_start3A_750 = arith.constant 0 : i32
      %dma_start3A_751 = arith.constant 0 : i32
      %dma_start3A_752 = tpu.memref_slice %arg2[%dma_start3A_750, %dma_start3A_751] : memref<10000x128xf32, #tpu.memory_space<hbm>> -> memref<10000x128xf32, #tpu.memory_space<hbm>>
      %dma_start3A_753 = tpu.memref_slice %arg13[%dma_start3A_742] : memref<4x!tpu.dma_semaphore, #tpu.memory_space<semaphore_mem>> -> memref<1x!tpu.dma_semaphore, #tpu.memory_space<semaphore_mem>>
      %dma_start3A_754 = tpu.memref_squeeze %dma_start3A_753 : memref<1x!tpu.dma_semaphore, #tpu.memory_space<semaphore_mem>> -> memref<!tpu.dma_semaphore, #tpu.memory_space<semaphore_mem>>
      tpu.enqueue_indirect_dma source(%dma_start3A_752 : memref<10000x128xf32, #tpu.memory_space<hbm>>) target(%dma_start3A_746 : memref<40x128xf32, #tpu.memory_space<vmem>>) offsets(%dma_start3A_749 : memref<40xi32, #tpu.memory_space<vmem>>) semaphore(%dma_start3A_754 : memref<!tpu.dma_semaphore, #tpu.memory_space<semaphore_mem>>)
      %dma_wait3A_755 = arith.constant 3 : i32
      %dma_wait3A_756 = arith.constant 3 : i32
      %dma_wait3A_757 = arith.constant 3 : i32
      %dma_wait3A_758 = arith.constant 0 : i32
      %dma_wait3A_759 = arith.constant 0 : i32
      %dma_wait3A_760 = tpu.memref_slice %arg9[%dma_wait3A_756, %dma_wait3A_758, %dma_wait3A_759] : memref<4x40x128xf32, #tpu.memory_space<vmem>> -> memref<1x40x128xf32, #tpu.memory_space<vmem>>
      %dma_wait3A_761 = tpu.memref_squeeze %dma_wait3A_760 : memref<1x40x128xf32, #tpu.memory_space<vmem>> -> memref<40x128xf32, #tpu.memory_space<vmem>>
      %dma_wait3A_762 = arith.constant 0 : i32
      %dma_wait3A_763 = tpu.memref_slice %arg7[%dma_wait3A_755, %dma_wait3A_762] : memref<4x40xi32, #tpu.memory_space<vmem>> -> memref<1x40xi32, #tpu.memory_space<vmem>>
      %dma_wait3A_764 = tpu.memref_squeeze %dma_wait3A_763 : memref<1x40xi32, #tpu.memory_space<vmem>> -> memref<40xi32, #tpu.memory_space<vmem>>
      %dma_wait3A_765 = arith.constant 0 : i32
      %dma_wait3A_766 = arith.constant 0 : i32
      %dma_wait3A_767 = tpu.memref_slice %arg2[%dma_wait3A_765, %dma_wait3A_766] : memref<10000x128xf32, #tpu.memory_space<hbm>> -> memref<10000x128xf32, #tpu.memory_space<hbm>>
      %dma_wait3A_768 = tpu.memref_slice %arg13[%dma_wait3A_757] : memref<4x!tpu.dma_semaphore, #tpu.memory_space<semaphore_mem>> -> memref<1x!tpu.dma_semaphore, #tpu.memory_space<semaphore_mem>>
      %dma_wait3A_769 = tpu.memref_squeeze %dma_wait3A_768 : memref<1x!tpu.dma_semaphore, #tpu.memory_space<semaphore_mem>> -> memref<!tpu.dma_semaphore, #tpu.memory_space<semaphore_mem>>
      tpu.wait_indirect_dma semaphore(%dma_wait3A_769 : memref<!tpu.dma_semaphore, #tpu.memory_space<semaphore_mem>>) src(%dma_wait3A_767 : memref<10000x128xf32, #tpu.memory_space<hbm>>) dst(%dma_wait3A_761 : memref<40x128xf32, #tpu.memory_space<vmem>>)
      %parallel_loop3A_770 = arith.constant 0 : i32
      %parallel_loop3A_771 = arith.constant 40 : i32
      %parallel_loop3A_772 = arith.constant 1 : i32
      scf.for %parallel_loop3A_788 = %parallel_loop3A_770 to %parallel_loop3A_771 step %parallel_loop3A_772  : i32 {
        %parallel_loop3A_789 = arith.constant 3 : i32
        %parallel_loop3A_790 = arith.index_cast %parallel_loop3A_789 : i32 to index
        %parallel_loop3A_791 = arith.index_cast %parallel_loop3A_788 : i32 to index
        %parallel_loop3A_792 = arith.constant 0 : index
        %parallel_loop3A_793 = tpu.vector_load %arg9[%parallel_loop3A_790, %parallel_loop3A_791, %parallel_loop3A_792] {strides = array<i32>} : memref<4x40x128xf32, #tpu.memory_space<vmem>>, vector<1x1x16xf32>,
        %parallel_loop3A_794 = vector.shape_cast %parallel_loop3A_793 : vector<1x1x16xf32> to vector<16xf32>
        %parallel_loop3A_795 = arith.constant 3 : i32
        %parallel_loop3A_796 = arith.index_cast %parallel_loop3A_795 : i32 to index
        %parallel_loop3A_797 = arith.index_cast %parallel_loop3A_788 : i32 to index
        %parallel_loop3A_798 = arith.constant 0 : index
        %parallel_loop3A_799 = tpu.vector_load %arg10[%parallel_loop3A_796, %parallel_loop3A_797, %parallel_loop3A_798] {strides = array<i32>} : memref<4x40x128xf32, #tpu.memory_space<vmem>>, vector<1x1x16xf32>,
        %parallel_loop3A_800 = vector.shape_cast %parallel_loop3A_799 : vector<1x1x16xf32> to vector<16xf32>
        %parallel_loop3A_801 = arith.addf %parallel_loop3A_794, %parallel_loop3A_800 : vector<16xf32>
        %parallel_loop3A_802 = arith.constant 0.000000e+00 : f32
        %parallel_loop3A_803 = vector.broadcast %parallel_loop3A_802 : f32 to vector<16xf32>
        %parallel_loop3A_804 = arith.maximumf %parallel_loop3A_801, %parallel_loop3A_803 : vector<16xf32>
        %parallel_loop3A_805 = arith.constant 3 : i32
        %parallel_loop3A_806 = arith.index_cast %parallel_loop3A_805 : i32 to index
        %parallel_loop3A_807 = arith.index_cast %parallel_loop3A_788 : i32 to index
        %parallel_loop3A_808 = arith.constant 0 : index
        %parallel_loop3A_809 = tpu.vector_load %arg9[%parallel_loop3A_806, %parallel_loop3A_807, %parallel_loop3A_808] {strides = array<i32>} : memref<4x40x128xf32, #tpu.memory_space<vmem>>, vector<1x1x16xf32>,
        %parallel_loop3A_810 = vector.shape_cast %parallel_loop3A_809 : vector<1x1x16xf32> to vector<16xf32>
        %parallel_loop3A_811 = vector.shape_cast %parallel_loop3A_804 : vector<16xf32> to vector<1x1x16xf32>
        tpu.vector_store %arg9[%parallel_loop3A_806, %parallel_loop3A_807, %parallel_loop3A_808], %parallel_loop3A_811 {strides = array<i32>} : memref<4x40x128xf32, #tpu.memory_space<vmem>>, vector<1x1x16xf32>,
        %parallel_loop3A_812 = arith.constant 3 : i32
        %parallel_loop3A_813 = arith.index_cast %parallel_loop3A_812 : i32 to index
        %parallel_loop3A_814 = arith.index_cast %parallel_loop3A_788 : i32 to index
        %parallel_loop3A_815 = arith.constant 16 : index
        %parallel_loop3A_816 = tpu.vector_load %arg9[%parallel_loop3A_813, %parallel_loop3A_814, %parallel_loop3A_815] {strides = array<i32>} : memref<4x40x128xf32, #tpu.memory_space<vmem>>, vector<1x1x16xf32>,
        %parallel_loop3A_817 = vector.shape_cast %parallel_loop3A_816 : vector<1x1x16xf32> to vector<16xf32>
        %parallel_loop3A_818 = arith.constant 3 : i32
        %parallel_loop3A_819 = arith.index_cast %parallel_loop3A_818 : i32 to index
        %parallel_loop3A_820 = arith.index_cast %parallel_loop3A_788 : i32 to index
        %parallel_loop3A_821 = arith.constant 16 : index
        %parallel_loop3A_822 = tpu.vector_load %arg10[%parallel_loop3A_819, %parallel_loop3A_820, %parallel_loop3A_821] {strides = array<i32>} : memref<4x40x128xf32, #tpu.memory_space<vmem>>, vector<1x1x16xf32>,
        %parallel_loop3A_823 = vector.shape_cast %parallel_loop3A_822 : vector<1x1x16xf32> to vector<16xf32>
        %parallel_loop3A_824 = arith.addf %parallel_loop3A_817, %parallel_loop3A_823 : vector<16xf32>
        %parallel_loop3A_825 = arith.constant 0.000000e+00 : f32
        %parallel_loop3A_826 = vector.broadcast %parallel_loop3A_825 : f32 to vector<16xf32>
        %parallel_loop3A_827 = arith.maximumf %parallel_loop3A_824, %parallel_loop3A_826 : vector<16xf32>
        %parallel_loop3A_828 = arith.constant 3 : i32
        %parallel_loop3A_829 = arith.index_cast %parallel_loop3A_828 : i32 to index
        %parallel_loop3A_830 = arith.index_cast %parallel_loop3A_788 : i32 to index
        %parallel_loop3A_831 = arith.constant 16 : index
        %parallel_loop3A_832 = tpu.vector_load %arg9[%parallel_loop3A_829, %parallel_loop3A_830, %parallel_loop3A_831] {strides = array<i32>} : memref<4x40x128xf32, #tpu.memory_space<vmem>>, vector<1x1x16xf32>,
        %parallel_loop3A_833 = vector.shape_cast %parallel_loop3A_832 : vector<1x1x16xf32> to vector<16xf32>
        %parallel_loop3A_834 = vector.shape_cast %parallel_loop3A_827 : vector<16xf32> to vector<1x1x16xf32>
        tpu.vector_store %arg9[%parallel_loop3A_829, %parallel_loop3A_830, %parallel_loop3A_831], %parallel_loop3A_834 {strides = array<i32>} : memref<4x40x128xf32, #tpu.memory_space<vmem>>, vector<1x1x16xf32>,
        %parallel_loop3A_835 = arith.constant 3 : i32
        %parallel_loop3A_836 = arith.index_cast %parallel_loop3A_835 : i32 to index
        %parallel_loop3A_837 = arith.index_cast %parallel_loop3A_788 : i32 to index
        %parallel_loop3A_838 = arith.constant 32 : index
        %parallel_loop3A_839 = tpu.vector_load %arg9[%parallel_loop3A_836, %parallel_loop3A_837, %parallel_loop3A_838] {strides = array<i32>} : memref<4x40x128xf32, #tpu.memory_space<vmem>>, vector<1x1x16xf32>,
        %parallel_loop3A_840 = vector.shape_cast %parallel_loop3A_839 : vector<1x1x16xf32> to vector<16xf32>
        %parallel_loop3A_841 = arith.constant 3 : i32
        %parallel_loop3A_842 = arith.index_cast %parallel_loop3A_841 : i32 to index
        %parallel_loop3A_843 = arith.index_cast %parallel_loop3A_788 : i32 to index
        %parallel_loop3A_844 = arith.constant 32 : index
        %parallel_loop3A_845 = tpu.vector_load %arg10[%parallel_loop3A_842, %parallel_loop3A_843, %parallel_loop3A_844] {strides = array<i32>} : memref<4x40x128xf32, #tpu.memory_space<vmem>>, vector<1x1x16xf32>,
        %parallel_loop3A_846 = vector.shape_cast %parallel_loop3A_845 : vector<1x1x16xf32> to vector<16xf32>
        %parallel_loop3A_847 = arith.addf %parallel_loop3A_840, %parallel_loop3A_846 : vector<16xf32>
        %parallel_loop3A_848 = arith.constant 0.000000e+00 : f32
        %parallel_loop3A_849 = vector.broadcast %parallel_loop3A_848 : f32 to vector<16xf32>
        %parallel_loop3A_850 = arith.maximumf %parallel_loop3A_847, %parallel_loop3A_849 : vector<16xf32>
        %parallel_loop3A_851 = arith.constant 3 : i32
        %parallel_loop3A_852 = arith.index_cast %parallel_loop3A_851 : i32 to index
        %parallel_loop3A_853 = arith.index_cast %parallel_loop3A_788 : i32 to index
        %parallel_loop3A_854 = arith.constant 32 : index
        %parallel_loop3A_855 = tpu.vector_load %arg9[%parallel_loop3A_852, %parallel_loop3A_853, %parallel_loop3A_854] {strides = array<i32>} : memref<4x40x128xf32, #tpu.memory_space<vmem>>, vector<1x1x16xf32>,
        %parallel_loop3A_856 = vector.shape_cast %parallel_loop3A_855 : vector<1x1x16xf32> to vector<16xf32>
        %parallel_loop3A_857 = vector.shape_cast %parallel_loop3A_850 : vector<16xf32> to vector<1x1x16xf32>
        tpu.vector_store %arg9[%parallel_loop3A_852, %parallel_loop3A_853, %parallel_loop3A_854], %parallel_loop3A_857 {strides = array<i32>} : memref<4x40x128xf32, #tpu.memory_space<vmem>>, vector<1x1x16xf32>,
        %parallel_loop3A_858 = arith.constant 3 : i32
        %parallel_loop3A_859 = arith.index_cast %parallel_loop3A_858 : i32 to index
        %parallel_loop3A_860 = arith.index_cast %parallel_loop3A_788 : i32 to index
        %parallel_loop3A_861 = arith.constant 48 : index
        %parallel_loop3A_862 = tpu.vector_load %arg9[%parallel_loop3A_859, %parallel_loop3A_860, %parallel_loop3A_861] {strides = array<i32>} : memref<4x40x128xf32, #tpu.memory_space<vmem>>, vector<1x1x16xf32>,
        %parallel_loop3A_863 = vector.shape_cast %parallel_loop3A_862 : vector<1x1x16xf32> to vector<16xf32>
        %parallel_loop3A_864 = arith.constant 3 : i32
        %parallel_loop3A_865 = arith.index_cast %parallel_loop3A_864 : i32 to index
        %parallel_loop3A_866 = arith.index_cast %parallel_loop3A_788 : i32 to index
        %parallel_loop3A_867 = arith.constant 48 : index
        %parallel_loop3A_868 = tpu.vector_load %arg10[%parallel_loop3A_865, %parallel_loop3A_866, %parallel_loop3A_867] {strides = array<i32>} : memref<4x40x128xf32, #tpu.memory_space<vmem>>, vector<1x1x16xf32>,
        %parallel_loop3A_869 = vector.shape_cast %parallel_loop3A_868 : vector<1x1x16xf32> to vector<16xf32>
        %parallel_loop3A_870 = arith.addf %parallel_loop3A_863, %parallel_loop3A_869 : vector<16xf32>
        %parallel_loop3A_871 = arith.constant 0.000000e+00 : f32
        %parallel_loop3A_872 = vector.broadcast %parallel_loop3A_871 : f32 to vector<16xf32>
        %parallel_loop3A_873 = arith.maximumf %parallel_loop3A_870, %parallel_loop3A_872 : vector<16xf32>
        %parallel_loop3A_874 = arith.constant 3 : i32
        %parallel_loop3A_875 = arith.index_cast %parallel_loop3A_874 : i32 to index
        %parallel_loop3A_876 = arith.index_cast %parallel_loop3A_788 : i32 to index
        %parallel_loop3A_877 = arith.constant 48 : index
        %parallel_loop3A_878 = tpu.vector_load %arg9[%parallel_loop3A_875, %parallel_loop3A_876, %parallel_loop3A_877] {strides = array<i32>} : memref<4x40x128xf32, #tpu.memory_space<vmem>>, vector<1x1x16xf32>,
        %parallel_loop3A_879 = vector.shape_cast %parallel_loop3A_878 : vector<1x1x16xf32> to vector<16xf32>
        %parallel_loop3A_880 = vector.shape_cast %parallel_loop3A_873 : vector<16xf32> to vector<1x1x16xf32>
        tpu.vector_store %arg9[%parallel_loop3A_875, %parallel_loop3A_876, %parallel_loop3A_877], %parallel_loop3A_880 {strides = array<i32>} : memref<4x40x128xf32, #tpu.memory_space<vmem>>, vector<1x1x16xf32>,
        %parallel_loop3A_881 = arith.constant 3 : i32
        %parallel_loop3A_882 = arith.index_cast %parallel_loop3A_881 : i32 to index
        %parallel_loop3A_883 = arith.index_cast %parallel_loop3A_788 : i32 to index
        %parallel_loop3A_884 = arith.constant 64 : index
        %parallel_loop3A_885 = tpu.vector_load %arg9[%parallel_loop3A_882, %parallel_loop3A_883, %parallel_loop3A_884] {strides = array<i32>} : memref<4x40x128xf32, #tpu.memory_space<vmem>>, vector<1x1x16xf32>,
        %parallel_loop3A_886 = vector.shape_cast %parallel_loop3A_885 : vector<1x1x16xf32> to vector<16xf32>
        %parallel_loop3A_887 = arith.constant 3 : i32
        %parallel_loop3A_888 = arith.index_cast %parallel_loop3A_887 : i32 to index
        %parallel_loop3A_889 = arith.index_cast %parallel_loop3A_788 : i32 to index
        %parallel_loop3A_890 = arith.constant 64 : index
        %parallel_loop3A_891 = tpu.vector_load %arg10[%parallel_loop3A_888, %parallel_loop3A_889, %parallel_loop3A_890] {strides = array<i32>} : memref<4x40x128xf32, #tpu.memory_space<vmem>>, vector<1x1x16xf32>,
        %parallel_loop3A_892 = vector.shape_cast %parallel_loop3A_891 : vector<1x1x16xf32> to vector<16xf32>
        %parallel_loop3A_893 = arith.addf %parallel_loop3A_886, %parallel_loop3A_892 : vector<16xf32>
        %parallel_loop3A_894 = arith.constant 0.000000e+00 : f32
        %parallel_loop3A_895 = vector.broadcast %parallel_loop3A_894 : f32 to vector<16xf32>
        %parallel_loop3A_896 = arith.maximumf %parallel_loop3A_893, %parallel_loop3A_895 : vector<16xf32>
        %parallel_loop3A_897 = arith.constant 3 : i32
        %parallel_loop3A_898 = arith.index_cast %parallel_loop3A_897 : i32 to index
        %parallel_loop3A_899 = arith.index_cast %parallel_loop3A_788 : i32 to index
        %parallel_loop3A_900 = arith.constant 64 : index
        %parallel_loop3A_901 = tpu.vector_load %arg9[%parallel_loop3A_898, %parallel_loop3A_899, %parallel_loop3A_900] {strides = array<i32>} : memref<4x40x128xf32, #tpu.memory_space<vmem>>, vector<1x1x16xf32>,
        %parallel_loop3A_902 = vector.shape_cast %parallel_loop3A_901 : vector<1x1x16xf32> to vector<16xf32>
        %parallel_loop3A_903 = vector.shape_cast %parallel_loop3A_896 : vector<16xf32> to vector<1x1x16xf32>
        tpu.vector_store %arg9[%parallel_loop3A_898, %parallel_loop3A_899, %parallel_loop3A_900], %parallel_loop3A_903 {strides = array<i32>} : memref<4x40x128xf32, #tpu.memory_space<vmem>>, vector<1x1x16xf32>,
        %parallel_loop3A_904 = arith.constant 3 : i32
        %parallel_loop3A_905 = arith.index_cast %parallel_loop3A_904 : i32 to index
        %parallel_loop3A_906 = arith.index_cast %parallel_loop3A_788 : i32 to index
        %parallel_loop3A_907 = arith.constant 80 : index
        %parallel_loop3A_908 = tpu.vector_load %arg9[%parallel_loop3A_905, %parallel_loop3A_906, %parallel_loop3A_907] {strides = array<i32>} : memref<4x40x128xf32, #tpu.memory_space<vmem>>, vector<1x1x16xf32>,
        %parallel_loop3A_909 = vector.shape_cast %parallel_loop3A_908 : vector<1x1x16xf32> to vector<16xf32>
        %parallel_loop3A_910 = arith.constant 3 : i32
        %parallel_loop3A_911 = arith.index_cast %parallel_loop3A_910 : i32 to index
        %parallel_loop3A_912 = arith.index_cast %parallel_loop3A_788 : i32 to index
        %parallel_loop3A_913 = arith.constant 80 : index
        %parallel_loop3A_914 = tpu.vector_load %arg10[%parallel_loop3A_911, %parallel_loop3A_912, %parallel_loop3A_913] {strides = array<i32>} : memref<4x40x128xf32, #tpu.memory_space<vmem>>, vector<1x1x16xf32>,
        %parallel_loop3A_915 = vector.shape_cast %parallel_loop3A_914 : vector<1x1x16xf32> to vector<16xf32>
        %parallel_loop3A_916 = arith.addf %parallel_loop3A_909, %parallel_loop3A_915 : vector<16xf32>
        %parallel_loop3A_917 = arith.constant 0.000000e+00 : f32
        %parallel_loop3A_918 = vector.broadcast %parallel_loop3A_917 : f32 to vector<16xf32>
        %parallel_loop3A_919 = arith.maximumf %parallel_loop3A_916, %parallel_loop3A_918 : vector<16xf32>
        %parallel_loop3A_920 = arith.constant 3 : i32
        %parallel_loop3A_921 = arith.index_cast %parallel_loop3A_920 : i32 to index
        %parallel_loop3A_922 = arith.index_cast %parallel_loop3A_788 : i32 to index
        %parallel_loop3A_923 = arith.constant 80 : index
        %parallel_loop3A_924 = tpu.vector_load %arg9[%parallel_loop3A_921, %parallel_loop3A_922, %parallel_loop3A_923] {strides = array<i32>} : memref<4x40x128xf32, #tpu.memory_space<vmem>>, vector<1x1x16xf32>,
        %parallel_loop3A_925 = vector.shape_cast %parallel_loop3A_924 : vector<1x1x16xf32> to vector<16xf32>
        %parallel_loop3A_926 = vector.shape_cast %parallel_loop3A_919 : vector<16xf32> to vector<1x1x16xf32>
        tpu.vector_store %arg9[%parallel_loop3A_921, %parallel_loop3A_922, %parallel_loop3A_923], %parallel_loop3A_926 {strides = array<i32>} : memref<4x40x128xf32, #tpu.memory_space<vmem>>, vector<1x1x16xf32>,
        %parallel_loop3A_927 = arith.constant 3 : i32
        %parallel_loop3A_928 = arith.index_cast %parallel_loop3A_927 : i32 to index
        %parallel_loop3A_929 = arith.index_cast %parallel_loop3A_788 : i32 to index
        %parallel_loop3A_930 = arith.constant 96 : index
        %parallel_loop3A_931 = tpu.vector_load %arg9[%parallel_loop3A_928, %parallel_loop3A_929, %parallel_loop3A_930] {strides = array<i32>} : memref<4x40x128xf32, #tpu.memory_space<vmem>>, vector<1x1x16xf32>,
        %parallel_loop3A_932 = vector.shape_cast %parallel_loop3A_931 : vector<1x1x16xf32> to vector<16xf32>
        %parallel_loop3A_933 = arith.constant 3 : i32
        %parallel_loop3A_934 = arith.index_cast %parallel_loop3A_933 : i32 to index
        %parallel_loop3A_935 = arith.index_cast %parallel_loop3A_788 : i32 to index
        %parallel_loop3A_936 = arith.constant 96 : index
        %parallel_loop3A_937 = tpu.vector_load %arg10[%parallel_loop3A_934, %parallel_loop3A_935, %parallel_loop3A_936] {strides = array<i32>} : memref<4x40x128xf32, #tpu.memory_space<vmem>>, vector<1x1x16xf32>,
        %parallel_loop3A_938 = vector.shape_cast %parallel_loop3A_937 : vector<1x1x16xf32> to vector<16xf32>
        %parallel_loop3A_939 = arith.addf %parallel_loop3A_932, %parallel_loop3A_938 : vector<16xf32>
        %parallel_loop3A_940 = arith.constant 0.000000e+00 : f32
        %parallel_loop3A_941 = vector.broadcast %parallel_loop3A_940 : f32 to vector<16xf32>
        %parallel_loop3A_942 = arith.maximumf %parallel_loop3A_939, %parallel_loop3A_941 : vector<16xf32>
        %parallel_loop3A_943 = arith.constant 3 : i32
        %parallel_loop3A_944 = arith.index_cast %parallel_loop3A_943 : i32 to index
        %parallel_loop3A_945 = arith.index_cast %parallel_loop3A_788 : i32 to index
        %parallel_loop3A_946 = arith.constant 96 : index
        %parallel_loop3A_947 = tpu.vector_load %arg9[%parallel_loop3A_944, %parallel_loop3A_945, %parallel_loop3A_946] {strides = array<i32>} : memref<4x40x128xf32, #tpu.memory_space<vmem>>, vector<1x1x16xf32>,
        %parallel_loop3A_948 = vector.shape_cast %parallel_loop3A_947 : vector<1x1x16xf32> to vector<16xf32>
        %parallel_loop3A_949 = vector.shape_cast %parallel_loop3A_942 : vector<16xf32> to vector<1x1x16xf32>
        tpu.vector_store %arg9[%parallel_loop3A_944, %parallel_loop3A_945, %parallel_loop3A_946], %parallel_loop3A_949 {strides = array<i32>} : memref<4x40x128xf32, #tpu.memory_space<vmem>>, vector<1x1x16xf32>,
        %parallel_loop3A_950 = arith.constant 3 : i32
        %parallel_loop3A_951 = arith.index_cast %parallel_loop3A_950 : i32 to index
        %parallel_loop3A_952 = arith.index_cast %parallel_loop3A_788 : i32 to index
        %parallel_loop3A_953 = arith.constant 112 : index
        %parallel_loop3A_954 = tpu.vector_load %arg9[%parallel_loop3A_951, %parallel_loop3A_952, %parallel_loop3A_953] {strides = array<i32>} : memref<4x40x128xf32, #tpu.memory_space<vmem>>, vector<1x1x16xf32>,
        %parallel_loop3A_955 = vector.shape_cast %parallel_loop3A_954 : vector<1x1x16xf32> to vector<16xf32>
        %parallel_loop3A_956 = arith.constant 3 : i32
        %parallel_loop3A_957 = arith.index_cast %parallel_loop3A_956 : i32 to index
        %parallel_loop3A_958 = arith.index_cast %parallel_loop3A_788 : i32 to index
        %parallel_loop3A_959 = arith.constant 112 : index
        %parallel_loop3A_960 = tpu.vector_load %arg10[%parallel_loop3A_957, %parallel_loop3A_958, %parallel_loop3A_959] {strides = array<i32>} : memref<4x40x128xf32, #tpu.memory_space<vmem>>, vector<1x1x16xf32>,
        %parallel_loop3A_961 = vector.shape_cast %parallel_loop3A_960 : vector<1x1x16xf32> to vector<16xf32>
        %parallel_loop3A_962 = arith.addf %parallel_loop3A_955, %parallel_loop3A_961 : vector<16xf32>
        %parallel_loop3A_963 = arith.constant 0.000000e+00 : f32
        %parallel_loop3A_964 = vector.broadcast %parallel_loop3A_963 : f32 to vector<16xf32>
        %parallel_loop3A_965 = arith.maximumf %parallel_loop3A_962, %parallel_loop3A_964 : vector<16xf32>
        %parallel_loop3A_966 = arith.constant 3 : i32
        %parallel_loop3A_967 = arith.index_cast %parallel_loop3A_966 : i32 to index
        %parallel_loop3A_968 = arith.index_cast %parallel_loop3A_788 : i32 to index
        %parallel_loop3A_969 = arith.constant 112 : index
        %parallel_loop3A_970 = tpu.vector_load %arg9[%parallel_loop3A_967, %parallel_loop3A_968, %parallel_loop3A_969] {strides = array<i32>} : memref<4x40x128xf32, #tpu.memory_space<vmem>>, vector<1x1x16xf32>,
        %parallel_loop3A_971 = vector.shape_cast %parallel_loop3A_970 : vector<1x1x16xf32> to vector<16xf32>
        %parallel_loop3A_972 = vector.shape_cast %parallel_loop3A_965 : vector<16xf32> to vector<1x1x16xf32>
        tpu.vector_store %arg9[%parallel_loop3A_967, %parallel_loop3A_968, %parallel_loop3A_969], %parallel_loop3A_972 {strides = array<i32>} : memref<4x40x128xf32, #tpu.memory_space<vmem>>, vector<1x1x16xf32>,
      } {sc.loop_unroll_factor = 4 : i64, sc.parallel_access}
      %dma_start3A_773 = arith.constant 3 : i32
      %dma_start3A_774 = arith.constant 3 : i32
      %dma_start3A_775 = arith.constant 3 : i32
      %dma_start3A_776 = arith.constant 0 : i32
      %dma_start3A_777 = arith.constant 0 : i32
      %dma_start3A_778 = tpu.memref_slice %arg9[%dma_start3A_773, %dma_start3A_776, %dma_start3A_777] : memref<4x40x128xf32, #tpu.memory_space<vmem>> -> memref<1x40x128xf32, #tpu.memory_space<vmem>>
      %dma_start3A_779 = tpu.memref_squeeze %dma_start3A_778 : memref<1x40x128xf32, #tpu.memory_space<vmem>> -> memref<40x128xf32, #tpu.memory_space<vmem>>
      %dma_start3A_780 = arith.constant 0 : i32
      %dma_start3A_781 = tpu.memref_slice %arg8[%dma_start3A_774, %dma_start3A_780] : memref<4x40xi32, #tpu.memory_space<vmem>> -> memref<1x40xi32, #tpu.memory_space<vmem>>
      %dma_start3A_782 = tpu.memref_squeeze %dma_start3A_781 : memref<1x40xi32, #tpu.memory_space<vmem>> -> memref<40xi32, #tpu.memory_space<vmem>>
      %dma_start3A_783 = arith.constant 0 : i32
      %dma_start3A_784 = arith.constant 0 : i32
      %dma_start3A_785 = tpu.memref_slice %arg11[%dma_start3A_783, %dma_start3A_784] : memref<10000x128xf32, #tpu.memory_space<vmem_shared>> -> memref<10000x128xf32, #tpu.memory_space<vmem_shared>>
      %dma_start3A_786 = tpu.memref_slice %arg14[%dma_start3A_775] : memref<4x!tpu.dma_semaphore, #tpu.memory_space<semaphore_mem>> -> memref<1x!tpu.dma_semaphore, #tpu.memory_space<semaphore_mem>>
      %dma_start3A_787 = tpu.memref_squeeze %dma_start3A_786 : memref<1x!tpu.dma_semaphore, #tpu.memory_space<semaphore_mem>> -> memref<!tpu.dma_semaphore, #tpu.memory_space<semaphore_mem>>
      tpu.enqueue_indirect_dma source(%dma_start3A_779 : memref<40x128xf32, #tpu.memory_space<vmem>>) target(%dma_start3A_785 : memref<10000x128xf32, #tpu.memory_space<vmem_shared>>) offsets(%dma_start3A_782 : memref<40xi32, #tpu.memory_space<vmem>>) semaphore(%dma_start3A_787 : memref<!tpu.dma_semaphore, #tpu.memory_space<semaphore_mem>>) {add = true}
    }
    %scan3A_161 = arith.constant 62 : i32
    %dma_wait3A_162 = arith.constant 2 : i32
    %dma_wait3A_163 = arith.constant 2 : i32
    %dma_wait3A_164 = arith.constant 2 : i32
    %dma_wait3A_165 = arith.constant 0 : i32
    %dma_wait3A_166 = arith.constant 0 : i32
    %dma_wait3A_167 = tpu.memref_slice %arg9[%dma_wait3A_162, %dma_wait3A_165, %dma_wait3A_166] : memref<4x40x128xf32, #tpu.memory_space<vmem>> -> memref<1x40x128xf32, #tpu.memory_space<vmem>>
    %dma_wait3A_168 = tpu.memref_squeeze %dma_wait3A_167 : memref<1x40x128xf32, #tpu.memory_space<vmem>> -> memref<40x128xf32, #tpu.memory_space<vmem>>
    %dma_wait3A_169 = arith.constant 0 : i32
    %dma_wait3A_170 = tpu.memref_slice %arg8[%dma_wait3A_163, %dma_wait3A_169] : memref<4x40xi32, #tpu.memory_space<vmem>> -> memref<1x40xi32, #tpu.memory_space<vmem>>
    %dma_wait3A_171 = tpu.memref_squeeze %dma_wait3A_170 : memref<1x40xi32, #tpu.memory_space<vmem>> -> memref<40xi32, #tpu.memory_space<vmem>>
    %dma_wait3A_172 = arith.constant 0 : i32
    %dma_wait3A_173 = arith.constant 0 : i32
    %dma_wait3A_174 = tpu.memref_slice %arg11[%dma_wait3A_172, %dma_wait3A_173] : memref<10000x128xf32, #tpu.memory_space<vmem_shared>> -> memref<10000x128xf32, #tpu.memory_space<vmem_shared>>
    %dma_wait3A_175 = tpu.memref_slice %arg14[%dma_wait3A_164] : memref<4x!tpu.dma_semaphore, #tpu.memory_space<semaphore_mem>> -> memref<1x!tpu.dma_semaphore, #tpu.memory_space<semaphore_mem>>
    %dma_wait3A_176 = tpu.memref_squeeze %dma_wait3A_175 : memref<1x!tpu.dma_semaphore, #tpu.memory_space<semaphore_mem>> -> memref<!tpu.dma_semaphore, #tpu.memory_space<semaphore_mem>>
    tpu.wait_indirect_dma semaphore(%dma_wait3A_176 : memref<!tpu.dma_semaphore, #tpu.memory_space<semaphore_mem>>) src(%dma_wait3A_168 : memref<40x128xf32, #tpu.memory_space<vmem>>) dst(%dma_wait3A_174 : memref<10000x128xf32, #tpu.memory_space<vmem_shared>>)
    %add3A_177 = arith.constant 9960 : i32
    %add3A_178 = arith.addi %mul3A_2, %add3A_177 : i32
    %dma_wait3A_179 = arith.constant 1 : i32
    %dma_wait3A_180 = arith.constant 1 : i32
    %dma_wait3A_181 = arith.constant 0 : i32
    %dma_wait3A_182 = tpu.memref_slice %arg7[%dma_wait3A_179, %dma_wait3A_181] : memref<4x40xi32, #tpu.memory_space<vmem>> -> memref<1x40xi32, #tpu.memory_space<vmem>>
    %dma_wait3A_183 = tpu.memref_squeeze %dma_wait3A_182 : memref<1x40xi32, #tpu.memory_space<vmem>> -> memref<40xi32, #tpu.memory_space<vmem>>
    %dma_wait3A_184 = tpu.memref_slice %arg4[%add3A_178] : memref<320000xi32, #tpu.memory_space<hbm>> -> memref<40xi32, #tpu.memory_space<hbm>>
    %dma_wait3A_185 = tpu.memref_slice %arg12[%dma_wait3A_180] : memref<4x!tpu.dma_semaphore, #tpu.memory_space<semaphore_mem>> -> memref<1x!tpu.dma_semaphore, #tpu.memory_space<semaphore_mem>>
    %dma_wait3A_186 = tpu.memref_squeeze %dma_wait3A_185 : memref<1x!tpu.dma_semaphore, #tpu.memory_space<semaphore_mem>> -> memref<!tpu.dma_semaphore, #tpu.memory_space<semaphore_mem>>
    %dma_wait3A_187 = arith.constant 0 : i32
    %dma_wait3A_188 = tpu.memref_slice %arg7[%dma_wait3A_179, %dma_wait3A_187] : memref<4x40xi32, #tpu.memory_space<vmem>> -> memref<1x40xi32, #tpu.memory_space<vmem>>
    %dma_wait3A_189 = tpu.memref_squeeze %dma_wait3A_188 : memref<1x40xi32, #tpu.memory_space<vmem>> -> memref<40xi32, #tpu.memory_space<vmem>>
    %dma_wait3A_190 = tpu.memref_slice %arg4[%add3A_178] : memref<320000xi32, #tpu.memory_space<hbm>> -> memref<40xi32, #tpu.memory_space<hbm>>
    tpu.wait_dma2 semaphore(%dma_wait3A_186 : memref<!tpu.dma_semaphore, #tpu.memory_space<semaphore_mem>>) src(%dma_wait3A_190 : memref<40xi32, #tpu.memory_space<hbm>>) dst(%dma_wait3A_189 : memref<40xi32, #tpu.memory_space<vmem>>)
    %dma_wait3A_191 = arith.constant 1 : i32
    %dma_wait3A_192 = arith.constant 1 : i32
    %dma_wait3A_193 = arith.constant 0 : i32
    %dma_wait3A_194 = tpu.memref_slice %arg8[%dma_wait3A_191, %dma_wait3A_193] : memref<4x40xi32, #tpu.memory_space<vmem>> -> memref<1x40xi32, #tpu.memory_space<vmem>>
    %dma_wait3A_195 = tpu.memref_squeeze %dma_wait3A_194 : memref<1x40xi32, #tpu.memory_space<vmem>> -> memref<40xi32, #tpu.memory_space<vmem>>
    %dma_wait3A_196 = tpu.memref_slice %arg5[%add3A_178] : memref<320000xi32, #tpu.memory_space<hbm>> -> memref<40xi32, #tpu.memory_space<hbm>>
    %dma_wait3A_197 = tpu.memref_slice %arg12[%dma_wait3A_192] : memref<4x!tpu.dma_semaphore, #tpu.memory_space<semaphore_mem>> -> memref<1x!tpu.dma_semaphore, #tpu.memory_space<semaphore_mem>>
    %dma_wait3A_198 = tpu.memref_squeeze %dma_wait3A_197 : memref<1x!tpu.dma_semaphore, #tpu.memory_space<semaphore_mem>> -> memref<!tpu.dma_semaphore, #tpu.memory_space<semaphore_mem>>
    %dma_wait3A_199 = arith.constant 0 : i32
    %dma_wait3A_200 = tpu.memref_slice %arg8[%dma_wait3A_191, %dma_wait3A_199] : memref<4x40xi32, #tpu.memory_space<vmem>> -> memref<1x40xi32, #tpu.memory_space<vmem>>
    %dma_wait3A_201 = tpu.memref_squeeze %dma_wait3A_200 : memref<1x40xi32, #tpu.memory_space<vmem>> -> memref<40xi32, #tpu.memory_space<vmem>>
    %dma_wait3A_202 = tpu.memref_slice %arg5[%add3A_178] : memref<320000xi32, #tpu.memory_space<hbm>> -> memref<40xi32, #tpu.memory_space<hbm>>
    tpu.wait_dma2 semaphore(%dma_wait3A_198 : memref<!tpu.dma_semaphore, #tpu.memory_space<semaphore_mem>>) src(%dma_wait3A_202 : memref<40xi32, #tpu.memory_space<hbm>>) dst(%dma_wait3A_201 : memref<40xi32, #tpu.memory_space<vmem>>)
    %dma_wait3A_203 = arith.constant 1 : i32
    %dma_wait3A_204 = arith.constant 1 : i32
    %dma_wait3A_205 = arith.constant 0 : i32
    %dma_wait3A_206 = arith.constant 0 : i32
    %dma_wait3A_207 = tpu.memref_slice %arg10[%dma_wait3A_203, %dma_wait3A_205, %dma_wait3A_206] : memref<4x40x128xf32, #tpu.memory_space<vmem>> -> memref<1x40x128xf32, #tpu.memory_space<vmem>>
    %dma_wait3A_208 = tpu.memref_squeeze %dma_wait3A_207 : memref<1x40x128xf32, #tpu.memory_space<vmem>> -> memref<40x128xf32, #tpu.memory_space<vmem>>
    %dma_wait3A_209 = arith.constant 0 : i32
    %dma_wait3A_210 = tpu.memref_slice %arg3[%add3A_178, %dma_wait3A_209] : memref<320000x128xf32, #tpu.memory_space<hbm>> -> memref<40x128xf32, #tpu.memory_space<hbm>>
    %dma_wait3A_211 = tpu.memref_slice %arg12[%dma_wait3A_204] : memref<4x!tpu.dma_semaphore, #tpu.memory_space<semaphore_mem>> -> memref<1x!tpu.dma_semaphore, #tpu.memory_space<semaphore_mem>>
    %dma_wait3A_212 = tpu.memref_squeeze %dma_wait3A_211 : memref<1x!tpu.dma_semaphore, #tpu.memory_space<semaphore_mem>> -> memref<!tpu.dma_semaphore, #tpu.memory_space<semaphore_mem>>
    %dma_wait3A_213 = arith.constant 0 : i32
    %dma_wait3A_214 = arith.constant 0 : i32
    %dma_wait3A_215 = tpu.memref_slice %arg10[%dma_wait3A_203, %dma_wait3A_213, %dma_wait3A_214] : memref<4x40x128xf32, #tpu.memory_space<vmem>> -> memref<1x40x128xf32, #tpu.memory_space<vmem>>
    %dma_wait3A_216 = tpu.memref_squeeze %dma_wait3A_215 : memref<1x40x128xf32, #tpu.memory_space<vmem>> -> memref<40x128xf32, #tpu.memory_space<vmem>>
    %dma_wait3A_217 = arith.constant 0 : i32
    %dma_wait3A_218 = tpu.memref_slice %arg3[%add3A_178, %dma_wait3A_217] : memref<320000x128xf32, #tpu.memory_space<hbm>> -> memref<40x128xf32, #tpu.memory_space<hbm>>
    tpu.wait_dma2 semaphore(%dma_wait3A_212 : memref<!tpu.dma_semaphore, #tpu.memory_space<semaphore_mem>>) src(%dma_wait3A_218 : memref<40x128xf32, #tpu.memory_space<hbm>>) dst(%dma_wait3A_216 : memref<40x128xf32, #tpu.memory_space<vmem>>)
    %dma_start3A_219 = arith.constant 1 : i32
    %dma_start3A_220 = arith.constant 1 : i32
    %dma_start3A_221 = arith.constant 1 : i32
    %dma_start3A_222 = arith.constant 0 : i32
    %dma_start3A_223 = arith.constant 0 : i32
    %dma_start3A_224 = tpu.memref_slice %arg9[%dma_start3A_220, %dma_start3A_222, %dma_start3A_223] : memref<4x40x128xf32, #tpu.memory_space<vmem>> -> memref<1x40x128xf32, #tpu.memory_space<vmem>>
    %dma_start3A_225 = tpu.memref_squeeze %dma_start3A_224 : memref<1x40x128xf32, #tpu.memory_space<vmem>> -> memref<40x128xf32, #tpu.memory_space<vmem>>
    %dma_start3A_226 = arith.constant 0 : i32
    %dma_start3A_227 = tpu.memref_slice %arg7[%dma_start3A_219, %dma_start3A_226] : memref<4x40xi32, #tpu.memory_space<vmem>> -> memref<1x40xi32, #tpu.memory_space<vmem>>
    %dma_start3A_228 = tpu.memref_squeeze %dma_start3A_227 : memref<1x40xi32, #tpu.memory_space<vmem>> -> memref<40xi32, #tpu.memory_space<vmem>>
    %dma_start3A_229 = arith.constant 0 : i32
    %dma_start3A_230 = arith.constant 0 : i32
    %dma_start3A_231 = tpu.memref_slice %arg2[%dma_start3A_229, %dma_start3A_230] : memref<10000x128xf32, #tpu.memory_space<hbm>> -> memref<10000x128xf32, #tpu.memory_space<hbm>>
    %dma_start3A_232 = tpu.memref_slice %arg13[%dma_start3A_221] : memref<4x!tpu.dma_semaphore, #tpu.memory_space<semaphore_mem>> -> memref<1x!tpu.dma_semaphore, #tpu.memory_space<semaphore_mem>>
    %dma_start3A_233 = tpu.memref_squeeze %dma_start3A_232 : memref<1x!tpu.dma_semaphore, #tpu.memory_space<semaphore_mem>> -> memref<!tpu.dma_semaphore, #tpu.memory_space<semaphore_mem>>
    tpu.enqueue_indirect_dma source(%dma_start3A_231 : memref<10000x128xf32, #tpu.memory_space<hbm>>) target(%dma_start3A_225 : memref<40x128xf32, #tpu.memory_space<vmem>>) offsets(%dma_start3A_228 : memref<40xi32, #tpu.memory_space<vmem>>) semaphore(%dma_start3A_233 : memref<!tpu.dma_semaphore, #tpu.memory_space<semaphore_mem>>)
    %dma_wait3A_234 = arith.constant 0 : i32
    %dma_wait3A_235 = arith.constant 0 : i32
    %dma_wait3A_236 = arith.constant 0 : i32
    %dma_wait3A_237 = arith.constant 0 : i32
    %dma_wait3A_238 = arith.constant 0 : i32
    %dma_wait3A_239 = tpu.memref_slice %arg9[%dma_wait3A_235, %dma_wait3A_237, %dma_wait3A_238] : memref<4x40x128xf32, #tpu.memory_space<vmem>> -> memref<1x40x128xf32, #tpu.memory_space<vmem>>
    %dma_wait3A_240 = tpu.memref_squeeze %dma_wait3A_239 : memref<1x40x128xf32, #tpu.memory_space<vmem>> -> memref<40x128xf32, #tpu.memory_space<vmem>>
    %dma_wait3A_241 = arith.constant 0 : i32
    %dma_wait3A_242 = tpu.memref_slice %arg7[%dma_wait3A_234, %dma_wait3A_241] : memref<4x40xi32, #tpu.memory_space<vmem>> -> memref<1x40xi32, #tpu.memory_space<vmem>>
    %dma_wait3A_243 = tpu.memref_squeeze %dma_wait3A_242 : memref<1x40xi32, #tpu.memory_space<vmem>> -> memref<40xi32, #tpu.memory_space<vmem>>
    %dma_wait3A_244 = arith.constant 0 : i32
    %dma_wait3A_245 = arith.constant 0 : i32
    %dma_wait3A_246 = tpu.memref_slice %arg2[%dma_wait3A_244, %dma_wait3A_245] : memref<10000x128xf32, #tpu.memory_space<hbm>> -> memref<10000x128xf32, #tpu.memory_space<hbm>>
    %dma_wait3A_247 = tpu.memref_slice %arg13[%dma_wait3A_236] : memref<4x!tpu.dma_semaphore, #tpu.memory_space<semaphore_mem>> -> memref<1x!tpu.dma_semaphore, #tpu.memory_space<semaphore_mem>>
    %dma_wait3A_248 = tpu.memref_squeeze %dma_wait3A_247 : memref<1x!tpu.dma_semaphore, #tpu.memory_space<semaphore_mem>> -> memref<!tpu.dma_semaphore, #tpu.memory_space<semaphore_mem>>
    tpu.wait_indirect_dma semaphore(%dma_wait3A_248 : memref<!tpu.dma_semaphore, #tpu.memory_space<semaphore_mem>>) src(%dma_wait3A_246 : memref<10000x128xf32, #tpu.memory_space<hbm>>) dst(%dma_wait3A_240 : memref<40x128xf32, #tpu.memory_space<vmem>>)
    %parallel_loop3A = arith.constant 0 : i32
    %parallel_loop3A_249 = arith.constant 40 : i32
    %parallel_loop3A_250 = arith.constant 1 : i32
    scf.for %parallel_loop3A_357 = %parallel_loop3A to %parallel_loop3A_249 step %parallel_loop3A_250  : i32 {
      %parallel_loop3A_358 = arith.constant 0 : i32
      %parallel_loop3A_359 = arith.index_cast %parallel_loop3A_358 : i32 to index
      %parallel_loop3A_360 = arith.index_cast %parallel_loop3A_357 : i32 to index
      %parallel_loop3A_361 = arith.constant 0 : index
      %parallel_loop3A_362 = tpu.vector_load %arg9[%parallel_loop3A_359, %parallel_loop3A_360, %parallel_loop3A_361] {strides = array<i32>} : memref<4x40x128xf32, #tpu.memory_space<vmem>>, vector<1x1x16xf32>,
      %parallel_loop3A_363 = vector.shape_cast %parallel_loop3A_362 : vector<1x1x16xf32> to vector<16xf32>
      %parallel_loop3A_364 = arith.constant 0 : i32
      %parallel_loop3A_365 = arith.index_cast %parallel_loop3A_364 : i32 to index
      %parallel_loop3A_366 = arith.index_cast %parallel_loop3A_357 : i32 to index
      %parallel_loop3A_367 = arith.constant 0 : index
      %parallel_loop3A_368 = tpu.vector_load %arg10[%parallel_loop3A_365, %parallel_loop3A_366, %parallel_loop3A_367] {strides = array<i32>} : memref<4x40x128xf32, #tpu.memory_space<vmem>>, vector<1x1x16xf32>,
      %parallel_loop3A_369 = vector.shape_cast %parallel_loop3A_368 : vector<1x1x16xf32> to vector<16xf32>
      %parallel_loop3A_370 = arith.addf %parallel_loop3A_363, %parallel_loop3A_369 : vector<16xf32>
      %parallel_loop3A_371 = arith.constant 0.000000e+00 : f32
      %parallel_loop3A_372 = vector.broadcast %parallel_loop3A_371 : f32 to vector<16xf32>
      %parallel_loop3A_373 = arith.maximumf %parallel_loop3A_370, %parallel_loop3A_372 : vector<16xf32>
      %parallel_loop3A_374 = arith.constant 0 : i32
      %parallel_loop3A_375 = arith.index_cast %parallel_loop3A_374 : i32 to index
      %parallel_loop3A_376 = arith.index_cast %parallel_loop3A_357 : i32 to index
      %parallel_loop3A_377 = arith.constant 0 : index
      %parallel_loop3A_378 = tpu.vector_load %arg9[%parallel_loop3A_375, %parallel_loop3A_376, %parallel_loop3A_377] {strides = array<i32>} : memref<4x40x128xf32, #tpu.memory_space<vmem>>, vector<1x1x16xf32>,
      %parallel_loop3A_379 = vector.shape_cast %parallel_loop3A_378 : vector<1x1x16xf32> to vector<16xf32>
      %parallel_loop3A_380 = vector.shape_cast %parallel_loop3A_373 : vector<16xf32> to vector<1x1x16xf32>
      tpu.vector_store %arg9[%parallel_loop3A_375, %parallel_loop3A_376, %parallel_loop3A_377], %parallel_loop3A_380 {strides = array<i32>} : memref<4x40x128xf32, #tpu.memory_space<vmem>>, vector<1x1x16xf32>,
      %parallel_loop3A_381 = arith.constant 0 : i32
      %parallel_loop3A_382 = arith.index_cast %parallel_loop3A_381 : i32 to index
      %parallel_loop3A_383 = arith.index_cast %parallel_loop3A_357 : i32 to index
      %parallel_loop3A_384 = arith.constant 16 : index
      %parallel_loop3A_385 = tpu.vector_load %arg9[%parallel_loop3A_382, %parallel_loop3A_383, %parallel_loop3A_384] {strides = array<i32>} : memref<4x40x128xf32, #tpu.memory_space<vmem>>, vector<1x1x16xf32>,
      %parallel_loop3A_386 = vector.shape_cast %parallel_loop3A_385 : vector<1x1x16xf32> to vector<16xf32>
      %parallel_loop3A_387 = arith.constant 0 : i32
      %parallel_loop3A_388 = arith.index_cast %parallel_loop3A_387 : i32 to index
      %parallel_loop3A_389 = arith.index_cast %parallel_loop3A_357 : i32 to index
      %parallel_loop3A_390 = arith.constant 16 : index
      %parallel_loop3A_391 = tpu.vector_load %arg10[%parallel_loop3A_388, %parallel_loop3A_389, %parallel_loop3A_390] {strides = array<i32>} : memref<4x40x128xf32, #tpu.memory_space<vmem>>, vector<1x1x16xf32>,
      %parallel_loop3A_392 = vector.shape_cast %parallel_loop3A_391 : vector<1x1x16xf32> to vector<16xf32>
      %parallel_loop3A_393 = arith.addf %parallel_loop3A_386, %parallel_loop3A_392 : vector<16xf32>
      %parallel_loop3A_394 = arith.constant 0.000000e+00 : f32
      %parallel_loop3A_395 = vector.broadcast %parallel_loop3A_394 : f32 to vector<16xf32>
      %parallel_loop3A_396 = arith.maximumf %parallel_loop3A_393, %parallel_loop3A_395 : vector<16xf32>
      %parallel_loop3A_397 = arith.constant 0 : i32
      %parallel_loop3A_398 = arith.index_cast %parallel_loop3A_397 : i32 to index
      %parallel_loop3A_399 = arith.index_cast %parallel_loop3A_357 : i32 to index
      %parallel_loop3A_400 = arith.constant 16 : index
      %parallel_loop3A_401 = tpu.vector_load %arg9[%parallel_loop3A_398, %parallel_loop3A_399, %parallel_loop3A_400] {strides = array<i32>} : memref<4x40x128xf32, #tpu.memory_space<vmem>>, vector<1x1x16xf32>,
      %parallel_loop3A_402 = vector.shape_cast %parallel_loop3A_401 : vector<1x1x16xf32> to vector<16xf32>
      %parallel_loop3A_403 = vector.shape_cast %parallel_loop3A_396 : vector<16xf32> to vector<1x1x16xf32>
      tpu.vector_store %arg9[%parallel_loop3A_398, %parallel_loop3A_399, %parallel_loop3A_400], %parallel_loop3A_403 {strides = array<i32>} : memref<4x40x128xf32, #tpu.memory_space<vmem>>, vector<1x1x16xf32>,
      %parallel_loop3A_404 = arith.constant 0 : i32
      %parallel_loop3A_405 = arith.index_cast %parallel_loop3A_404 : i32 to index
      %parallel_loop3A_406 = arith.index_cast %parallel_loop3A_357 : i32 to index
      %parallel_loop3A_407 = arith.constant 32 : index
      %parallel_loop3A_408 = tpu.vector_load %arg9[%parallel_loop3A_405, %parallel_loop3A_406, %parallel_loop3A_407] {strides = array<i32>} : memref<4x40x128xf32, #tpu.memory_space<vmem>>, vector<1x1x16xf32>,
      %parallel_loop3A_409 = vector.shape_cast %parallel_loop3A_408 : vector<1x1x16xf32> to vector<16xf32>
      %parallel_loop3A_410 = arith.constant 0 : i32
      %parallel_loop3A_411 = arith.index_cast %parallel_loop3A_410 : i32 to index
      %parallel_loop3A_412 = arith.index_cast %parallel_loop3A_357 : i32 to index
      %parallel_loop3A_413 = arith.constant 32 : index
      %parallel_loop3A_414 = tpu.vector_load %arg10[%parallel_loop3A_411, %parallel_loop3A_412, %parallel_loop3A_413] {strides = array<i32>} : memref<4x40x128xf32, #tpu.memory_space<vmem>>, vector<1x1x16xf32>,
      %parallel_loop3A_415 = vector.shape_cast %parallel_loop3A_414 : vector<1x1x16xf32> to vector<16xf32>
      %parallel_loop3A_416 = arith.addf %parallel_loop3A_409, %parallel_loop3A_415 : vector<16xf32>
      %parallel_loop3A_417 = arith.constant 0.000000e+00 : f32
      %parallel_loop3A_418 = vector.broadcast %parallel_loop3A_417 : f32 to vector<16xf32>
      %parallel_loop3A_419 = arith.maximumf %parallel_loop3A_416, %parallel_loop3A_418 : vector<16xf32>
      %parallel_loop3A_420 = arith.constant 0 : i32
      %parallel_loop3A_421 = arith.index_cast %parallel_loop3A_420 : i32 to index
      %parallel_loop3A_422 = arith.index_cast %parallel_loop3A_357 : i32 to index
      %parallel_loop3A_423 = arith.constant 32 : index
      %parallel_loop3A_424 = tpu.vector_load %arg9[%parallel_loop3A_421, %parallel_loop3A_422, %parallel_loop3A_423] {strides = array<i32>} : memref<4x40x128xf32, #tpu.memory_space<vmem>>, vector<1x1x16xf32>,
      %parallel_loop3A_425 = vector.shape_cast %parallel_loop3A_424 : vector<1x1x16xf32> to vector<16xf32>
      %parallel_loop3A_426 = vector.shape_cast %parallel_loop3A_419 : vector<16xf32> to vector<1x1x16xf32>
      tpu.vector_store %arg9[%parallel_loop3A_421, %parallel_loop3A_422, %parallel_loop3A_423], %parallel_loop3A_426 {strides = array<i32>} : memref<4x40x128xf32, #tpu.memory_space<vmem>>, vector<1x1x16xf32>,
      %parallel_loop3A_427 = arith.constant 0 : i32
      %parallel_loop3A_428 = arith.index_cast %parallel_loop3A_427 : i32 to index
      %parallel_loop3A_429 = arith.index_cast %parallel_loop3A_357 : i32 to index
      %parallel_loop3A_430 = arith.constant 48 : index
      %parallel_loop3A_431 = tpu.vector_load %arg9[%parallel_loop3A_428, %parallel_loop3A_429, %parallel_loop3A_430] {strides = array<i32>} : memref<4x40x128xf32, #tpu.memory_space<vmem>>, vector<1x1x16xf32>,
      %parallel_loop3A_432 = vector.shape_cast %parallel_loop3A_431 : vector<1x1x16xf32> to vector<16xf32>
      %parallel_loop3A_433 = arith.constant 0 : i32
      %parallel_loop3A_434 = arith.index_cast %parallel_loop3A_433 : i32 to index
      %parallel_loop3A_435 = arith.index_cast %parallel_loop3A_357 : i32 to index
      %parallel_loop3A_436 = arith.constant 48 : index
      %parallel_loop3A_437 = tpu.vector_load %arg10[%parallel_loop3A_434, %parallel_loop3A_435, %parallel_loop3A_436] {strides = array<i32>} : memref<4x40x128xf32, #tpu.memory_space<vmem>>, vector<1x1x16xf32>,
      %parallel_loop3A_438 = vector.shape_cast %parallel_loop3A_437 : vector<1x1x16xf32> to vector<16xf32>
      %parallel_loop3A_439 = arith.addf %parallel_loop3A_432, %parallel_loop3A_438 : vector<16xf32>
      %parallel_loop3A_440 = arith.constant 0.000000e+00 : f32
      %parallel_loop3A_441 = vector.broadcast %parallel_loop3A_440 : f32 to vector<16xf32>
      %parallel_loop3A_442 = arith.maximumf %parallel_loop3A_439, %parallel_loop3A_441 : vector<16xf32>
      %parallel_loop3A_443 = arith.constant 0 : i32
      %parallel_loop3A_444 = arith.index_cast %parallel_loop3A_443 : i32 to index
      %parallel_loop3A_445 = arith.index_cast %parallel_loop3A_357 : i32 to index
      %parallel_loop3A_446 = arith.constant 48 : index
      %parallel_loop3A_447 = tpu.vector_load %arg9[%parallel_loop3A_444, %parallel_loop3A_445, %parallel_loop3A_446] {strides = array<i32>} : memref<4x40x128xf32, #tpu.memory_space<vmem>>, vector<1x1x16xf32>,
      %parallel_loop3A_448 = vector.shape_cast %parallel_loop3A_447 : vector<1x1x16xf32> to vector<16xf32>
      %parallel_loop3A_449 = vector.shape_cast %parallel_loop3A_442 : vector<16xf32> to vector<1x1x16xf32>
      tpu.vector_store %arg9[%parallel_loop3A_444, %parallel_loop3A_445, %parallel_loop3A_446], %parallel_loop3A_449 {strides = array<i32>} : memref<4x40x128xf32, #tpu.memory_space<vmem>>, vector<1x1x16xf32>,
      %parallel_loop3A_450 = arith.constant 0 : i32
      %parallel_loop3A_451 = arith.index_cast %parallel_loop3A_450 : i32 to index
      %parallel_loop3A_452 = arith.index_cast %parallel_loop3A_357 : i32 to index
      %parallel_loop3A_453 = arith.constant 64 : index
      %parallel_loop3A_454 = tpu.vector_load %arg9[%parallel_loop3A_451, %parallel_loop3A_452, %parallel_loop3A_453] {strides = array<i32>} : memref<4x40x128xf32, #tpu.memory_space<vmem>>, vector<1x1x16xf32>,
      %parallel_loop3A_455 = vector.shape_cast %parallel_loop3A_454 : vector<1x1x16xf32> to vector<16xf32>
      %parallel_loop3A_456 = arith.constant 0 : i32
      %parallel_loop3A_457 = arith.index_cast %parallel_loop3A_456 : i32 to index
      %parallel_loop3A_458 = arith.index_cast %parallel_loop3A_357 : i32 to index
      %parallel_loop3A_459 = arith.constant 64 : index
      %parallel_loop3A_460 = tpu.vector_load %arg10[%parallel_loop3A_457, %parallel_loop3A_458, %parallel_loop3A_459] {strides = array<i32>} : memref<4x40x128xf32, #tpu.memory_space<vmem>>, vector<1x1x16xf32>,
      %parallel_loop3A_461 = vector.shape_cast %parallel_loop3A_460 : vector<1x1x16xf32> to vector<16xf32>
      %parallel_loop3A_462 = arith.addf %parallel_loop3A_455, %parallel_loop3A_461 : vector<16xf32>
      %parallel_loop3A_463 = arith.constant 0.000000e+00 : f32
      %parallel_loop3A_464 = vector.broadcast %parallel_loop3A_463 : f32 to vector<16xf32>
      %parallel_loop3A_465 = arith.maximumf %parallel_loop3A_462, %parallel_loop3A_464 : vector<16xf32>
      %parallel_loop3A_466 = arith.constant 0 : i32
      %parallel_loop3A_467 = arith.index_cast %parallel_loop3A_466 : i32 to index
      %parallel_loop3A_468 = arith.index_cast %parallel_loop3A_357 : i32 to index
      %parallel_loop3A_469 = arith.constant 64 : index
      %parallel_loop3A_470 = tpu.vector_load %arg9[%parallel_loop3A_467, %parallel_loop3A_468, %parallel_loop3A_469] {strides = array<i32>} : memref<4x40x128xf32, #tpu.memory_space<vmem>>, vector<1x1x16xf32>,
      %parallel_loop3A_471 = vector.shape_cast %parallel_loop3A_470 : vector<1x1x16xf32> to vector<16xf32>
      %parallel_loop3A_472 = vector.shape_cast %parallel_loop3A_465 : vector<16xf32> to vector<1x1x16xf32>
      tpu.vector_store %arg9[%parallel_loop3A_467, %parallel_loop3A_468, %parallel_loop3A_469], %parallel_loop3A_472 {strides = array<i32>} : memref<4x40x128xf32, #tpu.memory_space<vmem>>, vector<1x1x16xf32>,
      %parallel_loop3A_473 = arith.constant 0 : i32
      %parallel_loop3A_474 = arith.index_cast %parallel_loop3A_473 : i32 to index
      %parallel_loop3A_475 = arith.index_cast %parallel_loop3A_357 : i32 to index
      %parallel_loop3A_476 = arith.constant 80 : index
      %parallel_loop3A_477 = tpu.vector_load %arg9[%parallel_loop3A_474, %parallel_loop3A_475, %parallel_loop3A_476] {strides = array<i32>} : memref<4x40x128xf32, #tpu.memory_space<vmem>>, vector<1x1x16xf32>,
      %parallel_loop3A_478 = vector.shape_cast %parallel_loop3A_477 : vector<1x1x16xf32> to vector<16xf32>
      %parallel_loop3A_479 = arith.constant 0 : i32
      %parallel_loop3A_480 = arith.index_cast %parallel_loop3A_479 : i32 to index
      %parallel_loop3A_481 = arith.index_cast %parallel_loop3A_357 : i32 to index
      %parallel_loop3A_482 = arith.constant 80 : index
      %parallel_loop3A_483 = tpu.vector_load %arg10[%parallel_loop3A_480, %parallel_loop3A_481, %parallel_loop3A_482] {strides = array<i32>} : memref<4x40x128xf32, #tpu.memory_space<vmem>>, vector<1x1x16xf32>,
      %parallel_loop3A_484 = vector.shape_cast %parallel_loop3A_483 : vector<1x1x16xf32> to vector<16xf32>
      %parallel_loop3A_485 = arith.addf %parallel_loop3A_478, %parallel_loop3A_484 : vector<16xf32>
      %parallel_loop3A_486 = arith.constant 0.000000e+00 : f32
      %parallel_loop3A_487 = vector.broadcast %parallel_loop3A_486 : f32 to vector<16xf32>
      %parallel_loop3A_488 = arith.maximumf %parallel_loop3A_485, %parallel_loop3A_487 : vector<16xf32>
      %parallel_loop3A_489 = arith.constant 0 : i32
      %parallel_loop3A_490 = arith.index_cast %parallel_loop3A_489 : i32 to index
      %parallel_loop3A_491 = arith.index_cast %parallel_loop3A_357 : i32 to index
      %parallel_loop3A_492 = arith.constant 80 : index
      %parallel_loop3A_493 = tpu.vector_load %arg9[%parallel_loop3A_490, %parallel_loop3A_491, %parallel_loop3A_492] {strides = array<i32>} : memref<4x40x128xf32, #tpu.memory_space<vmem>>, vector<1x1x16xf32>,
      %parallel_loop3A_494 = vector.shape_cast %parallel_loop3A_493 : vector<1x1x16xf32> to vector<16xf32>
      %parallel_loop3A_495 = vector.shape_cast %parallel_loop3A_488 : vector<16xf32> to vector<1x1x16xf32>
      tpu.vector_store %arg9[%parallel_loop3A_490, %parallel_loop3A_491, %parallel_loop3A_492], %parallel_loop3A_495 {strides = array<i32>} : memref<4x40x128xf32, #tpu.memory_space<vmem>>, vector<1x1x16xf32>,
      %parallel_loop3A_496 = arith.constant 0 : i32
      %parallel_loop3A_497 = arith.index_cast %parallel_loop3A_496 : i32 to index
      %parallel_loop3A_498 = arith.index_cast %parallel_loop3A_357 : i32 to index
      %parallel_loop3A_499 = arith.constant 96 : index
      %parallel_loop3A_500 = tpu.vector_load %arg9[%parallel_loop3A_497, %parallel_loop3A_498, %parallel_loop3A_499] {strides = array<i32>} : memref<4x40x128xf32, #tpu.memory_space<vmem>>, vector<1x1x16xf32>,
      %parallel_loop3A_501 = vector.shape_cast %parallel_loop3A_500 : vector<1x1x16xf32> to vector<16xf32>
      %parallel_loop3A_502 = arith.constant 0 : i32
      %parallel_loop3A_503 = arith.index_cast %parallel_loop3A_502 : i32 to index
      %parallel_loop3A_504 = arith.index_cast %parallel_loop3A_357 : i32 to index
      %parallel_loop3A_505 = arith.constant 96 : index
      %parallel_loop3A_506 = tpu.vector_load %arg10[%parallel_loop3A_503, %parallel_loop3A_504, %parallel_loop3A_505] {strides = array<i32>} : memref<4x40x128xf32, #tpu.memory_space<vmem>>, vector<1x1x16xf32>,
      %parallel_loop3A_507 = vector.shape_cast %parallel_loop3A_506 : vector<1x1x16xf32> to vector<16xf32>
      %parallel_loop3A_508 = arith.addf %parallel_loop3A_501, %parallel_loop3A_507 : vector<16xf32>
      %parallel_loop3A_509 = arith.constant 0.000000e+00 : f32
      %parallel_loop3A_510 = vector.broadcast %parallel_loop3A_509 : f32 to vector<16xf32>
      %parallel_loop3A_511 = arith.maximumf %parallel_loop3A_508, %parallel_loop3A_510 : vector<16xf32>
      %parallel_loop3A_512 = arith.constant 0 : i32
      %parallel_loop3A_513 = arith.index_cast %parallel_loop3A_512 : i32 to index
      %parallel_loop3A_514 = arith.index_cast %parallel_loop3A_357 : i32 to index
      %parallel_loop3A_515 = arith.constant 96 : index
      %parallel_loop3A_516 = tpu.vector_load %arg9[%parallel_loop3A_513, %parallel_loop3A_514, %parallel_loop3A_515] {strides = array<i32>} : memref<4x40x128xf32, #tpu.memory_space<vmem>>, vector<1x1x16xf32>,
      %parallel_loop3A_517 = vector.shape_cast %parallel_loop3A_516 : vector<1x1x16xf32> to vector<16xf32>
      %parallel_loop3A_518 = vector.shape_cast %parallel_loop3A_511 : vector<16xf32> to vector<1x1x16xf32>
      tpu.vector_store %arg9[%parallel_loop3A_513, %parallel_loop3A_514, %parallel_loop3A_515], %parallel_loop3A_518 {strides = array<i32>} : memref<4x40x128xf32, #tpu.memory_space<vmem>>, vector<1x1x16xf32>,
      %parallel_loop3A_519 = arith.constant 0 : i32
      %parallel_loop3A_520 = arith.index_cast %parallel_loop3A_519 : i32 to index
      %parallel_loop3A_521 = arith.index_cast %parallel_loop3A_357 : i32 to index
      %parallel_loop3A_522 = arith.constant 112 : index
      %parallel_loop3A_523 = tpu.vector_load %arg9[%parallel_loop3A_520, %parallel_loop3A_521, %parallel_loop3A_522] {strides = array<i32>} : memref<4x40x128xf32, #tpu.memory_space<vmem>>, vector<1x1x16xf32>,
      %parallel_loop3A_524 = vector.shape_cast %parallel_loop3A_523 : vector<1x1x16xf32> to vector<16xf32>
      %parallel_loop3A_525 = arith.constant 0 : i32
      %parallel_loop3A_526 = arith.index_cast %parallel_loop3A_525 : i32 to index
      %parallel_loop3A_527 = arith.index_cast %parallel_loop3A_357 : i32 to index
      %parallel_loop3A_528 = arith.constant 112 : index
      %parallel_loop3A_529 = tpu.vector_load %arg10[%parallel_loop3A_526, %parallel_loop3A_527, %parallel_loop3A_528] {strides = array<i32>} : memref<4x40x128xf32, #tpu.memory_space<vmem>>, vector<1x1x16xf32>,
      %parallel_loop3A_530 = vector.shape_cast %parallel_loop3A_529 : vector<1x1x16xf32> to vector<16xf32>
      %parallel_loop3A_531 = arith.addf %parallel_loop3A_524, %parallel_loop3A_530 : vector<16xf32>
      %parallel_loop3A_532 = arith.constant 0.000000e+00 : f32
      %parallel_loop3A_533 = vector.broadcast %parallel_loop3A_532 : f32 to vector<16xf32>
      %parallel_loop3A_534 = arith.maximumf %parallel_loop3A_531, %parallel_loop3A_533 : vector<16xf32>
      %parallel_loop3A_535 = arith.constant 0 : i32
      %parallel_loop3A_536 = arith.index_cast %parallel_loop3A_535 : i32 to index
      %parallel_loop3A_537 = arith.index_cast %parallel_loop3A_357 : i32 to index
      %parallel_loop3A_538 = arith.constant 112 : index
      %parallel_loop3A_539 = tpu.vector_load %arg9[%parallel_loop3A_536, %parallel_loop3A_537, %parallel_loop3A_538] {strides = array<i32>} : memref<4x40x128xf32, #tpu.memory_space<vmem>>, vector<1x1x16xf32>,
      %parallel_loop3A_540 = vector.shape_cast %parallel_loop3A_539 : vector<1x1x16xf32> to vector<16xf32>
      %parallel_loop3A_541 = vector.shape_cast %parallel_loop3A_534 : vector<16xf32> to vector<1x1x16xf32>
      tpu.vector_store %arg9[%parallel_loop3A_536, %parallel_loop3A_537, %parallel_loop3A_538], %parallel_loop3A_541 {strides = array<i32>} : memref<4x40x128xf32, #tpu.memory_space<vmem>>, vector<1x1x16xf32>,
    } {sc.loop_unroll_factor = 4 : i64, sc.parallel_access}
    %dma_start3A_251 = arith.constant 0 : i32
    %dma_start3A_252 = arith.constant 0 : i32
    %dma_start3A_253 = arith.constant 0 : i32
    %dma_start3A_254 = arith.constant 0 : i32
    %dma_start3A_255 = arith.constant 0 : i32
    %dma_start3A_256 = tpu.memref_slice %arg9[%dma_start3A_251, %dma_start3A_254, %dma_start3A_255] : memref<4x40x128xf32, #tpu.memory_space<vmem>> -> memref<1x40x128xf32, #tpu.memory_space<vmem>>
    %dma_start3A_257 = tpu.memref_squeeze %dma_start3A_256 : memref<1x40x128xf32, #tpu.memory_space<vmem>> -> memref<40x128xf32, #tpu.memory_space<vmem>>
    %dma_start3A_258 = arith.constant 0 : i32
    %dma_start3A_259 = tpu.memref_slice %arg8[%dma_start3A_252, %dma_start3A_258] : memref<4x40xi32, #tpu.memory_space<vmem>> -> memref<1x40xi32, #tpu.memory_space<vmem>>
    %dma_start3A_260 = tpu.memref_squeeze %dma_start3A_259 : memref<1x40xi32, #tpu.memory_space<vmem>> -> memref<40xi32, #tpu.memory_space<vmem>>
    %dma_start3A_261 = arith.constant 0 : i32
    %dma_start3A_262 = arith.constant 0 : i32
    %dma_start3A_263 = tpu.memref_slice %arg11[%dma_start3A_261, %dma_start3A_262] : memref<10000x128xf32, #tpu.memory_space<vmem_shared>> -> memref<10000x128xf32, #tpu.memory_space<vmem_shared>>
    %dma_start3A_264 = tpu.memref_slice %arg14[%dma_start3A_253] : memref<4x!tpu.dma_semaphore, #tpu.memory_space<semaphore_mem>> -> memref<1x!tpu.dma_semaphore, #tpu.memory_space<semaphore_mem>>
    %dma_start3A_265 = tpu.memref_squeeze %dma_start3A_264 : memref<1x!tpu.dma_semaphore, #tpu.memory_space<semaphore_mem>> -> memref<!tpu.dma_semaphore, #tpu.memory_space<semaphore_mem>>
    tpu.enqueue_indirect_dma source(%dma_start3A_257 : memref<40x128xf32, #tpu.memory_space<vmem>>) target(%dma_start3A_263 : memref<10000x128xf32, #tpu.memory_space<vmem_shared>>) offsets(%dma_start3A_260 : memref<40xi32, #tpu.memory_space<vmem>>) semaphore(%dma_start3A_265 : memref<!tpu.dma_semaphore, #tpu.memory_space<semaphore_mem>>) {add = true}
    %dma_wait3A_266 = arith.constant 3 : i32
    %dma_wait3A_267 = arith.constant 3 : i32
    %dma_wait3A_268 = arith.constant 3 : i32
    %dma_wait3A_269 = arith.constant 0 : i32
    %dma_wait3A_270 = arith.constant 0 : i32
    %dma_wait3A_271 = tpu.memref_slice %arg9[%dma_wait3A_266, %dma_wait3A_269, %dma_wait3A_270] : memref<4x40x128xf32, #tpu.memory_space<vmem>> -> memref<1x40x128xf32, #tpu.memory_space<vmem>>
    %dma_wait3A_272 = tpu.memref_squeeze %dma_wait3A_271 : memref<1x40x128xf32, #tpu.memory_space<vmem>> -> memref<40x128xf32, #tpu.memory_space<vmem>>
    %dma_wait3A_273 = arith.constant 0 : i32
    %dma_wait3A_274 = tpu.memref_slice %arg8[%dma_wait3A_267, %dma_wait3A_273] : memref<4x40xi32, #tpu.memory_space<vmem>> -> memref<1x40xi32, #tpu.memory_space<vmem>>
    %dma_wait3A_275 = tpu.memref_squeeze %dma_wait3A_274 : memref<1x40xi32, #tpu.memory_space<vmem>> -> memref<40xi32, #tpu.memory_space<vmem>>
    %dma_wait3A_276 = arith.constant 0 : i32
    %dma_wait3A_277 = arith.constant 0 : i32
    %dma_wait3A_278 = tpu.memref_slice %arg11[%dma_wait3A_276, %dma_wait3A_277] : memref<10000x128xf32, #tpu.memory_space<vmem_shared>> -> memref<10000x128xf32, #tpu.memory_space<vmem_shared>>
    %dma_wait3A_279 = tpu.memref_slice %arg14[%dma_wait3A_268] : memref<4x!tpu.dma_semaphore, #tpu.memory_space<semaphore_mem>> -> memref<1x!tpu.dma_semaphore, #tpu.memory_space<semaphore_mem>>
    %dma_wait3A_280 = tpu.memref_squeeze %dma_wait3A_279 : memref<1x!tpu.dma_semaphore, #tpu.memory_space<semaphore_mem>> -> memref<!tpu.dma_semaphore, #tpu.memory_space<semaphore_mem>>
    tpu.wait_indirect_dma semaphore(%dma_wait3A_280 : memref<!tpu.dma_semaphore, #tpu.memory_space<semaphore_mem>>) src(%dma_wait3A_272 : memref<40x128xf32, #tpu.memory_space<vmem>>) dst(%dma_wait3A_278 : memref<10000x128xf32, #tpu.memory_space<vmem_shared>>)
    %dma_wait3A_281 = arith.constant 1 : i32
    %dma_wait3A_282 = arith.constant 1 : i32
    %dma_wait3A_283 = arith.constant 1 : i32
    %dma_wait3A_284 = arith.constant 0 : i32
    %dma_wait3A_285 = arith.constant 0 : i32
    %dma_wait3A_286 = tpu.memref_slice %arg9[%dma_wait3A_282, %dma_wait3A_284, %dma_wait3A_285] : memref<4x40x128xf32, #tpu.memory_space<vmem>> -> memref<1x40x128xf32, #tpu.memory_space<vmem>>
    %dma_wait3A_287 = tpu.memref_squeeze %dma_wait3A_286 : memref<1x40x128xf32, #tpu.memory_space<vmem>> -> memref<40x128xf32, #tpu.memory_space<vmem>>
    %dma_wait3A_288 = arith.constant 0 : i32
    %dma_wait3A_289 = tpu.memref_slice %arg7[%dma_wait3A_281, %dma_wait3A_288] : memref<4x40xi32, #tpu.memory_space<vmem>> -> memref<1x40xi32, #tpu.memory_space<vmem>>
    %dma_wait3A_290 = tpu.memref_squeeze %dma_wait3A_289 : memref<1x40xi32, #tpu.memory_space<vmem>> -> memref<40xi32, #tpu.memory_space<vmem>>
    %dma_wait3A_291 = arith.constant 0 : i32
    %dma_wait3A_292 = arith.constant 0 : i32
    %dma_wait3A_293 = tpu.memref_slice %arg2[%dma_wait3A_291, %dma_wait3A_292] : memref<10000x128xf32, #tpu.memory_space<hbm>> -> memref<10000x128xf32, #tpu.memory_space<hbm>>
    %dma_wait3A_294 = tpu.memref_slice %arg13[%dma_wait3A_283] : memref<4x!tpu.dma_semaphore, #tpu.memory_space<semaphore_mem>> -> memref<1x!tpu.dma_semaphore, #tpu.memory_space<semaphore_mem>>
    %dma_wait3A_295 = tpu.memref_squeeze %dma_wait3A_294 : memref<1x!tpu.dma_semaphore, #tpu.memory_space<semaphore_mem>> -> memref<!tpu.dma_semaphore, #tpu.memory_space<semaphore_mem>>
    tpu.wait_indirect_dma semaphore(%dma_wait3A_295 : memref<!tpu.dma_semaphore, #tpu.memory_space<semaphore_mem>>) src(%dma_wait3A_293 : memref<10000x128xf32, #tpu.memory_space<hbm>>) dst(%dma_wait3A_287 : memref<40x128xf32, #tpu.memory_space<vmem>>)
    %parallel_loop3A_296 = arith.constant 0 : i32
    %parallel_loop3A_297 = arith.constant 40 : i32
    %parallel_loop3A_298 = arith.constant 1 : i32
    scf.for %parallel_loop3A_357 = %parallel_loop3A_296 to %parallel_loop3A_297 step %parallel_loop3A_298  : i32 {
      %parallel_loop3A_358 = arith.constant 1 : i32
      %parallel_loop3A_359 = arith.index_cast %parallel_loop3A_358 : i32 to index
      %parallel_loop3A_360 = arith.index_cast %parallel_loop3A_357 : i32 to index
      %parallel_loop3A_361 = arith.constant 0 : index
      %parallel_loop3A_362 = tpu.vector_load %arg9[%parallel_loop3A_359, %parallel_loop3A_360, %parallel_loop3A_361] {strides = array<i32>} : memref<4x40x128xf32, #tpu.memory_space<vmem>>, vector<1x1x16xf32>,
      %parallel_loop3A_363 = vector.shape_cast %parallel_loop3A_362 : vector<1x1x16xf32> to vector<16xf32>
      %parallel_loop3A_364 = arith.constant 1 : i32
      %parallel_loop3A_365 = arith.index_cast %parallel_loop3A_364 : i32 to index
      %parallel_loop3A_366 = arith.index_cast %parallel_loop3A_357 : i32 to index
      %parallel_loop3A_367 = arith.constant 0 : index
      %parallel_loop3A_368 = tpu.vector_load %arg10[%parallel_loop3A_365, %parallel_loop3A_366, %parallel_loop3A_367] {strides = array<i32>} : memref<4x40x128xf32, #tpu.memory_space<vmem>>, vector<1x1x16xf32>,
      %parallel_loop3A_369 = vector.shape_cast %parallel_loop3A_368 : vector<1x1x16xf32> to vector<16xf32>
      %parallel_loop3A_370 = arith.addf %parallel_loop3A_363, %parallel_loop3A_369 : vector<16xf32>
      %parallel_loop3A_371 = arith.constant 0.000000e+00 : f32
      %parallel_loop3A_372 = vector.broadcast %parallel_loop3A_371 : f32 to vector<16xf32>
      %parallel_loop3A_373 = arith.maximumf %parallel_loop3A_370, %parallel_loop3A_372 : vector<16xf32>
      %parallel_loop3A_374 = arith.constant 1 : i32
      %parallel_loop3A_375 = arith.index_cast %parallel_loop3A_374 : i32 to index
      %parallel_loop3A_376 = arith.index_cast %parallel_loop3A_357 : i32 to index
      %parallel_loop3A_377 = arith.constant 0 : index
      %parallel_loop3A_378 = tpu.vector_load %arg9[%parallel_loop3A_375, %parallel_loop3A_376, %parallel_loop3A_377] {strides = array<i32>} : memref<4x40x128xf32, #tpu.memory_space<vmem>>, vector<1x1x16xf32>,
      %parallel_loop3A_379 = vector.shape_cast %parallel_loop3A_378 : vector<1x1x16xf32> to vector<16xf32>
      %parallel_loop3A_380 = vector.shape_cast %parallel_loop3A_373 : vector<16xf32> to vector<1x1x16xf32>
      tpu.vector_store %arg9[%parallel_loop3A_375, %parallel_loop3A_376, %parallel_loop3A_377], %parallel_loop3A_380 {strides = array<i32>} : memref<4x40x128xf32, #tpu.memory_space<vmem>>, vector<1x1x16xf32>,
      %parallel_loop3A_381 = arith.constant 1 : i32
      %parallel_loop3A_382 = arith.index_cast %parallel_loop3A_381 : i32 to index
      %parallel_loop3A_383 = arith.index_cast %parallel_loop3A_357 : i32 to index
      %parallel_loop3A_384 = arith.constant 16 : index
      %parallel_loop3A_385 = tpu.vector_load %arg9[%parallel_loop3A_382, %parallel_loop3A_383, %parallel_loop3A_384] {strides = array<i32>} : memref<4x40x128xf32, #tpu.memory_space<vmem>>, vector<1x1x16xf32>,
      %parallel_loop3A_386 = vector.shape_cast %parallel_loop3A_385 : vector<1x1x16xf32> to vector<16xf32>
      %parallel_loop3A_387 = arith.constant 1 : i32
      %parallel_loop3A_388 = arith.index_cast %parallel_loop3A_387 : i32 to index
      %parallel_loop3A_389 = arith.index_cast %parallel_loop3A_357 : i32 to index
      %parallel_loop3A_390 = arith.constant 16 : index
      %parallel_loop3A_391 = tpu.vector_load %arg10[%parallel_loop3A_388, %parallel_loop3A_389, %parallel_loop3A_390] {strides = array<i32>} : memref<4x40x128xf32, #tpu.memory_space<vmem>>, vector<1x1x16xf32>,
      %parallel_loop3A_392 = vector.shape_cast %parallel_loop3A_391 : vector<1x1x16xf32> to vector<16xf32>
      %parallel_loop3A_393 = arith.addf %parallel_loop3A_386, %parallel_loop3A_392 : vector<16xf32>
      %parallel_loop3A_394 = arith.constant 0.000000e+00 : f32
      %parallel_loop3A_395 = vector.broadcast %parallel_loop3A_394 : f32 to vector<16xf32>
      %parallel_loop3A_396 = arith.maximumf %parallel_loop3A_393, %parallel_loop3A_395 : vector<16xf32>
      %parallel_loop3A_397 = arith.constant 1 : i32
      %parallel_loop3A_398 = arith.index_cast %parallel_loop3A_397 : i32 to index
      %parallel_loop3A_399 = arith.index_cast %parallel_loop3A_357 : i32 to index
      %parallel_loop3A_400 = arith.constant 16 : index
      %parallel_loop3A_401 = tpu.vector_load %arg9[%parallel_loop3A_398, %parallel_loop3A_399, %parallel_loop3A_400] {strides = array<i32>} : memref<4x40x128xf32, #tpu.memory_space<vmem>>, vector<1x1x16xf32>,
      %parallel_loop3A_402 = vector.shape_cast %parallel_loop3A_401 : vector<1x1x16xf32> to vector<16xf32>
      %parallel_loop3A_403 = vector.shape_cast %parallel_loop3A_396 : vector<16xf32> to vector<1x1x16xf32>
      tpu.vector_store %arg9[%parallel_loop3A_398, %parallel_loop3A_399, %parallel_loop3A_400], %parallel_loop3A_403 {strides = array<i32>} : memref<4x40x128xf32, #tpu.memory_space<vmem>>, vector<1x1x16xf32>,
      %parallel_loop3A_404 = arith.constant 1 : i32
      %parallel_loop3A_405 = arith.index_cast %parallel_loop3A_404 : i32 to index
      %parallel_loop3A_406 = arith.index_cast %parallel_loop3A_357 : i32 to index
      %parallel_loop3A_407 = arith.constant 32 : index
      %parallel_loop3A_408 = tpu.vector_load %arg9[%parallel_loop3A_405, %parallel_loop3A_406, %parallel_loop3A_407] {strides = array<i32>} : memref<4x40x128xf32, #tpu.memory_space<vmem>>, vector<1x1x16xf32>,
      %parallel_loop3A_409 = vector.shape_cast %parallel_loop3A_408 : vector<1x1x16xf32> to vector<16xf32>
      %parallel_loop3A_410 = arith.constant 1 : i32
      %parallel_loop3A_411 = arith.index_cast %parallel_loop3A_410 : i32 to index
      %parallel_loop3A_412 = arith.index_cast %parallel_loop3A_357 : i32 to index
      %parallel_loop3A_413 = arith.constant 32 : index
      %parallel_loop3A_414 = tpu.vector_load %arg10[%parallel_loop3A_411, %parallel_loop3A_412, %parallel_loop3A_413] {strides = array<i32>} : memref<4x40x128xf32, #tpu.memory_space<vmem>>, vector<1x1x16xf32>,
      %parallel_loop3A_415 = vector.shape_cast %parallel_loop3A_414 : vector<1x1x16xf32> to vector<16xf32>
      %parallel_loop3A_416 = arith.addf %parallel_loop3A_409, %parallel_loop3A_415 : vector<16xf32>
      %parallel_loop3A_417 = arith.constant 0.000000e+00 : f32
      %parallel_loop3A_418 = vector.broadcast %parallel_loop3A_417 : f32 to vector<16xf32>
      %parallel_loop3A_419 = arith.maximumf %parallel_loop3A_416, %parallel_loop3A_418 : vector<16xf32>
      %parallel_loop3A_420 = arith.constant 1 : i32
      %parallel_loop3A_421 = arith.index_cast %parallel_loop3A_420 : i32 to index
      %parallel_loop3A_422 = arith.index_cast %parallel_loop3A_357 : i32 to index
      %parallel_loop3A_423 = arith.constant 32 : index
      %parallel_loop3A_424 = tpu.vector_load %arg9[%parallel_loop3A_421, %parallel_loop3A_422, %parallel_loop3A_423] {strides = array<i32>} : memref<4x40x128xf32, #tpu.memory_space<vmem>>, vector<1x1x16xf32>,
      %parallel_loop3A_425 = vector.shape_cast %parallel_loop3A_424 : vector<1x1x16xf32> to vector<16xf32>
      %parallel_loop3A_426 = vector.shape_cast %parallel_loop3A_419 : vector<16xf32> to vector<1x1x16xf32>
      tpu.vector_store %arg9[%parallel_loop3A_421, %parallel_loop3A_422, %parallel_loop3A_423], %parallel_loop3A_426 {strides = array<i32>} : memref<4x40x128xf32, #tpu.memory_space<vmem>>, vector<1x1x16xf32>,
      %parallel_loop3A_427 = arith.constant 1 : i32
      %parallel_loop3A_428 = arith.index_cast %parallel_loop3A_427 : i32 to index
      %parallel_loop3A_429 = arith.index_cast %parallel_loop3A_357 : i32 to index
      %parallel_loop3A_430 = arith.constant 48 : index
      %parallel_loop3A_431 = tpu.vector_load %arg9[%parallel_loop3A_428, %parallel_loop3A_429, %parallel_loop3A_430] {strides = array<i32>} : memref<4x40x128xf32, #tpu.memory_space<vmem>>, vector<1x1x16xf32>,
      %parallel_loop3A_432 = vector.shape_cast %parallel_loop3A_431 : vector<1x1x16xf32> to vector<16xf32>
      %parallel_loop3A_433 = arith.constant 1 : i32
      %parallel_loop3A_434 = arith.index_cast %parallel_loop3A_433 : i32 to index
      %parallel_loop3A_435 = arith.index_cast %parallel_loop3A_357 : i32 to index
      %parallel_loop3A_436 = arith.constant 48 : index
      %parallel_loop3A_437 = tpu.vector_load %arg10[%parallel_loop3A_434, %parallel_loop3A_435, %parallel_loop3A_436] {strides = array<i32>} : memref<4x40x128xf32, #tpu.memory_space<vmem>>, vector<1x1x16xf32>,
      %parallel_loop3A_438 = vector.shape_cast %parallel_loop3A_437 : vector<1x1x16xf32> to vector<16xf32>
      %parallel_loop3A_439 = arith.addf %parallel_loop3A_432, %parallel_loop3A_438 : vector<16xf32>
      %parallel_loop3A_440 = arith.constant 0.000000e+00 : f32
      %parallel_loop3A_441 = vector.broadcast %parallel_loop3A_440 : f32 to vector<16xf32>
      %parallel_loop3A_442 = arith.maximumf %parallel_loop3A_439, %parallel_loop3A_441 : vector<16xf32>
      %parallel_loop3A_443 = arith.constant 1 : i32
      %parallel_loop3A_444 = arith.index_cast %parallel_loop3A_443 : i32 to index
      %parallel_loop3A_445 = arith.index_cast %parallel_loop3A_357 : i32 to index
      %parallel_loop3A_446 = arith.constant 48 : index
      %parallel_loop3A_447 = tpu.vector_load %arg9[%parallel_loop3A_444, %parallel_loop3A_445, %parallel_loop3A_446] {strides = array<i32>} : memref<4x40x128xf32, #tpu.memory_space<vmem>>, vector<1x1x16xf32>,
      %parallel_loop3A_448 = vector.shape_cast %parallel_loop3A_447 : vector<1x1x16xf32> to vector<16xf32>
      %parallel_loop3A_449 = vector.shape_cast %parallel_loop3A_442 : vector<16xf32> to vector<1x1x16xf32>
      tpu.vector_store %arg9[%parallel_loop3A_444, %parallel_loop3A_445, %parallel_loop3A_446], %parallel_loop3A_449 {strides = array<i32>} : memref<4x40x128xf32, #tpu.memory_space<vmem>>, vector<1x1x16xf32>,
      %parallel_loop3A_450 = arith.constant 1 : i32
      %parallel_loop3A_451 = arith.index_cast %parallel_loop3A_450 : i32 to index
      %parallel_loop3A_452 = arith.index_cast %parallel_loop3A_357 : i32 to index
      %parallel_loop3A_453 = arith.constant 64 : index
      %parallel_loop3A_454 = tpu.vector_load %arg9[%parallel_loop3A_451, %parallel_loop3A_452, %parallel_loop3A_453] {strides = array<i32>} : memref<4x40x128xf32, #tpu.memory_space<vmem>>, vector<1x1x16xf32>,
      %parallel_loop3A_455 = vector.shape_cast %parallel_loop3A_454 : vector<1x1x16xf32> to vector<16xf32>
      %parallel_loop3A_456 = arith.constant 1 : i32
      %parallel_loop3A_457 = arith.index_cast %parallel_loop3A_456 : i32 to index
      %parallel_loop3A_458 = arith.index_cast %parallel_loop3A_357 : i32 to index
      %parallel_loop3A_459 = arith.constant 64 : index
      %parallel_loop3A_460 = tpu.vector_load %arg10[%parallel_loop3A_457, %parallel_loop3A_458, %parallel_loop3A_459] {strides = array<i32>} : memref<4x40x128xf32, #tpu.memory_space<vmem>>, vector<1x1x16xf32>,
      %parallel_loop3A_461 = vector.shape_cast %parallel_loop3A_460 : vector<1x1x16xf32> to vector<16xf32>
      %parallel_loop3A_462 = arith.addf %parallel_loop3A_455, %parallel_loop3A_461 : vector<16xf32>
      %parallel_loop3A_463 = arith.constant 0.000000e+00 : f32
      %parallel_loop3A_464 = vector.broadcast %parallel_loop3A_463 : f32 to vector<16xf32>
      %parallel_loop3A_465 = arith.maximumf %parallel_loop3A_462, %parallel_loop3A_464 : vector<16xf32>
      %parallel_loop3A_466 = arith.constant 1 : i32
      %parallel_loop3A_467 = arith.index_cast %parallel_loop3A_466 : i32 to index
      %parallel_loop3A_468 = arith.index_cast %parallel_loop3A_357 : i32 to index
      %parallel_loop3A_469 = arith.constant 64 : index
      %parallel_loop3A_470 = tpu.vector_load %arg9[%parallel_loop3A_467, %parallel_loop3A_468, %parallel_loop3A_469] {strides = array<i32>} : memref<4x40x128xf32, #tpu.memory_space<vmem>>, vector<1x1x16xf32>,
      %parallel_loop3A_471 = vector.shape_cast %parallel_loop3A_470 : vector<1x1x16xf32> to vector<16xf32>
      %parallel_loop3A_472 = vector.shape_cast %parallel_loop3A_465 : vector<16xf32> to vector<1x1x16xf32>
      tpu.vector_store %arg9[%parallel_loop3A_467, %parallel_loop3A_468, %parallel_loop3A_469], %parallel_loop3A_472 {strides = array<i32>} : memref<4x40x128xf32, #tpu.memory_space<vmem>>, vector<1x1x16xf32>,
      %parallel_loop3A_473 = arith.constant 1 : i32
      %parallel_loop3A_474 = arith.index_cast %parallel_loop3A_473 : i32 to index
      %parallel_loop3A_475 = arith.index_cast %parallel_loop3A_357 : i32 to index
      %parallel_loop3A_476 = arith.constant 80 : index
      %parallel_loop3A_477 = tpu.vector_load %arg9[%parallel_loop3A_474, %parallel_loop3A_475, %parallel_loop3A_476] {strides = array<i32>} : memref<4x40x128xf32, #tpu.memory_space<vmem>>, vector<1x1x16xf32>,
      %parallel_loop3A_478 = vector.shape_cast %parallel_loop3A_477 : vector<1x1x16xf32> to vector<16xf32>
      %parallel_loop3A_479 = arith.constant 1 : i32
      %parallel_loop3A_480 = arith.index_cast %parallel_loop3A_479 : i32 to index
      %parallel_loop3A_481 = arith.index_cast %parallel_loop3A_357 : i32 to index
      %parallel_loop3A_482 = arith.constant 80 : index
      %parallel_loop3A_483 = tpu.vector_load %arg10[%parallel_loop3A_480, %parallel_loop3A_481, %parallel_loop3A_482] {strides = array<i32>} : memref<4x40x128xf32, #tpu.memory_space<vmem>>, vector<1x1x16xf32>,
      %parallel_loop3A_484 = vector.shape_cast %parallel_loop3A_483 : vector<1x1x16xf32> to vector<16xf32>
      %parallel_loop3A_485 = arith.addf %parallel_loop3A_478, %parallel_loop3A_484 : vector<16xf32>
      %parallel_loop3A_486 = arith.constant 0.000000e+00 : f32
      %parallel_loop3A_487 = vector.broadcast %parallel_loop3A_486 : f32 to vector<16xf32>
      %parallel_loop3A_488 = arith.maximumf %parallel_loop3A_485, %parallel_loop3A_487 : vector<16xf32>
      %parallel_loop3A_489 = arith.constant 1 : i32
      %parallel_loop3A_490 = arith.index_cast %parallel_loop3A_489 : i32 to index
      %parallel_loop3A_491 = arith.index_cast %parallel_loop3A_357 : i32 to index
      %parallel_loop3A_492 = arith.constant 80 : index
      %parallel_loop3A_493 = tpu.vector_load %arg9[%parallel_loop3A_490, %parallel_loop3A_491, %parallel_loop3A_492] {strides = array<i32>} : memref<4x40x128xf32, #tpu.memory_space<vmem>>, vector<1x1x16xf32>,
      %parallel_loop3A_494 = vector.shape_cast %parallel_loop3A_493 : vector<1x1x16xf32> to vector<16xf32>
      %parallel_loop3A_495 = vector.shape_cast %parallel_loop3A_488 : vector<16xf32> to vector<1x1x16xf32>
      tpu.vector_store %arg9[%parallel_loop3A_490, %parallel_loop3A_491, %parallel_loop3A_492], %parallel_loop3A_495 {strides = array<i32>} : memref<4x40x128xf32, #tpu.memory_space<vmem>>, vector<1x1x16xf32>,
      %parallel_loop3A_496 = arith.constant 1 : i32
      %parallel_loop3A_497 = arith.index_cast %parallel_loop3A_496 : i32 to index
      %parallel_loop3A_498 = arith.index_cast %parallel_loop3A_357 : i32 to index
      %parallel_loop3A_499 = arith.constant 96 : index
      %parallel_loop3A_500 = tpu.vector_load %arg9[%parallel_loop3A_497, %parallel_loop3A_498, %parallel_loop3A_499] {strides = array<i32>} : memref<4x40x128xf32, #tpu.memory_space<vmem>>, vector<1x1x16xf32>,
      %parallel_loop3A_501 = vector.shape_cast %parallel_loop3A_500 : vector<1x1x16xf32> to vector<16xf32>
      %parallel_loop3A_502 = arith.constant 1 : i32
      %parallel_loop3A_503 = arith.index_cast %parallel_loop3A_502 : i32 to index
      %parallel_loop3A_504 = arith.index_cast %parallel_loop3A_357 : i32 to index
      %parallel_loop3A_505 = arith.constant 96 : index
      %parallel_loop3A_506 = tpu.vector_load %arg10[%parallel_loop3A_503, %parallel_loop3A_504, %parallel_loop3A_505] {strides = array<i32>} : memref<4x40x128xf32, #tpu.memory_space<vmem>>, vector<1x1x16xf32>,
      %parallel_loop3A_507 = vector.shape_cast %parallel_loop3A_506 : vector<1x1x16xf32> to vector<16xf32>
      %parallel_loop3A_508 = arith.addf %parallel_loop3A_501, %parallel_loop3A_507 : vector<16xf32>
      %parallel_loop3A_509 = arith.constant 0.000000e+00 : f32
      %parallel_loop3A_510 = vector.broadcast %parallel_loop3A_509 : f32 to vector<16xf32>
      %parallel_loop3A_511 = arith.maximumf %parallel_loop3A_508, %parallel_loop3A_510 : vector<16xf32>
      %parallel_loop3A_512 = arith.constant 1 : i32
      %parallel_loop3A_513 = arith.index_cast %parallel_loop3A_512 : i32 to index
      %parallel_loop3A_514 = arith.index_cast %parallel_loop3A_357 : i32 to index
      %parallel_loop3A_515 = arith.constant 96 : index
      %parallel_loop3A_516 = tpu.vector_load %arg9[%parallel_loop3A_513, %parallel_loop3A_514, %parallel_loop3A_515] {strides = array<i32>} : memref<4x40x128xf32, #tpu.memory_space<vmem>>, vector<1x1x16xf32>,
      %parallel_loop3A_517 = vector.shape_cast %parallel_loop3A_516 : vector<1x1x16xf32> to vector<16xf32>
      %parallel_loop3A_518 = vector.shape_cast %parallel_loop3A_511 : vector<16xf32> to vector<1x1x16xf32>
      tpu.vector_store %arg9[%parallel_loop3A_513, %parallel_loop3A_514, %parallel_loop3A_515], %parallel_loop3A_518 {strides = array<i32>} : memref<4x40x128xf32, #tpu.memory_space<vmem>>, vector<1x1x16xf32>,
      %parallel_loop3A_519 = arith.constant 1 : i32
      %parallel_loop3A_520 = arith.index_cast %parallel_loop3A_519 : i32 to index
      %parallel_loop3A_521 = arith.index_cast %parallel_loop3A_357 : i32 to index
      %parallel_loop3A_522 = arith.constant 112 : index
      %parallel_loop3A_523 = tpu.vector_load %arg9[%parallel_loop3A_520, %parallel_loop3A_521, %parallel_loop3A_522] {strides = array<i32>} : memref<4x40x128xf32, #tpu.memory_space<vmem>>, vector<1x1x16xf32>,
      %parallel_loop3A_524 = vector.shape_cast %parallel_loop3A_523 : vector<1x1x16xf32> to vector<16xf32>
      %parallel_loop3A_525 = arith.constant 1 : i32
      %parallel_loop3A_526 = arith.index_cast %parallel_loop3A_525 : i32 to index
      %parallel_loop3A_527 = arith.index_cast %parallel_loop3A_357 : i32 to index
      %parallel_loop3A_528 = arith.constant 112 : index
      %parallel_loop3A_529 = tpu.vector_load %arg10[%parallel_loop3A_526, %parallel_loop3A_527, %parallel_loop3A_528] {strides = array<i32>} : memref<4x40x128xf32, #tpu.memory_space<vmem>>, vector<1x1x16xf32>,
      %parallel_loop3A_530 = vector.shape_cast %parallel_loop3A_529 : vector<1x1x16xf32> to vector<16xf32>
      %parallel_loop3A_531 = arith.addf %parallel_loop3A_524, %parallel_loop3A_530 : vector<16xf32>
      %parallel_loop3A_532 = arith.constant 0.000000e+00 : f32
      %parallel_loop3A_533 = vector.broadcast %parallel_loop3A_532 : f32 to vector<16xf32>
      %parallel_loop3A_534 = arith.maximumf %parallel_loop3A_531, %parallel_loop3A_533 : vector<16xf32>
      %parallel_loop3A_535 = arith.constant 1 : i32
      %parallel_loop3A_536 = arith.index_cast %parallel_loop3A_535 : i32 to index
      %parallel_loop3A_537 = arith.index_cast %parallel_loop3A_357 : i32 to index
      %parallel_loop3A_538 = arith.constant 112 : index
      %parallel_loop3A_539 = tpu.vector_load %arg9[%parallel_loop3A_536, %parallel_loop3A_537, %parallel_loop3A_538] {strides = array<i32>} : memref<4x40x128xf32, #tpu.memory_space<vmem>>, vector<1x1x16xf32>,
      %parallel_loop3A_540 = vector.shape_cast %parallel_loop3A_539 : vector<1x1x16xf32> to vector<16xf32>
      %parallel_loop3A_541 = vector.shape_cast %parallel_loop3A_534 : vector<16xf32> to vector<1x1x16xf32>
      tpu.vector_store %arg9[%parallel_loop3A_536, %parallel_loop3A_537, %parallel_loop3A_538], %parallel_loop3A_541 {strides = array<i32>} : memref<4x40x128xf32, #tpu.memory_space<vmem>>, vector<1x1x16xf32>,
    } {sc.loop_unroll_factor = 4 : i64, sc.parallel_access}
    %dma_start3A_299 = arith.constant 1 : i32
    %dma_start3A_300 = arith.constant 1 : i32
    %dma_start3A_301 = arith.constant 1 : i32
    %dma_start3A_302 = arith.constant 0 : i32
    %dma_start3A_303 = arith.constant 0 : i32
    %dma_start3A_304 = tpu.memref_slice %arg9[%dma_start3A_299, %dma_start3A_302, %dma_start3A_303] : memref<4x40x128xf32, #tpu.memory_space<vmem>> -> memref<1x40x128xf32, #tpu.memory_space<vmem>>
    %dma_start3A_305 = tpu.memref_squeeze %dma_start3A_304 : memref<1x40x128xf32, #tpu.memory_space<vmem>> -> memref<40x128xf32, #tpu.memory_space<vmem>>
    %dma_start3A_306 = arith.constant 0 : i32
    %dma_start3A_307 = tpu.memref_slice %arg8[%dma_start3A_300, %dma_start3A_306] : memref<4x40xi32, #tpu.memory_space<vmem>> -> memref<1x40xi32, #tpu.memory_space<vmem>>
    %dma_start3A_308 = tpu.memref_squeeze %dma_start3A_307 : memref<1x40xi32, #tpu.memory_space<vmem>> -> memref<40xi32, #tpu.memory_space<vmem>>
    %dma_start3A_309 = arith.constant 0 : i32
    %dma_start3A_310 = arith.constant 0 : i32
    %dma_start3A_311 = tpu.memref_slice %arg11[%dma_start3A_309, %dma_start3A_310] : memref<10000x128xf32, #tpu.memory_space<vmem_shared>> -> memref<10000x128xf32, #tpu.memory_space<vmem_shared>>
    %dma_start3A_312 = tpu.memref_slice %arg14[%dma_start3A_301] : memref<4x!tpu.dma_semaphore, #tpu.memory_space<semaphore_mem>> -> memref<1x!tpu.dma_semaphore, #tpu.memory_space<semaphore_mem>>
    %dma_start3A_313 = tpu.memref_squeeze %dma_start3A_312 : memref<1x!tpu.dma_semaphore, #tpu.memory_space<semaphore_mem>> -> memref<!tpu.dma_semaphore, #tpu.memory_space<semaphore_mem>>
    tpu.enqueue_indirect_dma source(%dma_start3A_305 : memref<40x128xf32, #tpu.memory_space<vmem>>) target(%dma_start3A_311 : memref<10000x128xf32, #tpu.memory_space<vmem_shared>>) offsets(%dma_start3A_308 : memref<40xi32, #tpu.memory_space<vmem>>) semaphore(%dma_start3A_313 : memref<!tpu.dma_semaphore, #tpu.memory_space<semaphore_mem>>) {add = true}
    %dma_wait3A_314 = arith.constant 0 : i32
    %dma_wait3A_315 = arith.constant 0 : i32
    %dma_wait3A_316 = arith.constant 0 : i32
    %dma_wait3A_317 = arith.constant 0 : i32
    %dma_wait3A_318 = arith.constant 0 : i32
    %dma_wait3A_319 = tpu.memref_slice %arg9[%dma_wait3A_314, %dma_wait3A_317, %dma_wait3A_318] : memref<4x40x128xf32, #tpu.memory_space<vmem>> -> memref<1x40x128xf32, #tpu.memory_space<vmem>>
    %dma_wait3A_320 = tpu.memref_squeeze %dma_wait3A_319 : memref<1x40x128xf32, #tpu.memory_space<vmem>> -> memref<40x128xf32, #tpu.memory_space<vmem>>
    %dma_wait3A_321 = arith.constant 0 : i32
    %dma_wait3A_322 = tpu.memref_slice %arg8[%dma_wait3A_315, %dma_wait3A_321] : memref<4x40xi32, #tpu.memory_space<vmem>> -> memref<1x40xi32, #tpu.memory_space<vmem>>
    %dma_wait3A_323 = tpu.memref_squeeze %dma_wait3A_322 : memref<1x40xi32, #tpu.memory_space<vmem>> -> memref<40xi32, #tpu.memory_space<vmem>>
    %dma_wait3A_324 = arith.constant 0 : i32
    %dma_wait3A_325 = arith.constant 0 : i32
    %dma_wait3A_326 = tpu.memref_slice %arg11[%dma_wait3A_324, %dma_wait3A_325] : memref<10000x128xf32, #tpu.memory_space<vmem_shared>> -> memref<10000x128xf32, #tpu.memory_space<vmem_shared>>
    %dma_wait3A_327 = tpu.memref_slice %arg14[%dma_wait3A_316] : memref<4x!tpu.dma_semaphore, #tpu.memory_space<semaphore_mem>> -> memref<1x!tpu.dma_semaphore, #tpu.memory_space<semaphore_mem>>
    %dma_wait3A_328 = tpu.memref_squeeze %dma_wait3A_327 : memref<1x!tpu.dma_semaphore, #tpu.memory_space<semaphore_mem>> -> memref<!tpu.dma_semaphore, #tpu.memory_space<semaphore_mem>>
    tpu.wait_indirect_dma semaphore(%dma_wait3A_328 : memref<!tpu.dma_semaphore, #tpu.memory_space<semaphore_mem>>) src(%dma_wait3A_320 : memref<40x128xf32, #tpu.memory_space<vmem>>) dst(%dma_wait3A_326 : memref<10000x128xf32, #tpu.memory_space<vmem_shared>>)
    %dma_wait3A_329 = arith.constant 1 : i32
    %dma_wait3A_330 = arith.constant 1 : i32
    %dma_wait3A_331 = arith.constant 1 : i32
    %dma_wait3A_332 = arith.constant 0 : i32
    %dma_wait3A_333 = arith.constant 0 : i32
    %dma_wait3A_334 = tpu.memref_slice %arg9[%dma_wait3A_329, %dma_wait3A_332, %dma_wait3A_333] : memref<4x40x128xf32, #tpu.memory_space<vmem>> -> memref<1x40x128xf32, #tpu.memory_space<vmem>>
    %dma_wait3A_335 = tpu.memref_squeeze %dma_wait3A_334 : memref<1x40x128xf32, #tpu.memory_space<vmem>> -> memref<40x128xf32, #tpu.memory_space<vmem>>
    %dma_wait3A_336 = arith.constant 0 : i32
    %dma_wait3A_337 = tpu.memref_slice %arg8[%dma_wait3A_330, %dma_wait3A_336] : memref<4x40xi32, #tpu.memory_space<vmem>> -> memref<1x40xi32, #tpu.memory_space<vmem>>
    %dma_wait3A_338 = tpu.memref_squeeze %dma_wait3A_337 : memref<1x40xi32, #tpu.memory_space<vmem>> -> memref<40xi32, #tpu.memory_space<vmem>>
    %dma_wait3A_339 = arith.constant 0 : i32
    %dma_wait3A_340 = arith.constant 0 : i32
    %dma_wait3A_341 = tpu.memref_slice %arg11[%dma_wait3A_339, %dma_wait3A_340] : memref<10000x128xf32, #tpu.memory_space<vmem_shared>> -> memref<10000x128xf32, #tpu.memory_space<vmem_shared>>
    %dma_wait3A_342 = tpu.memref_slice %arg14[%dma_wait3A_331] : memref<4x!tpu.dma_semaphore, #tpu.memory_space<semaphore_mem>> -> memref<1x!tpu.dma_semaphore, #tpu.memory_space<semaphore_mem>>
    %dma_wait3A_343 = tpu.memref_squeeze %dma_wait3A_342 : memref<1x!tpu.dma_semaphore, #tpu.memory_space<semaphore_mem>> -> memref<!tpu.dma_semaphore, #tpu.memory_space<semaphore_mem>>
    tpu.wait_indirect_dma semaphore(%dma_wait3A_343 : memref<!tpu.dma_semaphore, #tpu.memory_space<semaphore_mem>>) src(%dma_wait3A_335 : memref<40x128xf32, #tpu.memory_space<vmem>>) dst(%dma_wait3A_341 : memref<10000x128xf32, #tpu.memory_space<vmem_shared>>)
    %barrier3A_344 = arith.constant 0 : index
    tpu.barrier barrier_id(%barrier3A_344)
    %mul3A_345 = arith.constant 624 : i32
    %mul3A_346 = arith.muli %arg1, %mul3A_345 : i32
    %mul3A_347 = arith.constant 10000 : i32
    %mul3A_348 = arith.muli %arg0, %mul3A_347 : i32
    %mul3A_349 = arith.constant 624 : i32
    %mul3A_350 = arith.muli %arg1, %mul3A_349 : i32
    %add3A_351 = arith.addi %mul3A_348, %mul3A_350 : i32
    "tpu.region"() ({
      %run_scoped3A_357 = tpu.sem_alloc : memref<!tpu.dma_semaphore, #tpu.memory_space<semaphore_mem>>
      %dma_start3A_358 = arith.constant 0 : i32
      %dma_start3A_359 = tpu.memref_slice %arg6[%add3A_351, %dma_start3A_358] : memref<20000x128xf32, #tpu.memory_space<hbm>> -> memref<624x128xf32, #tpu.memory_space<hbm>>
      %dma_start3A_360 = arith.constant 0 : i32
      %dma_start3A_361 = tpu.memref_slice %arg11[%mul3A_346, %dma_start3A_360] : memref<10000x128xf32, #tpu.memory_space<vmem_shared>> -> memref<624x128xf32, #tpu.memory_space<vmem_shared>>
      tpu.enqueue_dma source(%dma_start3A_361 : memref<624x128xf32, #tpu.memory_space<vmem_shared>>) target(%dma_start3A_359 : memref<624x128xf32, #tpu.memory_space<hbm>>) target_semaphore(%run_scoped3A_357 : memref<!tpu.dma_semaphore, #tpu.memory_space<semaphore_mem>>)
      %dma_wait3A_362 = arith.constant 0 : i32
      %dma_wait3A_363 = tpu.memref_slice %arg6[%add3A_351, %dma_wait3A_362] : memref<20000x128xf32, #tpu.memory_space<hbm>> -> memref<624x128xf32, #tpu.memory_space<hbm>>
      %dma_wait3A_364 = arith.constant 0 : i32
      %dma_wait3A_365 = tpu.memref_slice %arg11[%mul3A_346, %dma_wait3A_364] : memref<10000x128xf32, #tpu.memory_space<vmem_shared>> -> memref<624x128xf32, #tpu.memory_space<vmem_shared>>
      tpu.wait_dma2 semaphore(%run_scoped3A_357 : memref<!tpu.dma_semaphore, #tpu.memory_space<semaphore_mem>>) src(%dma_wait3A_365 : memref<624x128xf32, #tpu.memory_space<vmem_shared>>) dst(%dma_wait3A_363 : memref<624x128xf32, #tpu.memory_space<hbm>>)
      tpu.yield
    }) : () -> ()
    %eq3A_352 = arith.constant 15 : i32
    %eq3A_353 = arith.cmpi eq, %arg1, %eq3A_352 : i32
    %convert_element_type3A_354 = arith.extui %eq3A_353 : i1 to i32
    %cond3A_355 = arith.constant 0 : i32
    %cond3A_356 = arith.cmpi ne, %convert_element_type3A_354, %cond3A_355 : i32
    scf.if %cond3A_356 {
      %mul3A_357 = arith.constant 10000 : i32
      %mul3A_358 = arith.muli %arg0, %mul3A_357 : i32
      %add3A_359 = arith.constant 9984 : i32
      %add3A_360 = arith.addi %mul3A_358, %add3A_359 : i32
      "tpu.region"() ({
        %run_scoped3A_361 = tpu.sem_alloc : memref<!tpu.dma_semaphore, #tpu.memory_space<semaphore_mem>>
        %dma_start3A_362 = arith.constant 0 : i32
        %dma_start3A_363 = tpu.memref_slice %arg6[%add3A_360, %dma_start3A_362] : memref<20000x128xf32, #tpu.memory_space<hbm>> -> memref<16x128xf32, #tpu.memory_space<hbm>>
        %dma_start3A_364 = arith.constant 9984 : i32
        %dma_start3A_365 = arith.constant 0 : i32
        %dma_start3A_366 = tpu.memref_slice %arg11[%dma_start3A_364, %dma_start3A_365] : memref<10000x128xf32, #tpu.memory_space<vmem_shared>> -> memref<16x128xf32, #tpu.memory_space<vmem_shared>>
        tpu.enqueue_dma source(%dma_start3A_366 : memref<16x128xf32, #tpu.memory_space<vmem_shared>>) target(%dma_start3A_363 : memref<16x128xf32, #tpu.memory_space<hbm>>) target_semaphore(%run_scoped3A_361 : memref<!tpu.dma_semaphore, #tpu.memory_space<semaphore_mem>>)
        %dma_wait3A_367 = arith.constant 0 : i32
        %dma_wait3A_368 = tpu.memref_slice %arg6[%add3A_360, %dma_wait3A_367] : memref<20000x128xf32, #tpu.memory_space<hbm>> -> memref<16x128xf32, #tpu.memory_space<hbm>>
        %dma_wait3A_369 = arith.constant 9984 : i32
        %dma_wait3A_370 = arith.constant 0 : i32
        %dma_wait3A_371 = tpu.memref_slice %arg11[%dma_wait3A_369, %dma_wait3A_370] : memref<10000x128xf32, #tpu.memory_space<vmem_shared>> -> memref<16x128xf32, #tpu.memory_space<vmem_shared>>
        tpu.wait_dma2 semaphore(%run_scoped3A_361 : memref<!tpu.dma_semaphore, #tpu.memory_space<semaphore_mem>>) src(%dma_wait3A_371 : memref<16x128xf32, #tpu.memory_space<vmem_shared>>) dst(%dma_wait3A_368 : memref<16x128xf32, #tpu.memory_space<hbm>>)
        tpu.yield
      }) : () -> ()
    } else {
    }
    return
  }
}

</mosaic_0001>

<sc_bundles>
// kernel: _sc_edge_phase.3.cloned.1.call-start
scs
__scs_entry_jumppad:
0x0: {  	(pc) =	sbr.rel $0x88, $3  }
0x1: {  	(tag) =	ssettag $0x0;
	lr =	simm.s32 $0x1  }
0x2: {  	[smem:$0x3F9E] =	sst lr;
	_ =	strace $0xD0000000  }
0x3: {  	_ = 	snop  }
0x4: {  	_ = 	snop  }
0x5: {  	_ = 	snop  }
0x6: {  	_ = 	snop  }
0x7: {  	_ = 	snop  }
__scs_overlays_trampoline_lowered:
0x8: {  	[smem:$0x3FAD] =	sst s0  }
0x9: {  	[smem:$0x3FAE] =	sst s1  }
0xa: {  	[smem:$0x3FAF] =	sst s2  }
0xb: {  	[smem:$0x3FB0] =	sst s3  }
0xc: {  	[smem:$0x3FB1] =	sst s4  }
0xd: {  	[smem:$0x3FB2] =	sst s5  }
0xe: {  	[smem:$0x3FB3] =	sst s6  }
0xf: {  	[smem:$0x3FB4] =	sst s7  }
0x10: {  	[smem:$0x3FB5] =	sst s8  }
0x11: {  	[smem:$0x3FB6] =	sst s9;
	s0 =	simm.s32 @!p0 $0x0  }
0x12: {  	s1 =	sld [smem:$0x3F9C];
	s0 =	simm.s32 @p0 $0x1  }
0x13: {  	[smem:$0x3FB7] =	sst s0;
	s0 =	simm.s32 @!p1 $0x0  }
0x14: {  	s2 =	sld [smem:$0x3F9B];
	s0 =	simm.s32 @p1 $0x1  }
0x15: {  	[smem:$0x3FB8] =	sst s0;
	s0 =	simm.s32 @!p2 $0x0  }
0x16: {  	s3 =	sld [smem:$0x3FDB];
	s0 =	simm.s32 @p2 $0x1  }
0x17: {  	s4 =	simm.s32 $0x1BF5;
	[smem:$0x3FBA] =	sst s0  }
0x18: {  	s0 =	sld [smem:$0x3F9D];
	_ =	swait.ge [sflag:s4], $0x0  }
0x19: {  	s7 =	sld [smem:$0x3F9E]  }
0x1a: {  	s8 =	sadd.s32 $0xFFFFE003, lr  }
0x1b: {  	s9 =	sadd.s32 $0xFFFFFEF7, lr;
	s5 =	simm.s32 $0xFFFFFFFF;
	p2 =	slt.u32 s8, $0xFFFFF086  }
0x1c: {  	p1 =	slt.u32 s9, $0xF7A;
	s5 =	simm.s32 @!p2 $0x0  }
0x1d: {  	s5 =	simm.s32 @p1 $0x1;
	p0 =	seq.s32 s7, s2  }
0x1e: {  	s7 =	smul.u32 @!p0 $0xF7A, s2;
	p2 =	seq.s32 @!p0 s5, $0x0  }
0x1f: {  	s9 =	smul.u32 $0xF7A, s1;
	s8 =	simm.s32 @!p0 $0x1BF5;
	p2 =	por !p2, p0  }
0x20: {  	[sflag:s8] =	ssyncset.s32 @!p0 $0xFFFFF086;
	s6 =	sadd.s32 @!p0 s3, s7;
	s7 =	simm.s32 @!p0 $0x108  }
0x21: {  	s3 =	sadd.s32 s3, s9;
	s6 =	sadd.s32 @!p0 $0x88, s6;
	s7 =	simm.s32 @p2 $0x1082  }
0x22: {  	[simem:s7], [sflag:s8] =	dma.local @!p0 [hbm:s6], $0xF7A  }
0x23: {  	s9 =	sor.u32 $0xD0000000, s2;
	s6 =	simm.s32 $0x108;
	_ =	swait.ge @!p0 [sflag:s8], $0x0  }
0x24: {  	s3 =	sadd.s32 $0x88, s3;
	s6 =	simm.s32 @!p1 $0x1082;
	[sflag:s4] =	ssyncset.s32 $0xFFFFF086  }
0x25: {  	[simem:s6], [sflag:s4] =	dma.local [hbm:s3], $0xF7A  }
0x26: {  	[smem:$0x3F9E] =	sst s1;
	(tag) =	ssettag s2;
	_ =	strace s9  }
0x27: {  	s1 =	sld [smem:$0x3FAE]  }
0x28: {  	s2 =	sld [smem:$0x3FAF]  }
0x29: {  	s4 =	sld [smem:$0x3FB1]  }
0x2a: {  	p0 =	seq.s32 s5, $0x0;
	s5 =	sld [smem:$0x3FB2]  }
0x2b: {  	s6 =	sld [smem:$0x3FB3]  }
0x2c: {  	s7 =	sld [smem:$0x3FB4]  }
0x2d: {  	s3 =	simm.s32 $0x108;
	s8 =	sld [smem:$0x3FB5]  }
0x2e: {  	s3 =	simm.s32 @!p0 $0x1082;
	s9 =	sld [smem:$0x3FB6]  }
0x2f: {  	lr =	sadd.s32 s0, s3;
	s0 =	sld [smem:$0x3FAD]  }
0x30: {  	s3 =	sld [smem:$0x3FB0]  }
0x31: {  	[smem:$0x3FB9] =	sst s10  }
0x32: {  	s10 =	sld [smem:$0x3FB7];
	_ =	sdelay $0x3  }
0x33: {  	p0 =	seq.s32 s10, $0x1;
	s10 =	sld [smem:$0x3FB9];
	_ =	sdelay $0x3  }
0x34: {  	[smem:$0x3FB9] =	sst s10  }
0x35: {  	s10 =	sld [smem:$0x3FB8];
	_ =	sdelay $0x3  }
0x36: {  	p1 =	seq.s32 s10, $0x1;
	s10 =	sld [smem:$0x3FB9];
	_ =	sdelay $0x3  }
0x37: {  	[smem:$0x3FB9] =	sst s10  }
0x38: {  	s10 =	sld [smem:$0x3FBA]  }
0x39: {  	_ = 	snop;
	(pc) =	sbr.ind lr, $3  }
0x3a: {  	_ = 	snop  }
0x3b: {  	_ = 	snop  }
0x3c: {  	p2 =	seq.s32 s10, $0x1;
	s10 =	sld [smem:$0x3FB9]  }
0x3d: {  	_ =	shalt  }
0x3e: {  	_ =	shalt  }
0x3f: {  	_ =	shalt  }
0x40: {  	_ =	shalt  }
0x41: {  	_ =	shalt  }
0x42: {  	_ =	shalt  }
0x43: {  	_ =	shalt  }
0x44: {  	_ =	shalt  }
0x45: {  	_ =	shalt  }
0x46: {  	_ =	shalt  }
0x47: {  	_ =	shalt  }
0x48: {  	_ =	shalt  }
0x49: {  	_ =	shalt  }
0x4a: {  	_ =	shalt  }
0x4b: {  	_ =	shalt  }
0x4c: {  	_ =	shalt  }
0x4d: {  	_ =	shalt  }
0x4e: {  	_ =	shalt  }
0x4f: {  	_ =	shalt  }
0x50: {  	_ =	shalt  }
0x51: {  	_ =	shalt  }
0x52: {  	_ =	shalt  }
0x53: {  	_ =	shalt  }
0x54: {  	_ =	shalt  }
0x55: {  	_ =	shalt  }
0x56: {  	_ =	shalt  }
0x57: {  	_ =	shalt  }
0x58: {  	_ =	shalt  }
0x59: {  	_ =	shalt  }
0x5a: {  	_ =	shalt  }
0x5b: {  	_ =	shalt  }
0x5c: {  	_ =	shalt  }
0x5d: {  	_ =	shalt  }
0x5e: {  	_ =	shalt  }
0x5f: {  	_ =	shalt  }
0x60: {  	_ =	shalt  }
0x61: {  	_ =	shalt  }
0x62: {  	_ =	shalt  }
0x63: {  	_ =	shalt  }
0x64: {  	_ =	shalt  }
0x65: {  	_ =	shalt  }
0x66: {  	_ =	shalt  }
0x67: {  	_ =	shalt  }
0x68: {  	_ =	shalt  }
0x69: {  	_ =	shalt  }
0x6a: {  	_ =	shalt  }
0x6b: {  	_ =	shalt  }
0x6c: {  	_ =	shalt  }
0x6d: {  	_ =	shalt  }
0x6e: {  	_ =	shalt  }
0x6f: {  	_ =	shalt  }
0x70: {  	_ =	shalt  }
0x71: {  	_ =	shalt  }
0x72: {  	_ =	shalt  }
0x73: {  	_ =	shalt  }
0x74: {  	_ =	shalt  }
0x75: {  	_ =	shalt  }
0x76: {  	_ =	shalt  }
0x77: {  	_ =	shalt  }
0x78: {  	_ =	shalt  }
0x79: {  	_ =	shalt  }
0x7a: {  	_ =	shalt  }
0x7b: {  	_ =	shalt  }
0x7c: {  	_ =	shalt  }
0x7d: {  	_ =	shalt  }
0x7e: {  	_ =	shalt  }
0x7f: {  	_ =	shalt  }
0x80: {  	_ =	shalt  }
0x81: {  	_ =	shalt  }
0x82: {  	_ =	shalt  }
0x83: {  	_ =	shalt  }
0x84: {  	_ =	shalt  }
0x85: {  	_ =	shalt  }
0x86: {  	_ =	shalt  }
0x87: {  	_ =	shalt  }
.Lfunc_end0:
.L_simem_size_0:
called_computation_lowered:
.L_overlay_start_0:
0x88: {  	s2 =	sld [smem:$0x3FD9]  }
0x89: {  	s3 =	sld [smem:$0x3FFE];
	_ =	sdelay $0x1  }
0x8a: {  	s1 =	srdreg.scid  }
0x8b: {  	s0 =	sand.u32 $0x1, s1  }
0x8c: {  	s17 =	sshll.u32 s0, $0xA;
	s2 =	sadd.s32 s3, s2  }
0x8d: {  	s2 =	sadd.s32 s2, s17  }
0x8e: {  	[smem:$0x3FC5] =	sst s2  }
0x8f: {  	_ = 	snop  }
0x90: {  	s2 =	sld [smem:$0x3FC9]  }
0x91: {  	s18 =	sld [smem:$0x3FC8]  }
0x92: {  	s4 =	sld [smem:$0x3FD0];
	(tm) =	ssettm $0x1  }
0x93: {  	s5 =	sld [smem:$0x3FFB];
	_ =	sdelay $0x3  }
0x94: {  	_ =	strace s5  }
0x95: {  	s5 =	sld [smem:$0x3FFC];
	_ =	sdelay $0x3  }
0x96: {  	_ =	strace s5  }
0x97: {  	s5 =	sld [smem:$0x3FFD];
	_ =	sdelay $0x3  }
0x98: {  	_ =	strace s5  }
0x99: {  	_ =	strace $0x8FFFFFFF  }
0x9a: {  	s19 =	sld [smem:$0x3FDB];
	_ =	sdelay $0x1  }
0x9b: {  	s6 =	simm.s32 $_scs_section_size  }
0x9c: {  	s7 =	simm.s32 $_size__tile_overlayer_lowered;
	s8 =	simm.s32 $_tile_overlayer_lowered  }
0x9d: {  	s22 =	simm.s32 $0x1BFF;
	s21 =	sshll.u32 s8, $0x1;
	s5 =	sadd.s32 s6, s19  }
0x9e: {  	s9 =	simm.s32 $0x0;
	s20 =	sshll.u32 s7, $0x1;
	s7 =	sadd.s32 s21, s5  }
0x9f: {  	[timem:s9], [sflag:s22] =	dma.local [hbm:s7], s20  }
0xa0: {  	_ =	swait.ge [sflag:s22], s20  }
0xa1: {  	s6 =	ssub.s32 $0x0, s20;
	[sflag:s22] =	ssyncset.done $0x0  }
0xa2: {  	[sflag:s22] =	ssyncadd.s32 s6;
	_ =	sdelay $0x1  }
0xa3: {  	s23 =	simm.s32 $0x1B8B  }
0xa4: {  	_ =	swait.ge [sflag:s23], $0x1  }
0xa5: {  	[sflag:s23] =	ssyncset.done $0x0  }
0xa6: {  	s25 =	simm.s32 $0x1B8E;
	s24 =	sld [smem:$0x3FFE];
	[sflag:s23] =	ssyncadd.s32 $0xFFFFFFFF  }
0xa7: {  	s26 =	simm.s32 $execute0_lowered;
	[smem:$0x3FD2] =	sst s25  }
0xa8: {  	s7 =	sshll.u32 s26, $0x1;
	_ =	strace $0x80000046;
	[dreg:$0x1] =	wrdreg $0xFFFFFFFF  }
0xa9: {  	s28 =	simm.s32 $_size_execute0_lowered;
	s5 =	sadd.s32 s5, s7;
	[dreg:$0x0] =	wrdreg $0x0  }
0xaa: {  	s7 =	sshll.u32 s28, $0x1;
	[dreg:$0x2] =	wrdreg s5  }
0xab: {  	[dreg:$0x3] =	wrdreg s7  }
0xac: {  	[dreg:$0x4] =	wrdreg $0xC0  }
0xad: {  	_ =	task [dreg:s9], $0x5FFFF  }
0xae: {  	[dreg:$0x1] =	wrdreg $0xFFFFFFFF  }
0xaf: {  	[dreg:$0x0] =	wrdreg $0x60  }
0xb0: {  	[dreg:$0x2] =	wrdreg s2  }
0xb1: {  	[dreg:$0x3] =	wrdreg s18  }
0xb2: {  	[dreg:$0x4] =	wrdreg s24  }
0xb3: {  	[dreg:$0x5] =	wrdreg s4  }
0xb4: {  	[dreg:$0x6] =	wrdreg $0xA4000  }
0xb5: {  	[dreg:$0x7] =	wrdreg $0x9  }
0xb6: {  	_ =	task.clear_ibuf [dreg:s9], $0x8FFFF;
	_ =	strace $0x90000046  }
0xb7: {  	s29 =	simm.s32 $0x9;
	_ =	strace $0x80000048  }
0xb8: {  	_ =	swait.ge [sflag:s29], $0x1  }
0xb9: {  	[sflag:s29] =	ssyncadd.s32 $0xFFFFFFFF  }
0xba: {  	_ =	strace $0x90000048  }
0xbb: {  	_ =	sfence  }
0xbc: {  	s30 =	sld [smem:$0x0];
	_ =	sdelay $0x2  }
0xbd: {  	s31 =	sshll.u32 s1, $0xD;
	s1 =	sshrl.u32 s1, $0x2  }
0xbe: {  	s3 =	sand.u32 $0x4000, s31;
	s1 =	sadd.s32 s1, s30  }
0xbf: {  	s0 =	sor.u32 s3, s0;
	s1 =	sshll.u32 s1, $0x11  }
0xc0: {  	s0 =	sor.u32 s1, s0  }
0xc1: {  	s0 =	sadd.s32 $0x8F2B, s0  }
0xc2: {  	[sflag:s0] =	ssyncadd.remote.s32 $0x1  }
0xc3: {  	_ =	sfence.sel $0xFFFF  }
0xc4: {  	[dreg:$0x0] =	wrdreg $0xFFFFFFFF;
	(pc) =	sbr.abs _section_cstart, $3  }
0xc5: {  	[dreg:$0x1] =	wrdreg $0xFFFFFFFF  }
0xc6: {  	_ =	task.clear_ibuf [dreg:s9], $0x2FFFF;
	_ =	strace $0x9FFFFFFF  }
0xc7: {  	(tm) =	ssettm $0x7FFFFFFF  }
tec
execute0_lowered:
.L_overlay_start_1:
0x0: {  	(tag) =	ssettag $0x1  }
0x1: {  	s1 =	rddreg [dreg:$0x0]  }
0x2: {  	s2 =	rddreg [dreg:$0x1]  }
0x3: {  	s3 =	rddreg [dreg:$0x2]  }
0x4: {  	s0 =	rddreg [dreg:$0x3]  }
0x5: {  	s5 =	rddreg [dreg:$0x4]  }
0x6: {  	s6 =	simm.s32 $0x0;
	s15 =	stileid.u32;
	s4 =	srdreg.scid  }
0x7: {  	[smem:$0x7FF] =	sst s6;
	s8 =	smul.u32 $0x4E000, s15;
	s7 =	sadd.s32 $0x9E00, s3  }
0x8: {  	s4 =	sand.u32 $0x1, s4;
	s9 =	sshll.u32 s15, $0x1;
	s19 =	sadd.s32 $0x138000, s5  }
0x9: {  	p0 =	sne.s32 s15, $0xF;
	_ =	strace $0x80000047;
	s9 =	sor.u32 s4, s9  }
0xa: {  	s10 =	ssub.s32 $0x2, s4;
	s8 =	sshrl.u32 s8, $0x2;
	s12 =	smul.u32 $0x2710, s9  }
0xb: {  	[dreg:$0x8] =	wrdreg s19;
	s9 =	smul.u32 $0x27100, s9;
	s18 =	sadd.s32 s8, s5  }
0xc: {  	s21 =	smul.u32 $0x138800, s4;
	s24 =	sadd.s32 $0x12C00, s18;
	[dreg:$0x6] =	wrdreg s18  }
0xd: {  	s11 =	sshrl.u32 s10, $0x1;
	s9 =	sadd.s32 s2, s9;
	[dreg:$0x7] =	wrdreg s24  }
0xe: {  	s8 =	ssub.s32 s10, s11;
	s22 =	sadd.s32 $0x50, s12;
	[dreg:$0xb] =	wrdreg s9  }
0xf: {  	s10 =	smul.u32 $0x2700, s15;
	s23 =	sadd.s32 $0x78, s12;
	[dreg:$0xf] =	wrdreg s22  }
0x10: {  	s25 =	sshrl.u32 s12, $0x3;
	s15 =	sadd.s32 $0x6400, s18;
	[dreg:$0x10] =	wrdreg s23  }
0x11: {  	s4 =	smul.u32 $0x27100, s4;
	s14 =	sadd.s32 s7, s25;
	[dreg:$0x1a] =	wrdreg s15  }
0x12: {  	s13 =	sadd.s32 $0x28, s12;
	s11 =	sadd.s32 s3, s25;
	[dreg:$0x9] =	wrdreg s14  }
0x13: {  	s26 =	sshrl.u32 s13, $0x3;
	s24 =	sadd.s32 $0xA0, s12;
	[dreg:$0xa] =	wrdreg s11  }
0x14: {  	s4 =	sadd.s32 s10, s4;
	s10 =	smax.u32 s8, $0x1;
	[dreg:$0x11] =	wrdreg s24  }
0x15: {  	s20 =	sshll.u32 s13, $0x4;
	s13 =	sadd.s32 $0x3C00, s18;
	[dreg:$0x15] =	wrdreg s10  }
0x16: {  	s25 =	sshrl.u32 s21, $0x3;
	s21 =	sadd.s32 $0xB400, s18;
	[dreg:$0x18] =	wrdreg s13  }
0x17: {  	s29 =	simm.s32 $0xD;
	s22 =	sadd.s32 $0xC800, s18;
	[dreg:$0x1e] =	wrdreg s21  }
0x18: {  	s28 =	simm.s32 $0x28;
	s23 =	sadd.s32 $0xDC00, s18;
	[dreg:$0x1f] =	wrdreg s22  }
0x19: {  	s30 =	simm.s32 $0x300;
	s16 =	sadd.s32 s7, s26;
	[smem:$0x7FA] =	sst s23  }
0x1a: {  	s31 =	simm.s32 $0x9;
	s17 =	sadd.s32 s3, s26;
	[dreg:$0xc] =	wrdreg s16  }
0x1b: {  	s15 =	simm.s32 $0x400;
	s9 =	sadd.s32 s2, s20;
	[dreg:$0xd] =	wrdreg s17  }
0x1c: {  	s8 =	simm.s32 $0x6;
	s26 =	sadd.s32 $0xC8, s12;
	[dreg:$0xe] =	wrdreg s9  }
0x1d: {  	s11 =	sadd.s32 $0x1400, s18;
	s12 =	sadd.s32 $0x2800, s18;
	[dreg:$0x12] =	wrdreg s26  }
0x1e: {  	s14 =	sadd.s32 $0x5000, s18;
	s20 =	sadd.s32 $0xA000, s18;
	[dreg:$0x16] =	wrdreg s11  }
0x1f: {  	s24 =	sadd.s32 $0xF000, s18;
	s21 =	simm.s32 $0x200;
	[dreg:$0x17] =	wrdreg s12  }
0x20: {  	s23 =	simm.s32 $0x80;
	s10 =	simm.s32 $0x2C00;
	[dreg:$0x19] =	wrdreg s14  }
0x21: {  	s13 =	simm.s32 $0x4;
	s22 =	simm.s32 $0x4000;
	[dreg:$0x1d] =	wrdreg s20  }
0x22: {  	s9 =	sadd.s32 s0, s25;
	s0 =	sadd.s32 s0, s4;
	[smem:$0x7FB] =	sst s24  }
0x23: {  	s16 =	sadd.s32 $0x7800, s18;
	s17 =	sadd.s32 $0x8C00, s18;
	[dreg:$0x13] =	wrdreg s0  }
0x24: {  	s25 =	sadd.s32 $0x10400, s18;
	s26 =	sadd.s32 $0x11800, s18;
	[dreg:$0x1b] =	wrdreg s16  }
0x25: {  	s24 =	simm.s32 $0x280;
	s4 =	simm.s32 $0x1800;
	[dreg:$0x1c] =	wrdreg s17  }
0x26: {  	s14 =	simm.s32 $0x3;
	s20 =	simm.s32 $0x0;
	[smem:$0x7FC] =	sst s25  }
0x27: {  	s9 =	sadd.s32 $0x27000, s9;
	[smem:$0x7FD] =	sst s26;
	s26 =	simm.s32 $0x1  }
0x28: {  	s0 =	simm.s32 $0x2;
	s25 =	simm.s32 $0x7;
	s16 =	simm.s32 $0xA  }
0x29: {  	v0 =	vimm.f32 $0.0e+00;
	s17 =	simm.s32 $0x8;
	[dreg:$0x14] =	wrdreg s9;
	s9 =	simm.s32 $0x5  }
.LBB2_1:
0x2a: {  	[smem:$0x7F9] =	sst s20;
	s11 =	simm.s32 $0x0;
	s12 =	simm.s32 $0x200  }
.LBB2_2:
0x2b: {  	p1 =	sne.s32 s12, $0x4E00;
	[tilespmem:s11+$0x470] =	vst v0  }
0x2c: {  	[tilespmem:s11+$0x400] =	vst v0  }
0x2d: {  	[tilespmem:s11+$0x410] =	vst v0  }
.Ltmp0:
0x2e: {  	[tilespmem:s11+$0x420] =	vst v0;
	(pc) =	sbr.rel @p1 .LBB2_2-.Ltmp0, $4  }
0x2f: {  	[tilespmem:s11+$0x430] =	vst v0  }
0x30: {  	[tilespmem:s11+$0x440] =	vst v0  }
0x31: {  	[tilespmem:s11+$0x450] =	vst v0  }
0x32: {  	[tilespmem:s11+$0x460] =	vst v0;
	s11 =	sshra.s32 s12, $0x2;
	s12 =	sadd.s32 $0x200, s12  }
0x33: {  	[tilespmem:s11+$0x470] =	vst v0  }
0x34: {  	[tilespmem:s11+$0x400] =	vst v0  }
0x35: {  	[tilespmem:s11+$0x410] =	vst v0  }
0x36: {  	[tilespmem:s11+$0x420] =	vst v0  }
0x37: {  	[tilespmem:s11+$0x430] =	vst v0  }
0x38: {  	[tilespmem:s11+$0x440] =	vst v0  }
0x39: {  	[tilespmem:s11+$0x450] =	vst v0  }
0x3a: {  	[tilespmem:s11+$0x460] =	vst v0  }
0x3b: {  	[spmem:s18] =	stream.linear.scatter [tilespmem:s15], [sflag:$0xD], $0x1400, $0x38;
	[tilespmem:$0x1DC80] =	vst v63  }
0x3c: {  	_ =	swait.ge [sflag:s29], $0x1400  }
0x3d: {  	[sflag:s29] =	ssyncset.done $0x0  }
0x3e: {  	s20 =	rddreg [dreg:$0x16];
	[sflag:s29] =	ssyncadd.s32 $0xFFFFEC00  }
0x3f: {  	[spmem:s20] =	stream.linear.scatter [tilespmem:s15], [sflag:$0xD], $0x1400, $0x38;
	[tilespmem:$0x1DC80] =	vst v63  }
0x40: {  	_ =	swait.ge [sflag:s29], $0x1400  }
0x41: {  	[sflag:s29] =	ssyncset.done $0x0  }
0x42: {  	s12 =	rddreg [dreg:$0x17];
	[sflag:s29] =	ssyncadd.s32 $0xFFFFEC00  }
0x43: {  	[spmem:s12] =	stream.linear.scatter [tilespmem:s15], [sflag:$0xD], $0x1400, $0x38;
	[tilespmem:$0x1DC80] =	vst v63  }
0x44: {  	_ =	swait.ge [sflag:s29], $0x1400  }
0x45: {  	[sflag:s29] =	ssyncset.done $0x0  }
0x46: {  	s18 =	rddreg [dreg:$0x18];
	[sflag:s29] =	ssyncadd.s32 $0xFFFFEC00  }
0x47: {  	[spmem:s18] =	stream.linear.scatter [tilespmem:s15], [sflag:$0xD], $0x1400, $0x38;
	[tilespmem:$0x1DC80] =	vst v63  }
0x48: {  	_ =	swait.ge [sflag:s29], $0x1400  }
0x49: {  	[sflag:s29] =	ssyncset.done $0x0  }
0x4a: {  	s20 =	rddreg [dreg:$0x19];
	[sflag:s29] =	ssyncadd.s32 $0xFFFFEC00  }
0x4b: {  	[spmem:s20] =	stream.linear.scatter [tilespmem:s15], [sflag:$0xD], $0x1400, $0x38;
	[tilespmem:$0x1DC80] =	vst v63  }
0x4c: {  	_ =	swait.ge [sflag:s29], $0x1400  }
0x4d: {  	[sflag:s29] =	ssyncset.done $0x0  }
0x4e: {  	s12 =	rddreg [dreg:$0x1a];
	[sflag:s29] =	ssyncadd.s32 $0xFFFFEC00  }
0x4f: {  	[spmem:s12] =	stream.linear.scatter [tilespmem:s15], [sflag:$0xD], $0x1400, $0x38;
	[tilespmem:$0x1DC80] =	vst v63  }
0x50: {  	_ =	swait.ge [sflag:s29], $0x1400  }
0x51: {  	[sflag:s29] =	ssyncset.done $0x0  }
0x52: {  	s18 =	rddreg [dreg:$0x1b];
	[sflag:s29] =	ssyncadd.s32 $0xFFFFEC00  }
0x53: {  	[spmem:s18] =	stream.linear.scatter [tilespmem:s15], [sflag:$0xD], $0x1400, $0x38;
	[tilespmem:$0x1DC80] =	vst v63  }
0x54: {  	_ =	swait.ge [sflag:s29], $0x1400  }
0x55: {  	[sflag:s29] =	ssyncset.done $0x0  }
0x56: {  	s20 =	rddreg [dreg:$0x1c];
	[sflag:s29] =	ssyncadd.s32 $0xFFFFEC00  }
0x57: {  	[spmem:s20] =	stream.linear.scatter [tilespmem:s15], [sflag:$0xD], $0x1400, $0x38;
	[tilespmem:$0x1DC80] =	vst v63  }
0x58: {  	_ =	swait.ge [sflag:s29], $0x1400  }
0x59: {  	[sflag:s29] =	ssyncset.done $0x0  }
0x5a: {  	s12 =	rddreg [dreg:$0x1d];
	[sflag:s29] =	ssyncadd.s32 $0xFFFFEC00  }
0x5b: {  	[spmem:s12] =	stream.linear.scatter [tilespmem:s15], [sflag:$0xD], $0x1400, $0x38;
	[tilespmem:$0x1DC80] =	vst v63  }
0x5c: {  	_ =	swait.ge [sflag:s29], $0x1400  }
0x5d: {  	[sflag:s29] =	ssyncset.done $0x0  }
0x5e: {  	s18 =	rddreg [dreg:$0x1e];
	[sflag:s29] =	ssyncadd.s32 $0xFFFFEC00  }
0x5f: {  	[spmem:s18] =	stream.linear.scatter [tilespmem:s15], [sflag:$0xD], $0x1400, $0x38;
	[tilespmem:$0x1DC80] =	vst v63  }
0x60: {  	_ =	swait.ge [sflag:s29], $0x1400  }
0x61: {  	[sflag:s29] =	ssyncset.done $0x0  }
0x62: {  	s20 =	rddreg [dreg:$0x1f];
	[sflag:s29] =	ssyncadd.s32 $0xFFFFEC00  }
0x63: {  	[spmem:s20] =	stream.linear.scatter [tilespmem:s15], [sflag:$0xD], $0x1400, $0x38;
	[tilespmem:$0x1DC80] =	vst v63  }
0x64: {  	_ =	swait.ge [sflag:s29], $0x1400  }
0x65: {  	s12 =	sld [smem:$0x7FA]  }
0x66: {  	[sflag:s29] =	ssyncset.done $0x0  }
0x67: {  	[sflag:s29] =	ssyncadd.s32 $0xFFFFEC00  }
0x68: {  	[spmem:s12] =	stream.linear.scatter [tilespmem:s15], [sflag:$0xD], $0x1400, $0x38;
	[tilespmem:$0x1DC80] =	vst v63  }
0x69: {  	_ =	swait.ge [sflag:s29], $0x1400  }
0x6a: {  	s18 =	sld [smem:$0x7FB]  }
0x6b: {  	[sflag:s29] =	ssyncset.done $0x0  }
0x6c: {  	[sflag:s29] =	ssyncadd.s32 $0xFFFFEC00  }
0x6d: {  	[spmem:s18] =	stream.linear.scatter [tilespmem:s15], [sflag:$0xD], $0x1400, $0x38;
	[tilespmem:$0x1DC80] =	vst v63  }
0x6e: {  	_ =	swait.ge [sflag:s29], $0x1400  }
0x6f: {  	s20 =	sld [smem:$0x7FC]  }
0x70: {  	[sflag:s29] =	ssyncset.done $0x0  }
0x71: {  	[sflag:s29] =	ssyncadd.s32 $0xFFFFEC00  }
0x72: {  	[spmem:s20] =	stream.linear.scatter [tilespmem:s15], [sflag:$0xD], $0x1400, $0x38;
	[tilespmem:$0x1DC80] =	vst v63  }
0x73: {  	_ =	swait.ge [sflag:s29], $0x1400  }
0x74: {  	s12 =	sld [smem:$0x7FD]  }
0x75: {  	[sflag:s29] =	ssyncset.done $0x0  }
0x76: {  	[sflag:s29] =	ssyncadd.s32 $0xFFFFEC00  }
0x77: {  	[spmem:s12] =	stream.linear.scatter [tilespmem:s15], [sflag:$0xD], $0x1400, $0x38;
	[tilespmem:$0x1DC80] =	vst v63  }
0x78: {  	_ =	swait.ge [sflag:s29], $0x1400  }
0x79: {  	[sflag:s29] =	ssyncset.done $0x0  }
0x7a: {  	s18 =	rddreg [dreg:$0x7];
	[sflag:s29] =	ssyncadd.s32 $0xFFFFEC00  }
0x7b: {  	[spmem:s18] =	stream.linear.scatter [tilespmem:s15], [sflag:$0xD], $0xC00, $0x38;
	[tilespmem:$0x1DC80] =	vst v63  }
0x7c: {  	_ =	swait.ge [sflag:s29], $0xC00  }
0x7d: {  	[sflag:s29] =	ssyncset.done $0x0  }
0x7e: {  	s11 =	simm.s32 @!p0 $0x400;
	[sflag:s29] =	ssyncadd.s32 $0xFFFFF400  }
0x7f: {  	[spmem:s19] =	stream.linear.scatter @!p0 [tilespmem:s11], [sflag:$0xD], $0x800, $0x38;
	[tilespmem:$0x1DC80] =	vst v63  }
0x80: {  	s11 =	simm.s32 @!p0 $0xD  }
0x81: {  	_ =	swait.ge @!p0 [sflag:s11], $0x800  }
0x82: {  	[sflag:s11] =	ssyncset.done @!p0 $0x0  }
0x83: {  	[sflag:s11] =	ssyncadd.s32 @!p0 $0xFFFFF800  }
0x84: {  	[bflag:$0x0] =	sbarrier.arrive $0xFFFF  }
0x85: {  	s18 =	simm.s32 $0x0;
	s19 =	rddreg [dreg:$0x9]  }
0x86: {  	[tilespmem:s18], [sflag:$0x1] =	stream.linear.gather [hbm4b:s19+s18], $0x28, $0x38;
	[tilespmem:$0x1DC80] =	vst v63  }
0x87: {  	s20 =	rddreg [dreg:$0xa]  }
0x88: {  	[tilespmem:s21], [sflag:$0x1] =	stream.linear.gather [hbm4b:s20+s18], $0x28, $0x38;
	[tilespmem:$0x1DC80] =	vst v63  }
0x89: {  	s12 =	simm.s32 $0x5400;
	s29 =	rddreg [dreg:$0xb]  }
0x8a: {  	[tilespmem:s12], [sflag:$0x1] =	stream.linear.gather [hbm4b:s29+s18], $0x1400, $0x38;
	[tilespmem:$0x1DC80] =	vst v63  }
0x8b: {  	s12 =	rddreg [dreg:$0xc]  }
0x8c: {  	[tilespmem:s23], [sflag:$0x2] =	stream.linear.gather [hbm4b:s12+s18], $0x28, $0x38;
	[tilespmem:$0x1DC80] =	vst v63  }
0x8d: {  	s19 =	rddreg [dreg:$0xd]  }
0x8e: {  	[tilespmem:s24], [sflag:$0x2] =	stream.linear.gather [hbm4b:s19+s18], $0x28, $0x38;
	[tilespmem:$0x1DC80] =	vst v63  }
0x8f: {  	s20 =	rddreg [dreg:$0xe];
	s29 =	simm.s32 $0x6800  }
0x90: {  	[tilespmem:s29], [sflag:$0x2] =	stream.linear.gather [hbm4b:s20+s18], $0x1400, $0x38;
	[tilespmem:$0x1DC80] =	vst v63  }
0x91: {  	_ =	swait.ge [sflag:s26], $0x28  }
0x92: {  	[sflag:s26] =	ssyncset.done $0x0  }
0x93: {  	[sflag:s26] =	ssyncadd.s32 $0xFFFFFFD8  }
0x94: {  	_ =	swait.ge [sflag:s26], $0x28  }
0x95: {  	[sflag:s26] =	ssyncset.done $0x0  }
0x96: {  	[sflag:s26] =	ssyncadd.s32 $0xFFFFFFD8  }
0x97: {  	_ =	swait.ge [sflag:s26], $0x1400  }
0x98: {  	[sflag:s26] =	ssyncset.done $0x0  }
0x99: {  	[sflag:s26] =	ssyncadd.s32 $0xFFFFEC00  }
0x9a: {  	[tilespmem:s15], [sflag:$0x5] =	stream.indirect.gather [hbm4b:s1+s28], $0x80, s18, s28, $0xb8;
	[tilespmem:$0x1DC80] =	vst v63  }
.LBB2_4:
0x9b: {  	p1 =	seq.s32 s18, $0x0  }
0x9c: {  	s11 =	simm.s32 @!p1 $0xB  }
0x9d: {  	s19 =	smul.u32 $0xA0, s18;
	_ =	swait.ge @!p1 [sflag:s11], $0x1400  }
0x9e: {  	s12 =	rddreg [dreg:$0xf]  }
0x9f: {  	s12 =	sadd.s32 s19, s12  }
0xa0: {  	[sflag:s11] =	ssyncset.done @!p1 $0x0;
	s20 =	sshrl.u32 s12, $0x3  }
0xa1: {  	s29 =	simm.s32 $0x100;
	[sflag:s11] =	ssyncadd.s32 @!p1 $0xFFFFEC00;
	s11 =	sadd.s32 s7, s20  }
0xa2: {  	[tilespmem:s29], [sflag:$0x3] =	stream.linear.gather [hbm4b:s11+s6], $0x28, $0x38;
	[tilespmem:$0x1DC80] =	vst v63  }
0xa3: {  	s12 =	sshll.u32 s12, $0x4;
	s20 =	sadd.s32 s3, s20  }
0xa4: {  	[tilespmem:s30], [sflag:$0x3] =	stream.linear.gather [hbm4b:s20+s6], $0x28, $0x38;
	[tilespmem:$0x1DC80] =	vst v63  }
0xa5: {  	s11 =	sadd.s32 s2, s12;
	s20 =	simm.s32 $0x7C00  }
0xa6: {  	[tilespmem:s20], [sflag:$0x3] =	stream.linear.gather [hbm4b:s11+s6], $0x1400, $0x38;
	[tilespmem:$0x1DC80] =	vst v63  }
0xa7: {  	_ =	swait.ge [sflag:s0], $0x28  }
0xa8: {  	[sflag:s0] =	ssyncset.done $0x0  }
0xa9: {  	[sflag:s0] =	ssyncadd.s32 $0xFFFFFFD8  }
0xaa: {  	_ =	swait.ge [sflag:s0], $0x28  }
0xab: {  	[sflag:s0] =	ssyncset.done $0x0  }
0xac: {  	[sflag:s0] =	ssyncadd.s32 $0xFFFFFFD8  }
0xad: {  	_ =	swait.ge [sflag:s0], $0x1400  }
0xae: {  	[sflag:s0] =	ssyncset.done $0x0  }
0xaf: {  	[sflag:s0] =	ssyncadd.s32 $0xFFFFEC00  }
0xb0: {  	[tilespmem:s4], [sflag:$0x6] =	stream.indirect.gather [hbm4b:s1+s28], $0x80, s23, s28, $0xb8;
	[tilespmem:$0x1DC80] =	vst v63  }
0xb1: {  	_ =	swait.ge [sflag:s9], $0x1400  }
0xb2: {  	[sflag:s9] =	ssyncset.done $0x0  }
0xb3: {  	s20 =	simm.s32 $0x500;
	[sflag:s9] =	ssyncadd.s32 $0xFFFFEC00  }
0xb4: {  	s29 =	simm.s32 $0x5500;
	v1 =	vld [tilespmem:s20+$0x80]  }
0xb5: {  	v2 =	vld [tilespmem:s29+$0x80]  }
0xb6: {  	v3 =	vld [tilespmem:s29+$0xFFFFFF00]  }
0xb7: {  	v4 =	vld [tilespmem:s20+$0xFFFFFF80]  }
0xb8: {  	v5 =	vld [tilespmem:s29+$0xFFFFFF80]  }
0xb9: {  	v6 =	vld [tilespmem:s29+$0x0]  }
0xba: {  	v1 =	vadd.f32 v2, v1;
	v2 =	vld [tilespmem:s20+$0x0]  }
0xbb: {  	v7 =	vld [tilespmem:s20+$0xFFFFFF00]  }
0xbc: {  	v1 =	vmax.f32 v1, $0.0e+00  }
0xbd: {  	v4 =	vadd.f32 v5, v4;
	[tilespmem:s20+$0x80] =	vst v1;
	v1 =	vld [tilespmem:s20+$0x90]  }
0xbe: {  	v8 =	vld [tilespmem:s29+$0x90]  }
0xbf: {  	v9 =	vld [tilespmem:s20+$0xFFFFFF90];
	v4 =	vmax.f32 v4, $0.0e+00;
	v2 =	vadd.f32 v6, v2  }
0xc0: {  	v5 =	vld [tilespmem:s20+$0xFFFFFF10];
	v3 =	vadd.f32 v3, v7;
	[tilespmem:s20+$0xFFFFFF80] =	vst v4  }
0xc1: {  	v6 =	vld [tilespmem:s29+$0xFFFFFF90];
	v2 =	vmax.f32 v2, $0.0e+00  }
0xc2: {  	v3 =	vmax.f32 v3, $0.0e+00;
	v4 =	vld [tilespmem:s20+$0x10];
	[tilespmem:s20+$0x0] =	vst v2  }
0xc3: {  	[tilespmem:s20+$0xFFFFFF00] =	vst v3;
	v1 =	vadd.f32 v8, v1;
	v2 =	vld [tilespmem:s29+$0x10]  }
0xc4: {  	v3 =	vld [tilespmem:s29+$0xFFFFFF10]  }
0xc5: {  	v1 =	vmax.f32 v1, $0.0e+00  }
0xc6: {  	v6 =	vadd.f32 v6, v9;
	[tilespmem:s20+$0x90] =	vst v1;
	v1 =	vld [tilespmem:s20+$0xA0]  }
0xc7: {  	v8 =	vld [tilespmem:s29+$0xA0]  }
0xc8: {  	v7 =	vld [tilespmem:s20+$0xFFFFFF20];
	v6 =	vmax.f32 v6, $0.0e+00;
	v2 =	vadd.f32 v2, v4  }
0xc9: {  	v3 =	vadd.f32 v3, v5;
	v9 =	vld [tilespmem:s20+$0xFFFFFFA0];
	[tilespmem:s20+$0xFFFFFF90] =	vst v6  }
0xca: {  	v5 =	vld [tilespmem:s29+$0xFFFFFFA0];
	v2 =	vmax.f32 v2, $0.0e+00  }
0xcb: {  	v3 =	vmax.f32 v3, $0.0e+00;
	v4 =	vld [tilespmem:s20+$0x20];
	[tilespmem:s20+$0x10] =	vst v2  }
0xcc: {  	[tilespmem:s20+$0xFFFFFF10] =	vst v3;
	v1 =	vadd.f32 v8, v1;
	v2 =	vld [tilespmem:s29+$0x20]  }
0xcd: {  	v3 =	vld [tilespmem:s29+$0xFFFFFF20]  }
0xce: {  	v1 =	vmax.f32 v1, $0.0e+00  }
0xcf: {  	v5 =	vadd.f32 v5, v9;
	[tilespmem:s20+$0xA0] =	vst v1;
	v1 =	vld [tilespmem:s20+$0xB0]  }
0xd0: {  	v8 =	vld [tilespmem:s29+$0xB0]  }
0xd1: {  	v10 =	vld [tilespmem:s20+$0x30];
	v5 =	vmax.f32 v5, $0.0e+00;
	v2 =	vadd.f32 v2, v4  }
0xd2: {  	v3 =	vadd.f32 v3, v7;
	v9 =	vld [tilespmem:s20+$0xFFFFFFB0];
	[tilespmem:s20+$0xFFFFFFA0] =	vst v5  }
0xd3: {  	v4 =	vld [tilespmem:s29+$0xFFFFFFB0];
	v2 =	vmax.f32 v2, $0.0e+00  }
0xd4: {  	v6 =	vld [tilespmem:s20+$0xFFFFFF30];
	[tilespmem:s20+$0x20] =	vst v2;
	v2 =	vmax.f32 v3, $0.0e+00  }
0xd5: {  	v1 =	vadd.f32 v8, v1;
	[tilespmem:s20+$0xFFFFFF20] =	vst v2;
	v2 =	vld [tilespmem:s29+$0x30]  }
0xd6: {  	v7 =	vld [tilespmem:s29+$0xFFFFFF30]  }
0xd7: {  	v11 =	vld [tilespmem:s20+$0xFFFFFF40];
	v1 =	vmax.f32 v1, $0.0e+00  }
0xd8: {  	v4 =	vadd.f32 v4, v9;
	[tilespmem:s20+$0xB0] =	vst v1;
	v1 =	vld [tilespmem:s20+$0xC0]  }
0xd9: {  	v8 =	vld [tilespmem:s29+$0xC0]  }
0xda: {  	v12 =	vld [tilespmem:s20+$0xFFFFFFD0];
	v4 =	vmax.f32 v4, $0.0e+00;
	v2 =	vadd.f32 v2, v10  }
0xdb: {  	v5 =	vld [tilespmem:s20+$0xFFFFFFC0];
	[tilespmem:s20+$0xFFFFFFB0] =	vst v4;
	v6 =	vadd.f32 v7, v6  }
0xdc: {  	v7 =	vld [tilespmem:s29+$0xFFFFFFC0];
	v2 =	vmax.f32 v2, $0.0e+00  }
0xdd: {  	v3 =	vld [tilespmem:s20+$0x40];
	[tilespmem:s20+$0x30] =	vst v2;
	v2 =	vmax.f32 v6, $0.0e+00  }
0xde: {  	v1 =	vadd.f32 v8, v1;
	v6 =	vld [tilespmem:s29+$0x40];
	[tilespmem:s20+$0xFFFFFF30] =	vst v2  }
0xdf: {  	v2 =	vld [tilespmem:s29+$0xFFFFFF40]  }
0xe0: {  	v9 =	vld [tilespmem:s20+$0xFFFFFF50];
	v1 =	vmax.f32 v1, $0.0e+00  }
0xe1: {  	[tilespmem:s20+$0xC0] =	vst v1;
	v1 =	vadd.f32 v7, v5;
	v7 =	vld [tilespmem:s20+$0xD0]  }
0xe2: {  	v8 =	vld [tilespmem:s29+$0xD0]  }
0xe3: {  	v4 =	vld [tilespmem:s20+$0xFFFFFF60];
	v1 =	vmax.f32 v1, $0.0e+00;
	v3 =	vadd.f32 v6, v3  }
0xe4: {  	v10 =	vld [tilespmem:s20+$0x50];
	[tilespmem:s20+$0xFFFFFFC0] =	vst v1;
	v1 =	vadd.f32 v2, v11  }
0xe5: {  	v2 =	vld [tilespmem:s29+$0xFFFFFFD0];
	v3 =	vmax.f32 v3, $0.0e+00  }
0xe6: {  	v5 =	vld [tilespmem:s20+$0xFFFFFFE0];
	[tilespmem:s20+$0x40] =	vst v3;
	v1 =	vmax.f32 v1, $0.0e+00  }
0xe7: {  	v3 =	vld [tilespmem:s29+$0x50];
	v7 =	vadd.f32 v8, v7;
	[tilespmem:s20+$0xFFFFFF40] =	vst v1  }
0xe8: {  	v1 =	vld [tilespmem:s29+$0xFFFFFF50]  }
0xe9: {  	v6 =	vld [tilespmem:s20+$0x60];
	v7 =	vmax.f32 v7, $0.0e+00  }
0xea: {  	v2 =	vadd.f32 v2, v12;
	[tilespmem:s20+$0xD0] =	vst v7;
	v7 =	vld [tilespmem:s20+$0xE0]  }
0xeb: {  	v11 =	vld [tilespmem:s29+$0xE0]  }
0xec: {  	v2 =	vmax.f32 v2, $0.0e+00;
	v8 =	vadd.f32 v3, v10;
	v3 =	vld [tilespmem:s20+$0xFFFFFF70]  }
0xed: {  	[tilespmem:s20+$0xFFFFFFD0] =	vst v2;
	v1 =	vadd.f32 v1, v9;
	v2 =	vld [tilespmem:s20+$0xFFFFFFF0]  }
0xee: {  	v9 =	vmax.f32 v8, $0.0e+00;
	v8 =	vld [tilespmem:s29+$0xFFFFFFE0]  }
0xef: {  	[tilespmem:s20+$0x50] =	vst v9;
	v9 =	vmax.f32 v1, $0.0e+00;
	v1 =	vld [tilespmem:s20+$0x70]  }
0xf0: {  	[tilespmem:s20+$0xFFFFFF50] =	vst v9;
	v9 =	vld [tilespmem:s29+$0x60];
	v7 =	vadd.f32 v11, v7  }
0xf1: {  	v10 =	vld [tilespmem:s29+$0xFFFFFF60]  }
0xf2: {  	s12 =	simm.s32 $0x5500;
	s30 =	simm.s32 $0x0;
	s11 =	simm.s32 $0x700;
	v11 =	vmax.f32 v7, $0.0e+00;
	v7 =	vld [tilespmem:s20+$0xF0]  }
.LBB2_5:
0xf3: {  	v12 =	vld [tilespmem:s11+$0x80];
	v5 =	vadd.f32 v8, v5;
	[tilespmem:s20+$0xE0] =	vst v11  }
0xf4: {  	s12 =	sadd.s32 $0x200, s12;
	v8 =	vld [tilespmem:s29+$0xF0]  }
0xf5: {  	s30 =	sadd.s32 $0x4, s30;
	v11 =	vld [tilespmem:s12+$0x80];
	v5 =	vmax.f32 v5, $0.0e+00;
	v6 =	vadd.f32 v9, v6  }
0xf6: {  	p2 =	slt.u32 s30, $0x24;
	v9 =	vld [tilespmem:s12+$0xFFFFFF00];
	v4 =	vadd.f32 v10, v4;
	[tilespmem:s20+$0xFFFFFFE0] =	vst v5  }
0xf7: {  	v5 =	vld [tilespmem:s11+$0xFFFFFF80];
	v6 =	vmax.f32 v6, $0.0e+00  }
0xf8: {  	v10 =	vld [tilespmem:s12+$0xFFFFFF80];
	v4 =	vmax.f32 v4, $0.0e+00;
	[tilespmem:s20+$0x60] =	vst v6  }
0xf9: {  	v6 =	vld [tilespmem:s11+$0x0];
	[tilespmem:s20+$0xFFFFFF60] =	vst v4;
	v4 =	vadd.f32 v8, v7  }
0xfa: {  	v7 =	vld [tilespmem:s12+$0x0];
	v8 =	vadd.f32 v11, v12  }
0xfb: {  	v11 =	vld [tilespmem:s11+$0xFFFFFF00];
	v4 =	vmax.f32 v4, $0.0e+00  }
0xfc: {  	v12 =	vld [tilespmem:s11+$0xFFFFFF10];
	v8 =	vmax.f32 v8, $0.0e+00;
	[tilespmem:s20+$0xF0] =	vst v4  }
0xfd: {  	v4 =	vadd.f32 v10, v5;
	[tilespmem:s11+$0x80] =	vst v8;
	v5 =	vld [tilespmem:s11+$0x90]  }
0xfe: {  	v8 =	vld [tilespmem:s12+$0x90]  }
0xff: {  	v4 =	vmax.f32 v4, $0.0e+00;
	v10 =	vld [tilespmem:s11+$0xFFFFFF90];
	v6 =	vadd.f32 v7, v6  }
0x100: {  	v7 =	vadd.f32 v9, v11;
	[tilespmem:s11+$0xFFFFFF80] =	vst v4;
	v4 =	vld [tilespmem:s11+$0x10]  }
0x101: {  	v9 =	vld [tilespmem:s12+$0xFFFFFF90];
	v6 =	vmax.f32 v6, $0.0e+00  }
0x102: {  	v7 =	vmax.f32 v7, $0.0e+00;
	v11 =	vld [tilespmem:s11+$0xFFFFFF20];
	[tilespmem:s11+$0x0] =	vst v6  }
0x103: {  	[tilespmem:s11+$0xFFFFFF00] =	vst v7;
	v6 =	vld [tilespmem:s12+$0x10];
	v5 =	vadd.f32 v8, v5  }
0x104: {  	v7 =	vld [tilespmem:s12+$0xFFFFFF10]  }
0x105: {  	v8 =	vld [tilespmem:s11+$0xFFFFFFA0];
	v5 =	vmax.f32 v5, $0.0e+00  }
0x106: {  	v9 =	vadd.f32 v9, v10;
	[tilespmem:s11+$0x90] =	vst v5;
	v5 =	vld [tilespmem:s11+$0xA0]  }
0x107: {  	v10 =	vld [tilespmem:s12+$0xA0]  }
0x108: {  	v9 =	vmax.f32 v9, $0.0e+00;
	v4 =	vadd.f32 v6, v4;
	v6 =	vld [tilespmem:s11+$0x20]  }
0x109: {  	v7 =	vadd.f32 v7, v12;
	v12 =	vld [tilespmem:s11+$0xFFFFFF30];
	[tilespmem:s11+$0xFFFFFF90] =	vst v9  }
0x10a: {  	v9 =	vld [tilespmem:s12+$0xFFFFFFA0];
	v4 =	vmax.f32 v4, $0.0e+00  }
0x10b: {  	v7 =	vmax.f32 v7, $0.0e+00;
	v13 =	vld [tilespmem:s11+$0xFFFFFFB0];
	[tilespmem:s11+$0x10] =	vst v4  }
0x10c: {  	[tilespmem:s11+$0xFFFFFF10] =	vst v7;
	v4 =	vld [tilespmem:s12+$0x20];
	v5 =	vadd.f32 v10, v5  }
0x10d: {  	v7 =	vld [tilespmem:s12+$0xFFFFFF20]  }
0x10e: {  	v10 =	vld [tilespmem:s11+$0x30];
	v5 =	vmax.f32 v5, $0.0e+00  }
0x10f: {  	v8 =	vadd.f32 v9, v8;
	[tilespmem:s11+$0xA0] =	vst v5;
	v5 =	vld [tilespmem:s11+$0xB0]  }
0x110: {  	v9 =	vld [tilespmem:s12+$0xB0]  }
0x111: {  	v14 =	vld [tilespmem:s11+$0xFFFFFF40];
	v8 =	vmax.f32 v8, $0.0e+00;
	v4 =	vadd.f32 v4, v6  }
0x112: {  	v6 =	vadd.f32 v7, v11;
	[tilespmem:s11+$0xFFFFFFA0] =	vst v8;
	v7 =	vld [tilespmem:s11+$0xFFFFFFC0]  }
0x113: {  	v8 =	vld [tilespmem:s12+$0xFFFFFFB0];
	v4 =	vmax.f32 v4, $0.0e+00  }
0x114: {  	v6 =	vmax.f32 v6, $0.0e+00;
	[tilespmem:s11+$0x20] =	vst v4;
	v11 =	vld [tilespmem:s11+$0x40]  }
0x115: {  	[tilespmem:s11+$0xFFFFFF20] =	vst v6;
	v4 =	vld [tilespmem:s12+$0x30];
	v5 =	vadd.f32 v9, v5  }
0x116: {  	v6 =	vld [tilespmem:s12+$0xFFFFFF30]  }
0x117: {  	v9 =	vld [tilespmem:s11+$0xFFFFFF50];
	v5 =	vmax.f32 v5, $0.0e+00  }
0x118: {  	v8 =	vadd.f32 v8, v13;
	[tilespmem:s11+$0xB0] =	vst v5;
	v5 =	vld [tilespmem:s11+$0xC0]  }
0x119: {  	v13 =	vld [tilespmem:s12+$0xC0]  }
0x11a: {  	v8 =	vmax.f32 v8, $0.0e+00;
	v15 =	vld [tilespmem:s11+$0xFFFFFFD0];
	v4 =	vadd.f32 v4, v10  }
0x11b: {  	v6 =	vadd.f32 v6, v12;
	[tilespmem:s11+$0xFFFFFFB0] =	vst v8;
	v8 =	vld [tilespmem:s11+$0x50]  }
0x11c: {  	v10 =	vld [tilespmem:s12+$0xFFFFFFC0];
	v12 =	vmax.f32 v4, $0.0e+00  }
0x11d: {  	v6 =	vmax.f32 v6, $0.0e+00;
	v4 =	vld [tilespmem:s11+$0xFFFFFF60];
	[tilespmem:s11+$0x30] =	vst v12  }
0x11e: {  	[tilespmem:s11+$0xFFFFFF30] =	vst v6;
	v6 =	vld [tilespmem:s12+$0x40];
	v12 =	vadd.f32 v13, v5  }
0x11f: {  	v13 =	vld [tilespmem:s12+$0xFFFFFF40]  }
0x120: {  	v5 =	vld [tilespmem:s11+$0xFFFFFFE0];
	v12 =	vmax.f32 v12, $0.0e+00  }
0x121: {  	v7 =	vadd.f32 v10, v7;
	[tilespmem:s11+$0xC0] =	vst v12;
	v10 =	vld [tilespmem:s11+$0xD0]  }
0x122: {  	v12 =	vld [tilespmem:s12+$0xD0]  }
0x123: {  	v7 =	vmax.f32 v7, $0.0e+00;
	v11 =	vadd.f32 v6, v11;
	v6 =	vld [tilespmem:s11+$0x60]  }
0x124: {  	v13 =	vadd.f32 v13, v14;
	[tilespmem:s11+$0xFFFFFFC0] =	vst v7;
	v7 =	vld [tilespmem:s29+$0xFFFFFF70]  }
0x125: {  	v14 =	vld [tilespmem:s12+$0xFFFFFFD0];
	v11 =	vmax.f32 v11, $0.0e+00  }
0x126: {  	v13 =	vmax.f32 v13, $0.0e+00;
	[tilespmem:s11+$0x40] =	vst v11;
	v11 =	vld [tilespmem:s29+$0xFFFFFFF0]  }
0x127: {  	[tilespmem:s11+$0xFFFFFF40] =	vst v13;
	v13 =	vld [tilespmem:s12+$0x50];
	v10 =	vadd.f32 v12, v10  }
0x128: {  	v12 =	vld [tilespmem:s12+$0xFFFFFF50]  }
0x129: {  	v10 =	vmax.f32 v10, $0.0e+00;
	v3 =	vadd.f32 v7, v3;
	v7 =	vld [tilespmem:s29+$0x70];
	s29 =	smov.u32 s12  }
0x12a: {  	v14 =	vadd.f32 v14, v15;
	[tilespmem:s11+$0xD0] =	vst v10;
	v10 =	vld [tilespmem:s11+$0xE0]  }
0x12b: {  	v15 =	vld [tilespmem:s12+$0xE0];
	v16 =	vmax.f32 v3, $0.0e+00;
	v11 =	vadd.f32 v11, v2  }
0x12c: {  	v3 =	vld [tilespmem:s11+$0xFFFFFF70];
	v2 =	vmax.f32 v14, $0.0e+00;
	v13 =	vadd.f32 v13, v8;
	[tilespmem:s20+$0xFFFFFF70] =	vst v16  }
0x12d: {  	v9 =	vadd.f32 v12, v9;
	[tilespmem:s11+$0xFFFFFFD0] =	vst v2;
	v2 =	vld [tilespmem:s11+$0xFFFFFFF0];
	v11 =	vmax.f32 v11, $0.0e+00  }
.Ltmp1:
0x12e: {  	v8 =	vld [tilespmem:s12+$0xFFFFFFE0];
	v12 =	vmax.f32 v13, $0.0e+00;
	[tilespmem:s20+$0xFFFFFFF0] =	vst v11;
	v7 =	vadd.f32 v7, v1;
	(pc) =	sbr.rel @p2 .LBB2_5-.Ltmp1, $4  }
0x12f: {  	v9 =	vmax.f32 v9, $0.0e+00;
	[tilespmem:s11+$0x50] =	vst v12;
	v1 =	vld [tilespmem:s11+$0x70]  }
0x130: {  	[tilespmem:s11+$0xFFFFFF50] =	vst v9;
	v9 =	vld [tilespmem:s12+$0x60];
	v11 =	vadd.f32 v15, v10;
	v7 =	vmax.f32 v7, $0.0e+00  }
0x131: {  	v10 =	vld [tilespmem:s12+$0xFFFFFF60];
	[tilespmem:s20+$0x70] =	vst v7;
	s20 =	smov.u32 s11  }
0x132: {  	s11 =	sadd.s32 $0x200, s11;
	v11 =	vmax.f32 v11, $0.0e+00;
	v7 =	vld [tilespmem:s20+$0xF0]  }
0x133: {  	_ =	sdelay $0x2  }
0x134: {  	v4 =	vadd.f32 v10, v4  }
0x135: {  	v5 =	vadd.f32 v8, v5  }
0x136: {  	[tilespmem:s20+$0xE0] =	vst v11;
	v6 =	vadd.f32 v9, v6;
	v4 =	vmax.f32 v4, $0.0e+00  }
0x137: {  	v8 =	vld [tilespmem:s29+$0xF0];
	v5 =	vmax.f32 v5, $0.0e+00;
	[tilespmem:s20+$0xFFFFFF60] =	vst v4  }
0x138: {  	[tilespmem:s20+$0xFFFFFFE0] =	vst v5;
	v4 =	vmax.f32 v6, $0.0e+00;
	v5 =	vld [tilespmem:s29+$0xFFFFFF70]  }
0x139: {  	[tilespmem:s20+$0x60] =	vst v4;
	v4 =	vld [tilespmem:s29+$0xFFFFFFF0]  }
0x13a: {  	v6 =	vld [tilespmem:s29+$0x70];
	_ =	sdelay $0x1  }
0x13b: {  	v7 =	vadd.f32 v8, v7  }
0x13c: {  	v3 =	vadd.f32 v5, v3  }
0x13d: {  	v5 =	vmax.f32 v7, $0.0e+00;
	v2 =	vadd.f32 v4, v2  }
0x13e: {  	[tilespmem:s20+$0xF0] =	vst v5;
	v1 =	vadd.f32 v6, v1;
	v3 =	vmax.f32 v3, $0.0e+00  }
0x13f: {  	v2 =	vmax.f32 v2, $0.0e+00;
	[tilespmem:s20+$0xFFFFFF70] =	vst v3  }
0x140: {  	[tilespmem:s20+$0xFFFFFFF0] =	vst v2;
	v1 =	vmax.f32 v1, $0.0e+00  }
0x141: {  	s11 =	simm.s32 @!p1 $0xC;
	[tilespmem:s20+$0x70] =	vst v1  }
0x142: {  	[spmem:s5] =	stream.indirect.scatter.add.f32 [tilespmem:s15], [sflag:$0x9], $0x80, s21, s28, $0xb8;
	[tilespmem:$0x1DC80] =	vst v63  }
0x143: {  	_ =	swait.ge @!p1 [sflag:s11], $0x1400  }
0x144: {  	s12 =	rddreg [dreg:$0x10]  }
0x145: {  	s12 =	sadd.s32 s19, s12  }
0x146: {  	[sflag:s11] =	ssyncset.done @!p1 $0x0;
	s20 =	sshrl.u32 s12, $0x3  }
0x147: {  	s29 =	simm.s32 $0x180;
	[sflag:s11] =	ssyncadd.s32 @!p1 $0xFFFFEC00;
	s11 =	sadd.s32 s7, s20  }
0x148: {  	[tilespmem:s29], [sflag:$0x4] =	stream.linear.gather [hbm4b:s11+s6], $0x28, $0x38;
	[tilespmem:$0x1DC80] =	vst v63  }
0x149: {  	s12 =	sshll.u32 s12, $0x4;
	s11 =	sadd.s32 s3, s20;
	s20 =	simm.s32 $0x380  }
0x14a: {  	[tilespmem:s20], [sflag:$0x4] =	stream.linear.gather [hbm4b:s11+s6], $0x28, $0x38;
	[tilespmem:$0x1DC80] =	vst v63  }
0x14b: {  	s11 =	sadd.s32 s2, s12;
	s20 =	simm.s32 $0x9000  }
0x14c: {  	[tilespmem:s20], [sflag:$0x4] =	stream.linear.gather [hbm4b:s11+s6], $0x1400, $0x38;
	[tilespmem:$0x1DC80] =	vst v63  }
0x14d: {  	_ =	swait.ge [sflag:s14], $0x28  }
0x14e: {  	[sflag:s14] =	ssyncset.done $0x0  }
0x14f: {  	[sflag:s14] =	ssyncadd.s32 $0xFFFFFFD8  }
0x150: {  	_ =	swait.ge [sflag:s14], $0x28  }
0x151: {  	[sflag:s14] =	ssyncset.done $0x0  }
0x152: {  	[sflag:s14] =	ssyncadd.s32 $0xFFFFFFD8  }
0x153: {  	_ =	swait.ge [sflag:s14], $0x1400  }
0x154: {  	[sflag:s14] =	ssyncset.done $0x0  }
0x155: {  	s20 =	simm.s32 $0x100;
	[sflag:s14] =	ssyncadd.s32 $0xFFFFEC00  }
0x156: {  	[tilespmem:s10], [sflag:$0x7] =	stream.indirect.gather [hbm4b:s1+s28], $0x80, s20, s28, $0xb8;
	[tilespmem:$0x1DC80] =	vst v63  }
0x157: {  	_ =	swait.ge [sflag:s8], $0x1400  }
0x158: {  	[sflag:s8] =	ssyncset.done $0x0  }
0x159: {  	s20 =	simm.s32 $0x19F0;
	[sflag:s8] =	ssyncadd.s32 $0xFFFFEC00  }
0x15a: {  	s29 =	simm.s32 $0x69F0;
	v1 =	vld [tilespmem:s20+$0xFFFFFF90]  }
0x15b: {  	v2 =	vld [tilespmem:s29+$0xFFFFFF90]  }
0x15c: {  	v3 =	vld [tilespmem:s29+$0xFFFFFE10]  }
0x15d: {  	v4 =	vld [tilespmem:s20+$0xFFFFFE90]  }
0x15e: {  	v5 =	vld [tilespmem:s29+$0xFFFFFE90]  }
0x15f: {  	v6 =	vld [tilespmem:s29+$0xFFFFFF10]  }
0x160: {  	v1 =	vadd.f32 v2, v1;
	v2 =	vld [tilespmem:s20+$0xFFFFFF10]  }
0x161: {  	v7 =	vld [tilespmem:s20+$0xFFFFFE10]  }
0x162: {  	v1 =	vmax.f32 v1, $0.0e+00  }
0x163: {  	v4 =	vadd.f32 v5, v4;
	[tilespmem:s20+$0xFFFFFF90] =	vst v1;
	v1 =	vld [tilespmem:s20+$0xFFFFFFA0]  }
0x164: {  	v8 =	vld [tilespmem:s29+$0xFFFFFFA0]  }
0x165: {  	v9 =	vld [tilespmem:s20+$0xFFFFFEA0];
	v4 =	vmax.f32 v4, $0.0e+00;
	v2 =	vadd.f32 v6, v2  }
0x166: {  	v5 =	vld [tilespmem:s20+$0xFFFFFE20];
	v3 =	vadd.f32 v3, v7;
	[tilespmem:s20+$0xFFFFFE90] =	vst v4  }
0x167: {  	v6 =	vld [tilespmem:s29+$0xFFFFFEA0];
	v2 =	vmax.f32 v2, $0.0e+00  }
0x168: {  	v3 =	vmax.f32 v3, $0.0e+00;
	v4 =	vld [tilespmem:s20+$0xFFFFFF20];
	[tilespmem:s20+$0xFFFFFF10] =	vst v2  }
0x169: {  	[tilespmem:s20+$0xFFFFFE10] =	vst v3;
	v1 =	vadd.f32 v8, v1;
	v2 =	vld [tilespmem:s29+$0xFFFFFF20]  }
0x16a: {  	v3 =	vld [tilespmem:s29+$0xFFFFFE20]  }
0x16b: {  	v1 =	vmax.f32 v1, $0.0e+00  }
0x16c: {  	v6 =	vadd.f32 v6, v9;
	[tilespmem:s20+$0xFFFFFFA0] =	vst v1;
	v1 =	vld [tilespmem:s20+$0xFFFFFFB0]  }
0x16d: {  	v8 =	vld [tilespmem:s29+$0xFFFFFFB0]  }
0x16e: {  	v7 =	vld [tilespmem:s20+$0xFFFFFE30];
	v6 =	vmax.f32 v6, $0.0e+00;
	v2 =	vadd.f32 v2, v4  }
0x16f: {  	v3 =	vadd.f32 v3, v5;
	v9 =	vld [tilespmem:s20+$0xFFFFFEB0];
	[tilespmem:s20+$0xFFFFFEA0] =	vst v6  }
0x170: {  	v5 =	vld [tilespmem:s29+$0xFFFFFEB0];
	v2 =	vmax.f32 v2, $0.0e+00  }
0x171: {  	v3 =	vmax.f32 v3, $0.0e+00;
	v4 =	vld [tilespmem:s20+$0xFFFFFF30];
	[tilespmem:s20+$0xFFFFFF20] =	vst v2  }
0x172: {  	[tilespmem:s20+$0xFFFFFE20] =	vst v3;
	v1 =	vadd.f32 v8, v1;
	v2 =	vld [tilespmem:s29+$0xFFFFFF30]  }
0x173: {  	v3 =	vld [tilespmem:s29+$0xFFFFFE30]  }
0x174: {  	v1 =	vmax.f32 v1, $0.0e+00  }
0x175: {  	v5 =	vadd.f32 v5, v9;
	[tilespmem:s20+$0xFFFFFFB0] =	vst v1;
	v1 =	vld [tilespmem:s20+$0xFFFFFFC0]  }
0x176: {  	v8 =	vld [tilespmem:s29+$0xFFFFFFC0]  }
0x177: {  	v10 =	vld [tilespmem:s20+$0xFFFFFF40];
	v5 =	vmax.f32 v5, $0.0e+00;
	v2 =	vadd.f32 v2, v4  }
0x178: {  	v3 =	vadd.f32 v3, v7;
	v9 =	vld [tilespmem:s20+$0xFFFFFEC0];
	[tilespmem:s20+$0xFFFFFEB0] =	vst v5  }
0x179: {  	v4 =	vld [tilespmem:s29+$0xFFFFFEC0];
	v2 =	vmax.f32 v2, $0.0e+00  }
0x17a: {  	v6 =	vld [tilespmem:s20+$0xFFFFFE40];
	[tilespmem:s20+$0xFFFFFF30] =	vst v2;
	v2 =	vmax.f32 v3, $0.0e+00  }
0x17b: {  	v1 =	vadd.f32 v8, v1;
	[tilespmem:s20+$0xFFFFFE30] =	vst v2;
	v2 =	vld [tilespmem:s29+$0xFFFFFF40]  }
0x17c: {  	v7 =	vld [tilespmem:s29+$0xFFFFFE40]  }
0x17d: {  	v11 =	vld [tilespmem:s20+$0xFFFFFE50];
	v1 =	vmax.f32 v1, $0.0e+00  }
0x17e: {  	v4 =	vadd.f32 v4, v9;
	[tilespmem:s20+$0xFFFFFFC0] =	vst v1;
	v1 =	vld [tilespmem:s20+$0xFFFFFFD0]  }
0x17f: {  	v8 =	vld [tilespmem:s29+$0xFFFFFFD0]  }
0x180: {  	v12 =	vld [tilespmem:s20+$0xFFFFFEE0];
	v4 =	vmax.f32 v4, $0.0e+00;
	v2 =	vadd.f32 v2, v10  }
0x181: {  	v5 =	vld [tilespmem:s20+$0xFFFFFED0];
	[tilespmem:s20+$0xFFFFFEC0] =	vst v4;
	v6 =	vadd.f32 v7, v6  }
0x182: {  	v7 =	vld [tilespmem:s29+$0xFFFFFED0];
	v2 =	vmax.f32 v2, $0.0e+00  }
0x183: {  	v3 =	vld [tilespmem:s20+$0xFFFFFF50];
	[tilespmem:s20+$0xFFFFFF40] =	vst v2;
	v2 =	vmax.f32 v6, $0.0e+00  }
0x184: {  	v1 =	vadd.f32 v8, v1;
	v6 =	vld [tilespmem:s29+$0xFFFFFF50];
	[tilespmem:s20+$0xFFFFFE40] =	vst v2  }
0x185: {  	v2 =	vld [tilespmem:s29+$0xFFFFFE50]  }
0x186: {  	v9 =	vld [tilespmem:s20+$0xFFFFFE60];
	v1 =	vmax.f32 v1, $0.0e+00  }
0x187: {  	[tilespmem:s20+$0xFFFFFFD0] =	vst v1;
	v1 =	vadd.f32 v7, v5;
	v7 =	vld [tilespmem:s20+$0xFFFFFFE0]  }
0x188: {  	v8 =	vld [tilespmem:s29+$0xFFFFFFE0]  }
0x189: {  	v4 =	vld [tilespmem:s20+$0xFFFFFE70];
	v1 =	vmax.f32 v1, $0.0e+00;
	v3 =	vadd.f32 v6, v3  }
0x18a: {  	v10 =	vld [tilespmem:s20+$0xFFFFFF60];
	[tilespmem:s20+$0xFFFFFED0] =	vst v1;
	v1 =	vadd.f32 v2, v11  }
0x18b: {  	v2 =	vld [tilespmem:s29+$0xFFFFFEE0];
	v3 =	vmax.f32 v3, $0.0e+00  }
0x18c: {  	v5 =	vld [tilespmem:s20+$0xFFFFFEF0];
	[tilespmem:s20+$0xFFFFFF50] =	vst v3;
	v1 =	vmax.f32 v1, $0.0e+00  }
0x18d: {  	v3 =	vld [tilespmem:s29+$0xFFFFFF60];
	v7 =	vadd.f32 v8, v7;
	[tilespmem:s20+$0xFFFFFE50] =	vst v1  }
0x18e: {  	v1 =	vld [tilespmem:s29+$0xFFFFFE60]  }
0x18f: {  	v6 =	vld [tilespmem:s20+$0xFFFFFF70];
	v7 =	vmax.f32 v7, $0.0e+00  }
0x190: {  	v2 =	vadd.f32 v2, v12;
	[tilespmem:s20+$0xFFFFFFE0] =	vst v7;
	v7 =	vld [tilespmem:s20+$0xFFFFFFF0]  }
0x191: {  	v11 =	vld [tilespmem:s29+$0xFFFFFFF0]  }
0x192: {  	v2 =	vmax.f32 v2, $0.0e+00;
	v8 =	vadd.f32 v3, v10;
	v3 =	vld [tilespmem:s20+$0xFFFFFE80]  }
0x193: {  	[tilespmem:s20+$0xFFFFFEE0] =	vst v2;
	v1 =	vadd.f32 v1, v9;
	v2 =	vld [tilespmem:s20+$0xFFFFFF00]  }
0x194: {  	v9 =	vmax.f32 v8, $0.0e+00;
	v8 =	vld [tilespmem:s29+$0xFFFFFEF0]  }
0x195: {  	[tilespmem:s20+$0xFFFFFF60] =	vst v9;
	v9 =	vmax.f32 v1, $0.0e+00;
	v1 =	vld [tilespmem:s20+$0xFFFFFF80]  }
0x196: {  	[tilespmem:s20+$0xFFFFFE60] =	vst v9;
	v9 =	vld [tilespmem:s29+$0xFFFFFF70];
	v7 =	vadd.f32 v11, v7  }
0x197: {  	v10 =	vld [tilespmem:s29+$0xFFFFFE70]  }
0x198: {  	s30 =	simm.s32 $0x0;
	s12 =	simm.s32 $0x69F0;
	s11 =	simm.s32 $0x1BF0;
	v11 =	vmax.f32 v7, $0.0e+00;
	v7 =	vld [tilespmem:s20+$0x0]  }
.LBB2_7:
0x199: {  	v12 =	vld [tilespmem:s11+$0xFFFFFF90];
	v5 =	vadd.f32 v8, v5;
	[tilespmem:s20+$0xFFFFFFF0] =	vst v11  }
0x19a: {  	s12 =	sadd.s32 $0x200, s12;
	v8 =	vld [tilespmem:s29+$0x0]  }
0x19b: {  	s30 =	sadd.s32 $0x4, s30;
	v11 =	vld [tilespmem:s12+$0xFFFFFF90];
	v5 =	vmax.f32 v5, $0.0e+00;
	v6 =	vadd.f32 v9, v6  }
0x19c: {  	p1 =	slt.u32 s30, $0x24;
	v9 =	vld [tilespmem:s12+$0xFFFFFE10];
	v4 =	vadd.f32 v10, v4;
	[tilespmem:s20+$0xFFFFFEF0] =	vst v5  }
0x19d: {  	v5 =	vld [tilespmem:s11+$0xFFFFFE90];
	v6 =	vmax.f32 v6, $0.0e+00  }
0x19e: {  	v10 =	vld [tilespmem:s12+$0xFFFFFE90];
	v4 =	vmax.f32 v4, $0.0e+00;
	[tilespmem:s20+$0xFFFFFF70] =	vst v6  }
0x19f: {  	v6 =	vld [tilespmem:s11+$0xFFFFFF10];
	[tilespmem:s20+$0xFFFFFE70] =	vst v4;
	v4 =	vadd.f32 v8, v7  }
0x1a0: {  	v7 =	vld [tilespmem:s12+$0xFFFFFF10];
	v8 =	vadd.f32 v11, v12  }
0x1a1: {  	v11 =	vld [tilespmem:s11+$0xFFFFFE10];
	v4 =	vmax.f32 v4, $0.0e+00  }
0x1a2: {  	v12 =	vld [tilespmem:s11+$0xFFFFFE20];
	v8 =	vmax.f32 v8, $0.0e+00;
	[tilespmem:s20+$0x0] =	vst v4  }
0x1a3: {  	v4 =	vadd.f32 v10, v5;
	[tilespmem:s11+$0xFFFFFF90] =	vst v8;
	v5 =	vld [tilespmem:s11+$0xFFFFFFA0]  }
0x1a4: {  	v8 =	vld [tilespmem:s12+$0xFFFFFFA0]  }
0x1a5: {  	v4 =	vmax.f32 v4, $0.0e+00;
	v10 =	vld [tilespmem:s11+$0xFFFFFEA0];
	v6 =	vadd.f32 v7, v6  }
0x1a6: {  	v7 =	vadd.f32 v9, v11;
	[tilespmem:s11+$0xFFFFFE90] =	vst v4;
	v4 =	vld [tilespmem:s11+$0xFFFFFF20]  }
0x1a7: {  	v9 =	vld [tilespmem:s12+$0xFFFFFEA0];
	v6 =	vmax.f32 v6, $0.0e+00  }
0x1a8: {  	v7 =	vmax.f32 v7, $0.0e+00;
	v11 =	vld [tilespmem:s11+$0xFFFFFE30];
	[tilespmem:s11+$0xFFFFFF10] =	vst v6  }
0x1a9: {  	[tilespmem:s11+$0xFFFFFE10] =	vst v7;
	v6 =	vld [tilespmem:s12+$0xFFFFFF20];
	v5 =	vadd.f32 v8, v5  }
0x1aa: {  	v7 =	vld [tilespmem:s12+$0xFFFFFE20]  }
0x1ab: {  	v8 =	vld [tilespmem:s11+$0xFFFFFEB0];
	v5 =	vmax.f32 v5, $0.0e+00  }
0x1ac: {  	v9 =	vadd.f32 v9, v10;
	[tilespmem:s11+$0xFFFFFFA0] =	vst v5;
	v5 =	vld [tilespmem:s11+$0xFFFFFFB0]  }
0x1ad: {  	v10 =	vld [tilespmem:s12+$0xFFFFFFB0]  }
0x1ae: {  	v9 =	vmax.f32 v9, $0.0e+00;
	v4 =	vadd.f32 v6, v4;
	v6 =	vld [tilespmem:s11+$0xFFFFFF30]  }
0x1af: {  	v7 =	vadd.f32 v7, v12;
	v12 =	vld [tilespmem:s11+$0xFFFFFE40];
	[tilespmem:s11+$0xFFFFFEA0] =	vst v9  }
0x1b0: {  	v9 =	vld [tilespmem:s12+$0xFFFFFEB0];
	v4 =	vmax.f32 v4, $0.0e+00  }
0x1b1: {  	v7 =	vmax.f32 v7, $0.0e+00;
	v13 =	vld [tilespmem:s11+$0xFFFFFEC0];
	[tilespmem:s11+$0xFFFFFF20] =	vst v4  }
0x1b2: {  	[tilespmem:s11+$0xFFFFFE20] =	vst v7;
	v4 =	vld [tilespmem:s12+$0xFFFFFF30];
	v5 =	vadd.f32 v10, v5  }
0x1b3: {  	v7 =	vld [tilespmem:s12+$0xFFFFFE30]  }
0x1b4: {  	v10 =	vld [tilespmem:s11+$0xFFFFFF40];
	v5 =	vmax.f32 v5, $0.0e+00  }
0x1b5: {  	v8 =	vadd.f32 v9, v8;
	[tilespmem:s11+$0xFFFFFFB0] =	vst v5;
	v5 =	vld [tilespmem:s11+$0xFFFFFFC0]  }
0x1b6: {  	v9 =	vld [tilespmem:s12+$0xFFFFFFC0]  }
0x1b7: {  	v14 =	vld [tilespmem:s11+$0xFFFFFE50];
	v8 =	vmax.f32 v8, $0.0e+00;
	v4 =	vadd.f32 v4, v6  }
0x1b8: {  	v6 =	vadd.f32 v7, v11;
	[tilespmem:s11+$0xFFFFFEB0] =	vst v8;
	v7 =	vld [tilespmem:s11+$0xFFFFFED0]  }
0x1b9: {  	v8 =	vld [tilespmem:s12+$0xFFFFFEC0];
	v4 =	vmax.f32 v4, $0.0e+00  }
0x1ba: {  	v6 =	vmax.f32 v6, $0.0e+00;
	[tilespmem:s11+$0xFFFFFF30] =	vst v4;
	v11 =	vld [tilespmem:s11+$0xFFFFFF50]  }
0x1bb: {  	[tilespmem:s11+$0xFFFFFE30] =	vst v6;
	v4 =	vld [tilespmem:s12+$0xFFFFFF40];
	v5 =	vadd.f32 v9, v5  }
0x1bc: {  	v6 =	vld [tilespmem:s12+$0xFFFFFE40]  }
0x1bd: {  	v9 =	vld [tilespmem:s11+$0xFFFFFE60];
	v5 =	vmax.f32 v5, $0.0e+00  }
0x1be: {  	v8 =	vadd.f32 v8, v13;
	[tilespmem:s11+$0xFFFFFFC0] =	vst v5;
	v5 =	vld [tilespmem:s11+$0xFFFFFFD0]  }
0x1bf: {  	v13 =	vld [tilespmem:s12+$0xFFFFFFD0]  }
0x1c0: {  	v8 =	vmax.f32 v8, $0.0e+00;
	v15 =	vld [tilespmem:s11+$0xFFFFFEE0];
	v4 =	vadd.f32 v4, v10  }
0x1c1: {  	v6 =	vadd.f32 v6, v12;
	[tilespmem:s11+$0xFFFFFEC0] =	vst v8;
	v8 =	vld [tilespmem:s11+$0xFFFFFF60]  }
0x1c2: {  	v10 =	vld [tilespmem:s12+$0xFFFFFED0];
	v12 =	vmax.f32 v4, $0.0e+00  }
0x1c3: {  	v6 =	vmax.f32 v6, $0.0e+00;
	v4 =	vld [tilespmem:s11+$0xFFFFFE70];
	[tilespmem:s11+$0xFFFFFF40] =	vst v12  }
0x1c4: {  	[tilespmem:s11+$0xFFFFFE40] =	vst v6;
	v6 =	vld [tilespmem:s12+$0xFFFFFF50];
	v12 =	vadd.f32 v13, v5  }
0x1c5: {  	v13 =	vld [tilespmem:s12+$0xFFFFFE50]  }
0x1c6: {  	v5 =	vld [tilespmem:s11+$0xFFFFFEF0];
	v12 =	vmax.f32 v12, $0.0e+00  }
0x1c7: {  	v7 =	vadd.f32 v10, v7;
	[tilespmem:s11+$0xFFFFFFD0] =	vst v12;
	v10 =	vld [tilespmem:s11+$0xFFFFFFE0]  }
0x1c8: {  	v12 =	vld [tilespmem:s12+$0xFFFFFFE0]  }
0x1c9: {  	v7 =	vmax.f32 v7, $0.0e+00;
	v11 =	vadd.f32 v6, v11;
	v6 =	vld [tilespmem:s11+$0xFFFFFF70]  }
0x1ca: {  	v13 =	vadd.f32 v13, v14;
	[tilespmem:s11+$0xFFFFFED0] =	vst v7;
	v7 =	vld [tilespmem:s29+$0xFFFFFE80]  }
0x1cb: {  	v14 =	vld [tilespmem:s12+$0xFFFFFEE0];
	v11 =	vmax.f32 v11, $0.0e+00  }
0x1cc: {  	v13 =	vmax.f32 v13, $0.0e+00;
	[tilespmem:s11+$0xFFFFFF50] =	vst v11;
	v11 =	vld [tilespmem:s29+$0xFFFFFF00]  }
0x1cd: {  	[tilespmem:s11+$0xFFFFFE50] =	vst v13;
	v13 =	vld [tilespmem:s12+$0xFFFFFF60];
	v10 =	vadd.f32 v12, v10  }
0x1ce: {  	v12 =	vld [tilespmem:s12+$0xFFFFFE60]  }
0x1cf: {  	v10 =	vmax.f32 v10, $0.0e+00;
	v3 =	vadd.f32 v7, v3;
	v7 =	vld [tilespmem:s29+$0xFFFFFF80];
	s29 =	smov.u32 s12  }
0x1d0: {  	v14 =	vadd.f32 v14, v15;
	[tilespmem:s11+$0xFFFFFFE0] =	vst v10;
	v10 =	vld [tilespmem:s11+$0xFFFFFFF0]  }
0x1d1: {  	v15 =	vld [tilespmem:s12+$0xFFFFFFF0];
	v16 =	vmax.f32 v3, $0.0e+00;
	v11 =	vadd.f32 v11, v2  }
0x1d2: {  	v3 =	vld [tilespmem:s11+$0xFFFFFE80];
	v2 =	vmax.f32 v14, $0.0e+00;
	v13 =	vadd.f32 v13, v8;
	[tilespmem:s20+$0xFFFFFE80] =	vst v16  }
0x1d3: {  	v9 =	vadd.f32 v12, v9;
	[tilespmem:s11+$0xFFFFFEE0] =	vst v2;
	v2 =	vld [tilespmem:s11+$0xFFFFFF00];
	v11 =	vmax.f32 v11, $0.0e+00  }
.Ltmp2:
0x1d4: {  	v8 =	vld [tilespmem:s12+$0xFFFFFEF0];
	v12 =	vmax.f32 v13, $0.0e+00;
	[tilespmem:s20+$0xFFFFFF00] =	vst v11;
	v7 =	vadd.f32 v7, v1;
	(pc) =	sbr.rel @p1 .LBB2_7-.Ltmp2, $4  }
0x1d5: {  	v9 =	vmax.f32 v9, $0.0e+00;
	[tilespmem:s11+$0xFFFFFF60] =	vst v12;
	v1 =	vld [tilespmem:s11+$0xFFFFFF80]  }
0x1d6: {  	[tilespmem:s11+$0xFFFFFE60] =	vst v9;
	v9 =	vld [tilespmem:s12+$0xFFFFFF70];
	v11 =	vadd.f32 v15, v10;
	v7 =	vmax.f32 v7, $0.0e+00  }
0x1d7: {  	v10 =	vld [tilespmem:s12+$0xFFFFFE70];
	[tilespmem:s20+$0xFFFFFF80] =	vst v7;
	s20 =	smov.u32 s11  }
0x1d8: {  	s11 =	sadd.s32 $0x200, s11;
	v11 =	vmax.f32 v11, $0.0e+00;
	v7 =	vld [tilespmem:s20+$0x0]  }
0x1d9: {  	_ =	sdelay $0x2  }
0x1da: {  	v4 =	vadd.f32 v10, v4  }
0x1db: {  	v5 =	vadd.f32 v8, v5  }
0x1dc: {  	[tilespmem:s20+$0xFFFFFFF0] =	vst v11;
	v6 =	vadd.f32 v9, v6;
	v4 =	vmax.f32 v4, $0.0e+00  }
0x1dd: {  	v8 =	vld [tilespmem:s29+$0x0];
	v5 =	vmax.f32 v5, $0.0e+00;
	[tilespmem:s20+$0xFFFFFE70] =	vst v4  }
0x1de: {  	[tilespmem:s20+$0xFFFFFEF0] =	vst v5;
	v4 =	vmax.f32 v6, $0.0e+00;
	v5 =	vld [tilespmem:s29+$0xFFFFFE80]  }
0x1df: {  	[tilespmem:s20+$0xFFFFFF70] =	vst v4;
	v4 =	vld [tilespmem:s29+$0xFFFFFF00]  }
0x1e0: {  	v6 =	vld [tilespmem:s29+$0xFFFFFF80];
	_ =	sdelay $0x1  }
0x1e1: {  	v7 =	vadd.f32 v8, v7  }
0x1e2: {  	v3 =	vadd.f32 v5, v3  }
0x1e3: {  	v5 =	vmax.f32 v7, $0.0e+00;
	v2 =	vadd.f32 v4, v2  }
0x1e4: {  	[tilespmem:s20+$0x0] =	vst v5;
	v1 =	vadd.f32 v6, v1;
	v3 =	vmax.f32 v3, $0.0e+00  }
0x1e5: {  	v2 =	vmax.f32 v2, $0.0e+00;
	[tilespmem:s20+$0xFFFFFE80] =	vst v3  }
0x1e6: {  	[tilespmem:s20+$0xFFFFFF00] =	vst v2;
	v1 =	vmax.f32 v1, $0.0e+00  }
0x1e7: {  	[tilespmem:s20+$0xFFFFFF80] =	vst v1  }
0x1e8: {  	[spmem:s5] =	stream.indirect.scatter.add.f32 [tilespmem:s4], [sflag:$0xA], $0x80, s24, s28, $0xb8;
	[tilespmem:$0x1DC80] =	vst v63  }
0x1e9: {  	_ =	swait.ge [sflag:s31], $0x1400  }
0x1ea: {  	s11 =	rddreg [dreg:$0x11]  }
0x1eb: {  	s11 =	sadd.s32 s19, s11  }
0x1ec: {  	[sflag:s31] =	ssyncset.done $0x0;
	s12 =	sshrl.u32 s11, $0x3  }
0x1ed: {  	[sflag:s31] =	ssyncadd.s32 $0xFFFFEC00;
	s20 =	sadd.s32 s7, s12  }
0x1ee: {  	[tilespmem:s6], [sflag:$0x1] =	stream.linear.gather [hbm4b:s20+s6], $0x28, $0x38;
	[tilespmem:$0x1DC80] =	vst v63  }
0x1ef: {  	s11 =	sshll.u32 s11, $0x4;
	s12 =	sadd.s32 s3, s12  }
0x1f0: {  	[tilespmem:s21], [sflag:$0x1] =	stream.linear.gather [hbm4b:s12+s6], $0x28, $0x38;
	[tilespmem:$0x1DC80] =	vst v63  }
0x1f1: {  	s11 =	sadd.s32 s2, s11;
	s20 =	simm.s32 $0x5400  }
0x1f2: {  	[tilespmem:s20], [sflag:$0x1] =	stream.linear.gather [hbm4b:s11+s6], $0x1400, $0x38;
	[tilespmem:$0x1DC80] =	vst v63  }
0x1f3: {  	_ =	swait.ge [sflag:s13], $0x28  }
0x1f4: {  	[sflag:s13] =	ssyncset.done $0x0  }
0x1f5: {  	[sflag:s13] =	ssyncadd.s32 $0xFFFFFFD8  }
0x1f6: {  	_ =	swait.ge [sflag:s13], $0x28  }
0x1f7: {  	[sflag:s13] =	ssyncset.done $0x0  }
0x1f8: {  	[sflag:s13] =	ssyncadd.s32 $0xFFFFFFD8  }
0x1f9: {  	_ =	swait.ge [sflag:s13], $0x1400  }
0x1fa: {  	[sflag:s13] =	ssyncset.done $0x0  }
0x1fb: {  	s20 =	simm.s32 $0x180;
	[sflag:s13] =	ssyncadd.s32 $0xFFFFEC00  }
0x1fc: {  	[tilespmem:s22], [sflag:$0x8] =	stream.indirect.gather [hbm4b:s1+s28], $0x80, s20, s28, $0xb8;
	[tilespmem:$0x1DC80] =	vst v63  }
0x1fd: {  	_ =	swait.ge [sflag:s25], $0x1400  }
0x1fe: {  	[sflag:s25] =	ssyncset.done $0x0  }
0x1ff: {  	s20 =	simm.s32 $0x2DF0;
	[sflag:s25] =	ssyncadd.s32 $0xFFFFEC00  }
0x200: {  	s29 =	simm.s32 $0x7DF0;
	v1 =	vld [tilespmem:s20+$0xFFFFFF90]  }
0x201: {  	v2 =	vld [tilespmem:s29+$0xFFFFFF90]  }
0x202: {  	v3 =	vld [tilespmem:s29+$0xFFFFFE10]  }
0x203: {  	v4 =	vld [tilespmem:s20+$0xFFFFFE90]  }
0x204: {  	v5 =	vld [tilespmem:s29+$0xFFFFFE90]  }
0x205: {  	v6 =	vld [tilespmem:s29+$0xFFFFFF10]  }
0x206: {  	v1 =	vadd.f32 v2, v1;
	v2 =	vld [tilespmem:s20+$0xFFFFFF10]  }
0x207: {  	v7 =	vld [tilespmem:s20+$0xFFFFFE10]  }
0x208: {  	v1 =	vmax.f32 v1, $0.0e+00  }
0x209: {  	v4 =	vadd.f32 v5, v4;
	[tilespmem:s20+$0xFFFFFF90] =	vst v1;
	v1 =	vld [tilespmem:s20+$0xFFFFFFA0]  }
0x20a: {  	v8 =	vld [tilespmem:s29+$0xFFFFFFA0]  }
0x20b: {  	v9 =	vld [tilespmem:s20+$0xFFFFFEA0];
	v4 =	vmax.f32 v4, $0.0e+00;
	v2 =	vadd.f32 v6, v2  }
0x20c: {  	v5 =	vld [tilespmem:s20+$0xFFFFFE20];
	v3 =	vadd.f32 v3, v7;
	[tilespmem:s20+$0xFFFFFE90] =	vst v4  }
0x20d: {  	v6 =	vld [tilespmem:s29+$0xFFFFFEA0];
	v2 =	vmax.f32 v2, $0.0e+00  }
0x20e: {  	v3 =	vmax.f32 v3, $0.0e+00;
	v4 =	vld [tilespmem:s20+$0xFFFFFF20];
	[tilespmem:s20+$0xFFFFFF10] =	vst v2  }
0x20f: {  	[tilespmem:s20+$0xFFFFFE10] =	vst v3;
	v1 =	vadd.f32 v8, v1;
	v2 =	vld [tilespmem:s29+$0xFFFFFF20]  }
0x210: {  	v3 =	vld [tilespmem:s29+$0xFFFFFE20]  }
0x211: {  	v1 =	vmax.f32 v1, $0.0e+00  }
0x212: {  	v6 =	vadd.f32 v6, v9;
	[tilespmem:s20+$0xFFFFFFA0] =	vst v1;
	v1 =	vld [tilespmem:s20+$0xFFFFFFB0]  }
0x213: {  	v8 =	vld [tilespmem:s29+$0xFFFFFFB0]  }
0x214: {  	v7 =	vld [tilespmem:s20+$0xFFFFFE30];
	v6 =	vmax.f32 v6, $0.0e+00;
	v2 =	vadd.f32 v2, v4  }
0x215: {  	v3 =	vadd.f32 v3, v5;
	v9 =	vld [tilespmem:s20+$0xFFFFFEB0];
	[tilespmem:s20+$0xFFFFFEA0] =	vst v6  }
0x216: {  	v5 =	vld [tilespmem:s29+$0xFFFFFEB0];
	v2 =	vmax.f32 v2, $0.0e+00  }
0x217: {  	v3 =	vmax.f32 v3, $0.0e+00;
	v4 =	vld [tilespmem:s20+$0xFFFFFF30];
	[tilespmem:s20+$0xFFFFFF20] =	vst v2  }
0x218: {  	[tilespmem:s20+$0xFFFFFE20] =	vst v3;
	v1 =	vadd.f32 v8, v1;
	v2 =	vld [tilespmem:s29+$0xFFFFFF30]  }
0x219: {  	v3 =	vld [tilespmem:s29+$0xFFFFFE30]  }
0x21a: {  	v1 =	vmax.f32 v1, $0.0e+00  }
0x21b: {  	v5 =	vadd.f32 v5, v9;
	[tilespmem:s20+$0xFFFFFFB0] =	vst v1;
	v1 =	vld [tilespmem:s20+$0xFFFFFFC0]  }
0x21c: {  	v8 =	vld [tilespmem:s29+$0xFFFFFFC0]  }
0x21d: {  	v10 =	vld [tilespmem:s20+$0xFFFFFF40];
	v5 =	vmax.f32 v5, $0.0e+00;
	v2 =	vadd.f32 v2, v4  }
0x21e: {  	v3 =	vadd.f32 v3, v7;
	v9 =	vld [tilespmem:s20+$0xFFFFFEC0];
	[tilespmem:s20+$0xFFFFFEB0] =	vst v5  }
0x21f: {  	v4 =	vld [tilespmem:s29+$0xFFFFFEC0];
	v2 =	vmax.f32 v2, $0.0e+00  }
0x220: {  	v6 =	vld [tilespmem:s20+$0xFFFFFE40];
	[tilespmem:s20+$0xFFFFFF30] =	vst v2;
	v2 =	vmax.f32 v3, $0.0e+00  }
0x221: {  	v1 =	vadd.f32 v8, v1;
	[tilespmem:s20+$0xFFFFFE30] =	vst v2;
	v2 =	vld [tilespmem:s29+$0xFFFFFF40]  }
0x222: {  	v7 =	vld [tilespmem:s29+$0xFFFFFE40]  }
0x223: {  	v11 =	vld [tilespmem:s20+$0xFFFFFE50];
	v1 =	vmax.f32 v1, $0.0e+00  }
0x224: {  	v4 =	vadd.f32 v4, v9;
	[tilespmem:s20+$0xFFFFFFC0] =	vst v1;
	v1 =	vld [tilespmem:s20+$0xFFFFFFD0]  }
0x225: {  	v8 =	vld [tilespmem:s29+$0xFFFFFFD0]  }
0x226: {  	v12 =	vld [tilespmem:s20+$0xFFFFFEE0];
	v4 =	vmax.f32 v4, $0.0e+00;
	v2 =	vadd.f32 v2, v10  }
0x227: {  	v5 =	vld [tilespmem:s20+$0xFFFFFED0];
	[tilespmem:s20+$0xFFFFFEC0] =	vst v4;
	v6 =	vadd.f32 v7, v6  }
0x228: {  	v7 =	vld [tilespmem:s29+$0xFFFFFED0];
	v2 =	vmax.f32 v2, $0.0e+00  }
0x229: {  	v3 =	vld [tilespmem:s20+$0xFFFFFF50];
	[tilespmem:s20+$0xFFFFFF40] =	vst v2;
	v2 =	vmax.f32 v6, $0.0e+00  }
0x22a: {  	v1 =	vadd.f32 v8, v1;
	v6 =	vld [tilespmem:s29+$0xFFFFFF50];
	[tilespmem:s20+$0xFFFFFE40] =	vst v2  }
0x22b: {  	v2 =	vld [tilespmem:s29+$0xFFFFFE50]  }
0x22c: {  	v9 =	vld [tilespmem:s20+$0xFFFFFE60];
	v1 =	vmax.f32 v1, $0.0e+00  }
0x22d: {  	[tilespmem:s20+$0xFFFFFFD0] =	vst v1;
	v1 =	vadd.f32 v7, v5;
	v7 =	vld [tilespmem:s20+$0xFFFFFFE0]  }
0x22e: {  	v8 =	vld [tilespmem:s29+$0xFFFFFFE0]  }
0x22f: {  	v4 =	vld [tilespmem:s20+$0xFFFFFE70];
	v1 =	vmax.f32 v1, $0.0e+00;
	v3 =	vadd.f32 v6, v3  }
0x230: {  	v10 =	vld [tilespmem:s20+$0xFFFFFF60];
	[tilespmem:s20+$0xFFFFFED0] =	vst v1;
	v1 =	vadd.f32 v2, v11  }
0x231: {  	v2 =	vld [tilespmem:s29+$0xFFFFFEE0];
	v3 =	vmax.f32 v3, $0.0e+00  }
0x232: {  	v5 =	vld [tilespmem:s20+$0xFFFFFEF0];
	[tilespmem:s20+$0xFFFFFF50] =	vst v3;
	v1 =	vmax.f32 v1, $0.0e+00  }
0x233: {  	v3 =	vld [tilespmem:s29+$0xFFFFFF60];
	v7 =	vadd.f32 v8, v7;
	[tilespmem:s20+$0xFFFFFE50] =	vst v1  }
0x234: {  	v1 =	vld [tilespmem:s29+$0xFFFFFE60]  }
0x235: {  	v6 =	vld [tilespmem:s20+$0xFFFFFF70];
	v7 =	vmax.f32 v7, $0.0e+00  }
0x236: {  	v2 =	vadd.f32 v2, v12;
	[tilespmem:s20+$0xFFFFFFE0] =	vst v7;
	v7 =	vld [tilespmem:s20+$0xFFFFFFF0]  }
0x237: {  	v11 =	vld [tilespmem:s29+$0xFFFFFFF0]  }
0x238: {  	v2 =	vmax.f32 v2, $0.0e+00;
	v8 =	vadd.f32 v3, v10;
	v3 =	vld [tilespmem:s20+$0xFFFFFE80]  }
0x239: {  	[tilespmem:s20+$0xFFFFFEE0] =	vst v2;
	v1 =	vadd.f32 v1, v9;
	v2 =	vld [tilespmem:s20+$0xFFFFFF00]  }
0x23a: {  	v9 =	vmax.f32 v8, $0.0e+00;
	v8 =	vld [tilespmem:s29+$0xFFFFFEF0]  }
0x23b: {  	[tilespmem:s20+$0xFFFFFF60] =	vst v9;
	v9 =	vmax.f32 v1, $0.0e+00;
	v1 =	vld [tilespmem:s20+$0xFFFFFF80]  }
0x23c: {  	[tilespmem:s20+$0xFFFFFE60] =	vst v9;
	v9 =	vld [tilespmem:s29+$0xFFFFFF70];
	v7 =	vadd.f32 v11, v7  }
0x23d: {  	v10 =	vld [tilespmem:s29+$0xFFFFFE70]  }
0x23e: {  	s30 =	simm.s32 $0x0;
	s12 =	simm.s32 $0x7DF0;
	s11 =	simm.s32 $0x2FF0;
	v11 =	vmax.f32 v7, $0.0e+00;
	v7 =	vld [tilespmem:s20+$0x0]  }
.LBB2_9:
0x23f: {  	v12 =	vld [tilespmem:s11+$0xFFFFFF90];
	v5 =	vadd.f32 v8, v5;
	[tilespmem:s20+$0xFFFFFFF0] =	vst v11  }
0x240: {  	s12 =	sadd.s32 $0x200, s12;
	v8 =	vld [tilespmem:s29+$0x0]  }
0x241: {  	s30 =	sadd.s32 $0x4, s30;
	v11 =	vld [tilespmem:s12+$0xFFFFFF90];
	v5 =	vmax.f32 v5, $0.0e+00;
	v6 =	vadd.f32 v9, v6  }
0x242: {  	p1 =	slt.u32 s30, $0x24;
	v9 =	vld [tilespmem:s12+$0xFFFFFE10];
	v4 =	vadd.f32 v10, v4;
	[tilespmem:s20+$0xFFFFFEF0] =	vst v5  }
0x243: {  	v5 =	vld [tilespmem:s11+$0xFFFFFE90];
	v6 =	vmax.f32 v6, $0.0e+00  }
0x244: {  	v10 =	vld [tilespmem:s12+$0xFFFFFE90];
	v4 =	vmax.f32 v4, $0.0e+00;
	[tilespmem:s20+$0xFFFFFF70] =	vst v6  }
0x245: {  	v6 =	vld [tilespmem:s11+$0xFFFFFF10];
	[tilespmem:s20+$0xFFFFFE70] =	vst v4;
	v4 =	vadd.f32 v8, v7  }
0x246: {  	v7 =	vld [tilespmem:s12+$0xFFFFFF10];
	v8 =	vadd.f32 v11, v12  }
0x247: {  	v11 =	vld [tilespmem:s11+$0xFFFFFE10];
	v4 =	vmax.f32 v4, $0.0e+00  }
0x248: {  	v12 =	vld [tilespmem:s11+$0xFFFFFE20];
	v8 =	vmax.f32 v8, $0.0e+00;
	[tilespmem:s20+$0x0] =	vst v4  }
0x249: {  	v4 =	vadd.f32 v10, v5;
	[tilespmem:s11+$0xFFFFFF90] =	vst v8;
	v5 =	vld [tilespmem:s11+$0xFFFFFFA0]  }
0x24a: {  	v8 =	vld [tilespmem:s12+$0xFFFFFFA0]  }
0x24b: {  	v4 =	vmax.f32 v4, $0.0e+00;
	v10 =	vld [tilespmem:s11+$0xFFFFFEA0];
	v6 =	vadd.f32 v7, v6  }
0x24c: {  	v7 =	vadd.f32 v9, v11;
	[tilespmem:s11+$0xFFFFFE90] =	vst v4;
	v4 =	vld [tilespmem:s11+$0xFFFFFF20]  }
0x24d: {  	v9 =	vld [tilespmem:s12+$0xFFFFFEA0];
	v6 =	vmax.f32 v6, $0.0e+00  }
0x24e: {  	v7 =	vmax.f32 v7, $0.0e+00;
	v11 =	vld [tilespmem:s11+$0xFFFFFE30];
	[tilespmem:s11+$0xFFFFFF10] =	vst v6  }
0x24f: {  	[tilespmem:s11+$0xFFFFFE10] =	vst v7;
	v6 =	vld [tilespmem:s12+$0xFFFFFF20];
	v5 =	vadd.f32 v8, v5  }
0x250: {  	v7 =	vld [tilespmem:s12+$0xFFFFFE20]  }
0x251: {  	v8 =	vld [tilespmem:s11+$0xFFFFFEB0];
	v5 =	vmax.f32 v5, $0.0e+00  }
0x252: {  	v9 =	vadd.f32 v9, v10;
	[tilespmem:s11+$0xFFFFFFA0] =	vst v5;
	v5 =	vld [tilespmem:s11+$0xFFFFFFB0]  }
0x253: {  	v10 =	vld [tilespmem:s12+$0xFFFFFFB0]  }
0x254: {  	v9 =	vmax.f32 v9, $0.0e+00;
	v4 =	vadd.f32 v6, v4;
	v6 =	vld [tilespmem:s11+$0xFFFFFF30]  }
0x255: {  	v7 =	vadd.f32 v7, v12;
	v12 =	vld [tilespmem:s11+$0xFFFFFE40];
	[tilespmem:s11+$0xFFFFFEA0] =	vst v9  }
0x256: {  	v9 =	vld [tilespmem:s12+$0xFFFFFEB0];
	v4 =	vmax.f32 v4, $0.0e+00  }
0x257: {  	v7 =	vmax.f32 v7, $0.0e+00;
	v13 =	vld [tilespmem:s11+$0xFFFFFEC0];
	[tilespmem:s11+$0xFFFFFF20] =	vst v4  }
0x258: {  	[tilespmem:s11+$0xFFFFFE20] =	vst v7;
	v4 =	vld [tilespmem:s12+$0xFFFFFF30];
	v5 =	vadd.f32 v10, v5  }
0x259: {  	v7 =	vld [tilespmem:s12+$0xFFFFFE30]  }
0x25a: {  	v10 =	vld [tilespmem:s11+$0xFFFFFF40];
	v5 =	vmax.f32 v5, $0.0e+00  }
0x25b: {  	v8 =	vadd.f32 v9, v8;
	[tilespmem:s11+$0xFFFFFFB0] =	vst v5;
	v5 =	vld [tilespmem:s11+$0xFFFFFFC0]  }
0x25c: {  	v9 =	vld [tilespmem:s12+$0xFFFFFFC0]  }
0x25d: {  	v14 =	vld [tilespmem:s11+$0xFFFFFE50];
	v8 =	vmax.f32 v8, $0.0e+00;
	v4 =	vadd.f32 v4, v6  }
0x25e: {  	v6 =	vadd.f32 v7, v11;
	[tilespmem:s11+$0xFFFFFEB0] =	vst v8;
	v7 =	vld [tilespmem:s11+$0xFFFFFED0]  }
0x25f: {  	v8 =	vld [tilespmem:s12+$0xFFFFFEC0];
	v4 =	vmax.f32 v4, $0.0e+00  }
0x260: {  	v6 =	vmax.f32 v6, $0.0e+00;
	[tilespmem:s11+$0xFFFFFF30] =	vst v4;
	v11 =	vld [tilespmem:s11+$0xFFFFFF50]  }
0x261: {  	[tilespmem:s11+$0xFFFFFE30] =	vst v6;
	v4 =	vld [tilespmem:s12+$0xFFFFFF40];
	v5 =	vadd.f32 v9, v5  }
0x262: {  	v6 =	vld [tilespmem:s12+$0xFFFFFE40]  }
0x263: {  	v9 =	vld [tilespmem:s11+$0xFFFFFE60];
	v5 =	vmax.f32 v5, $0.0e+00  }
0x264: {  	v8 =	vadd.f32 v8, v13;
	[tilespmem:s11+$0xFFFFFFC0] =	vst v5;
	v5 =	vld [tilespmem:s11+$0xFFFFFFD0]  }
0x265: {  	v13 =	vld [tilespmem:s12+$0xFFFFFFD0]  }
0x266: {  	v8 =	vmax.f32 v8, $0.0e+00;
	v15 =	vld [tilespmem:s11+$0xFFFFFEE0];
	v4 =	vadd.f32 v4, v10  }
0x267: {  	v6 =	vadd.f32 v6, v12;
	[tilespmem:s11+$0xFFFFFEC0] =	vst v8;
	v8 =	vld [tilespmem:s11+$0xFFFFFF60]  }
0x268: {  	v10 =	vld [tilespmem:s12+$0xFFFFFED0];
	v12 =	vmax.f32 v4, $0.0e+00  }
0x269: {  	v6 =	vmax.f32 v6, $0.0e+00;
	v4 =	vld [tilespmem:s11+$0xFFFFFE70];
	[tilespmem:s11+$0xFFFFFF40] =	vst v12  }
0x26a: {  	[tilespmem:s11+$0xFFFFFE40] =	vst v6;
	v6 =	vld [tilespmem:s12+$0xFFFFFF50];
	v12 =	vadd.f32 v13, v5  }
0x26b: {  	v13 =	vld [tilespmem:s12+$0xFFFFFE50]  }
0x26c: {  	v5 =	vld [tilespmem:s11+$0xFFFFFEF0];
	v12 =	vmax.f32 v12, $0.0e+00  }
0x26d: {  	v7 =	vadd.f32 v10, v7;
	[tilespmem:s11+$0xFFFFFFD0] =	vst v12;
	v10 =	vld [tilespmem:s11+$0xFFFFFFE0]  }
0x26e: {  	v12 =	vld [tilespmem:s12+$0xFFFFFFE0]  }
0x26f: {  	v7 =	vmax.f32 v7, $0.0e+00;
	v11 =	vadd.f32 v6, v11;
	v6 =	vld [tilespmem:s11+$0xFFFFFF70]  }
0x270: {  	v13 =	vadd.f32 v13, v14;
	[tilespmem:s11+$0xFFFFFED0] =	vst v7;
	v7 =	vld [tilespmem:s29+$0xFFFFFE80]  }
0x271: {  	v14 =	vld [tilespmem:s12+$0xFFFFFEE0];
	v11 =	vmax.f32 v11, $0.0e+00  }
0x272: {  	v13 =	vmax.f32 v13, $0.0e+00;
	[tilespmem:s11+$0xFFFFFF50] =	vst v11;
	v11 =	vld [tilespmem:s29+$0xFFFFFF00]  }
0x273: {  	[tilespmem:s11+$0xFFFFFE50] =	vst v13;
	v13 =	vld [tilespmem:s12+$0xFFFFFF60];
	v10 =	vadd.f32 v12, v10  }
0x274: {  	v12 =	vld [tilespmem:s12+$0xFFFFFE60]  }
0x275: {  	v10 =	vmax.f32 v10, $0.0e+00;
	v3 =	vadd.f32 v7, v3;
	v7 =	vld [tilespmem:s29+$0xFFFFFF80];
	s29 =	smov.u32 s12  }
0x276: {  	v14 =	vadd.f32 v14, v15;
	[tilespmem:s11+$0xFFFFFFE0] =	vst v10;
	v10 =	vld [tilespmem:s11+$0xFFFFFFF0]  }
0x277: {  	v15 =	vld [tilespmem:s12+$0xFFFFFFF0];
	v16 =	vmax.f32 v3, $0.0e+00;
	v11 =	vadd.f32 v11, v2  }
0x278: {  	v3 =	vld [tilespmem:s11+$0xFFFFFE80];
	v2 =	vmax.f32 v14, $0.0e+00;
	v13 =	vadd.f32 v13, v8;
	[tilespmem:s20+$0xFFFFFE80] =	vst v16  }
0x279: {  	v9 =	vadd.f32 v12, v9;
	[tilespmem:s11+$0xFFFFFEE0] =	vst v2;
	v2 =	vld [tilespmem:s11+$0xFFFFFF00];
	v11 =	vmax.f32 v11, $0.0e+00  }
.Ltmp3:
0x27a: {  	v8 =	vld [tilespmem:s12+$0xFFFFFEF0];
	v12 =	vmax.f32 v13, $0.0e+00;
	[tilespmem:s20+$0xFFFFFF00] =	vst v11;
	v7 =	vadd.f32 v7, v1;
	(pc) =	sbr.rel @p1 .LBB2_9-.Ltmp3, $4  }
0x27b: {  	v9 =	vmax.f32 v9, $0.0e+00;
	[tilespmem:s11+$0xFFFFFF60] =	vst v12;
	v1 =	vld [tilespmem:s11+$0xFFFFFF80]  }
0x27c: {  	[tilespmem:s11+$0xFFFFFE60] =	vst v9;
	v9 =	vld [tilespmem:s12+$0xFFFFFF70];
	v11 =	vadd.f32 v15, v10;
	v7 =	vmax.f32 v7, $0.0e+00  }
0x27d: {  	v10 =	vld [tilespmem:s12+$0xFFFFFE70];
	[tilespmem:s20+$0xFFFFFF80] =	vst v7;
	s20 =	smov.u32 s11  }
0x27e: {  	s11 =	sadd.s32 $0x200, s11;
	v11 =	vmax.f32 v11, $0.0e+00;
	v7 =	vld [tilespmem:s20+$0x0]  }
0x27f: {  	_ =	sdelay $0x2  }
0x280: {  	v4 =	vadd.f32 v10, v4  }
0x281: {  	v5 =	vadd.f32 v8, v5  }
0x282: {  	[tilespmem:s20+$0xFFFFFFF0] =	vst v11;
	v6 =	vadd.f32 v9, v6;
	v4 =	vmax.f32 v4, $0.0e+00  }
0x283: {  	v8 =	vld [tilespmem:s29+$0x0];
	v5 =	vmax.f32 v5, $0.0e+00;
	[tilespmem:s20+$0xFFFFFE70] =	vst v4  }
0x284: {  	[tilespmem:s20+$0xFFFFFEF0] =	vst v5;
	v4 =	vmax.f32 v6, $0.0e+00;
	v5 =	vld [tilespmem:s29+$0xFFFFFE80]  }
0x285: {  	[tilespmem:s20+$0xFFFFFF70] =	vst v4;
	v4 =	vld [tilespmem:s29+$0xFFFFFF00]  }
0x286: {  	v6 =	vld [tilespmem:s29+$0xFFFFFF80];
	_ =	sdelay $0x1  }
0x287: {  	v7 =	vadd.f32 v8, v7  }
0x288: {  	v3 =	vadd.f32 v5, v3  }
0x289: {  	v5 =	vmax.f32 v7, $0.0e+00;
	v2 =	vadd.f32 v4, v2  }
0x28a: {  	[tilespmem:s20+$0x0] =	vst v5;
	v1 =	vadd.f32 v6, v1;
	v3 =	vmax.f32 v3, $0.0e+00  }
0x28b: {  	v2 =	vmax.f32 v2, $0.0e+00;
	[tilespmem:s20+$0xFFFFFE80] =	vst v3  }
0x28c: {  	[tilespmem:s20+$0xFFFFFF00] =	vst v2;
	v1 =	vmax.f32 v1, $0.0e+00  }
0x28d: {  	s30 =	simm.s32 $0x300;
	[tilespmem:s20+$0xFFFFFF80] =	vst v1  }
0x28e: {  	[spmem:s5] =	stream.indirect.scatter.add.f32 [tilespmem:s10], [sflag:$0xB], $0x80, s30, s28, $0xb8;
	[tilespmem:$0x1DC80] =	vst v63  }
0x28f: {  	_ =	swait.ge [sflag:s16], $0x1400  }
0x290: {  	s11 =	rddreg [dreg:$0x12]  }
0x291: {  	s11 =	sadd.s32 s19, s11  }
0x292: {  	[sflag:s16] =	ssyncset.done $0x0;
	s12 =	sshrl.u32 s11, $0x3  }
0x293: {  	[sflag:s16] =	ssyncadd.s32 $0xFFFFEC00;
	s20 =	sadd.s32 s7, s12  }
0x294: {  	[tilespmem:s23], [sflag:$0x2] =	stream.linear.gather [hbm4b:s20+s6], $0x28, $0x38;
	[tilespmem:$0x1DC80] =	vst v63  }
0x295: {  	s11 =	sshll.u32 s11, $0x4;
	s12 =	sadd.s32 s3, s12  }
0x296: {  	[tilespmem:s24], [sflag:$0x2] =	stream.linear.gather [hbm4b:s12+s6], $0x28, $0x38;
	[tilespmem:$0x1DC80] =	vst v63  }
0x297: {  	s11 =	sadd.s32 s2, s11;
	s20 =	simm.s32 $0x6800  }
0x298: {  	[tilespmem:s20], [sflag:$0x2] =	stream.linear.gather [hbm4b:s11+s6], $0x1400, $0x38;
	[tilespmem:$0x1DC80] =	vst v63  }
0x299: {  	_ =	swait.ge [sflag:s26], $0x28  }
0x29a: {  	[sflag:s26] =	ssyncset.done $0x0  }
0x29b: {  	[sflag:s26] =	ssyncadd.s32 $0xFFFFFFD8  }
0x29c: {  	_ =	swait.ge [sflag:s26], $0x28  }
0x29d: {  	[sflag:s26] =	ssyncset.done $0x0  }
0x29e: {  	[sflag:s26] =	ssyncadd.s32 $0xFFFFFFD8  }
0x29f: {  	_ =	swait.ge [sflag:s26], $0x1400  }
0x2a0: {  	[sflag:s26] =	ssyncset.done $0x0  }
0x2a1: {  	[sflag:s26] =	ssyncadd.s32 $0xFFFFEC00  }
0x2a2: {  	[tilespmem:s15], [sflag:$0x5] =	stream.indirect.gather [hbm4b:s1+s28], $0x80, s6, s28, $0xb8;
	[tilespmem:$0x1DC80] =	vst v63  }
0x2a3: {  	_ =	swait.ge [sflag:s17], $0x1400  }
0x2a4: {  	[sflag:s17] =	ssyncset.done $0x0  }
0x2a5: {  	s19 =	simm.s32 $0x41F0;
	[sflag:s17] =	ssyncadd.s32 $0xFFFFEC00  }
0x2a6: {  	s20 =	simm.s32 $0x91F0;
	v1 =	vld [tilespmem:s19+$0xFFFFFF90]  }
0x2a7: {  	v2 =	vld [tilespmem:s20+$0xFFFFFF90]  }
0x2a8: {  	v3 =	vld [tilespmem:s20+$0xFFFFFE10]  }
0x2a9: {  	v4 =	vld [tilespmem:s19+$0xFFFFFE90]  }
0x2aa: {  	v5 =	vld [tilespmem:s20+$0xFFFFFE90]  }
0x2ab: {  	v6 =	vld [tilespmem:s20+$0xFFFFFF10]  }
0x2ac: {  	v1 =	vadd.f32 v2, v1;
	v2 =	vld [tilespmem:s19+$0xFFFFFF10]  }
0x2ad: {  	v7 =	vld [tilespmem:s19+$0xFFFFFE10]  }
0x2ae: {  	v1 =	vmax.f32 v1, $0.0e+00  }
0x2af: {  	v4 =	vadd.f32 v5, v4;
	[tilespmem:s19+$0xFFFFFF90] =	vst v1;
	v1 =	vld [tilespmem:s19+$0xFFFFFFA0]  }
0x2b0: {  	v8 =	vld [tilespmem:s20+$0xFFFFFFA0]  }
0x2b1: {  	v9 =	vld [tilespmem:s19+$0xFFFFFEA0];
	v4 =	vmax.f32 v4, $0.0e+00;
	v2 =	vadd.f32 v6, v2  }
0x2b2: {  	v5 =	vld [tilespmem:s19+$0xFFFFFE20];
	v3 =	vadd.f32 v3, v7;
	[tilespmem:s19+$0xFFFFFE90] =	vst v4  }
0x2b3: {  	v6 =	vld [tilespmem:s20+$0xFFFFFEA0];
	v2 =	vmax.f32 v2, $0.0e+00  }
0x2b4: {  	v3 =	vmax.f32 v3, $0.0e+00;
	v4 =	vld [tilespmem:s19+$0xFFFFFF20];
	[tilespmem:s19+$0xFFFFFF10] =	vst v2  }
0x2b5: {  	[tilespmem:s19+$0xFFFFFE10] =	vst v3;
	v1 =	vadd.f32 v8, v1;
	v2 =	vld [tilespmem:s20+$0xFFFFFF20]  }
0x2b6: {  	v3 =	vld [tilespmem:s20+$0xFFFFFE20]  }
0x2b7: {  	v1 =	vmax.f32 v1, $0.0e+00  }
0x2b8: {  	v6 =	vadd.f32 v6, v9;
	[tilespmem:s19+$0xFFFFFFA0] =	vst v1;
	v1 =	vld [tilespmem:s19+$0xFFFFFFB0]  }
0x2b9: {  	v8 =	vld [tilespmem:s20+$0xFFFFFFB0]  }
0x2ba: {  	v7 =	vld [tilespmem:s19+$0xFFFFFE30];
	v6 =	vmax.f32 v6, $0.0e+00;
	v2 =	vadd.f32 v2, v4  }
0x2bb: {  	v3 =	vadd.f32 v3, v5;
	v9 =	vld [tilespmem:s19+$0xFFFFFEB0];
	[tilespmem:s19+$0xFFFFFEA0] =	vst v6  }
0x2bc: {  	v5 =	vld [tilespmem:s20+$0xFFFFFEB0];
	v2 =	vmax.f32 v2, $0.0e+00  }
0x2bd: {  	v3 =	vmax.f32 v3, $0.0e+00;
	v4 =	vld [tilespmem:s19+$0xFFFFFF30];
	[tilespmem:s19+$0xFFFFFF20] =	vst v2  }
0x2be: {  	[tilespmem:s19+$0xFFFFFE20] =	vst v3;
	v1 =	vadd.f32 v8, v1;
	v2 =	vld [tilespmem:s20+$0xFFFFFF30]  }
0x2bf: {  	v3 =	vld [tilespmem:s20+$0xFFFFFE30]  }
0x2c0: {  	v1 =	vmax.f32 v1, $0.0e+00  }
0x2c1: {  	v5 =	vadd.f32 v5, v9;
	[tilespmem:s19+$0xFFFFFFB0] =	vst v1;
	v1 =	vld [tilespmem:s19+$0xFFFFFFC0]  }
0x2c2: {  	v8 =	vld [tilespmem:s20+$0xFFFFFFC0]  }
0x2c3: {  	v10 =	vld [tilespmem:s19+$0xFFFFFF40];
	v5 =	vmax.f32 v5, $0.0e+00;
	v2 =	vadd.f32 v2, v4  }
0x2c4: {  	v3 =	vadd.f32 v3, v7;
	v9 =	vld [tilespmem:s19+$0xFFFFFEC0];
	[tilespmem:s19+$0xFFFFFEB0] =	vst v5  }
0x2c5: {  	v4 =	vld [tilespmem:s20+$0xFFFFFEC0];
	v2 =	vmax.f32 v2, $0.0e+00  }
0x2c6: {  	v6 =	vld [tilespmem:s19+$0xFFFFFE40];
	[tilespmem:s19+$0xFFFFFF30] =	vst v2;
	v2 =	vmax.f32 v3, $0.0e+00  }
0x2c7: {  	v1 =	vadd.f32 v8, v1;
	[tilespmem:s19+$0xFFFFFE30] =	vst v2;
	v2 =	vld [tilespmem:s20+$0xFFFFFF40]  }
0x2c8: {  	v7 =	vld [tilespmem:s20+$0xFFFFFE40]  }
0x2c9: {  	v11 =	vld [tilespmem:s19+$0xFFFFFE50];
	v1 =	vmax.f32 v1, $0.0e+00  }
0x2ca: {  	v4 =	vadd.f32 v4, v9;
	[tilespmem:s19+$0xFFFFFFC0] =	vst v1;
	v1 =	vld [tilespmem:s19+$0xFFFFFFD0]  }
0x2cb: {  	v8 =	vld [tilespmem:s20+$0xFFFFFFD0]  }
0x2cc: {  	v12 =	vld [tilespmem:s19+$0xFFFFFEE0];
	v4 =	vmax.f32 v4, $0.0e+00;
	v2 =	vadd.f32 v2, v10  }
0x2cd: {  	v5 =	vld [tilespmem:s19+$0xFFFFFED0];
	[tilespmem:s19+$0xFFFFFEC0] =	vst v4;
	v6 =	vadd.f32 v7, v6  }
0x2ce: {  	v7 =	vld [tilespmem:s20+$0xFFFFFED0];
	v2 =	vmax.f32 v2, $0.0e+00  }
0x2cf: {  	v3 =	vld [tilespmem:s19+$0xFFFFFF50];
	[tilespmem:s19+$0xFFFFFF40] =	vst v2;
	v2 =	vmax.f32 v6, $0.0e+00  }
0x2d0: {  	v1 =	vadd.f32 v8, v1;
	v6 =	vld [tilespmem:s20+$0xFFFFFF50];
	[tilespmem:s19+$0xFFFFFE40] =	vst v2  }
0x2d1: {  	v2 =	vld [tilespmem:s20+$0xFFFFFE50]  }
0x2d2: {  	v9 =	vld [tilespmem:s19+$0xFFFFFE60];
	v1 =	vmax.f32 v1, $0.0e+00  }
0x2d3: {  	[tilespmem:s19+$0xFFFFFFD0] =	vst v1;
	v1 =	vadd.f32 v7, v5;
	v7 =	vld [tilespmem:s19+$0xFFFFFFE0]  }
0x2d4: {  	v8 =	vld [tilespmem:s20+$0xFFFFFFE0]  }
0x2d5: {  	v4 =	vld [tilespmem:s19+$0xFFFFFE70];
	v1 =	vmax.f32 v1, $0.0e+00;
	v3 =	vadd.f32 v6, v3  }
0x2d6: {  	v10 =	vld [tilespmem:s19+$0xFFFFFF60];
	[tilespmem:s19+$0xFFFFFED0] =	vst v1;
	v1 =	vadd.f32 v2, v11  }
0x2d7: {  	v2 =	vld [tilespmem:s20+$0xFFFFFEE0];
	v3 =	vmax.f32 v3, $0.0e+00  }
0x2d8: {  	v5 =	vld [tilespmem:s19+$0xFFFFFEF0];
	[tilespmem:s19+$0xFFFFFF50] =	vst v3;
	v1 =	vmax.f32 v1, $0.0e+00  }
0x2d9: {  	v3 =	vld [tilespmem:s20+$0xFFFFFF60];
	v7 =	vadd.f32 v8, v7;
	[tilespmem:s19+$0xFFFFFE50] =	vst v1  }
0x2da: {  	v1 =	vld [tilespmem:s20+$0xFFFFFE60]  }
0x2db: {  	v6 =	vld [tilespmem:s19+$0xFFFFFF70];
	v7 =	vmax.f32 v7, $0.0e+00  }
0x2dc: {  	v2 =	vadd.f32 v2, v12;
	[tilespmem:s19+$0xFFFFFFE0] =	vst v7;
	v7 =	vld [tilespmem:s19+$0xFFFFFFF0]  }
0x2dd: {  	v11 =	vld [tilespmem:s20+$0xFFFFFFF0]  }
0x2de: {  	v2 =	vmax.f32 v2, $0.0e+00;
	v8 =	vadd.f32 v3, v10;
	v3 =	vld [tilespmem:s19+$0xFFFFFE80]  }
0x2df: {  	[tilespmem:s19+$0xFFFFFEE0] =	vst v2;
	v1 =	vadd.f32 v1, v9;
	v2 =	vld [tilespmem:s19+$0xFFFFFF00]  }
0x2e0: {  	v9 =	vmax.f32 v8, $0.0e+00;
	v8 =	vld [tilespmem:s20+$0xFFFFFEF0]  }
0x2e1: {  	[tilespmem:s19+$0xFFFFFF60] =	vst v9;
	v9 =	vmax.f32 v1, $0.0e+00;
	v1 =	vld [tilespmem:s19+$0xFFFFFF80]  }
0x2e2: {  	[tilespmem:s19+$0xFFFFFE60] =	vst v9;
	v9 =	vld [tilespmem:s20+$0xFFFFFF70];
	v7 =	vadd.f32 v11, v7  }
0x2e3: {  	v10 =	vld [tilespmem:s20+$0xFFFFFE70]  }
0x2e4: {  	s29 =	simm.s32 $0x0;
	s12 =	simm.s32 $0x91F0;
	s11 =	simm.s32 $0x43F0;
	v11 =	vmax.f32 v7, $0.0e+00;
	v7 =	vld [tilespmem:s19+$0x0]  }
.LBB2_11:
0x2e5: {  	v12 =	vld [tilespmem:s11+$0xFFFFFF90];
	v5 =	vadd.f32 v8, v5;
	[tilespmem:s19+$0xFFFFFFF0] =	vst v11  }
0x2e6: {  	s12 =	sadd.s32 $0x200, s12;
	v8 =	vld [tilespmem:s20+$0x0]  }
0x2e7: {  	s29 =	sadd.s32 $0x4, s29;
	v11 =	vld [tilespmem:s12+$0xFFFFFF90];
	v5 =	vmax.f32 v5, $0.0e+00;
	v6 =	vadd.f32 v9, v6  }
0x2e8: {  	p1 =	slt.u32 s29, $0x24;
	v9 =	vld [tilespmem:s12+$0xFFFFFE10];
	v4 =	vadd.f32 v10, v4;
	[tilespmem:s19+$0xFFFFFEF0] =	vst v5  }
0x2e9: {  	v5 =	vld [tilespmem:s11+$0xFFFFFE90];
	v6 =	vmax.f32 v6, $0.0e+00  }
0x2ea: {  	v10 =	vld [tilespmem:s12+$0xFFFFFE90];
	v4 =	vmax.f32 v4, $0.0e+00;
	[tilespmem:s19+$0xFFFFFF70] =	vst v6  }
0x2eb: {  	v6 =	vld [tilespmem:s11+$0xFFFFFF10];
	[tilespmem:s19+$0xFFFFFE70] =	vst v4;
	v4 =	vadd.f32 v8, v7  }
0x2ec: {  	v7 =	vld [tilespmem:s12+$0xFFFFFF10];
	v8 =	vadd.f32 v11, v12  }
0x2ed: {  	v11 =	vld [tilespmem:s11+$0xFFFFFE10];
	v4 =	vmax.f32 v4, $0.0e+00  }
0x2ee: {  	v12 =	vld [tilespmem:s11+$0xFFFFFE20];
	v8 =	vmax.f32 v8, $0.0e+00;
	[tilespmem:s19+$0x0] =	vst v4  }
0x2ef: {  	v4 =	vadd.f32 v10, v5;
	[tilespmem:s11+$0xFFFFFF90] =	vst v8;
	v5 =	vld [tilespmem:s11+$0xFFFFFFA0]  }
0x2f0: {  	v8 =	vld [tilespmem:s12+$0xFFFFFFA0]  }
0x2f1: {  	v4 =	vmax.f32 v4, $0.0e+00;
	v10 =	vld [tilespmem:s11+$0xFFFFFEA0];
	v6 =	vadd.f32 v7, v6  }
0x2f2: {  	v7 =	vadd.f32 v9, v11;
	[tilespmem:s11+$0xFFFFFE90] =	vst v4;
	v4 =	vld [tilespmem:s11+$0xFFFFFF20]  }
0x2f3: {  	v9 =	vld [tilespmem:s12+$0xFFFFFEA0];
	v6 =	vmax.f32 v6, $0.0e+00  }
0x2f4: {  	v7 =	vmax.f32 v7, $0.0e+00;
	v11 =	vld [tilespmem:s11+$0xFFFFFE30];
	[tilespmem:s11+$0xFFFFFF10] =	vst v6  }
0x2f5: {  	[tilespmem:s11+$0xFFFFFE10] =	vst v7;
	v6 =	vld [tilespmem:s12+$0xFFFFFF20];
	v5 =	vadd.f32 v8, v5  }
0x2f6: {  	v7 =	vld [tilespmem:s12+$0xFFFFFE20]  }
0x2f7: {  	v8 =	vld [tilespmem:s11+$0xFFFFFEB0];
	v5 =	vmax.f32 v5, $0.0e+00  }
0x2f8: {  	v9 =	vadd.f32 v9, v10;
	[tilespmem:s11+$0xFFFFFFA0] =	vst v5;
	v5 =	vld [tilespmem:s11+$0xFFFFFFB0]  }
0x2f9: {  	v10 =	vld [tilespmem:s12+$0xFFFFFFB0]  }
0x2fa: {  	v9 =	vmax.f32 v9, $0.0e+00;
	v4 =	vadd.f32 v6, v4;
	v6 =	vld [tilespmem:s11+$0xFFFFFF30]  }
0x2fb: {  	v7 =	vadd.f32 v7, v12;
	v12 =	vld [tilespmem:s11+$0xFFFFFE40];
	[tilespmem:s11+$0xFFFFFEA0] =	vst v9  }
0x2fc: {  	v9 =	vld [tilespmem:s12+$0xFFFFFEB0];
	v4 =	vmax.f32 v4, $0.0e+00  }
0x2fd: {  	v7 =	vmax.f32 v7, $0.0e+00;
	v13 =	vld [tilespmem:s11+$0xFFFFFEC0];
	[tilespmem:s11+$0xFFFFFF20] =	vst v4  }
0x2fe: {  	[tilespmem:s11+$0xFFFFFE20] =	vst v7;
	v4 =	vld [tilespmem:s12+$0xFFFFFF30];
	v5 =	vadd.f32 v10, v5  }
0x2ff: {  	v7 =	vld [tilespmem:s12+$0xFFFFFE30]  }
0x300: {  	v10 =	vld [tilespmem:s11+$0xFFFFFF40];
	v5 =	vmax.f32 v5, $0.0e+00  }
0x301: {  	v8 =	vadd.f32 v9, v8;
	[tilespmem:s11+$0xFFFFFFB0] =	vst v5;
	v5 =	vld [tilespmem:s11+$0xFFFFFFC0]  }
0x302: {  	v9 =	vld [tilespmem:s12+$0xFFFFFFC0]  }
0x303: {  	v14 =	vld [tilespmem:s11+$0xFFFFFE50];
	v8 =	vmax.f32 v8, $0.0e+00;
	v4 =	vadd.f32 v4, v6  }
0x304: {  	v6 =	vadd.f32 v7, v11;
	[tilespmem:s11+$0xFFFFFEB0] =	vst v8;
	v7 =	vld [tilespmem:s11+$0xFFFFFED0]  }
0x305: {  	v8 =	vld [tilespmem:s12+$0xFFFFFEC0];
	v4 =	vmax.f32 v4, $0.0e+00  }
0x306: {  	v6 =	vmax.f32 v6, $0.0e+00;
	[tilespmem:s11+$0xFFFFFF30] =	vst v4;
	v11 =	vld [tilespmem:s11+$0xFFFFFF50]  }
0x307: {  	[tilespmem:s11+$0xFFFFFE30] =	vst v6;
	v4 =	vld [tilespmem:s12+$0xFFFFFF40];
	v5 =	vadd.f32 v9, v5  }
0x308: {  	v6 =	vld [tilespmem:s12+$0xFFFFFE40]  }
0x309: {  	v9 =	vld [tilespmem:s11+$0xFFFFFE60];
	v5 =	vmax.f32 v5, $0.0e+00  }
0x30a: {  	v8 =	vadd.f32 v8, v13;
	[tilespmem:s11+$0xFFFFFFC0] =	vst v5;
	v5 =	vld [tilespmem:s11+$0xFFFFFFD0]  }
0x30b: {  	v13 =	vld [tilespmem:s12+$0xFFFFFFD0]  }
0x30c: {  	v8 =	vmax.f32 v8, $0.0e+00;
	v15 =	vld [tilespmem:s11+$0xFFFFFEE0];
	v4 =	vadd.f32 v4, v10  }
0x30d: {  	v6 =	vadd.f32 v6, v12;
	[tilespmem:s11+$0xFFFFFEC0] =	vst v8;
	v8 =	vld [tilespmem:s11+$0xFFFFFF60]  }
0x30e: {  	v10 =	vld [tilespmem:s12+$0xFFFFFED0];
	v12 =	vmax.f32 v4, $0.0e+00  }
0x30f: {  	v6 =	vmax.f32 v6, $0.0e+00;
	v4 =	vld [tilespmem:s11+$0xFFFFFE70];
	[tilespmem:s11+$0xFFFFFF40] =	vst v12  }
0x310: {  	[tilespmem:s11+$0xFFFFFE40] =	vst v6;
	v6 =	vld [tilespmem:s12+$0xFFFFFF50];
	v12 =	vadd.f32 v13, v5  }
0x311: {  	v13 =	vld [tilespmem:s12+$0xFFFFFE50]  }
0x312: {  	v5 =	vld [tilespmem:s11+$0xFFFFFEF0];
	v12 =	vmax.f32 v12, $0.0e+00  }
0x313: {  	v7 =	vadd.f32 v10, v7;
	[tilespmem:s11+$0xFFFFFFD0] =	vst v12;
	v10 =	vld [tilespmem:s11+$0xFFFFFFE0]  }
0x314: {  	v12 =	vld [tilespmem:s12+$0xFFFFFFE0]  }
0x315: {  	v7 =	vmax.f32 v7, $0.0e+00;
	v11 =	vadd.f32 v6, v11;
	v6 =	vld [tilespmem:s11+$0xFFFFFF70]  }
0x316: {  	v13 =	vadd.f32 v13, v14;
	[tilespmem:s11+$0xFFFFFED0] =	vst v7;
	v7 =	vld [tilespmem:s20+$0xFFFFFE80]  }
0x317: {  	v14 =	vld [tilespmem:s12+$0xFFFFFEE0];
	v11 =	vmax.f32 v11, $0.0e+00  }
0x318: {  	v13 =	vmax.f32 v13, $0.0e+00;
	[tilespmem:s11+$0xFFFFFF50] =	vst v11;
	v11 =	vld [tilespmem:s20+$0xFFFFFF00]  }
0x319: {  	[tilespmem:s11+$0xFFFFFE50] =	vst v13;
	v13 =	vld [tilespmem:s12+$0xFFFFFF60];
	v10 =	vadd.f32 v12, v10  }
0x31a: {  	v12 =	vld [tilespmem:s12+$0xFFFFFE60]  }
0x31b: {  	v10 =	vmax.f32 v10, $0.0e+00;
	v3 =	vadd.f32 v7, v3;
	v7 =	vld [tilespmem:s20+$0xFFFFFF80];
	s20 =	smov.u32 s12  }
0x31c: {  	v14 =	vadd.f32 v14, v15;
	[tilespmem:s11+$0xFFFFFFE0] =	vst v10;
	v10 =	vld [tilespmem:s11+$0xFFFFFFF0]  }
0x31d: {  	v15 =	vld [tilespmem:s12+$0xFFFFFFF0];
	v16 =	vmax.f32 v3, $0.0e+00;
	v11 =	vadd.f32 v11, v2  }
0x31e: {  	v3 =	vld [tilespmem:s11+$0xFFFFFE80];
	v2 =	vmax.f32 v14, $0.0e+00;
	v13 =	vadd.f32 v13, v8;
	[tilespmem:s19+$0xFFFFFE80] =	vst v16  }
0x31f: {  	v9 =	vadd.f32 v12, v9;
	[tilespmem:s11+$0xFFFFFEE0] =	vst v2;
	v2 =	vld [tilespmem:s11+$0xFFFFFF00];
	v11 =	vmax.f32 v11, $0.0e+00  }
.Ltmp4:
0x320: {  	v8 =	vld [tilespmem:s12+$0xFFFFFEF0];
	v12 =	vmax.f32 v13, $0.0e+00;
	[tilespmem:s19+$0xFFFFFF00] =	vst v11;
	v7 =	vadd.f32 v7, v1;
	(pc) =	sbr.rel @p1 .LBB2_11-.Ltmp4, $4  }
0x321: {  	v9 =	vmax.f32 v9, $0.0e+00;
	[tilespmem:s11+$0xFFFFFF60] =	vst v12;
	v1 =	vld [tilespmem:s11+$0xFFFFFF80]  }
0x322: {  	[tilespmem:s11+$0xFFFFFE60] =	vst v9;
	v9 =	vld [tilespmem:s12+$0xFFFFFF70];
	v11 =	vadd.f32 v15, v10;
	v7 =	vmax.f32 v7, $0.0e+00  }
0x323: {  	v10 =	vld [tilespmem:s12+$0xFFFFFE70];
	[tilespmem:s19+$0xFFFFFF80] =	vst v7;
	s19 =	smov.u32 s11  }
0x324: {  	s11 =	sadd.s32 $0x200, s11;
	v11 =	vmax.f32 v11, $0.0e+00;
	v7 =	vld [tilespmem:s19+$0x0]  }
0x325: {  	_ = 	snop  }
0x326: {  	v5 =	vadd.f32 v8, v5  }
0x327: {  	v6 =	vadd.f32 v9, v6  }
0x328: {  	[tilespmem:s19+$0xFFFFFFF0] =	vst v11;
	v5 =	vmax.f32 v5, $0.0e+00;
	v4 =	vadd.f32 v10, v4  }
0x329: {  	v58 =	vld [tilespmem:s20+$0x0];
	[tilespmem:s19+$0xFFFFFEF0] =	vst v5;
	v59 =	vmax.f32 v6, $0.0e+00  }
0x32a: {  	v61 =	vld [tilespmem:s20+$0xFFFFFF00];
	v4 =	vmax.f32 v4, $0.0e+00;
	[tilespmem:s19+$0xFFFFFF70] =	vst v59  }
0x32b: {  	[tilespmem:s19+$0xFFFFFE70] =	vst v4;
	v62 =	vld [tilespmem:s20+$0xFFFFFF80]  }
0x32c: {  	v60 =	vld [tilespmem:s20+$0xFFFFFE80];
	_ =	sdelay $0x1  }
0x32d: {  	v7 =	vadd.f32 v58, v7  }
0x32e: {  	s18 =	sadd.s32 $0x1, s18;
	v2 =	vadd.f32 v61, v2  }
0x32f: {  	p1 =	sne.s32 s18, $0x3E;
	v63 =	vmax.f32 v7, $0.0e+00;
	v1 =	vadd.f32 v62, v1  }
.Ltmp5:
0x330: {  	[tilespmem:s19+$0x0] =	vst v63;
	v2 =	vmax.f32 v2, $0.0e+00;
	v3 =	vadd.f32 v60, v3;
	(pc) =	sbr.rel @p1 .LBB2_4-.Ltmp5, $4  }
0x331: {  	[tilespmem:s19+$0xFFFFFF00] =	vst v2;
	v1 =	vmax.f32 v1, $0.0e+00  }
0x332: {  	v3 =	vmax.f32 v3, $0.0e+00;
	[tilespmem:s19+$0xFFFFFF80] =	vst v1  }
0x333: {  	s11 =	simm.s32 $0x380;
	[tilespmem:s19+$0xFFFFFE80] =	vst v3  }
0x334: {  	[spmem:s5] =	stream.indirect.scatter.add.f32 [tilespmem:s22], [sflag:$0xC], $0x80, s11, s28, $0xb8;
	[tilespmem:$0x1DC80] =	vst v63  }
0x335: {  	s11 =	simm.s32 $0xB  }
0x336: {  	_ =	swait.ge [sflag:s11], $0x1400  }
0x337: {  	[sflag:s11] =	ssyncset.done $0x0  }
0x338: {  	[sflag:s11] =	ssyncadd.s32 $0xFFFFEC00  }
0x339: {  	_ =	swait.ge [sflag:s0], $0x28  }
0x33a: {  	[sflag:s0] =	ssyncset.done $0x0  }
0x33b: {  	[sflag:s0] =	ssyncadd.s32 $0xFFFFFFD8  }
0x33c: {  	_ =	swait.ge [sflag:s0], $0x28  }
0x33d: {  	[sflag:s0] =	ssyncset.done $0x0  }
0x33e: {  	[sflag:s0] =	ssyncadd.s32 $0xFFFFFFD8  }
0x33f: {  	_ =	swait.ge [sflag:s0], $0x1400  }
0x340: {  	[sflag:s0] =	ssyncset.done $0x0  }
0x341: {  	[sflag:s0] =	ssyncadd.s32 $0xFFFFEC00  }
0x342: {  	[tilespmem:s4], [sflag:$0x6] =	stream.indirect.gather [hbm4b:s1+s28], $0x80, s23, s28, $0xb8;
	[tilespmem:$0x1DC80] =	vst v63  }
0x343: {  	_ =	swait.ge [sflag:s9], $0x1400  }
0x344: {  	[sflag:s9] =	ssyncset.done $0x0  }
0x345: {  	s18 =	simm.s32 $0x500;
	[sflag:s9] =	ssyncadd.s32 $0xFFFFEC00  }
0x346: {  	s19 =	simm.s32 $0x5500;
	v1 =	vld [tilespmem:s18+$0x80]  }
0x347: {  	v2 =	vld [tilespmem:s19+$0x80]  }
0x348: {  	v3 =	vld [tilespmem:s19+$0xFFFFFF00]  }
0x349: {  	v4 =	vld [tilespmem:s18+$0xFFFFFF80]  }
0x34a: {  	v5 =	vld [tilespmem:s19+$0xFFFFFF80]  }
0x34b: {  	v6 =	vld [tilespmem:s19+$0x0]  }
0x34c: {  	v1 =	vadd.f32 v2, v1;
	v2 =	vld [tilespmem:s18+$0x0]  }
0x34d: {  	v7 =	vld [tilespmem:s18+$0xFFFFFF00]  }
0x34e: {  	v1 =	vmax.f32 v1, $0.0e+00  }
0x34f: {  	v4 =	vadd.f32 v5, v4;
	[tilespmem:s18+$0x80] =	vst v1;
	v1 =	vld [tilespmem:s18+$0x90]  }
0x350: {  	v8 =	vld [tilespmem:s19+$0x90]  }
0x351: {  	v9 =	vld [tilespmem:s18+$0xFFFFFF90];
	v4 =	vmax.f32 v4, $0.0e+00;
	v2 =	vadd.f32 v6, v2  }
0x352: {  	v5 =	vld [tilespmem:s18+$0xFFFFFF10];
	v3 =	vadd.f32 v3, v7;
	[tilespmem:s18+$0xFFFFFF80] =	vst v4  }
0x353: {  	v6 =	vld [tilespmem:s19+$0xFFFFFF90];
	v2 =	vmax.f32 v2, $0.0e+00  }
0x354: {  	v3 =	vmax.f32 v3, $0.0e+00;
	v4 =	vld [tilespmem:s18+$0x10];
	[tilespmem:s18+$0x0] =	vst v2  }
0x355: {  	[tilespmem:s18+$0xFFFFFF00] =	vst v3;
	v1 =	vadd.f32 v8, v1;
	v2 =	vld [tilespmem:s19+$0x10]  }
0x356: {  	v3 =	vld [tilespmem:s19+$0xFFFFFF10]  }
0x357: {  	v1 =	vmax.f32 v1, $0.0e+00  }
0x358: {  	v6 =	vadd.f32 v6, v9;
	[tilespmem:s18+$0x90] =	vst v1;
	v1 =	vld [tilespmem:s18+$0xA0]  }
0x359: {  	v8 =	vld [tilespmem:s19+$0xA0]  }
0x35a: {  	v7 =	vld [tilespmem:s18+$0xFFFFFF20];
	v6 =	vmax.f32 v6, $0.0e+00;
	v2 =	vadd.f32 v2, v4  }
0x35b: {  	v3 =	vadd.f32 v3, v5;
	v9 =	vld [tilespmem:s18+$0xFFFFFFA0];
	[tilespmem:s18+$0xFFFFFF90] =	vst v6  }
0x35c: {  	v5 =	vld [tilespmem:s19+$0xFFFFFFA0];
	v2 =	vmax.f32 v2, $0.0e+00  }
0x35d: {  	v3 =	vmax.f32 v3, $0.0e+00;
	v4 =	vld [tilespmem:s18+$0x20];
	[tilespmem:s18+$0x10] =	vst v2  }
0x35e: {  	[tilespmem:s18+$0xFFFFFF10] =	vst v3;
	v1 =	vadd.f32 v8, v1;
	v2 =	vld [tilespmem:s19+$0x20]  }
0x35f: {  	v3 =	vld [tilespmem:s19+$0xFFFFFF20]  }
0x360: {  	v1 =	vmax.f32 v1, $0.0e+00  }
0x361: {  	v5 =	vadd.f32 v5, v9;
	[tilespmem:s18+$0xA0] =	vst v1;
	v1 =	vld [tilespmem:s18+$0xB0]  }
0x362: {  	v8 =	vld [tilespmem:s19+$0xB0]  }
0x363: {  	v10 =	vld [tilespmem:s18+$0x30];
	v5 =	vmax.f32 v5, $0.0e+00;
	v2 =	vadd.f32 v2, v4  }
0x364: {  	v3 =	vadd.f32 v3, v7;
	v9 =	vld [tilespmem:s18+$0xFFFFFFB0];
	[tilespmem:s18+$0xFFFFFFA0] =	vst v5  }
0x365: {  	v4 =	vld [tilespmem:s19+$0xFFFFFFB0];
	v2 =	vmax.f32 v2, $0.0e+00  }
0x366: {  	v6 =	vld [tilespmem:s18+$0xFFFFFF30];
	[tilespmem:s18+$0x20] =	vst v2;
	v2 =	vmax.f32 v3, $0.0e+00  }
0x367: {  	v1 =	vadd.f32 v8, v1;
	[tilespmem:s18+$0xFFFFFF20] =	vst v2;
	v2 =	vld [tilespmem:s19+$0x30]  }
0x368: {  	v7 =	vld [tilespmem:s19+$0xFFFFFF30]  }
0x369: {  	v11 =	vld [tilespmem:s18+$0xFFFFFF40];
	v1 =	vmax.f32 v1, $0.0e+00  }
0x36a: {  	v4 =	vadd.f32 v4, v9;
	[tilespmem:s18+$0xB0] =	vst v1;
	v1 =	vld [tilespmem:s18+$0xC0]  }
0x36b: {  	v8 =	vld [tilespmem:s19+$0xC0]  }
0x36c: {  	v12 =	vld [tilespmem:s18+$0xFFFFFFD0];
	v4 =	vmax.f32 v4, $0.0e+00;
	v2 =	vadd.f32 v2, v10  }
0x36d: {  	v5 =	vld [tilespmem:s18+$0xFFFFFFC0];
	[tilespmem:s18+$0xFFFFFFB0] =	vst v4;
	v6 =	vadd.f32 v7, v6  }
0x36e: {  	v7 =	vld [tilespmem:s19+$0xFFFFFFC0];
	v2 =	vmax.f32 v2, $0.0e+00  }
0x36f: {  	v3 =	vld [tilespmem:s18+$0x40];
	[tilespmem:s18+$0x30] =	vst v2;
	v2 =	vmax.f32 v6, $0.0e+00  }
0x370: {  	v1 =	vadd.f32 v8, v1;
	v6 =	vld [tilespmem:s19+$0x40];
	[tilespmem:s18+$0xFFFFFF30] =	vst v2  }
0x371: {  	v2 =	vld [tilespmem:s19+$0xFFFFFF40]  }
0x372: {  	v9 =	vld [tilespmem:s18+$0xFFFFFF50];
	v1 =	vmax.f32 v1, $0.0e+00  }
0x373: {  	[tilespmem:s18+$0xC0] =	vst v1;
	v1 =	vadd.f32 v7, v5;
	v7 =	vld [tilespmem:s18+$0xD0]  }
0x374: {  	v8 =	vld [tilespmem:s19+$0xD0]  }
0x375: {  	v4 =	vld [tilespmem:s18+$0xFFFFFF60];
	v1 =	vmax.f32 v1, $0.0e+00;
	v3 =	vadd.f32 v6, v3  }
0x376: {  	v10 =	vld [tilespmem:s18+$0x50];
	[tilespmem:s18+$0xFFFFFFC0] =	vst v1;
	v1 =	vadd.f32 v2, v11  }
0x377: {  	v2 =	vld [tilespmem:s19+$0xFFFFFFD0];
	v3 =	vmax.f32 v3, $0.0e+00  }
0x378: {  	v5 =	vld [tilespmem:s18+$0xFFFFFFE0];
	[tilespmem:s18+$0x40] =	vst v3;
	v1 =	vmax.f32 v1, $0.0e+00  }
0x379: {  	v3 =	vld [tilespmem:s19+$0x50];
	v7 =	vadd.f32 v8, v7;
	[tilespmem:s18+$0xFFFFFF40] =	vst v1  }
0x37a: {  	v1 =	vld [tilespmem:s19+$0xFFFFFF50]  }
0x37b: {  	v6 =	vld [tilespmem:s18+$0x60];
	v7 =	vmax.f32 v7, $0.0e+00  }
0x37c: {  	v2 =	vadd.f32 v2, v12;
	[tilespmem:s18+$0xD0] =	vst v7;
	v7 =	vld [tilespmem:s18+$0xE0]  }
0x37d: {  	v11 =	vld [tilespmem:s19+$0xE0]  }
0x37e: {  	v2 =	vmax.f32 v2, $0.0e+00;
	v8 =	vadd.f32 v3, v10;
	v3 =	vld [tilespmem:s18+$0xFFFFFF70]  }
0x37f: {  	[tilespmem:s18+$0xFFFFFFD0] =	vst v2;
	v1 =	vadd.f32 v1, v9;
	v2 =	vld [tilespmem:s18+$0xFFFFFFF0]  }
0x380: {  	v9 =	vmax.f32 v8, $0.0e+00;
	v8 =	vld [tilespmem:s19+$0xFFFFFFE0]  }
0x381: {  	[tilespmem:s18+$0x50] =	vst v9;
	v9 =	vmax.f32 v1, $0.0e+00;
	v1 =	vld [tilespmem:s18+$0x70]  }
0x382: {  	[tilespmem:s18+$0xFFFFFF50] =	vst v9;
	v9 =	vld [tilespmem:s19+$0x60];
	v7 =	vadd.f32 v11, v7  }
0x383: {  	v10 =	vld [tilespmem:s19+$0xFFFFFF60]  }
0x384: {  	s20 =	simm.s32 $0x0;
	s12 =	simm.s32 $0x5500;
	s11 =	simm.s32 $0x700;
	v11 =	vmax.f32 v7, $0.0e+00;
	v7 =	vld [tilespmem:s18+$0xF0]  }
.LBB2_14:
0x385: {  	v12 =	vld [tilespmem:s11+$0x80];
	v5 =	vadd.f32 v8, v5;
	[tilespmem:s18+$0xE0] =	vst v11  }
0x386: {  	s12 =	sadd.s32 $0x200, s12;
	v8 =	vld [tilespmem:s19+$0xF0]  }
0x387: {  	s20 =	sadd.s32 $0x4, s20;
	v11 =	vld [tilespmem:s12+$0x80];
	v5 =	vmax.f32 v5, $0.0e+00;
	v6 =	vadd.f32 v9, v6  }
0x388: {  	p1 =	slt.u32 s20, $0x24;
	v9 =	vld [tilespmem:s12+$0xFFFFFF00];
	v4 =	vadd.f32 v10, v4;
	[tilespmem:s18+$0xFFFFFFE0] =	vst v5  }
0x389: {  	v5 =	vld [tilespmem:s11+$0xFFFFFF80];
	v6 =	vmax.f32 v6, $0.0e+00  }
0x38a: {  	v10 =	vld [tilespmem:s12+$0xFFFFFF80];
	v4 =	vmax.f32 v4, $0.0e+00;
	[tilespmem:s18+$0x60] =	vst v6  }
0x38b: {  	v6 =	vld [tilespmem:s11+$0x0];
	[tilespmem:s18+$0xFFFFFF60] =	vst v4;
	v4 =	vadd.f32 v8, v7  }
0x38c: {  	v7 =	vld [tilespmem:s12+$0x0];
	v8 =	vadd.f32 v11, v12  }
0x38d: {  	v11 =	vld [tilespmem:s11+$0xFFFFFF00];
	v4 =	vmax.f32 v4, $0.0e+00  }
0x38e: {  	v12 =	vld [tilespmem:s11+$0xFFFFFF10];
	v8 =	vmax.f32 v8, $0.0e+00;
	[tilespmem:s18+$0xF0] =	vst v4  }
0x38f: {  	v4 =	vadd.f32 v10, v5;
	[tilespmem:s11+$0x80] =	vst v8;
	v5 =	vld [tilespmem:s11+$0x90]  }
0x390: {  	v8 =	vld [tilespmem:s12+$0x90]  }
0x391: {  	v4 =	vmax.f32 v4, $0.0e+00;
	v10 =	vld [tilespmem:s11+$0xFFFFFF90];
	v6 =	vadd.f32 v7, v6  }
0x392: {  	v7 =	vadd.f32 v9, v11;
	[tilespmem:s11+$0xFFFFFF80] =	vst v4;
	v4 =	vld [tilespmem:s11+$0x10]  }
0x393: {  	v9 =	vld [tilespmem:s12+$0xFFFFFF90];
	v6 =	vmax.f32 v6, $0.0e+00  }
0x394: {  	v7 =	vmax.f32 v7, $0.0e+00;
	v11 =	vld [tilespmem:s11+$0xFFFFFF20];
	[tilespmem:s11+$0x0] =	vst v6  }
0x395: {  	[tilespmem:s11+$0xFFFFFF00] =	vst v7;
	v6 =	vld [tilespmem:s12+$0x10];
	v5 =	vadd.f32 v8, v5  }
0x396: {  	v7 =	vld [tilespmem:s12+$0xFFFFFF10]  }
0x397: {  	v8 =	vld [tilespmem:s11+$0xFFFFFFA0];
	v5 =	vmax.f32 v5, $0.0e+00  }
0x398: {  	v9 =	vadd.f32 v9, v10;
	[tilespmem:s11+$0x90] =	vst v5;
	v5 =	vld [tilespmem:s11+$0xA0]  }
0x399: {  	v10 =	vld [tilespmem:s12+$0xA0]  }
0x39a: {  	v9 =	vmax.f32 v9, $0.0e+00;
	v4 =	vadd.f32 v6, v4;
	v6 =	vld [tilespmem:s11+$0x20]  }
0x39b: {  	v7 =	vadd.f32 v7, v12;
	v12 =	vld [tilespmem:s11+$0xFFFFFF30];
	[tilespmem:s11+$0xFFFFFF90] =	vst v9  }
0x39c: {  	v9 =	vld [tilespmem:s12+$0xFFFFFFA0];
	v4 =	vmax.f32 v4, $0.0e+00  }
0x39d: {  	v7 =	vmax.f32 v7, $0.0e+00;
	v13 =	vld [tilespmem:s11+$0xFFFFFFB0];
	[tilespmem:s11+$0x10] =	vst v4  }
0x39e: {  	[tilespmem:s11+$0xFFFFFF10] =	vst v7;
	v4 =	vld [tilespmem:s12+$0x20];
	v5 =	vadd.f32 v10, v5  }
0x39f: {  	v7 =	vld [tilespmem:s12+$0xFFFFFF20]  }
0x3a0: {  	v10 =	vld [tilespmem:s11+$0x30];
	v5 =	vmax.f32 v5, $0.0e+00  }
0x3a1: {  	v8 =	vadd.f32 v9, v8;
	[tilespmem:s11+$0xA0] =	vst v5;
	v5 =	vld [tilespmem:s11+$0xB0]  }
0x3a2: {  	v9 =	vld [tilespmem:s12+$0xB0]  }
0x3a3: {  	v14 =	vld [tilespmem:s11+$0xFFFFFF40];
	v8 =	vmax.f32 v8, $0.0e+00;
	v4 =	vadd.f32 v4, v6  }
0x3a4: {  	v6 =	vadd.f32 v7, v11;
	[tilespmem:s11+$0xFFFFFFA0] =	vst v8;
	v7 =	vld [tilespmem:s11+$0xFFFFFFC0]  }
0x3a5: {  	v8 =	vld [tilespmem:s12+$0xFFFFFFB0];
	v4 =	vmax.f32 v4, $0.0e+00  }
0x3a6: {  	v6 =	vmax.f32 v6, $0.0e+00;
	[tilespmem:s11+$0x20] =	vst v4;
	v11 =	vld [tilespmem:s11+$0x40]  }
0x3a7: {  	[tilespmem:s11+$0xFFFFFF20] =	vst v6;
	v4 =	vld [tilespmem:s12+$0x30];
	v5 =	vadd.f32 v9, v5  }
0x3a8: {  	v6 =	vld [tilespmem:s12+$0xFFFFFF30]  }
0x3a9: {  	v9 =	vld [tilespmem:s11+$0xFFFFFF50];
	v5 =	vmax.f32 v5, $0.0e+00  }
0x3aa: {  	v8 =	vadd.f32 v8, v13;
	[tilespmem:s11+$0xB0] =	vst v5;
	v5 =	vld [tilespmem:s11+$0xC0]  }
0x3ab: {  	v13 =	vld [tilespmem:s12+$0xC0]  }
0x3ac: {  	v8 =	vmax.f32 v8, $0.0e+00;
	v15 =	vld [tilespmem:s11+$0xFFFFFFD0];
	v4 =	vadd.f32 v4, v10  }
0x3ad: {  	v6 =	vadd.f32 v6, v12;
	[tilespmem:s11+$0xFFFFFFB0] =	vst v8;
	v8 =	vld [tilespmem:s11+$0x50]  }
0x3ae: {  	v10 =	vld [tilespmem:s12+$0xFFFFFFC0];
	v12 =	vmax.f32 v4, $0.0e+00  }
0x3af: {  	v6 =	vmax.f32 v6, $0.0e+00;
	v4 =	vld [tilespmem:s11+$0xFFFFFF60];
	[tilespmem:s11+$0x30] =	vst v12  }
0x3b0: {  	[tilespmem:s11+$0xFFFFFF30] =	vst v6;
	v6 =	vld [tilespmem:s12+$0x40];
	v12 =	vadd.f32 v13, v5  }
0x3b1: {  	v13 =	vld [tilespmem:s12+$0xFFFFFF40]  }
0x3b2: {  	v5 =	vld [tilespmem:s11+$0xFFFFFFE0];
	v12 =	vmax.f32 v12, $0.0e+00  }
0x3b3: {  	v7 =	vadd.f32 v10, v7;
	[tilespmem:s11+$0xC0] =	vst v12;
	v10 =	vld [tilespmem:s11+$0xD0]  }
0x3b4: {  	v12 =	vld [tilespmem:s12+$0xD0]  }
0x3b5: {  	v7 =	vmax.f32 v7, $0.0e+00;
	v11 =	vadd.f32 v6, v11;
	v6 =	vld [tilespmem:s11+$0x60]  }
0x3b6: {  	v13 =	vadd.f32 v13, v14;
	[tilespmem:s11+$0xFFFFFFC0] =	vst v7;
	v7 =	vld [tilespmem:s19+$0xFFFFFF70]  }
0x3b7: {  	v14 =	vld [tilespmem:s12+$0xFFFFFFD0];
	v11 =	vmax.f32 v11, $0.0e+00  }
0x3b8: {  	v13 =	vmax.f32 v13, $0.0e+00;
	[tilespmem:s11+$0x40] =	vst v11;
	v11 =	vld [tilespmem:s19+$0xFFFFFFF0]  }
0x3b9: {  	[tilespmem:s11+$0xFFFFFF40] =	vst v13;
	v13 =	vld [tilespmem:s12+$0x50];
	v10 =	vadd.f32 v12, v10  }
0x3ba: {  	v12 =	vld [tilespmem:s12+$0xFFFFFF50]  }
0x3bb: {  	v10 =	vmax.f32 v10, $0.0e+00;
	v3 =	vadd.f32 v7, v3;
	v7 =	vld [tilespmem:s19+$0x70];
	s19 =	smov.u32 s12  }
0x3bc: {  	v14 =	vadd.f32 v14, v15;
	[tilespmem:s11+$0xD0] =	vst v10;
	v10 =	vld [tilespmem:s11+$0xE0]  }
0x3bd: {  	v15 =	vld [tilespmem:s12+$0xE0];
	v16 =	vmax.f32 v3, $0.0e+00;
	v11 =	vadd.f32 v11, v2  }
0x3be: {  	v3 =	vld [tilespmem:s11+$0xFFFFFF70];
	v2 =	vmax.f32 v14, $0.0e+00;
	v13 =	vadd.f32 v13, v8;
	[tilespmem:s18+$0xFFFFFF70] =	vst v16  }
0x3bf: {  	v9 =	vadd.f32 v12, v9;
	[tilespmem:s11+$0xFFFFFFD0] =	vst v2;
	v2 =	vld [tilespmem:s11+$0xFFFFFFF0];
	v11 =	vmax.f32 v11, $0.0e+00  }
.Ltmp6:
0x3c0: {  	v8 =	vld [tilespmem:s12+$0xFFFFFFE0];
	v12 =	vmax.f32 v13, $0.0e+00;
	[tilespmem:s18+$0xFFFFFFF0] =	vst v11;
	v7 =	vadd.f32 v7, v1;
	(pc) =	sbr.rel @p1 .LBB2_14-.Ltmp6, $4  }
0x3c1: {  	v9 =	vmax.f32 v9, $0.0e+00;
	[tilespmem:s11+$0x50] =	vst v12;
	v1 =	vld [tilespmem:s11+$0x70]  }
0x3c2: {  	[tilespmem:s11+$0xFFFFFF50] =	vst v9;
	v9 =	vld [tilespmem:s12+$0x60];
	v11 =	vadd.f32 v15, v10;
	v7 =	vmax.f32 v7, $0.0e+00  }
0x3c3: {  	v10 =	vld [tilespmem:s12+$0xFFFFFF60];
	[tilespmem:s18+$0x70] =	vst v7;
	s18 =	smov.u32 s11  }
0x3c4: {  	s11 =	sadd.s32 $0x200, s11;
	v11 =	vmax.f32 v11, $0.0e+00;
	v7 =	vld [tilespmem:s18+$0xF0]  }
0x3c5: {  	_ =	sdelay $0x2  }
0x3c6: {  	v4 =	vadd.f32 v10, v4  }
0x3c7: {  	v5 =	vadd.f32 v8, v5  }
0x3c8: {  	[tilespmem:s18+$0xE0] =	vst v11;
	v6 =	vadd.f32 v9, v6;
	v4 =	vmax.f32 v4, $0.0e+00  }
0x3c9: {  	v8 =	vld [tilespmem:s19+$0xF0];
	v5 =	vmax.f32 v5, $0.0e+00;
	[tilespmem:s18+$0xFFFFFF60] =	vst v4  }
0x3ca: {  	[tilespmem:s18+$0xFFFFFFE0] =	vst v5;
	v4 =	vmax.f32 v6, $0.0e+00;
	v5 =	vld [tilespmem:s19+$0xFFFFFF70]  }
0x3cb: {  	[tilespmem:s18+$0x60] =	vst v4;
	v4 =	vld [tilespmem:s19+$0xFFFFFFF0]  }
0x3cc: {  	v6 =	vld [tilespmem:s19+$0x70];
	_ =	sdelay $0x1  }
0x3cd: {  	v7 =	vadd.f32 v8, v7  }
0x3ce: {  	v3 =	vadd.f32 v5, v3  }
0x3cf: {  	v5 =	vmax.f32 v7, $0.0e+00;
	v2 =	vadd.f32 v4, v2  }
0x3d0: {  	[tilespmem:s18+$0xF0] =	vst v5;
	v1 =	vadd.f32 v6, v1;
	v3 =	vmax.f32 v3, $0.0e+00  }
0x3d1: {  	v2 =	vmax.f32 v2, $0.0e+00;
	[tilespmem:s18+$0xFFFFFF70] =	vst v3  }
0x3d2: {  	[tilespmem:s18+$0xFFFFFFF0] =	vst v2;
	v1 =	vmax.f32 v1, $0.0e+00  }
0x3d3: {  	s11 =	simm.s32 $0xC;
	[tilespmem:s18+$0x70] =	vst v1  }
0x3d4: {  	[spmem:s5] =	stream.indirect.scatter.add.f32 [tilespmem:s15], [sflag:$0x9], $0x80, s21, s28, $0xb8;
	[tilespmem:$0x1DC80] =	vst v63  }
0x3d5: {  	_ =	swait.ge [sflag:s11], $0x1400  }
0x3d6: {  	[sflag:s11] =	ssyncset.done $0x0  }
0x3d7: {  	[sflag:s11] =	ssyncadd.s32 $0xFFFFEC00  }
0x3d8: {  	_ =	swait.ge [sflag:s8], $0x1400  }
0x3d9: {  	[sflag:s8] =	ssyncset.done $0x0  }
0x3da: {  	s18 =	simm.s32 $0x19F0;
	[sflag:s8] =	ssyncadd.s32 $0xFFFFEC00  }
0x3db: {  	s19 =	simm.s32 $0x69F0;
	v1 =	vld [tilespmem:s18+$0xFFFFFF90]  }
0x3dc: {  	v2 =	vld [tilespmem:s19+$0xFFFFFF90]  }
0x3dd: {  	v3 =	vld [tilespmem:s19+$0xFFFFFE10]  }
0x3de: {  	v4 =	vld [tilespmem:s18+$0xFFFFFE90]  }
0x3df: {  	v5 =	vld [tilespmem:s19+$0xFFFFFE90]  }
0x3e0: {  	v6 =	vld [tilespmem:s19+$0xFFFFFF10]  }
0x3e1: {  	v1 =	vadd.f32 v2, v1;
	v2 =	vld [tilespmem:s18+$0xFFFFFF10]  }
0x3e2: {  	v7 =	vld [tilespmem:s18+$0xFFFFFE10]  }
0x3e3: {  	v1 =	vmax.f32 v1, $0.0e+00  }
0x3e4: {  	v4 =	vadd.f32 v5, v4;
	[tilespmem:s18+$0xFFFFFF90] =	vst v1;
	v1 =	vld [tilespmem:s18+$0xFFFFFFA0]  }
0x3e5: {  	v8 =	vld [tilespmem:s19+$0xFFFFFFA0]  }
0x3e6: {  	v9 =	vld [tilespmem:s18+$0xFFFFFEA0];
	v4 =	vmax.f32 v4, $0.0e+00;
	v2 =	vadd.f32 v6, v2  }
0x3e7: {  	v5 =	vld [tilespmem:s18+$0xFFFFFE20];
	v3 =	vadd.f32 v3, v7;
	[tilespmem:s18+$0xFFFFFE90] =	vst v4  }
0x3e8: {  	v6 =	vld [tilespmem:s19+$0xFFFFFEA0];
	v2 =	vmax.f32 v2, $0.0e+00  }
0x3e9: {  	v3 =	vmax.f32 v3, $0.0e+00;
	v4 =	vld [tilespmem:s18+$0xFFFFFF20];
	[tilespmem:s18+$0xFFFFFF10] =	vst v2  }
0x3ea: {  	[tilespmem:s18+$0xFFFFFE10] =	vst v3;
	v1 =	vadd.f32 v8, v1;
	v2 =	vld [tilespmem:s19+$0xFFFFFF20]  }
0x3eb: {  	v3 =	vld [tilespmem:s19+$0xFFFFFE20]  }
0x3ec: {  	v1 =	vmax.f32 v1, $0.0e+00  }
0x3ed: {  	v6 =	vadd.f32 v6, v9;
	[tilespmem:s18+$0xFFFFFFA0] =	vst v1;
	v1 =	vld [tilespmem:s18+$0xFFFFFFB0]  }
0x3ee: {  	v8 =	vld [tilespmem:s19+$0xFFFFFFB0]  }
0x3ef: {  	v7 =	vld [tilespmem:s18+$0xFFFFFE30];
	v6 =	vmax.f32 v6, $0.0e+00;
	v2 =	vadd.f32 v2, v4  }
0x3f0: {  	v3 =	vadd.f32 v3, v5;
	v9 =	vld [tilespmem:s18+$0xFFFFFEB0];
	[tilespmem:s18+$0xFFFFFEA0] =	vst v6  }
0x3f1: {  	v5 =	vld [tilespmem:s19+$0xFFFFFEB0];
	v2 =	vmax.f32 v2, $0.0e+00  }
0x3f2: {  	v3 =	vmax.f32 v3, $0.0e+00;
	v4 =	vld [tilespmem:s18+$0xFFFFFF30];
	[tilespmem:s18+$0xFFFFFF20] =	vst v2  }
0x3f3: {  	[tilespmem:s18+$0xFFFFFE20] =	vst v3;
	v1 =	vadd.f32 v8, v1;
	v2 =	vld [tilespmem:s19+$0xFFFFFF30]  }
0x3f4: {  	v3 =	vld [tilespmem:s19+$0xFFFFFE30]  }
0x3f5: {  	v1 =	vmax.f32 v1, $0.0e+00  }
0x3f6: {  	v5 =	vadd.f32 v5, v9;
	[tilespmem:s18+$0xFFFFFFB0] =	vst v1;
	v1 =	vld [tilespmem:s18+$0xFFFFFFC0]  }
0x3f7: {  	v8 =	vld [tilespmem:s19+$0xFFFFFFC0]  }
0x3f8: {  	v10 =	vld [tilespmem:s18+$0xFFFFFF40];
	v5 =	vmax.f32 v5, $0.0e+00;
	v2 =	vadd.f32 v2, v4  }
0x3f9: {  	v3 =	vadd.f32 v3, v7;
	v9 =	vld [tilespmem:s18+$0xFFFFFEC0];
	[tilespmem:s18+$0xFFFFFEB0] =	vst v5  }
0x3fa: {  	v4 =	vld [tilespmem:s19+$0xFFFFFEC0];
	v2 =	vmax.f32 v2, $0.0e+00  }
0x3fb: {  	v6 =	vld [tilespmem:s18+$0xFFFFFE40];
	[tilespmem:s18+$0xFFFFFF30] =	vst v2;
	v2 =	vmax.f32 v3, $0.0e+00  }
0x3fc: {  	v1 =	vadd.f32 v8, v1;
	[tilespmem:s18+$0xFFFFFE30] =	vst v2;
	v2 =	vld [tilespmem:s19+$0xFFFFFF40]  }
0x3fd: {  	v7 =	vld [tilespmem:s19+$0xFFFFFE40]  }
0x3fe: {  	v11 =	vld [tilespmem:s18+$0xFFFFFE50];
	v1 =	vmax.f32 v1, $0.0e+00  }
0x3ff: {  	v4 =	vadd.f32 v4, v9;
	[tilespmem:s18+$0xFFFFFFC0] =	vst v1;
	v1 =	vld [tilespmem:s18+$0xFFFFFFD0]  }
0x400: {  	v8 =	vld [tilespmem:s19+$0xFFFFFFD0]  }
0x401: {  	v12 =	vld [tilespmem:s18+$0xFFFFFEE0];
	v4 =	vmax.f32 v4, $0.0e+00;
	v2 =	vadd.f32 v2, v10  }
0x402: {  	v5 =	vld [tilespmem:s18+$0xFFFFFED0];
	[tilespmem:s18+$0xFFFFFEC0] =	vst v4;
	v6 =	vadd.f32 v7, v6  }
0x403: {  	v7 =	vld [tilespmem:s19+$0xFFFFFED0];
	v2 =	vmax.f32 v2, $0.0e+00  }
0x404: {  	v3 =	vld [tilespmem:s18+$0xFFFFFF50];
	[tilespmem:s18+$0xFFFFFF40] =	vst v2;
	v2 =	vmax.f32 v6, $0.0e+00  }
0x405: {  	v1 =	vadd.f32 v8, v1;
	v6 =	vld [tilespmem:s19+$0xFFFFFF50];
	[tilespmem:s18+$0xFFFFFE40] =	vst v2  }
0x406: {  	v2 =	vld [tilespmem:s19+$0xFFFFFE50]  }
0x407: {  	v9 =	vld [tilespmem:s18+$0xFFFFFE60];
	v1 =	vmax.f32 v1, $0.0e+00  }
0x408: {  	[tilespmem:s18+$0xFFFFFFD0] =	vst v1;
	v1 =	vadd.f32 v7, v5;
	v7 =	vld [tilespmem:s18+$0xFFFFFFE0]  }
0x409: {  	v8 =	vld [tilespmem:s19+$0xFFFFFFE0]  }
0x40a: {  	v4 =	vld [tilespmem:s18+$0xFFFFFE70];
	v1 =	vmax.f32 v1, $0.0e+00;
	v3 =	vadd.f32 v6, v3  }
0x40b: {  	v10 =	vld [tilespmem:s18+$0xFFFFFF60];
	[tilespmem:s18+$0xFFFFFED0] =	vst v1;
	v1 =	vadd.f32 v2, v11  }
0x40c: {  	v2 =	vld [tilespmem:s19+$0xFFFFFEE0];
	v3 =	vmax.f32 v3, $0.0e+00  }
0x40d: {  	v5 =	vld [tilespmem:s18+$0xFFFFFEF0];
	[tilespmem:s18+$0xFFFFFF50] =	vst v3;
	v1 =	vmax.f32 v1, $0.0e+00  }
0x40e: {  	v3 =	vld [tilespmem:s19+$0xFFFFFF60];
	v7 =	vadd.f32 v8, v7;
	[tilespmem:s18+$0xFFFFFE50] =	vst v1  }
0x40f: {  	v1 =	vld [tilespmem:s19+$0xFFFFFE60]  }
0x410: {  	v6 =	vld [tilespmem:s18+$0xFFFFFF70];
	v7 =	vmax.f32 v7, $0.0e+00  }
0x411: {  	v2 =	vadd.f32 v2, v12;
	[tilespmem:s18+$0xFFFFFFE0] =	vst v7;
	v7 =	vld [tilespmem:s18+$0xFFFFFFF0]  }
0x412: {  	v11 =	vld [tilespmem:s19+$0xFFFFFFF0]  }
0x413: {  	v2 =	vmax.f32 v2, $0.0e+00;
	v8 =	vadd.f32 v3, v10;
	v3 =	vld [tilespmem:s18+$0xFFFFFE80]  }
0x414: {  	[tilespmem:s18+$0xFFFFFEE0] =	vst v2;
	v1 =	vadd.f32 v1, v9;
	v2 =	vld [tilespmem:s18+$0xFFFFFF00]  }
0x415: {  	v9 =	vmax.f32 v8, $0.0e+00;
	v8 =	vld [tilespmem:s19+$0xFFFFFEF0]  }
0x416: {  	[tilespmem:s18+$0xFFFFFF60] =	vst v9;
	v9 =	vmax.f32 v1, $0.0e+00;
	v1 =	vld [tilespmem:s18+$0xFFFFFF80]  }
0x417: {  	[tilespmem:s18+$0xFFFFFE60] =	vst v9;
	v9 =	vld [tilespmem:s19+$0xFFFFFF70];
	v7 =	vadd.f32 v11, v7  }
0x418: {  	s20 =	simm.s32 $0x0;
	v10 =	vld [tilespmem:s19+$0xFFFFFE70]  }
0x419: {  	s12 =	simm.s32 $0x69F0;
	s29 =	simm.s32 $0xD;
	s11 =	simm.s32 $0x1BF0;
	v11 =	vmax.f32 v7, $0.0e+00;
	v7 =	vld [tilespmem:s18+$0x0]  }
.LBB2_16:
0x41a: {  	v12 =	vld [tilespmem:s11+$0xFFFFFF90];
	v5 =	vadd.f32 v8, v5;
	[tilespmem:s18+$0xFFFFFFF0] =	vst v11  }
0x41b: {  	s12 =	sadd.s32 $0x200, s12;
	v8 =	vld [tilespmem:s19+$0x0]  }
0x41c: {  	s20 =	sadd.s32 $0x4, s20;
	v11 =	vld [tilespmem:s12+$0xFFFFFF90];
	v5 =	vmax.f32 v5, $0.0e+00;
	v6 =	vadd.f32 v9, v6  }
0x41d: {  	p1 =	slt.u32 s20, $0x24;
	v9 =	vld [tilespmem:s12+$0xFFFFFE10];
	v4 =	vadd.f32 v10, v4;
	[tilespmem:s18+$0xFFFFFEF0] =	vst v5  }
0x41e: {  	v5 =	vld [tilespmem:s11+$0xFFFFFE90];
	v6 =	vmax.f32 v6, $0.0e+00  }
0x41f: {  	v10 =	vld [tilespmem:s12+$0xFFFFFE90];
	v4 =	vmax.f32 v4, $0.0e+00;
	[tilespmem:s18+$0xFFFFFF70] =	vst v6  }
0x420: {  	v6 =	vld [tilespmem:s11+$0xFFFFFF10];
	[tilespmem:s18+$0xFFFFFE70] =	vst v4;
	v4 =	vadd.f32 v8, v7  }
0x421: {  	v7 =	vld [tilespmem:s12+$0xFFFFFF10];
	v8 =	vadd.f32 v11, v12  }
0x422: {  	v11 =	vld [tilespmem:s11+$0xFFFFFE10];
	v4 =	vmax.f32 v4, $0.0e+00  }
0x423: {  	v12 =	vld [tilespmem:s11+$0xFFFFFE20];
	v8 =	vmax.f32 v8, $0.0e+00;
	[tilespmem:s18+$0x0] =	vst v4  }
0x424: {  	v4 =	vadd.f32 v10, v5;
	[tilespmem:s11+$0xFFFFFF90] =	vst v8;
	v5 =	vld [tilespmem:s11+$0xFFFFFFA0]  }
0x425: {  	v8 =	vld [tilespmem:s12+$0xFFFFFFA0]  }
0x426: {  	v4 =	vmax.f32 v4, $0.0e+00;
	v10 =	vld [tilespmem:s11+$0xFFFFFEA0];
	v6 =	vadd.f32 v7, v6  }
0x427: {  	v7 =	vadd.f32 v9, v11;
	[tilespmem:s11+$0xFFFFFE90] =	vst v4;
	v4 =	vld [tilespmem:s11+$0xFFFFFF20]  }
0x428: {  	v9 =	vld [tilespmem:s12+$0xFFFFFEA0];
	v6 =	vmax.f32 v6, $0.0e+00  }
0x429: {  	v7 =	vmax.f32 v7, $0.0e+00;
	v11 =	vld [tilespmem:s11+$0xFFFFFE30];
	[tilespmem:s11+$0xFFFFFF10] =	vst v6  }
0x42a: {  	[tilespmem:s11+$0xFFFFFE10] =	vst v7;
	v6 =	vld [tilespmem:s12+$0xFFFFFF20];
	v5 =	vadd.f32 v8, v5  }
0x42b: {  	v7 =	vld [tilespmem:s12+$0xFFFFFE20]  }
0x42c: {  	v8 =	vld [tilespmem:s11+$0xFFFFFEB0];
	v5 =	vmax.f32 v5, $0.0e+00  }
0x42d: {  	v9 =	vadd.f32 v9, v10;
	[tilespmem:s11+$0xFFFFFFA0] =	vst v5;
	v5 =	vld [tilespmem:s11+$0xFFFFFFB0]  }
0x42e: {  	v10 =	vld [tilespmem:s12+$0xFFFFFFB0]  }
0x42f: {  	v9 =	vmax.f32 v9, $0.0e+00;
	v4 =	vadd.f32 v6, v4;
	v6 =	vld [tilespmem:s11+$0xFFFFFF30]  }
0x430: {  	v7 =	vadd.f32 v7, v12;
	v12 =	vld [tilespmem:s11+$0xFFFFFE40];
	[tilespmem:s11+$0xFFFFFEA0] =	vst v9  }
0x431: {  	v9 =	vld [tilespmem:s12+$0xFFFFFEB0];
	v4 =	vmax.f32 v4, $0.0e+00  }
0x432: {  	v7 =	vmax.f32 v7, $0.0e+00;
	v13 =	vld [tilespmem:s11+$0xFFFFFEC0];
	[tilespmem:s11+$0xFFFFFF20] =	vst v4  }
0x433: {  	[tilespmem:s11+$0xFFFFFE20] =	vst v7;
	v4 =	vld [tilespmem:s12+$0xFFFFFF30];
	v5 =	vadd.f32 v10, v5  }
0x434: {  	v7 =	vld [tilespmem:s12+$0xFFFFFE30]  }
0x435: {  	v10 =	vld [tilespmem:s11+$0xFFFFFF40];
	v5 =	vmax.f32 v5, $0.0e+00  }
0x436: {  	v8 =	vadd.f32 v9, v8;
	[tilespmem:s11+$0xFFFFFFB0] =	vst v5;
	v5 =	vld [tilespmem:s11+$0xFFFFFFC0]  }
0x437: {  	v9 =	vld [tilespmem:s12+$0xFFFFFFC0]  }
0x438: {  	v14 =	vld [tilespmem:s11+$0xFFFFFE50];
	v8 =	vmax.f32 v8, $0.0e+00;
	v4 =	vadd.f32 v4, v6  }
0x439: {  	v6 =	vadd.f32 v7, v11;
	[tilespmem:s11+$0xFFFFFEB0] =	vst v8;
	v7 =	vld [tilespmem:s11+$0xFFFFFED0]  }
0x43a: {  	v8 =	vld [tilespmem:s12+$0xFFFFFEC0];
	v4 =	vmax.f32 v4, $0.0e+00  }
0x43b: {  	v6 =	vmax.f32 v6, $0.0e+00;
	[tilespmem:s11+$0xFFFFFF30] =	vst v4;
	v11 =	vld [tilespmem:s11+$0xFFFFFF50]  }
0x43c: {  	[tilespmem:s11+$0xFFFFFE30] =	vst v6;
	v4 =	vld [tilespmem:s12+$0xFFFFFF40];
	v5 =	vadd.f32 v9, v5  }
0x43d: {  	v6 =	vld [tilespmem:s12+$0xFFFFFE40]  }
0x43e: {  	v9 =	vld [tilespmem:s11+$0xFFFFFE60];
	v5 =	vmax.f32 v5, $0.0e+00  }
0x43f: {  	v8 =	vadd.f32 v8, v13;
	[tilespmem:s11+$0xFFFFFFC0] =	vst v5;
	v5 =	vld [tilespmem:s11+$0xFFFFFFD0]  }
0x440: {  	v13 =	vld [tilespmem:s12+$0xFFFFFFD0]  }
0x441: {  	v8 =	vmax.f32 v8, $0.0e+00;
	v15 =	vld [tilespmem:s11+$0xFFFFFEE0];
	v4 =	vadd.f32 v4, v10  }
0x442: {  	v6 =	vadd.f32 v6, v12;
	[tilespmem:s11+$0xFFFFFEC0] =	vst v8;
	v8 =	vld [tilespmem:s11+$0xFFFFFF60]  }
0x443: {  	v10 =	vld [tilespmem:s12+$0xFFFFFED0];
	v12 =	vmax.f32 v4, $0.0e+00  }
0x444: {  	v6 =	vmax.f32 v6, $0.0e+00;
	v4 =	vld [tilespmem:s11+$0xFFFFFE70];
	[tilespmem:s11+$0xFFFFFF40] =	vst v12  }
0x445: {  	[tilespmem:s11+$0xFFFFFE40] =	vst v6;
	v6 =	vld [tilespmem:s12+$0xFFFFFF50];
	v12 =	vadd.f32 v13, v5  }
0x446: {  	v13 =	vld [tilespmem:s12+$0xFFFFFE50]  }
0x447: {  	v5 =	vld [tilespmem:s11+$0xFFFFFEF0];
	v12 =	vmax.f32 v12, $0.0e+00  }
0x448: {  	v7 =	vadd.f32 v10, v7;
	[tilespmem:s11+$0xFFFFFFD0] =	vst v12;
	v10 =	vld [tilespmem:s11+$0xFFFFFFE0]  }
0x449: {  	v12 =	vld [tilespmem:s12+$0xFFFFFFE0]  }
0x44a: {  	v7 =	vmax.f32 v7, $0.0e+00;
	v11 =	vadd.f32 v6, v11;
	v6 =	vld [tilespmem:s11+$0xFFFFFF70]  }
0x44b: {  	v13 =	vadd.f32 v13, v14;
	[tilespmem:s11+$0xFFFFFED0] =	vst v7;
	v7 =	vld [tilespmem:s19+$0xFFFFFE80]  }
0x44c: {  	v14 =	vld [tilespmem:s12+$0xFFFFFEE0];
	v11 =	vmax.f32 v11, $0.0e+00  }
0x44d: {  	v13 =	vmax.f32 v13, $0.0e+00;
	[tilespmem:s11+$0xFFFFFF50] =	vst v11;
	v11 =	vld [tilespmem:s19+$0xFFFFFF00]  }
0x44e: {  	[tilespmem:s11+$0xFFFFFE50] =	vst v13;
	v13 =	vld [tilespmem:s12+$0xFFFFFF60];
	v10 =	vadd.f32 v12, v10  }
0x44f: {  	v12 =	vld [tilespmem:s12+$0xFFFFFE60]  }
0x450: {  	v10 =	vmax.f32 v10, $0.0e+00;
	v3 =	vadd.f32 v7, v3;
	v7 =	vld [tilespmem:s19+$0xFFFFFF80];
	s19 =	smov.u32 s12  }
0x451: {  	v14 =	vadd.f32 v14, v15;
	[tilespmem:s11+$0xFFFFFFE0] =	vst v10;
	v10 =	vld [tilespmem:s11+$0xFFFFFFF0]  }
0x452: {  	v15 =	vld [tilespmem:s12+$0xFFFFFFF0];
	v16 =	vmax.f32 v3, $0.0e+00;
	v11 =	vadd.f32 v11, v2  }
0x453: {  	v3 =	vld [tilespmem:s11+$0xFFFFFE80];
	v2 =	vmax.f32 v14, $0.0e+00;
	v13 =	vadd.f32 v13, v8;
	[tilespmem:s18+$0xFFFFFE80] =	vst v16  }
0x454: {  	v9 =	vadd.f32 v12, v9;
	[tilespmem:s11+$0xFFFFFEE0] =	vst v2;
	v2 =	vld [tilespmem:s11+$0xFFFFFF00];
	v11 =	vmax.f32 v11, $0.0e+00  }
.Ltmp7:
0x455: {  	v8 =	vld [tilespmem:s12+$0xFFFFFEF0];
	v12 =	vmax.f32 v13, $0.0e+00;
	[tilespmem:s18+$0xFFFFFF00] =	vst v11;
	v7 =	vadd.f32 v7, v1;
	(pc) =	sbr.rel @p1 .LBB2_16-.Ltmp7, $4  }
0x456: {  	v9 =	vmax.f32 v9, $0.0e+00;
	[tilespmem:s11+$0xFFFFFF60] =	vst v12;
	v1 =	vld [tilespmem:s11+$0xFFFFFF80]  }
0x457: {  	[tilespmem:s11+$0xFFFFFE60] =	vst v9;
	v9 =	vld [tilespmem:s12+$0xFFFFFF70];
	v11 =	vadd.f32 v15, v10;
	v7 =	vmax.f32 v7, $0.0e+00  }
0x458: {  	v10 =	vld [tilespmem:s12+$0xFFFFFE70];
	[tilespmem:s18+$0xFFFFFF80] =	vst v7;
	s18 =	smov.u32 s11  }
0x459: {  	s11 =	sadd.s32 $0x200, s11;
	v11 =	vmax.f32 v11, $0.0e+00;
	v7 =	vld [tilespmem:s18+$0x0]  }
0x45a: {  	_ = 	snop  }
0x45b: {  	v5 =	vadd.f32 v8, v5  }
0x45c: {  	v6 =	vadd.f32 v9, v6  }
0x45d: {  	[tilespmem:s18+$0xFFFFFFF0] =	vst v11;
	v5 =	vmax.f32 v5, $0.0e+00;
	v4 =	vadd.f32 v10, v4  }
0x45e: {  	v58 =	vld [tilespmem:s19+$0x0];
	[tilespmem:s18+$0xFFFFFEF0] =	vst v5;
	v59 =	vmax.f32 v6, $0.0e+00  }
0x45f: {  	v61 =	vld [tilespmem:s19+$0xFFFFFF00];
	v4 =	vmax.f32 v4, $0.0e+00;
	[tilespmem:s18+$0xFFFFFF70] =	vst v59  }
0x460: {  	[tilespmem:s18+$0xFFFFFE70] =	vst v4;
	v62 =	vld [tilespmem:s19+$0xFFFFFF80]  }
0x461: {  	v60 =	vld [tilespmem:s19+$0xFFFFFE80];
	_ =	sdelay $0x1  }
0x462: {  	v7 =	vadd.f32 v58, v7  }
0x463: {  	v2 =	vadd.f32 v61, v2  }
0x464: {  	v63 =	vmax.f32 v7, $0.0e+00;
	v1 =	vadd.f32 v62, v1  }
0x465: {  	[tilespmem:s18+$0x0] =	vst v63;
	v2 =	vmax.f32 v2, $0.0e+00;
	v3 =	vadd.f32 v60, v3  }
0x466: {  	[tilespmem:s18+$0xFFFFFF00] =	vst v2;
	v1 =	vmax.f32 v1, $0.0e+00  }
0x467: {  	v3 =	vmax.f32 v3, $0.0e+00;
	[tilespmem:s18+$0xFFFFFF80] =	vst v1  }
0x468: {  	[tilespmem:s18+$0xFFFFFE80] =	vst v3  }
0x469: {  	[spmem:s5] =	stream.indirect.scatter.add.f32 [tilespmem:s4], [sflag:$0xA], $0x80, s24, s28, $0xb8;
	[tilespmem:$0x1DC80] =	vst v63  }
0x46a: {  	_ =	swait.ge [sflag:s31], $0x1400  }
0x46b: {  	[sflag:s31] =	ssyncset.done $0x0  }
0x46c: {  	[sflag:s31] =	ssyncadd.s32 $0xFFFFEC00  }
0x46d: {  	_ =	swait.ge [sflag:s16], $0x1400  }
0x46e: {  	[sflag:s16] =	ssyncset.done $0x0  }
0x46f: {  	[sflag:s16] =	ssyncadd.s32 $0xFFFFEC00  }
0x470: {  	s11 =	stileid.u32;
	[bflag:$0x0] =	sbarrier.arrive $0xFFFF  }
0x471: {  	s11 =	sshll.u32 s11, $0x6;
	s18 =	rddreg [dreg:$0x6]  }
0x472: {  	s11 =	sor.u32 $0x1C0D, s11;
	s20 =	rddreg [dreg:$0x13];
	s12 =	sshrl.u32 s18, $0x3  }
0x473: {  	[hbm:s20], [sflag:s11] =	dma.local [spmem:s12], $0x2700  }
0x474: {  	_ =	swait.ge [sflag:s29], $0x2700  }
0x475: {  	[sflag:s29] =	ssyncset.done $0x0;
	s19 =	rddreg [dreg:$0x8]  }
0x476: {  	s20 =	rddreg [dreg:$0x14];
	[sflag:s29] =	ssyncadd.s32 $0xFFFFD900;
	s12 =	sshrl.u32 @!p0 s19, $0x3  }
0x477: {  	[hbm:s20], [sflag:s11] =	dma.local @!p0 [spmem:s12], $0x100  }
0x478: {  	s11 =	simm.s32 @!p0 $0xD  }
0x479: {  	_ =	swait.ge @!p0 [sflag:s11], $0x100  }
0x47a: {  	s12 =	sld [smem:$0x7F9];
	_ =	sdelay $0x2  }
0x47b: {  	s20 =	sadd.s32 $0x1, s12;
	s12 =	rddreg [dreg:$0x15]  }
0x47c: {  	p1 =	sne.s32 s20, s12  }
.Ltmp8:
0x47d: {  	_ = 	snop;
	(pc) =	sbr.rel @p1 .LBB2_1-.Ltmp8, $3  }
0x47e: {  	_ =	sdelay $0x1  }
0x47f: {  	[sflag:s11] =	ssyncset.done @!p0 $0x0  }
0x480: {  	[sflag:s11] =	ssyncadd.s32 @!p0 $0xFFFFFF00  }
0x481: {  	_ =	sfence.sel $0x180000  }
0x482: {  	[bflag:$0x0] =	sbarrier.arrive $0xFFFF  }
0x483: {  	_ =	strace $0x90000047  }
0x484: {  	s0 =	stileid.u32;
	[bflag:$0x2] =	sbarrier.arrive $0xFFFF  }
0x485: {  	p0 =	sne.s32 s0, $0x0;
	s0 =	rddreg [dreg:$0x5]  }
0x486: {  	s0 =	sadd.s32 @!p0 $0x100000, s0  }
0x487: {  	[sflag:s0] =	ssyncadd.tile.s32 @!p0 $0x1;
	_ =	shalt  }
.Lfunc_end2:
_tile_overlayer_lowered:
.L_overlay_start_2:
0x488: {  	(tag) =	ssettag $0x2  }
0x489: {  	s0 =	rddreg [dreg:$0x0];
	s2 =	stileid.u32  }
0x48a: {  	s1 =	rddreg [dreg:$0x1];
	p0 =	sne.s32 s2, $0x0  }
0x48b: {  	s3 =	rddreg [dreg:$0x2];
	[bflag:$0x3] =	sbarrier.arrive $0xFFFF;
	s2 =	simm.s32 @!p0 $0x1C0D  }
0x48c: {  	[timem:s3], [sflag:s2] =	dma.local @!p0 [hbm:s0], s1  }
0x48d: {  	s0 =	simm.s32 @!p0 $0xD  }
0x48e: {  	_ =	swait.ge @!p0 [sflag:s0], s1  }
0x48f: {  	s1 =	ssub.s32 @!p0 $0x0, s1;
	[sflag:s0] =	ssyncset.done @!p0 $0x0  }
0x490: {  	[sflag:s0] =	ssyncadd.s32 @!p0 s1  }
0x491: {  	[bflag:$0x3] =	sbarrier.arrive $0xFFFF  }
0x492: {  	_ =	shalt  }

</sc_bundles>
